<compile_context>
chip_gen: v7x
topology: tpu7x:2x2x1
jax: 0.10.2.dev20260603
libtpu: 0.0.44.dev20260713+nightly
codegen_flags: <defaults>
</compile_context>

<pallas_src>
import functools

import jax
import jax.numpy as jnp
from jax import lax
from jax.experimental import pallas as pl
from jax.experimental.pallas import tpu as pltpu
from jax.experimental.pallas import tpu_sc as plsc

N = 10000
E = 320000
IN_DIM = 128
HID = 128
OUT_DIM = 64
NUM_CLASSES = 16

NPAD = 10240
ROWS_PER_TILE = NPAD // 16
NDUMMY = NPAD - N

IDX_B = (128, 80)
IDX_C = (128, 160)

RING = {64: (128, 80, 8), 16: (128, 80, 10)}
C_CHUNK, C_NCHUNKS, C_NBUF = 128, 160, 5


@functools.cache
def _get_mesh():
  return plsc.VectorSubcoreMesh(core_axis_name="c", subcore_axis_name="s")


_SC_PARAMS = pltpu.CompilerParams(use_tc_tiling_on_sc=False)


def _zero_rows(buf, nrows, d):
  def zrow(i, _):
    def zcol(k, _):
      buf[i, pl.ds(k * 16, 16)] = jnp.zeros((16,), jnp.float32)
      return 0
    return lax.fori_loop(0, d // 16, zcol, 0)
  lax.fori_loop(0, nrows, zrow, 0)


def _zero_acc_from(buf64, acc, base_rows, sem):
  cps = [pltpu.async_copy(buf64.at[pl.ds(0, 64)],
                          acc.at[pl.ds(base_rows + i * 64, 64)], sem)
         for i in range(ROWS_PER_TILE // 64)]
  for cp in cps:
    cp.wait()


def _copy_out_rows(acc, out_hbm, c, base_rows, sem):
  pltpu.async_copy(acc.at[pl.ds(base_rows, ROWS_PER_TILE)],
                   out_hbm.at[c, pl.ds(base_rows, ROWS_PER_TILE)], sem).wait()


@functools.cache
def _make_scatter(d):
  chunk, nchunks, nbuf = RING[d]
  ngroups = nchunks // nbuf

  @functools.partial(
      pl.kernel,
      mesh=_get_mesh(),
      compiler_params=_SC_PARAMS,
      out_type=jax.ShapeDtypeStruct((2, NPAD, d), jnp.float32),
      scratch_types=[
          pltpu.VMEM((nchunks, chunk), jnp.int32),
          pltpu.VMEM((nchunks, chunk), jnp.int32),
      ] + [pltpu.VMEM((chunk, d), jnp.float32)] * nbuf + [
          pltpu.VMEM_SHARED((NPAD, d), jnp.float32),
      ] + [pltpu.SemaphoreType.DMA] * (2 * nbuf),
  )
  def scatter_kernel(g_hbm, src_hbm, dst_hbm, out_hbm, src_v, dst_v, *rest):
    rows = rest[:nbuf]
    acc = rest[nbuf]
    gsem = rest[nbuf + 1:nbuf + 1 + nbuf]
    ssem = rest[nbuf + 1 + nbuf:]
    c = lax.axis_index("c")
    s = lax.axis_index("s")
    wid = c * 16 + s
    base_rows = s * ROWS_PER_TILE

    ld0 = pltpu.async_copy(src_hbm.at[wid], src_v, gsem[0])
    ld1 = pltpu.async_copy(dst_hbm.at[wid], dst_v, ssem[0])

    _zero_rows(rows[0], 64, d)
    _zero_acc_from(rows[0], acc, base_rows, gsem[1 % nbuf])

    ld0.wait()
    ld1.wait()
    plsc.subcore_barrier()

    def gather(j, b):
      return pltpu.async_copy(g_hbm.at[src_v.at[j]], rows[b], gsem[b])

    def wait_gather(b):
      pltpu.make_async_copy(g_hbm.at[src_v.at[0]], rows[b], gsem[b]).wait()

    def scatter(j, b):
      return pltpu.async_copy(rows[b], acc.at[dst_v.at[j]], ssem[b], add=True)

    def wait_scatter(b):
      pltpu.make_async_copy(rows[b], acc.at[dst_v.at[0]], ssem[b]).wait()

    for b in range(nbuf):
      gather(b, b)

    def group(g, _):
      for b in range(nbuf):
        wait_gather(b)
        scatter(g * nbuf + b, b)
      for b in range(nbuf):
        jn = jnp.minimum((g + 1) * nbuf + b, nchunks - 1)
        wait_scatter(b)
        gather(jn, b)
      return 0
    lax.fori_loop(0, ngroups, group, 0)

    for b in range(nbuf):
      wait_gather(b)

    plsc.subcore_barrier()
    _copy_out_rows(acc, out_hbm, c, base_rows, gsem[0])

  return scatter_kernel


@functools.cache
def _make_scatter_colsplit():
  chunk, nchunks, nbuf = C_CHUNK, C_NCHUNKS, C_NBUF
  ngroups = nchunks // nbuf
  dh = 128 // 2

  @functools.partial(
      pl.kernel,
      mesh=_get_mesh(),
      compiler_params=_SC_PARAMS,
      out_type=jax.ShapeDtypeStruct((2, NPAD, dh), jnp.float32),
      scratch_types=[
          pltpu.VMEM((nchunks, chunk), jnp.int32),
          pltpu.VMEM((nchunks, chunk), jnp.int32),
      ] + [pltpu.VMEM((chunk, dh), jnp.float32)] * nbuf + [
          pltpu.VMEM_SHARED((NPAD, dh), jnp.float32),
      ] + [pltpu.SemaphoreType.DMA] * (2 * nbuf),
  )
  def scatter_kernel(g2_hbm, src_hbm, dst_hbm, out_hbm, src_v, dst_v, *rest):
    rows = rest[:nbuf]
    acc = rest[nbuf]
    gsem = rest[nbuf + 1:nbuf + 1 + nbuf]
    ssem = rest[nbuf + 1 + nbuf:]
    c = lax.axis_index("c")
    s = lax.axis_index("s")
    base_rows = s * ROWS_PER_TILE

    ld0 = pltpu.async_copy(src_hbm.at[s], src_v, gsem[0])
    ld1 = pltpu.async_copy(dst_hbm.at[s], dst_v, ssem[0])

    _zero_rows(rows[0], 64, dh)
    _zero_acc_from(rows[0], acc, base_rows, gsem[1])

    ld0.wait()
    def txrow(i, _):
      def txcol(k, _):
        sl = pl.ds(k * 16, 16)
        src_v[i, sl] = src_v[i, sl] * 2 + c
        return 0
      return lax.fori_loop(0, chunk // 16, txcol, 0)
    lax.fori_loop(0, nchunks, txrow, 0)
    ld1.wait()
    plsc.subcore_barrier()

    def gather(j, b):
      return pltpu.async_copy(g2_hbm.at[src_v.at[j]], rows[b], gsem[b])

    def wait_gather(b):
      pltpu.make_async_copy(g2_hbm.at[src_v.at[0]], rows[b], gsem[b]).wait()

    def scatter(j, b):
      return pltpu.async_copy(rows[b], acc.at[dst_v.at[j]], ssem[b], add=True)

    def wait_scatter(b):
      pltpu.make_async_copy(rows[b], acc.at[dst_v.at[0]], ssem[b]).wait()

    for b in range(nbuf):
      gather(b, b)

    def group(g, _):
      for b in range(nbuf):
        wait_gather(b)
        scatter(g * nbuf + b, b)
      for b in range(nbuf):
        jn = jnp.minimum((g + 1) * nbuf + b, nchunks - 1)
        wait_scatter(b)
        gather(jn, b)
      return 0
    lax.fori_loop(0, ngroups, group, 0)

    for b in range(nbuf):
      wait_gather(b)

    plsc.subcore_barrier()
    _copy_out_rows(acc, out_hbm, c, base_rows, gsem[0])

  return scatter_kernel


DEGW = 16


@functools.cache
def _make_degree_kernel():
  chunk, nchunks = IDX_B
  npairs = nchunks // 2

  @functools.partial(
      pl.kernel,
      mesh=_get_mesh(),
      compiler_params=_SC_PARAMS,
      out_type=jax.ShapeDtypeStruct((2, NPAD, DEGW), jnp.float32),
      scratch_types=[
          pltpu.VMEM((nchunks, chunk), jnp.int32),
          pltpu.VMEM((chunk, DEGW), jnp.float32),
          pltpu.VMEM((64, DEGW), jnp.float32),
          pltpu.VMEM_SHARED((NPAD, DEGW), jnp.float32),
      ] + [pltpu.SemaphoreType.DMA] * 4,
  )
  def _degree_kernel(dst_hbm, out_hbm, dst_v, ones_v, zbuf, acc, *sems):
    nbuf = len(sems)
    ngroups = nchunks // nbuf
    c = lax.axis_index("c")
    s = lax.axis_index("s")
    wid = c * 16 + s
    base_rows = s * ROWS_PER_TILE

    ld = pltpu.async_copy(dst_hbm.at[wid], dst_v, sems[1])
    _zero_rows(zbuf, 64, DEGW)
    _zero_acc_from(zbuf, acc, base_rows, sems[0])

    def orow(i, _):
      ones_v[i, pl.ds(0, 16)] = jnp.ones((16,), jnp.float32)
      return 0
    lax.fori_loop(0, chunk, orow, 0)

    ld.wait()
    plsc.subcore_barrier()

    for b in range(nbuf):
      pltpu.async_copy(ones_v, acc.at[dst_v.at[b]], sems[b], add=True)

    def body(g, _):
      for b in range(nbuf):
        pltpu.make_async_copy(ones_v, acc.at[dst_v.at[0]], sems[b]).wait()
        pltpu.async_copy(ones_v, acc.at[dst_v.at[g * nbuf + b]], sems[b],
                         add=True)
      return 0
    lax.fori_loop(1, ngroups, body, 0)

    for b in range(nbuf):
      pltpu.make_async_copy(ones_v, acc.at[dst_v.at[0]], sems[b]).wait()

    plsc.subcore_barrier()
    _copy_out_rows(acc, out_hbm, c, base_rows, sems[0])

  return _degree_kernel



def _mm_body(x_ref, w_ref, o_ref):
  o_ref[...] = jnp.dot(x_ref[...], w_ref[...],
                       preferred_element_type=jnp.float32)


def _tc_matmul(x, w):
  return pl.pallas_call(
      _mm_body,
      out_shape=jax.ShapeDtypeStruct((N, w.shape[1]), jnp.float32),
  )(x, w)


def _scale_body(p_ref, deg_ref, dinv_ref, g_ref):
  dcol = deg_ref[0, :, 0:1] + deg_ref[1, :, 0:1] + 1.0
  dinv = lax.rsqrt(dcol[:N])
  dinv_ref[...] = dinv
  g_ref[...] = p_ref[...] * dinv


def _tc_head(p1, deg):
  return pl.pallas_call(
      _scale_body,
      out_shape=(
          jax.ShapeDtypeStruct((N, 1), jnp.float32),
          jax.ShapeDtypeStruct((N, HID), jnp.float32),
      ),
  )(p1, deg)


def _mid_body_cols(s_ref, g_ref, dinv_ref, b_ref, w_ref, o_ref):
  dinv = dinv_ref[...]
  sfull = jnp.concatenate([s_ref[0, :N, :], s_ref[1, :N, :]], axis=1)
  h = dinv * (sfull + g_ref[...]) + b_ref[...]
  a = jnp.maximum(h, 0.0) * dinv
  o_ref[...] = jnp.dot(a, w_ref[...], preferred_element_type=jnp.float32)


def _tc_mid_cols(s, g, dinv, b, w):
  return pl.pallas_call(
      _mid_body_cols,
      out_shape=jax.ShapeDtypeStruct((N, w.shape[1]), jnp.float32),
  )(s, g, dinv, b.reshape(1, -1), w)


def _mid_body(s_ref, g_ref, dinv_ref, b_ref, w_ref, o_ref):
  dinv = dinv_ref[...]
  h = dinv * (s_ref[0, :N, :] + s_ref[1, :N, :] + g_ref[...]) + b_ref[...]
  a = jnp.maximum(h, 0.0) * dinv
  o_ref[...] = jnp.dot(a, w_ref[...], preferred_element_type=jnp.float32)


def _tc_mid(s, g, dinv, b, w):
  return pl.pallas_call(
      _mid_body,
      out_shape=jax.ShapeDtypeStruct((N, w.shape[1]), jnp.float32),
  )(s, g, dinv, b.reshape(1, -1), w)


def _final_body(s_ref, g_ref, dinv_ref, b_ref, o_ref):
  o_ref[...] = dinv_ref[...] * (
      s_ref[0, :N, :] + s_ref[1, :N, :] + g_ref[...]) + b_ref[...]


def _tc_final(s, g, dinv, b):
  return pl.pallas_call(
      _final_body,
      out_shape=jax.ShapeDtypeStruct((N, NUM_CLASSES), jnp.float32),
  )(s, g, dinv, b.reshape(1, -1))


def _pad_edges(src, dst, chunk, nchunks, nway=32):
  epad = nway * chunk * nchunks
  pad = epad - E
  pad_ids = jnp.arange(pad, dtype=jnp.int32)
  src_p = jnp.concatenate([src, pad_ids * 7 % N])
  dst_p = jnp.concatenate([dst, N + pad_ids % NDUMMY])
  return (src_p.reshape(nway, nchunks, chunk),
          dst_p.reshape(nway, nchunks, chunk))


@jax.jit
def kernel(x, edge_index, W1, b1, W2, b2, W3, b3):
  src = edge_index[0]
  dst = edge_index[1]
  src_b, dst_b = _pad_edges(src, dst, *IDX_B)
  src_c, dst_c = _pad_edges(src, dst, *IDX_C, nway=16)

  deg = _make_degree_kernel()(dst_b)
  p1 = _tc_matmul(x, W1)
  dinv, g1 = _tc_head(p1, deg)

  s1 = _make_scatter_colsplit()(g1.reshape(2 * N, HID // 2), src_c, dst_c)
  g2 = _tc_mid_cols(s1, g1, dinv, b1, W2)

  s2 = _make_scatter(64)(g2, src_b, dst_b)
  g3 = _tc_mid(s2, g2, dinv, b2, W3)

  s3 = _make_scatter(16)(g3, src_b, dst_b)
  return _tc_final(s3, g3, dinv, b3)

# --- scband reference (transcript-rebuilt; emitter-appended) ---
"""Pipeline reference for scband-gcnnet-90056874262566 (READ-ONLY COPY).

The authoritative reference and input builder live on the scoring server;
editing this copy changes nothing except your own understanding.
"""

import jax, jax.numpy as jnp
import numpy as np

N = 10000
E = 320000
IN_DIM = 128
HID = 128
OUT_DIM = 64
NUM_CLASSES = 16


def gcn_conv(x, edge_index, W, b):
    # Faithful PyG GCNConv: h = x @ W; add self-loops; sym-normalize; scatter-add; + bias
    n = x.shape[0]
    src = edge_index[0]
    dst = edge_index[1]
    loop = jnp.arange(n, dtype=src.dtype)
    src = jnp.concatenate([src, loop])
    dst = jnp.concatenate([dst, loop])
    deg = jnp.zeros((n,), dtype=x.dtype).at[dst].add(1.0)
    deg_inv_sqrt = jnp.where(deg > 0, jax.lax.rsqrt(jnp.maximum(deg, 1e-12)), 0.0)
    norm = deg_inv_sqrt[src] * deg_inv_sqrt[dst]
    h = x @ W
    msg = h[src] * norm[:, None]
    out = jnp.zeros((n, h.shape[1]), dtype=x.dtype).at[dst].add(msg)
    return out + b


def setup_inputs(seed: int = 0):
    key = jax.random.key(seed)
    ks = jax.random.split(key, 8)
    x = jax.random.normal(ks[0], (N, IN_DIM), dtype=jnp.float32)
    edge_index = jax.random.randint(ks[1], (2, E), 0, N, dtype=jnp.int32)
    W1 = jax.random.normal(ks[2], (IN_DIM, HID), dtype=jnp.float32) * (1.0 / np.sqrt(IN_DIM))
    b1 = jnp.zeros((HID,), dtype=jnp.float32)
    W2 = jax.random.normal(ks[3], (HID, OUT_DIM), dtype=jnp.float32) * (1.0 / np.sqrt(HID))
    b2 = jnp.zeros((OUT_DIM,), dtype=jnp.float32)
    W3 = jax.random.normal(ks[4], (OUT_DIM, NUM_CLASSES), dtype=jnp.float32) * (1.0 / np.sqrt(OUT_DIM))
    b3 = jnp.zeros((NUM_CLASSES,), dtype=jnp.float32)
    return {"x": x, "edge_index": edge_index, "W1": W1, "b1": b1, "W2": W2, "b2": b2, "W3": W3, "b3": b3}


def reference(x, edge_index, W1, b1, W2, b2, W3, b3):
    # conv1 -> relu -> dropout(eval: identity) -> conv2 -> relu -> dropout -> classifier
    h = gcn_conv(x, edge_index, W1, b1)
    h = jax.nn.relu(h)
    h = gcn_conv(h, edge_index, W2, b2)
    h = jax.nn.relu(h)
    out = gcn_conv(h, edge_index, W3, b3)
    return out

if __name__ == "__main__":
    import jax
    _d = setup_inputs()
    print(jax.jit(kernel)(*tuple(_d.values())))

</pallas_src>

<mosaic_0001>
#map = affine_map<(d0, d1) -> (0, 0)>
#map1 = affine_map<(d0, d1) -> (0, 0, 0)>
module attributes {stable_mosaic.version = 14 : i64} {
  func.func @scatter_kernel(%arg0: i32, %arg1: i32, %arg2: memref<20000x64xf32, #tpu.memory_space<hbm>>, %arg3: memref<16x160x128xi32, #tpu.memory_space<hbm>>, %arg4: memref<16x160x128xi32, #tpu.memory_space<hbm>>, %arg5: memref<2x10240x64xf32, #tpu.memory_space<hbm>>, %arg6: memref<160x128xi32, #tpu.memory_space<vmem>>, %arg7: memref<160x128xi32, #tpu.memory_space<vmem>>, %arg8: memref<128x64xf32, #tpu.memory_space<vmem>>, %arg9: memref<128x64xf32, #tpu.memory_space<vmem>>, %arg10: memref<128x64xf32, #tpu.memory_space<vmem>>, %arg11: memref<128x64xf32, #tpu.memory_space<vmem>>, %arg12: memref<128x64xf32, #tpu.memory_space<vmem>>, %arg13: memref<10240x64xf32, #tpu.memory_space<vmem_shared>>, %arg14: memref<!tpu.dma_semaphore, #tpu.memory_space<semaphore_mem>>, %arg15: memref<!tpu.dma_semaphore, #tpu.memory_space<semaphore_mem>>, %arg16: memref<!tpu.dma_semaphore, #tpu.memory_space<semaphore_mem>>, %arg17: memref<!tpu.dma_semaphore, #tpu.memory_space<semaphore_mem>>, %arg18: memref<!tpu.dma_semaphore, #tpu.memory_space<semaphore_mem>>, %arg19: memref<!tpu.dma_semaphore, #tpu.memory_space<semaphore_mem>>, %arg20: memref<!tpu.dma_semaphore, #tpu.memory_space<semaphore_mem>>, %arg21: memref<!tpu.dma_semaphore, #tpu.memory_space<semaphore_mem>>, %arg22: memref<!tpu.dma_semaphore, #tpu.memory_space<semaphore_mem>>, %arg23: memref<!tpu.dma_semaphore, #tpu.memory_space<semaphore_mem>>) attributes {dimension_semantics = [#tpu.dimension_semantics<core_parallel>, #tpu.dimension_semantics<subcore_parallel>], iteration_bounds = array<i64: 2, 16>, scalar_prefetch = 0 : i64, scratch_operands = 18 : i64, tpu.core_type = #tpu.core_type<sc_vector_subcore>, window_params = [{transform_indices = #map}, {transform_indices = #map1}, {transform_indices = #map1}, {transform_indices = #map1}]} {
    %mul3A = arith.constant 640 : i32
    %mul3A_0 = arith.muli %arg1, %mul3A : i32
    %dma_start3A = arith.constant 0 : i32
    %dma_start3A_1 = arith.constant 0 : i32
    %dma_start3A_2 = tpu.memref_slice %arg3[%arg1, %dma_start3A, %dma_start3A_1] : memref<16x160x128xi32, #tpu.memory_space<hbm>> -> memref<1x160x128xi32, #tpu.memory_space<hbm>>
    %dma_start3A_3 = tpu.memref_squeeze %dma_start3A_2 : memref<1x160x128xi32, #tpu.memory_space<hbm>> -> memref<160x128xi32, #tpu.memory_space<hbm>>
    %dma_start3A_4 = arith.constant 0 : i32
    %dma_start3A_5 = arith.constant 0 : i32
    %dma_start3A_6 = tpu.memref_slice %arg3[%arg1, %dma_start3A_4, %dma_start3A_5] : memref<16x160x128xi32, #tpu.memory_space<hbm>> -> memref<1x160x128xi32, #tpu.memory_space<hbm>>
    %dma_start3A_7 = tpu.memref_squeeze %dma_start3A_6 : memref<1x160x128xi32, #tpu.memory_space<hbm>> -> memref<160x128xi32, #tpu.memory_space<hbm>>
    tpu.enqueue_dma source(%dma_start3A_7 : memref<160x128xi32, #tpu.memory_space<hbm>>) target(%arg6 : memref<160x128xi32, #tpu.memory_space<vmem>>) target_semaphore(%arg14 : memref<!tpu.dma_semaphore, #tpu.memory_space<semaphore_mem>>)
    %dma_start3A_8 = arith.constant 0 : i32
    %dma_start3A_9 = arith.constant 0 : i32
    %dma_start3A_10 = tpu.memref_slice %arg4[%arg1, %dma_start3A_8, %dma_start3A_9] : memref<16x160x128xi32, #tpu.memory_space<hbm>> -> memref<1x160x128xi32, #tpu.memory_space<hbm>>
    %dma_start3A_11 = tpu.memref_squeeze %dma_start3A_10 : memref<1x160x128xi32, #tpu.memory_space<hbm>> -> memref<160x128xi32, #tpu.memory_space<hbm>>
    %dma_start3A_12 = arith.constant 0 : i32
    %dma_start3A_13 = arith.constant 0 : i32
    %dma_start3A_14 = tpu.memref_slice %arg4[%arg1, %dma_start3A_12, %dma_start3A_13] : memref<16x160x128xi32, #tpu.memory_space<hbm>> -> memref<1x160x128xi32, #tpu.memory_space<hbm>>
    %dma_start3A_15 = tpu.memref_squeeze %dma_start3A_14 : memref<1x160x128xi32, #tpu.memory_space<hbm>> -> memref<160x128xi32, #tpu.memory_space<hbm>>
    tpu.enqueue_dma source(%dma_start3A_15 : memref<160x128xi32, #tpu.memory_space<hbm>>) target(%arg7 : memref<160x128xi32, #tpu.memory_space<vmem>>) target_semaphore(%arg19 : memref<!tpu.dma_semaphore, #tpu.memory_space<semaphore_mem>>)
    %scan3A = arith.constant 0 : i32
    %scan3A_16 = arith.constant 0 : i32
    %scan3A_17 = arith.constant 64 : i32
    %scan3A_18 = arith.addi %scan3A_16, %scan3A_17 : i32
    %scan3A_19 = arith.constant 1 : i32
    %scan3A_20 = scf.for %scan3A_351 = %scan3A_16 to %scan3A_18 step %scan3A_19 iter_args(%scan3A_352 = %scan3A) -> (i32)  : i32 {
      %scan3A_353 = arith.constant 0 : i32
      %scan3A_354 = arith.constant 0 : i32
      %scan3A_355 = arith.constant 4 : i32
      %scan3A_356 = arith.addi %scan3A_354, %scan3A_355 : i32
      %scan3A_357 = arith.constant 1 : i32
      %scan3A_358 = scf.for %scan3A_360 = %scan3A_354 to %scan3A_356 step %scan3A_357 iter_args(%scan3A_361 = %scan3A_353) -> (i32)  : i32 {
        %broadcast_in_dim3A = arith.constant 0.000000e+00 : f32
        %broadcast_in_dim3A_362 = vector.broadcast %broadcast_in_dim3A : f32 to vector<16xf32>
        %mul3A_363 = arith.constant 16 : i32
        %mul3A_364 = arith.muli %scan3A_360, %mul3A_363 : i32
        %swap3A = arith.index_cast %scan3A_351 : i32 to index
        %swap3A_365 = arith.index_cast %mul3A_364 : i32 to index
        %swap3A_366 = tpu.vector_load %arg8[%swap3A, %swap3A_365] {strides = array<i32>} : memref<128x64xf32, #tpu.memory_space<vmem>>, vector<1x16xf32>,
        %swap3A_367 = vector.shape_cast %swap3A_366 : vector<1x16xf32> to vector<16xf32>
        %swap3A_368 = vector.shape_cast %broadcast_in_dim3A_362 : vector<16xf32> to vector<1x16xf32>
        tpu.vector_store %arg8[%swap3A, %swap3A_365], %swap3A_368 {strides = array<i32>} : memref<128x64xf32, #tpu.memory_space<vmem>>, vector<1x16xf32>,
        %scan3A_369 = arith.constant 0 : i32
        scf.yield %scan3A_369 : i32
      }
      %scan3A_359 = arith.constant 4 : i32
      scf.yield %scan3A_358 : i32
    }
    %scan3A_21 = arith.constant 64 : i32
    %add3A = arith.constant 0 : i32
    %add3A_22 = arith.addi %mul3A_0, %add3A : i32
    %dma_start3A_23 = arith.constant 0 : i32
    %dma_start3A_24 = arith.constant 0 : i32
    %dma_start3A_25 = tpu.memref_slice %arg8[%dma_start3A_23, %dma_start3A_24] : memref<128x64xf32, #tpu.memory_space<vmem>> -> memref<64x64xf32, #tpu.memory_space<vmem>>
    %dma_start3A_26 = arith.constant 0 : i32
    %dma_start3A_27 = tpu.memref_slice %arg13[%add3A_22, %dma_start3A_26] : memref<10240x64xf32, #tpu.memory_space<vmem_shared>> -> memref<64x64xf32, #tpu.memory_space<vmem_shared>>
    %dma_start3A_28 = arith.constant 0 : i32
    %dma_start3A_29 = tpu.memref_slice %arg13[%add3A_22, %dma_start3A_28] : memref<10240x64xf32, #tpu.memory_space<vmem_shared>> -> memref<64x64xf32, #tpu.memory_space<vmem_shared>>
    %dma_start3A_30 = arith.constant 0 : i32
    %dma_start3A_31 = arith.constant 0 : i32
    %dma_start3A_32 = tpu.memref_slice %arg8[%dma_start3A_30, %dma_start3A_31] : memref<128x64xf32, #tpu.memory_space<vmem>> -> memref<64x64xf32, #tpu.memory_space<vmem>>
    tpu.enqueue_dma source(%dma_start3A_32 : memref<64x64xf32, #tpu.memory_space<vmem>>) target(%dma_start3A_29 : memref<64x64xf32, #tpu.memory_space<vmem_shared>>) target_semaphore(%arg15 : memref<!tpu.dma_semaphore, #tpu.memory_space<semaphore_mem>>)
    %add3A_33 = arith.constant 64 : i32
    %add3A_34 = arith.addi %mul3A_0, %add3A_33 : i32
    %dma_start3A_35 = arith.constant 0 : i32
    %dma_start3A_36 = arith.constant 0 : i32
    %dma_start3A_37 = tpu.memref_slice %arg8[%dma_start3A_35, %dma_start3A_36] : memref<128x64xf32, #tpu.memory_space<vmem>> -> memref<64x64xf32, #tpu.memory_space<vmem>>
    %dma_start3A_38 = arith.constant 0 : i32
    %dma_start3A_39 = tpu.memref_slice %arg13[%add3A_34, %dma_start3A_38] : memref<10240x64xf32, #tpu.memory_space<vmem_shared>> -> memref<64x64xf32, #tpu.memory_space<vmem_shared>>
    %dma_start3A_40 = arith.constant 0 : i32
    %dma_start3A_41 = tpu.memref_slice %arg13[%add3A_34, %dma_start3A_40] : memref<10240x64xf32, #tpu.memory_space<vmem_shared>> -> memref<64x64xf32, #tpu.memory_space<vmem_shared>>
    %dma_start3A_42 = arith.constant 0 : i32
    %dma_start3A_43 = arith.constant 0 : i32
    %dma_start3A_44 = tpu.memref_slice %arg8[%dma_start3A_42, %dma_start3A_43] : memref<128x64xf32, #tpu.memory_space<vmem>> -> memref<64x64xf32, #tpu.memory_space<vmem>>
    tpu.enqueue_dma source(%dma_start3A_44 : memref<64x64xf32, #tpu.memory_space<vmem>>) target(%dma_start3A_41 : memref<64x64xf32, #tpu.memory_space<vmem_shared>>) target_semaphore(%arg15 : memref<!tpu.dma_semaphore, #tpu.memory_space<semaphore_mem>>)
    %add3A_45 = arith.constant 128 : i32
    %add3A_46 = arith.addi %mul3A_0, %add3A_45 : i32
    %dma_start3A_47 = arith.constant 0 : i32
    %dma_start3A_48 = arith.constant 0 : i32
    %dma_start3A_49 = tpu.memref_slice %arg8[%dma_start3A_47, %dma_start3A_48] : memref<128x64xf32, #tpu.memory_space<vmem>> -> memref<64x64xf32, #tpu.memory_space<vmem>>
    %dma_start3A_50 = arith.constant 0 : i32
    %dma_start3A_51 = tpu.memref_slice %arg13[%add3A_46, %dma_start3A_50] : memref<10240x64xf32, #tpu.memory_space<vmem_shared>> -> memref<64x64xf32, #tpu.memory_space<vmem_shared>>
    %dma_start3A_52 = arith.constant 0 : i32
    %dma_start3A_53 = tpu.memref_slice %arg13[%add3A_46, %dma_start3A_52] : memref<10240x64xf32, #tpu.memory_space<vmem_shared>> -> memref<64x64xf32, #tpu.memory_space<vmem_shared>>
    %dma_start3A_54 = arith.constant 0 : i32
    %dma_start3A_55 = arith.constant 0 : i32
    %dma_start3A_56 = tpu.memref_slice %arg8[%dma_start3A_54, %dma_start3A_55] : memref<128x64xf32, #tpu.memory_space<vmem>> -> memref<64x64xf32, #tpu.memory_space<vmem>>
    tpu.enqueue_dma source(%dma_start3A_56 : memref<64x64xf32, #tpu.memory_space<vmem>>) target(%dma_start3A_53 : memref<64x64xf32, #tpu.memory_space<vmem_shared>>) target_semaphore(%arg15 : memref<!tpu.dma_semaphore, #tpu.memory_space<semaphore_mem>>)
    %add3A_57 = arith.constant 192 : i32
    %add3A_58 = arith.addi %mul3A_0, %add3A_57 : i32
    %dma_start3A_59 = arith.constant 0 : i32
    %dma_start3A_60 = arith.constant 0 : i32
    %dma_start3A_61 = tpu.memref_slice %arg8[%dma_start3A_59, %dma_start3A_60] : memref<128x64xf32, #tpu.memory_space<vmem>> -> memref<64x64xf32, #tpu.memory_space<vmem>>
    %dma_start3A_62 = arith.constant 0 : i32
    %dma_start3A_63 = tpu.memref_slice %arg13[%add3A_58, %dma_start3A_62] : memref<10240x64xf32, #tpu.memory_space<vmem_shared>> -> memref<64x64xf32, #tpu.memory_space<vmem_shared>>
    %dma_start3A_64 = arith.constant 0 : i32
    %dma_start3A_65 = tpu.memref_slice %arg13[%add3A_58, %dma_start3A_64] : memref<10240x64xf32, #tpu.memory_space<vmem_shared>> -> memref<64x64xf32, #tpu.memory_space<vmem_shared>>
    %dma_start3A_66 = arith.constant 0 : i32
    %dma_start3A_67 = arith.constant 0 : i32
    %dma_start3A_68 = tpu.memref_slice %arg8[%dma_start3A_66, %dma_start3A_67] : memref<128x64xf32, #tpu.memory_space<vmem>> -> memref<64x64xf32, #tpu.memory_space<vmem>>
    tpu.enqueue_dma source(%dma_start3A_68 : memref<64x64xf32, #tpu.memory_space<vmem>>) target(%dma_start3A_65 : memref<64x64xf32, #tpu.memory_space<vmem_shared>>) target_semaphore(%arg15 : memref<!tpu.dma_semaphore, #tpu.memory_space<semaphore_mem>>)
    %add3A_69 = arith.constant 256 : i32
    %add3A_70 = arith.addi %mul3A_0, %add3A_69 : i32
    %dma_start3A_71 = arith.constant 0 : i32
    %dma_start3A_72 = arith.constant 0 : i32
    %dma_start3A_73 = tpu.memref_slice %arg8[%dma_start3A_71, %dma_start3A_72] : memref<128x64xf32, #tpu.memory_space<vmem>> -> memref<64x64xf32, #tpu.memory_space<vmem>>
    %dma_start3A_74 = arith.constant 0 : i32
    %dma_start3A_75 = tpu.memref_slice %arg13[%add3A_70, %dma_start3A_74] : memref<10240x64xf32, #tpu.memory_space<vmem_shared>> -> memref<64x64xf32, #tpu.memory_space<vmem_shared>>
    %dma_start3A_76 = arith.constant 0 : i32
    %dma_start3A_77 = tpu.memref_slice %arg13[%add3A_70, %dma_start3A_76] : memref<10240x64xf32, #tpu.memory_space<vmem_shared>> -> memref<64x64xf32, #tpu.memory_space<vmem_shared>>
    %dma_start3A_78 = arith.constant 0 : i32
    %dma_start3A_79 = arith.constant 0 : i32
    %dma_start3A_80 = tpu.memref_slice %arg8[%dma_start3A_78, %dma_start3A_79] : memref<128x64xf32, #tpu.memory_space<vmem>> -> memref<64x64xf32, #tpu.memory_space<vmem>>
    tpu.enqueue_dma source(%dma_start3A_80 : memref<64x64xf32, #tpu.memory_space<vmem>>) target(%dma_start3A_77 : memref<64x64xf32, #tpu.memory_space<vmem_shared>>) target_semaphore(%arg15 : memref<!tpu.dma_semaphore, #tpu.memory_space<semaphore_mem>>)
    %add3A_81 = arith.constant 320 : i32
    %add3A_82 = arith.addi %mul3A_0, %add3A_81 : i32
    %dma_start3A_83 = arith.constant 0 : i32
    %dma_start3A_84 = arith.constant 0 : i32
    %dma_start3A_85 = tpu.memref_slice %arg8[%dma_start3A_83, %dma_start3A_84] : memref<128x64xf32, #tpu.memory_space<vmem>> -> memref<64x64xf32, #tpu.memory_space<vmem>>
    %dma_start3A_86 = arith.constant 0 : i32
    %dma_start3A_87 = tpu.memref_slice %arg13[%add3A_82, %dma_start3A_86] : memref<10240x64xf32, #tpu.memory_space<vmem_shared>> -> memref<64x64xf32, #tpu.memory_space<vmem_shared>>
    %dma_start3A_88 = arith.constant 0 : i32
    %dma_start3A_89 = tpu.memref_slice %arg13[%add3A_82, %dma_start3A_88] : memref<10240x64xf32, #tpu.memory_space<vmem_shared>> -> memref<64x64xf32, #tpu.memory_space<vmem_shared>>
    %dma_start3A_90 = arith.constant 0 : i32
    %dma_start3A_91 = arith.constant 0 : i32
    %dma_start3A_92 = tpu.memref_slice %arg8[%dma_start3A_90, %dma_start3A_91] : memref<128x64xf32, #tpu.memory_space<vmem>> -> memref<64x64xf32, #tpu.memory_space<vmem>>
    tpu.enqueue_dma source(%dma_start3A_92 : memref<64x64xf32, #tpu.memory_space<vmem>>) target(%dma_start3A_89 : memref<64x64xf32, #tpu.memory_space<vmem_shared>>) target_semaphore(%arg15 : memref<!tpu.dma_semaphore, #tpu.memory_space<semaphore_mem>>)
    %add3A_93 = arith.constant 384 : i32
    %add3A_94 = arith.addi %mul3A_0, %add3A_93 : i32
    %dma_start3A_95 = arith.constant 0 : i32
    %dma_start3A_96 = arith.constant 0 : i32
    %dma_start3A_97 = tpu.memref_slice %arg8[%dma_start3A_95, %dma_start3A_96] : memref<128x64xf32, #tpu.memory_space<vmem>> -> memref<64x64xf32, #tpu.memory_space<vmem>>
    %dma_start3A_98 = arith.constant 0 : i32
    %dma_start3A_99 = tpu.memref_slice %arg13[%add3A_94, %dma_start3A_98] : memref<10240x64xf32, #tpu.memory_space<vmem_shared>> -> memref<64x64xf32, #tpu.memory_space<vmem_shared>>
    %dma_start3A_100 = arith.constant 0 : i32
    %dma_start3A_101 = tpu.memref_slice %arg13[%add3A_94, %dma_start3A_100] : memref<10240x64xf32, #tpu.memory_space<vmem_shared>> -> memref<64x64xf32, #tpu.memory_space<vmem_shared>>
    %dma_start3A_102 = arith.constant 0 : i32
    %dma_start3A_103 = arith.constant 0 : i32
    %dma_start3A_104 = tpu.memref_slice %arg8[%dma_start3A_102, %dma_start3A_103] : memref<128x64xf32, #tpu.memory_space<vmem>> -> memref<64x64xf32, #tpu.memory_space<vmem>>
    tpu.enqueue_dma source(%dma_start3A_104 : memref<64x64xf32, #tpu.memory_space<vmem>>) target(%dma_start3A_101 : memref<64x64xf32, #tpu.memory_space<vmem_shared>>) target_semaphore(%arg15 : memref<!tpu.dma_semaphore, #tpu.memory_space<semaphore_mem>>)
    %add3A_105 = arith.constant 448 : i32
    %add3A_106 = arith.addi %mul3A_0, %add3A_105 : i32
    %dma_start3A_107 = arith.constant 0 : i32
    %dma_start3A_108 = arith.constant 0 : i32
    %dma_start3A_109 = tpu.memref_slice %arg8[%dma_start3A_107, %dma_start3A_108] : memref<128x64xf32, #tpu.memory_space<vmem>> -> memref<64x64xf32, #tpu.memory_space<vmem>>
    %dma_start3A_110 = arith.constant 0 : i32
    %dma_start3A_111 = tpu.memref_slice %arg13[%add3A_106, %dma_start3A_110] : memref<10240x64xf32, #tpu.memory_space<vmem_shared>> -> memref<64x64xf32, #tpu.memory_space<vmem_shared>>
    %dma_start3A_112 = arith.constant 0 : i32
    %dma_start3A_113 = tpu.memref_slice %arg13[%add3A_106, %dma_start3A_112] : memref<10240x64xf32, #tpu.memory_space<vmem_shared>> -> memref<64x64xf32, #tpu.memory_space<vmem_shared>>
    %dma_start3A_114 = arith.constant 0 : i32
    %dma_start3A_115 = arith.constant 0 : i32
    %dma_start3A_116 = tpu.memref_slice %arg8[%dma_start3A_114, %dma_start3A_115] : memref<128x64xf32, #tpu.memory_space<vmem>> -> memref<64x64xf32, #tpu.memory_space<vmem>>
    tpu.enqueue_dma source(%dma_start3A_116 : memref<64x64xf32, #tpu.memory_space<vmem>>) target(%dma_start3A_113 : memref<64x64xf32, #tpu.memory_space<vmem_shared>>) target_semaphore(%arg15 : memref<!tpu.dma_semaphore, #tpu.memory_space<semaphore_mem>>)
    %add3A_117 = arith.constant 512 : i32
    %add3A_118 = arith.addi %mul3A_0, %add3A_117 : i32
    %dma_start3A_119 = arith.constant 0 : i32
    %dma_start3A_120 = arith.constant 0 : i32
    %dma_start3A_121 = tpu.memref_slice %arg8[%dma_start3A_119, %dma_start3A_120] : memref<128x64xf32, #tpu.memory_space<vmem>> -> memref<64x64xf32, #tpu.memory_space<vmem>>
    %dma_start3A_122 = arith.constant 0 : i32
    %dma_start3A_123 = tpu.memref_slice %arg13[%add3A_118, %dma_start3A_122] : memref<10240x64xf32, #tpu.memory_space<vmem_shared>> -> memref<64x64xf32, #tpu.memory_space<vmem_shared>>
    %dma_start3A_124 = arith.constant 0 : i32
    %dma_start3A_125 = tpu.memref_slice %arg13[%add3A_118, %dma_start3A_124] : memref<10240x64xf32, #tpu.memory_space<vmem_shared>> -> memref<64x64xf32, #tpu.memory_space<vmem_shared>>
    %dma_start3A_126 = arith.constant 0 : i32
    %dma_start3A_127 = arith.constant 0 : i32
    %dma_start3A_128 = tpu.memref_slice %arg8[%dma_start3A_126, %dma_start3A_127] : memref<128x64xf32, #tpu.memory_space<vmem>> -> memref<64x64xf32, #tpu.memory_space<vmem>>
    tpu.enqueue_dma source(%dma_start3A_128 : memref<64x64xf32, #tpu.memory_space<vmem>>) target(%dma_start3A_125 : memref<64x64xf32, #tpu.memory_space<vmem_shared>>) target_semaphore(%arg15 : memref<!tpu.dma_semaphore, #tpu.memory_space<semaphore_mem>>)
    %add3A_129 = arith.constant 576 : i32
    %add3A_130 = arith.addi %mul3A_0, %add3A_129 : i32
    %dma_start3A_131 = arith.constant 0 : i32
    %dma_start3A_132 = arith.constant 0 : i32
    %dma_start3A_133 = tpu.memref_slice %arg8[%dma_start3A_131, %dma_start3A_132] : memref<128x64xf32, #tpu.memory_space<vmem>> -> memref<64x64xf32, #tpu.memory_space<vmem>>
    %dma_start3A_134 = arith.constant 0 : i32
    %dma_start3A_135 = tpu.memref_slice %arg13[%add3A_130, %dma_start3A_134] : memref<10240x64xf32, #tpu.memory_space<vmem_shared>> -> memref<64x64xf32, #tpu.memory_space<vmem_shared>>
    %dma_start3A_136 = arith.constant 0 : i32
    %dma_start3A_137 = tpu.memref_slice %arg13[%add3A_130, %dma_start3A_136] : memref<10240x64xf32, #tpu.memory_space<vmem_shared>> -> memref<64x64xf32, #tpu.memory_space<vmem_shared>>
    %dma_start3A_138 = arith.constant 0 : i32
    %dma_start3A_139 = arith.constant 0 : i32
    %dma_start3A_140 = tpu.memref_slice %arg8[%dma_start3A_138, %dma_start3A_139] : memref<128x64xf32, #tpu.memory_space<vmem>> -> memref<64x64xf32, #tpu.memory_space<vmem>>
    tpu.enqueue_dma source(%dma_start3A_140 : memref<64x64xf32, #tpu.memory_space<vmem>>) target(%dma_start3A_137 : memref<64x64xf32, #tpu.memory_space<vmem_shared>>) target_semaphore(%arg15 : memref<!tpu.dma_semaphore, #tpu.memory_space<semaphore_mem>>)
    %dma_wait3A = arith.constant 0 : i32
    %dma_wait3A_141 = arith.constant 0 : i32
    %dma_wait3A_142 = tpu.memref_slice %arg8[%dma_wait3A, %dma_wait3A_141] : memref<128x64xf32, #tpu.memory_space<vmem>> -> memref<64x64xf32, #tpu.memory_space<vmem>>
    %dma_wait3A_143 = arith.constant 0 : i32
    %dma_wait3A_144 = tpu.memref_slice %arg13[%add3A_22, %dma_wait3A_143] : memref<10240x64xf32, #tpu.memory_space<vmem_shared>> -> memref<64x64xf32, #tpu.memory_space<vmem_shared>>
    %dma_wait3A_145 = arith.constant 0 : i32
    %dma_wait3A_146 = tpu.memref_slice %arg13[%add3A_22, %dma_wait3A_145] : memref<10240x64xf32, #tpu.memory_space<vmem_shared>> -> memref<64x64xf32, #tpu.memory_space<vmem_shared>>
    %dma_wait3A_147 = arith.constant 0 : i32
    %dma_wait3A_148 = arith.constant 0 : i32
    %dma_wait3A_149 = tpu.memref_slice %arg8[%dma_wait3A_147, %dma_wait3A_148] : memref<128x64xf32, #tpu.memory_space<vmem>> -> memref<64x64xf32, #tpu.memory_space<vmem>>
    tpu.wait_dma2 semaphore(%arg15 : memref<!tpu.dma_semaphore, #tpu.memory_space<semaphore_mem>>) src(%dma_wait3A_149 : memref<64x64xf32, #tpu.memory_space<vmem>>) dst(%dma_wait3A_146 : memref<64x64xf32, #tpu.memory_space<vmem_shared>>)
    %dma_wait3A_150 = arith.constant 0 : i32
    %dma_wait3A_151 = arith.constant 0 : i32
    %dma_wait3A_152 = tpu.memref_slice %arg8[%dma_wait3A_150, %dma_wait3A_151] : memref<128x64xf32, #tpu.memory_space<vmem>> -> memref<64x64xf32, #tpu.memory_space<vmem>>
    %dma_wait3A_153 = arith.constant 0 : i32
    %dma_wait3A_154 = tpu.memref_slice %arg13[%add3A_34, %dma_wait3A_153] : memref<10240x64xf32, #tpu.memory_space<vmem_shared>> -> memref<64x64xf32, #tpu.memory_space<vmem_shared>>
    %dma_wait3A_155 = arith.constant 0 : i32
    %dma_wait3A_156 = tpu.memref_slice %arg13[%add3A_34, %dma_wait3A_155] : memref<10240x64xf32, #tpu.memory_space<vmem_shared>> -> memref<64x64xf32, #tpu.memory_space<vmem_shared>>
    %dma_wait3A_157 = arith.constant 0 : i32
    %dma_wait3A_158 = arith.constant 0 : i32
    %dma_wait3A_159 = tpu.memref_slice %arg8[%dma_wait3A_157, %dma_wait3A_158] : memref<128x64xf32, #tpu.memory_space<vmem>> -> memref<64x64xf32, #tpu.memory_space<vmem>>
    tpu.wait_dma2 semaphore(%arg15 : memref<!tpu.dma_semaphore, #tpu.memory_space<semaphore_mem>>) src(%dma_wait3A_159 : memref<64x64xf32, #tpu.memory_space<vmem>>) dst(%dma_wait3A_156 : memref<64x64xf32, #tpu.memory_space<vmem_shared>>)
    %dma_wait3A_160 = arith.constant 0 : i32
    %dma_wait3A_161 = arith.constant 0 : i32
    %dma_wait3A_162 = tpu.memref_slice %arg8[%dma_wait3A_160, %dma_wait3A_161] : memref<128x64xf32, #tpu.memory_space<vmem>> -> memref<64x64xf32, #tpu.memory_space<vmem>>
    %dma_wait3A_163 = arith.constant 0 : i32
    %dma_wait3A_164 = tpu.memref_slice %arg13[%add3A_46, %dma_wait3A_163] : memref<10240x64xf32, #tpu.memory_space<vmem_shared>> -> memref<64x64xf32, #tpu.memory_space<vmem_shared>>
    %dma_wait3A_165 = arith.constant 0 : i32
    %dma_wait3A_166 = tpu.memref_slice %arg13[%add3A_46, %dma_wait3A_165] : memref<10240x64xf32, #tpu.memory_space<vmem_shared>> -> memref<64x64xf32, #tpu.memory_space<vmem_shared>>
    %dma_wait3A_167 = arith.constant 0 : i32
    %dma_wait3A_168 = arith.constant 0 : i32
    %dma_wait3A_169 = tpu.memref_slice %arg8[%dma_wait3A_167, %dma_wait3A_168] : memref<128x64xf32, #tpu.memory_space<vmem>> -> memref<64x64xf32, #tpu.memory_space<vmem>>
    tpu.wait_dma2 semaphore(%arg15 : memref<!tpu.dma_semaphore, #tpu.memory_space<semaphore_mem>>) src(%dma_wait3A_169 : memref<64x64xf32, #tpu.memory_space<vmem>>) dst(%dma_wait3A_166 : memref<64x64xf32, #tpu.memory_space<vmem_shared>>)
    %dma_wait3A_170 = arith.constant 0 : i32
    %dma_wait3A_171 = arith.constant 0 : i32
    %dma_wait3A_172 = tpu.memref_slice %arg8[%dma_wait3A_170, %dma_wait3A_171] : memref<128x64xf32, #tpu.memory_space<vmem>> -> memref<64x64xf32, #tpu.memory_space<vmem>>
    %dma_wait3A_173 = arith.constant 0 : i32
    %dma_wait3A_174 = tpu.memref_slice %arg13[%add3A_58, %dma_wait3A_173] : memref<10240x64xf32, #tpu.memory_space<vmem_shared>> -> memref<64x64xf32, #tpu.memory_space<vmem_shared>>
    %dma_wait3A_175 = arith.constant 0 : i32
    %dma_wait3A_176 = tpu.memref_slice %arg13[%add3A_58, %dma_wait3A_175] : memref<10240x64xf32, #tpu.memory_space<vmem_shared>> -> memref<64x64xf32, #tpu.memory_space<vmem_shared>>
    %dma_wait3A_177 = arith.constant 0 : i32
    %dma_wait3A_178 = arith.constant 0 : i32
    %dma_wait3A_179 = tpu.memref_slice %arg8[%dma_wait3A_177, %dma_wait3A_178] : memref<128x64xf32, #tpu.memory_space<vmem>> -> memref<64x64xf32, #tpu.memory_space<vmem>>
    tpu.wait_dma2 semaphore(%arg15 : memref<!tpu.dma_semaphore, #tpu.memory_space<semaphore_mem>>) src(%dma_wait3A_179 : memref<64x64xf32, #tpu.memory_space<vmem>>) dst(%dma_wait3A_176 : memref<64x64xf32, #tpu.memory_space<vmem_shared>>)
    %dma_wait3A_180 = arith.constant 0 : i32
    %dma_wait3A_181 = arith.constant 0 : i32
    %dma_wait3A_182 = tpu.memref_slice %arg8[%dma_wait3A_180, %dma_wait3A_181] : memref<128x64xf32, #tpu.memory_space<vmem>> -> memref<64x64xf32, #tpu.memory_space<vmem>>
    %dma_wait3A_183 = arith.constant 0 : i32
    %dma_wait3A_184 = tpu.memref_slice %arg13[%add3A_70, %dma_wait3A_183] : memref<10240x64xf32, #tpu.memory_space<vmem_shared>> -> memref<64x64xf32, #tpu.memory_space<vmem_shared>>
    %dma_wait3A_185 = arith.constant 0 : i32
    %dma_wait3A_186 = tpu.memref_slice %arg13[%add3A_70, %dma_wait3A_185] : memref<10240x64xf32, #tpu.memory_space<vmem_shared>> -> memref<64x64xf32, #tpu.memory_space<vmem_shared>>
    %dma_wait3A_187 = arith.constant 0 : i32
    %dma_wait3A_188 = arith.constant 0 : i32
    %dma_wait3A_189 = tpu.memref_slice %arg8[%dma_wait3A_187, %dma_wait3A_188] : memref<128x64xf32, #tpu.memory_space<vmem>> -> memref<64x64xf32, #tpu.memory_space<vmem>>
    tpu.wait_dma2 semaphore(%arg15 : memref<!tpu.dma_semaphore, #tpu.memory_space<semaphore_mem>>) src(%dma_wait3A_189 : memref<64x64xf32, #tpu.memory_space<vmem>>) dst(%dma_wait3A_186 : memref<64x64xf32, #tpu.memory_space<vmem_shared>>)
    %dma_wait3A_190 = arith.constant 0 : i32
    %dma_wait3A_191 = arith.constant 0 : i32
    %dma_wait3A_192 = tpu.memref_slice %arg8[%dma_wait3A_190, %dma_wait3A_191] : memref<128x64xf32, #tpu.memory_space<vmem>> -> memref<64x64xf32, #tpu.memory_space<vmem>>
    %dma_wait3A_193 = arith.constant 0 : i32
    %dma_wait3A_194 = tpu.memref_slice %arg13[%add3A_82, %dma_wait3A_193] : memref<10240x64xf32, #tpu.memory_space<vmem_shared>> -> memref<64x64xf32, #tpu.memory_space<vmem_shared>>
    %dma_wait3A_195 = arith.constant 0 : i32
    %dma_wait3A_196 = tpu.memref_slice %arg13[%add3A_82, %dma_wait3A_195] : memref<10240x64xf32, #tpu.memory_space<vmem_shared>> -> memref<64x64xf32, #tpu.memory_space<vmem_shared>>
    %dma_wait3A_197 = arith.constant 0 : i32
    %dma_wait3A_198 = arith.constant 0 : i32
    %dma_wait3A_199 = tpu.memref_slice %arg8[%dma_wait3A_197, %dma_wait3A_198] : memref<128x64xf32, #tpu.memory_space<vmem>> -> memref<64x64xf32, #tpu.memory_space<vmem>>
    tpu.wait_dma2 semaphore(%arg15 : memref<!tpu.dma_semaphore, #tpu.memory_space<semaphore_mem>>) src(%dma_wait3A_199 : memref<64x64xf32, #tpu.memory_space<vmem>>) dst(%dma_wait3A_196 : memref<64x64xf32, #tpu.memory_space<vmem_shared>>)
    %dma_wait3A_200 = arith.constant 0 : i32
    %dma_wait3A_201 = arith.constant 0 : i32
    %dma_wait3A_202 = tpu.memref_slice %arg8[%dma_wait3A_200, %dma_wait3A_201] : memref<128x64xf32, #tpu.memory_space<vmem>> -> memref<64x64xf32, #tpu.memory_space<vmem>>
    %dma_wait3A_203 = arith.constant 0 : i32
    %dma_wait3A_204 = tpu.memref_slice %arg13[%add3A_94, %dma_wait3A_203] : memref<10240x64xf32, #tpu.memory_space<vmem_shared>> -> memref<64x64xf32, #tpu.memory_space<vmem_shared>>
    %dma_wait3A_205 = arith.constant 0 : i32
    %dma_wait3A_206 = tpu.memref_slice %arg13[%add3A_94, %dma_wait3A_205] : memref<10240x64xf32, #tpu.memory_space<vmem_shared>> -> memref<64x64xf32, #tpu.memory_space<vmem_shared>>
    %dma_wait3A_207 = arith.constant 0 : i32
    %dma_wait3A_208 = arith.constant 0 : i32
    %dma_wait3A_209 = tpu.memref_slice %arg8[%dma_wait3A_207, %dma_wait3A_208] : memref<128x64xf32, #tpu.memory_space<vmem>> -> memref<64x64xf32, #tpu.memory_space<vmem>>
    tpu.wait_dma2 semaphore(%arg15 : memref<!tpu.dma_semaphore, #tpu.memory_space<semaphore_mem>>) src(%dma_wait3A_209 : memref<64x64xf32, #tpu.memory_space<vmem>>) dst(%dma_wait3A_206 : memref<64x64xf32, #tpu.memory_space<vmem_shared>>)
    %dma_wait3A_210 = arith.constant 0 : i32
    %dma_wait3A_211 = arith.constant 0 : i32
    %dma_wait3A_212 = tpu.memref_slice %arg8[%dma_wait3A_210, %dma_wait3A_211] : memref<128x64xf32, #tpu.memory_space<vmem>> -> memref<64x64xf32, #tpu.memory_space<vmem>>
    %dma_wait3A_213 = arith.constant 0 : i32
    %dma_wait3A_214 = tpu.memref_slice %arg13[%add3A_106, %dma_wait3A_213] : memref<10240x64xf32, #tpu.memory_space<vmem_shared>> -> memref<64x64xf32, #tpu.memory_space<vmem_shared>>
    %dma_wait3A_215 = arith.constant 0 : i32
    %dma_wait3A_216 = tpu.memref_slice %arg13[%add3A_106, %dma_wait3A_215] : memref<10240x64xf32, #tpu.memory_space<vmem_shared>> -> memref<64x64xf32, #tpu.memory_space<vmem_shared>>
    %dma_wait3A_217 = arith.constant 0 : i32
    %dma_wait3A_218 = arith.constant 0 : i32
    %dma_wait3A_219 = tpu.memref_slice %arg8[%dma_wait3A_217, %dma_wait3A_218] : memref<128x64xf32, #tpu.memory_space<vmem>> -> memref<64x64xf32, #tpu.memory_space<vmem>>
    tpu.wait_dma2 semaphore(%arg15 : memref<!tpu.dma_semaphore, #tpu.memory_space<semaphore_mem>>) src(%dma_wait3A_219 : memref<64x64xf32, #tpu.memory_space<vmem>>) dst(%dma_wait3A_216 : memref<64x64xf32, #tpu.memory_space<vmem_shared>>)
    %dma_wait3A_220 = arith.constant 0 : i32
    %dma_wait3A_221 = arith.constant 0 : i32
    %dma_wait3A_222 = tpu.memref_slice %arg8[%dma_wait3A_220, %dma_wait3A_221] : memref<128x64xf32, #tpu.memory_space<vmem>> -> memref<64x64xf32, #tpu.memory_space<vmem>>
    %dma_wait3A_223 = arith.constant 0 : i32
    %dma_wait3A_224 = tpu.memref_slice %arg13[%add3A_118, %dma_wait3A_223] : memref<10240x64xf32, #tpu.memory_space<vmem_shared>> -> memref<64x64xf32, #tpu.memory_space<vmem_shared>>
    %dma_wait3A_225 = arith.constant 0 : i32
    %dma_wait3A_226 = tpu.memref_slice %arg13[%add3A_118, %dma_wait3A_225] : memref<10240x64xf32, #tpu.memory_space<vmem_shared>> -> memref<64x64xf32, #tpu.memory_space<vmem_shared>>
    %dma_wait3A_227 = arith.constant 0 : i32
    %dma_wait3A_228 = arith.constant 0 : i32
    %dma_wait3A_229 = tpu.memref_slice %arg8[%dma_wait3A_227, %dma_wait3A_228] : memref<128x64xf32, #tpu.memory_space<vmem>> -> memref<64x64xf32, #tpu.memory_space<vmem>>
    tpu.wait_dma2 semaphore(%arg15 : memref<!tpu.dma_semaphore, #tpu.memory_space<semaphore_mem>>) src(%dma_wait3A_229 : memref<64x64xf32, #tpu.memory_space<vmem>>) dst(%dma_wait3A_226 : memref<64x64xf32, #tpu.memory_space<vmem_shared>>)
    %dma_wait3A_230 = arith.constant 0 : i32
    %dma_wait3A_231 = arith.constant 0 : i32
    %dma_wait3A_232 = tpu.memref_slice %arg8[%dma_wait3A_230, %dma_wait3A_231] : memref<128x64xf32, #tpu.memory_space<vmem>> -> memref<64x64xf32, #tpu.memory_space<vmem>>
    %dma_wait3A_233 = arith.constant 0 : i32
    %dma_wait3A_234 = tpu.memref_slice %arg13[%add3A_130, %dma_wait3A_233] : memref<10240x64xf32, #tpu.memory_space<vmem_shared>> -> memref<64x64xf32, #tpu.memory_space<vmem_shared>>
    %dma_wait3A_235 = arith.constant 0 : i32
    %dma_wait3A_236 = tpu.memref_slice %arg13[%add3A_130, %dma_wait3A_235] : memref<10240x64xf32, #tpu.memory_space<vmem_shared>> -> memref<64x64xf32, #tpu.memory_space<vmem_shared>>
    %dma_wait3A_237 = arith.constant 0 : i32
    %dma_wait3A_238 = arith.constant 0 : i32
    %dma_wait3A_239 = tpu.memref_slice %arg8[%dma_wait3A_237, %dma_wait3A_238] : memref<128x64xf32, #tpu.memory_space<vmem>> -> memref<64x64xf32, #tpu.memory_space<vmem>>
    tpu.wait_dma2 semaphore(%arg15 : memref<!tpu.dma_semaphore, #tpu.memory_space<semaphore_mem>>) src(%dma_wait3A_239 : memref<64x64xf32, #tpu.memory_space<vmem>>) dst(%dma_wait3A_236 : memref<64x64xf32, #tpu.memory_space<vmem_shared>>)
    %dma_wait3A_240 = arith.constant 0 : i32
    %dma_wait3A_241 = arith.constant 0 : i32
    %dma_wait3A_242 = tpu.memref_slice %arg3[%arg1, %dma_wait3A_240, %dma_wait3A_241] : memref<16x160x128xi32, #tpu.memory_space<hbm>> -> memref<1x160x128xi32, #tpu.memory_space<hbm>>
    %dma_wait3A_243 = tpu.memref_squeeze %dma_wait3A_242 : memref<1x160x128xi32, #tpu.memory_space<hbm>> -> memref<160x128xi32, #tpu.memory_space<hbm>>
    %dma_wait3A_244 = arith.constant 0 : i32
    %dma_wait3A_245 = arith.constant 0 : i32
    %dma_wait3A_246 = tpu.memref_slice %arg3[%arg1, %dma_wait3A_244, %dma_wait3A_245] : memref<16x160x128xi32, #tpu.memory_space<hbm>> -> memref<1x160x128xi32, #tpu.memory_space<hbm>>
    %dma_wait3A_247 = tpu.memref_squeeze %dma_wait3A_246 : memref<1x160x128xi32, #tpu.memory_space<hbm>> -> memref<160x128xi32, #tpu.memory_space<hbm>>
    tpu.wait_dma2 semaphore(%arg14 : memref<!tpu.dma_semaphore, #tpu.memory_space<semaphore_mem>>) src(%dma_wait3A_247 : memref<160x128xi32, #tpu.memory_space<hbm>>) dst(%arg6 : memref<160x128xi32, #tpu.memory_space<vmem>>)
    %scan3A_248 = arith.constant 0 : i32
    %scan3A_249 = arith.constant 0 : i32
    %scan3A_250 = arith.constant 160 : i32
    %scan3A_251 = arith.addi %scan3A_249, %scan3A_250 : i32
    %scan3A_252 = arith.constant 1 : i32
    %scan3A_253 = scf.for %scan3A_351 = %scan3A_249 to %scan3A_251 step %scan3A_252 iter_args(%scan3A_352 = %scan3A_248) -> (i32)  : i32 {
      %scan3A_353 = arith.constant 0 : i32
      %scan3A_354 = arith.constant 0 : i32
      %scan3A_355 = arith.constant 8 : i32
      %scan3A_356 = arith.addi %scan3A_354, %scan3A_355 : i32
      %scan3A_357 = arith.constant 1 : i32
      %scan3A_358 = scf.for %scan3A_360 = %scan3A_354 to %scan3A_356 step %scan3A_357 iter_args(%scan3A_361 = %scan3A_353) -> (i32)  : i32 {
        %mul3A_362 = arith.constant 16 : i32
        %mul3A_363 = arith.muli %scan3A_360, %mul3A_362 : i32
        %get3A = arith.index_cast %scan3A_351 : i32 to index
        %get3A_364 = arith.index_cast %mul3A_363 : i32 to index
        %get3A_365 = tpu.vector_load %arg6[%get3A, %get3A_364] {strides = array<i32>} : memref<160x128xi32, #tpu.memory_space<vmem>>, vector<1x16xi32>,
        %get3A_366 = vector.shape_cast %get3A_365 : vector<1x16xi32> to vector<16xi32>
        %mul3A_367 = arith.constant 2 : i32
        %mul3A_368 = vector.broadcast %mul3A_367 : i32 to vector<16xi32>
        %mul3A_369 = arith.muli %get3A_366, %mul3A_368 : vector<16xi32>
        %add3A_370 = vector.broadcast %arg0 : i32 to vector<16xi32>
        %add3A_371 = arith.addi %mul3A_369, %add3A_370 : vector<16xi32>
        %swap3A = arith.index_cast %scan3A_351 : i32 to index
        %swap3A_372 = arith.index_cast %mul3A_363 : i32 to index
        %swap3A_373 = tpu.vector_load %arg6[%swap3A, %swap3A_372] {strides = array<i32>} : memref<160x128xi32, #tpu.memory_space<vmem>>, vector<1x16xi32>,
        %swap3A_374 = vector.shape_cast %swap3A_373 : vector<1x16xi32> to vector<16xi32>
        %swap3A_375 = vector.shape_cast %add3A_371 : vector<16xi32> to vector<1x16xi32>
        tpu.vector_store %arg6[%swap3A, %swap3A_372], %swap3A_375 {strides = array<i32>} : memref<160x128xi32, #tpu.memory_space<vmem>>, vector<1x16xi32>,
        %scan3A_376 = arith.constant 0 : i32
        scf.yield %scan3A_376 : i32
      }
      %scan3A_359 = arith.constant 8 : i32
      scf.yield %scan3A_358 : i32
    }
    %scan3A_254 = arith.constant 160 : i32
    %dma_wait3A_255 = arith.constant 0 : i32
    %dma_wait3A_256 = arith.constant 0 : i32
    %dma_wait3A_257 = tpu.memref_slice %arg4[%arg1, %dma_wait3A_255, %dma_wait3A_256] : memref<16x160x128xi32, #tpu.memory_space<hbm>> -> memref<1x160x128xi32, #tpu.memory_space<hbm>>
    %dma_wait3A_258 = tpu.memref_squeeze %dma_wait3A_257 : memref<1x160x128xi32, #tpu.memory_space<hbm>> -> memref<160x128xi32, #tpu.memory_space<hbm>>
    %dma_wait3A_259 = arith.constant 0 : i32
    %dma_wait3A_260 = arith.constant 0 : i32
    %dma_wait3A_261 = tpu.memref_slice %arg4[%arg1, %dma_wait3A_259, %dma_wait3A_260] : memref<16x160x128xi32, #tpu.memory_space<hbm>> -> memref<1x160x128xi32, #tpu.memory_space<hbm>>
    %dma_wait3A_262 = tpu.memref_squeeze %dma_wait3A_261 : memref<1x160x128xi32, #tpu.memory_space<hbm>> -> memref<160x128xi32, #tpu.memory_space<hbm>>
    tpu.wait_dma2 semaphore(%arg19 : memref<!tpu.dma_semaphore, #tpu.memory_space<semaphore_mem>>) src(%dma_wait3A_262 : memref<160x128xi32, #tpu.memory_space<hbm>>) dst(%arg7 : memref<160x128xi32, #tpu.memory_space<vmem>>)
    %barrier3A = arith.constant 0 : index
    tpu.barrier barrier_id(%barrier3A)
    %dma_start3A_263 = arith.constant 0 : i32
    %dma_start3A_264 = arith.constant 0 : i32
    %dma_start3A_265 = tpu.memref_slice %arg6[%dma_start3A_263, %dma_start3A_264] : memref<160x128xi32, #tpu.memory_space<vmem>> -> memref<1x128xi32, #tpu.memory_space<vmem>>
    %dma_start3A_266 = tpu.memref_squeeze %dma_start3A_265 : memref<1x128xi32, #tpu.memory_space<vmem>> -> memref<128xi32, #tpu.memory_space<vmem>>
    %dma_start3A_267 = arith.constant 0 : i32
    %dma_start3A_268 = arith.constant 0 : i32
    %dma_start3A_269 = tpu.memref_slice %arg2[%dma_start3A_267, %dma_start3A_268] : memref<20000x64xf32, #tpu.memory_space<hbm>> -> memref<20000x64xf32, #tpu.memory_space<hbm>>
    tpu.enqueue_indirect_dma source(%dma_start3A_269 : memref<20000x64xf32, #tpu.memory_space<hbm>>) target(%arg8 : memref<128x64xf32, #tpu.memory_space<vmem>>) offsets(%dma_start3A_266 : memref<128xi32, #tpu.memory_space<vmem>>) semaphore(%arg14 : memref<!tpu.dma_semaphore, #tpu.memory_space<semaphore_mem>>)
    %dma_start3A_270 = arith.constant 1 : i32
    %dma_start3A_271 = arith.constant 0 : i32
    %dma_start3A_272 = tpu.memref_slice %arg6[%dma_start3A_270, %dma_start3A_271] : memref<160x128xi32, #tpu.memory_space<vmem>> -> memref<1x128xi32, #tpu.memory_space<vmem>>
    %dma_start3A_273 = tpu.memref_squeeze %dma_start3A_272 : memref<1x128xi32, #tpu.memory_space<vmem>> -> memref<128xi32, #tpu.memory_space<vmem>>
    %dma_start3A_274 = arith.constant 0 : i32
    %dma_start3A_275 = arith.constant 0 : i32
    %dma_start3A_276 = tpu.memref_slice %arg2[%dma_start3A_274, %dma_start3A_275] : memref<20000x64xf32, #tpu.memory_space<hbm>> -> memref<20000x64xf32, #tpu.memory_space<hbm>>
    tpu.enqueue_indirect_dma source(%dma_start3A_276 : memref<20000x64xf32, #tpu.memory_space<hbm>>) target(%arg9 : memref<128x64xf32, #tpu.memory_space<vmem>>) offsets(%dma_start3A_273 : memref<128xi32, #tpu.memory_space<vmem>>) semaphore(%arg15 : memref<!tpu.dma_semaphore, #tpu.memory_space<semaphore_mem>>)
    %dma_start3A_277 = arith.constant 2 : i32
    %dma_start3A_278 = arith.constant 0 : i32
    %dma_start3A_279 = tpu.memref_slice %arg6[%dma_start3A_277, %dma_start3A_278] : memref<160x128xi32, #tpu.memory_space<vmem>> -> memref<1x128xi32, #tpu.memory_space<vmem>>
    %dma_start3A_280 = tpu.memref_squeeze %dma_start3A_279 : memref<1x128xi32, #tpu.memory_space<vmem>> -> memref<128xi32, #tpu.memory_space<vmem>>
    %dma_start3A_281 = arith.constant 0 : i32
    %dma_start3A_282 = arith.constant 0 : i32
    %dma_start3A_283 = tpu.memref_slice %arg2[%dma_start3A_281, %dma_start3A_282] : memref<20000x64xf32, #tpu.memory_space<hbm>> -> memref<20000x64xf32, #tpu.memory_space<hbm>>
    tpu.enqueue_indirect_dma source(%dma_start3A_283 : memref<20000x64xf32, #tpu.memory_space<hbm>>) target(%arg10 : memref<128x64xf32, #tpu.memory_space<vmem>>) offsets(%dma_start3A_280 : memref<128xi32, #tpu.memory_space<vmem>>) semaphore(%arg16 : memref<!tpu.dma_semaphore, #tpu.memory_space<semaphore_mem>>)
    %dma_start3A_284 = arith.constant 3 : i32
    %dma_start3A_285 = arith.constant 0 : i32
    %dma_start3A_286 = tpu.memref_slice %arg6[%dma_start3A_284, %dma_start3A_285] : memref<160x128xi32, #tpu.memory_space<vmem>> -> memref<1x128xi32, #tpu.memory_space<vmem>>
    %dma_start3A_287 = tpu.memref_squeeze %dma_start3A_286 : memref<1x128xi32, #tpu.memory_space<vmem>> -> memref<128xi32, #tpu.memory_space<vmem>>
    %dma_start3A_288 = arith.constant 0 : i32
    %dma_start3A_289 = arith.constant 0 : i32
    %dma_start3A_290 = tpu.memref_slice %arg2[%dma_start3A_288, %dma_start3A_289] : memref<20000x64xf32, #tpu.memory_space<hbm>> -> memref<20000x64xf32, #tpu.memory_space<hbm>>
    tpu.enqueue_indirect_dma source(%dma_start3A_290 : memref<20000x64xf32, #tpu.memory_space<hbm>>) target(%arg11 : memref<128x64xf32, #tpu.memory_space<vmem>>) offsets(%dma_start3A_287 : memref<128xi32, #tpu.memory_space<vmem>>) semaphore(%arg17 : memref<!tpu.dma_semaphore, #tpu.memory_space<semaphore_mem>>)
    %dma_start3A_291 = arith.constant 4 : i32
    %dma_start3A_292 = arith.constant 0 : i32
    %dma_start3A_293 = tpu.memref_slice %arg6[%dma_start3A_291, %dma_start3A_292] : memref<160x128xi32, #tpu.memory_space<vmem>> -> memref<1x128xi32, #tpu.memory_space<vmem>>
    %dma_start3A_294 = tpu.memref_squeeze %dma_start3A_293 : memref<1x128xi32, #tpu.memory_space<vmem>> -> memref<128xi32, #tpu.memory_space<vmem>>
    %dma_start3A_295 = arith.constant 0 : i32
    %dma_start3A_296 = arith.constant 0 : i32
    %dma_start3A_297 = tpu.memref_slice %arg2[%dma_start3A_295, %dma_start3A_296] : memref<20000x64xf32, #tpu.memory_space<hbm>> -> memref<20000x64xf32, #tpu.memory_space<hbm>>
    tpu.enqueue_indirect_dma source(%dma_start3A_297 : memref<20000x64xf32, #tpu.memory_space<hbm>>) target(%arg12 : memref<128x64xf32, #tpu.memory_space<vmem>>) offsets(%dma_start3A_294 : memref<128xi32, #tpu.memory_space<vmem>>) semaphore(%arg18 : memref<!tpu.dma_semaphore, #tpu.memory_space<semaphore_mem>>)
    %scan3A_298 = arith.constant 0 : i32
    %scan3A_299 = arith.constant 0 : i32
    %scan3A_300 = arith.constant 32 : i32
    %scan3A_301 = arith.addi %scan3A_299, %scan3A_300 : i32
    %scan3A_302 = arith.constant 1 : i32
    %scan3A_303 = scf.for %scan3A_351 = %scan3A_299 to %scan3A_301 step %scan3A_302 iter_args(%scan3A_352 = %scan3A_298) -> (i32)  : i32 {
      %dma_wait3A_353 = arith.constant 0 : i32
      %dma_wait3A_354 = arith.constant 0 : i32
      %dma_wait3A_355 = tpu.memref_slice %arg6[%dma_wait3A_353, %dma_wait3A_354] : memref<160x128xi32, #tpu.memory_space<vmem>> -> memref<1x128xi32, #tpu.memory_space<vmem>>
      %dma_wait3A_356 = tpu.memref_squeeze %dma_wait3A_355 : memref<1x128xi32, #tpu.memory_space<vmem>> -> memref<128xi32, #tpu.memory_space<vmem>>
      %dma_wait3A_357 = arith.constant 0 : i32
      %dma_wait3A_358 = arith.constant 0 : i32
      %dma_wait3A_359 = tpu.memref_slice %arg2[%dma_wait3A_357, %dma_wait3A_358] : memref<20000x64xf32, #tpu.memory_space<hbm>> -> memref<20000x64xf32, #tpu.memory_space<hbm>>
      tpu.wait_indirect_dma semaphore(%arg14 : memref<!tpu.dma_semaphore, #tpu.memory_space<semaphore_mem>>) src(%dma_wait3A_359 : memref<20000x64xf32, #tpu.memory_space<hbm>>) dst(%arg8 : memref<128x64xf32, #tpu.memory_space<vmem>>)
      %mul3A_360 = arith.constant 5 : i32
      %mul3A_361 = arith.muli %scan3A_351, %mul3A_360 : i32
      %add3A_362 = arith.constant 0 : i32
      %add3A_363 = arith.addi %mul3A_361, %add3A_362 : i32
      %dma_start3A_364 = arith.constant 0 : i32
      %dma_start3A_365 = tpu.memref_slice %arg7[%add3A_363, %dma_start3A_364] : memref<160x128xi32, #tpu.memory_space<vmem>> -> memref<1x128xi32, #tpu.memory_space<vmem>>
      %dma_start3A_366 = tpu.memref_squeeze %dma_start3A_365 : memref<1x128xi32, #tpu.memory_space<vmem>> -> memref<128xi32, #tpu.memory_space<vmem>>
      %dma_start3A_367 = arith.constant 0 : i32
      %dma_start3A_368 = arith.constant 0 : i32
      %dma_start3A_369 = tpu.memref_slice %arg13[%dma_start3A_367, %dma_start3A_368] : memref<10240x64xf32, #tpu.memory_space<vmem_shared>> -> memref<10240x64xf32, #tpu.memory_space<vmem_shared>>
      tpu.enqueue_indirect_dma source(%arg8 : memref<128x64xf32, #tpu.memory_space<vmem>>) target(%dma_start3A_369 : memref<10240x64xf32, #tpu.memory_space<vmem_shared>>) offsets(%dma_start3A_366 : memref<128xi32, #tpu.memory_space<vmem>>) semaphore(%arg19 : memref<!tpu.dma_semaphore, #tpu.memory_space<semaphore_mem>>) {add = true}
      %dma_wait3A_370 = arith.constant 0 : i32
      %dma_wait3A_371 = arith.constant 0 : i32
      %dma_wait3A_372 = tpu.memref_slice %arg6[%dma_wait3A_370, %dma_wait3A_371] : memref<160x128xi32, #tpu.memory_space<vmem>> -> memref<1x128xi32, #tpu.memory_space<vmem>>
      %dma_wait3A_373 = tpu.memref_squeeze %dma_wait3A_372 : memref<1x128xi32, #tpu.memory_space<vmem>> -> memref<128xi32, #tpu.memory_space<vmem>>
      %dma_wait3A_374 = arith.constant 0 : i32
      %dma_wait3A_375 = arith.constant 0 : i32
      %dma_wait3A_376 = tpu.memref_slice %arg2[%dma_wait3A_374, %dma_wait3A_375] : memref<20000x64xf32, #tpu.memory_space<hbm>> -> memref<20000x64xf32, #tpu.memory_space<hbm>>
      tpu.wait_indirect_dma semaphore(%arg15 : memref<!tpu.dma_semaphore, #tpu.memory_space<semaphore_mem>>) src(%dma_wait3A_376 : memref<20000x64xf32, #tpu.memory_space<hbm>>) dst(%arg9 : memref<128x64xf32, #tpu.memory_space<vmem>>)
      %mul3A_377 = arith.constant 5 : i32
      %mul3A_378 = arith.muli %scan3A_351, %mul3A_377 : i32
      %add3A_379 = arith.constant 1 : i32
      %add3A_380 = arith.addi %mul3A_378, %add3A_379 : i32
      %dma_start3A_381 = arith.constant 0 : i32
      %dma_start3A_382 = tpu.memref_slice %arg7[%add3A_380, %dma_start3A_381] : memref<160x128xi32, #tpu.memory_space<vmem>> -> memref<1x128xi32, #tpu.memory_space<vmem>>
      %dma_start3A_383 = tpu.memref_squeeze %dma_start3A_382 : memref<1x128xi32, #tpu.memory_space<vmem>> -> memref<128xi32, #tpu.memory_space<vmem>>
      %dma_start3A_384 = arith.constant 0 : i32
      %dma_start3A_385 = arith.constant 0 : i32
      %dma_start3A_386 = tpu.memref_slice %arg13[%dma_start3A_384, %dma_start3A_385] : memref<10240x64xf32, #tpu.memory_space<vmem_shared>> -> memref<10240x64xf32, #tpu.memory_space<vmem_shared>>
      tpu.enqueue_indirect_dma source(%arg9 : memref<128x64xf32, #tpu.memory_space<vmem>>) target(%dma_start3A_386 : memref<10240x64xf32, #tpu.memory_space<vmem_shared>>) offsets(%dma_start3A_383 : memref<128xi32, #tpu.memory_space<vmem>>) semaphore(%arg20 : memref<!tpu.dma_semaphore, #tpu.memory_space<semaphore_mem>>) {add = true}
      %dma_wait3A_387 = arith.constant 0 : i32
      %dma_wait3A_388 = arith.constant 0 : i32
      %dma_wait3A_389 = tpu.memref_slice %arg6[%dma_wait3A_387, %dma_wait3A_388] : memref<160x128xi32, #tpu.memory_space<vmem>> -> memref<1x128xi32, #tpu.memory_space<vmem>>
      %dma_wait3A_390 = tpu.memref_squeeze %dma_wait3A_389 : memref<1x128xi32, #tpu.memory_space<vmem>> -> memref<128xi32, #tpu.memory_space<vmem>>
      %dma_wait3A_391 = arith.constant 0 : i32
      %dma_wait3A_392 = arith.constant 0 : i32
      %dma_wait3A_393 = tpu.memref_slice %arg2[%dma_wait3A_391, %dma_wait3A_392] : memref<20000x64xf32, #tpu.memory_space<hbm>> -> memref<20000x64xf32, #tpu.memory_space<hbm>>
      tpu.wait_indirect_dma semaphore(%arg16 : memref<!tpu.dma_semaphore, #tpu.memory_space<semaphore_mem>>) src(%dma_wait3A_393 : memref<20000x64xf32, #tpu.memory_space<hbm>>) dst(%arg10 : memref<128x64xf32, #tpu.memory_space<vmem>>)
      %mul3A_394 = arith.constant 5 : i32
      %mul3A_395 = arith.muli %scan3A_351, %mul3A_394 : i32
      %add3A_396 = arith.constant 2 : i32
      %add3A_397 = arith.addi %mul3A_395, %add3A_396 : i32
      %dma_start3A_398 = arith.constant 0 : i32
      %dma_start3A_399 = tpu.memref_slice %arg7[%add3A_397, %dma_start3A_398] : memref<160x128xi32, #tpu.memory_space<vmem>> -> memref<1x128xi32, #tpu.memory_space<vmem>>
      %dma_start3A_400 = tpu.memref_squeeze %dma_start3A_399 : memref<1x128xi32, #tpu.memory_space<vmem>> -> memref<128xi32, #tpu.memory_space<vmem>>
      %dma_start3A_401 = arith.constant 0 : i32
      %dma_start3A_402 = arith.constant 0 : i32
      %dma_start3A_403 = tpu.memref_slice %arg13[%dma_start3A_401, %dma_start3A_402] : memref<10240x64xf32, #tpu.memory_space<vmem_shared>> -> memref<10240x64xf32, #tpu.memory_space<vmem_shared>>
      tpu.enqueue_indirect_dma source(%arg10 : memref<128x64xf32, #tpu.memory_space<vmem>>) target(%dma_start3A_403 : memref<10240x64xf32, #tpu.memory_space<vmem_shared>>) offsets(%dma_start3A_400 : memref<128xi32, #tpu.memory_space<vmem>>) semaphore(%arg21 : memref<!tpu.dma_semaphore, #tpu.memory_space<semaphore_mem>>) {add = true}
      %dma_wait3A_404 = arith.constant 0 : i32
      %dma_wait3A_405 = arith.constant 0 : i32
      %dma_wait3A_406 = tpu.memref_slice %arg6[%dma_wait3A_404, %dma_wait3A_405] : memref<160x128xi32, #tpu.memory_space<vmem>> -> memref<1x128xi32, #tpu.memory_space<vmem>>
      %dma_wait3A_407 = tpu.memref_squeeze %dma_wait3A_406 : memref<1x128xi32, #tpu.memory_space<vmem>> -> memref<128xi32, #tpu.memory_space<vmem>>
      %dma_wait3A_408 = arith.constant 0 : i32
      %dma_wait3A_409 = arith.constant 0 : i32
      %dma_wait3A_410 = tpu.memref_slice %arg2[%dma_wait3A_408, %dma_wait3A_409] : memref<20000x64xf32, #tpu.memory_space<hbm>> -> memref<20000x64xf32, #tpu.memory_space<hbm>>
      tpu.wait_indirect_dma semaphore(%arg17 : memref<!tpu.dma_semaphore, #tpu.memory_space<semaphore_mem>>) src(%dma_wait3A_410 : memref<20000x64xf32, #tpu.memory_space<hbm>>) dst(%arg11 : memref<128x64xf32, #tpu.memory_space<vmem>>)
      %mul3A_411 = arith.constant 5 : i32
      %mul3A_412 = arith.muli %scan3A_351, %mul3A_411 : i32
      %add3A_413 = arith.constant 3 : i32
      %add3A_414 = arith.addi %mul3A_412, %add3A_413 : i32
      %dma_start3A_415 = arith.constant 0 : i32
      %dma_start3A_416 = tpu.memref_slice %arg7[%add3A_414, %dma_start3A_415] : memref<160x128xi32, #tpu.memory_space<vmem>> -> memref<1x128xi32, #tpu.memory_space<vmem>>
      %dma_start3A_417 = tpu.memref_squeeze %dma_start3A_416 : memref<1x128xi32, #tpu.memory_space<vmem>> -> memref<128xi32, #tpu.memory_space<vmem>>
      %dma_start3A_418 = arith.constant 0 : i32
      %dma_start3A_419 = arith.constant 0 : i32
      %dma_start3A_420 = tpu.memref_slice %arg13[%dma_start3A_418, %dma_start3A_419] : memref<10240x64xf32, #tpu.memory_space<vmem_shared>> -> memref<10240x64xf32, #tpu.memory_space<vmem_shared>>
      tpu.enqueue_indirect_dma source(%arg11 : memref<128x64xf32, #tpu.memory_space<vmem>>) target(%dma_start3A_420 : memref<10240x64xf32, #tpu.memory_space<vmem_shared>>) offsets(%dma_start3A_417 : memref<128xi32, #tpu.memory_space<vmem>>) semaphore(%arg22 : memref<!tpu.dma_semaphore, #tpu.memory_space<semaphore_mem>>) {add = true}
      %dma_wait3A_421 = arith.constant 0 : i32
      %dma_wait3A_422 = arith.constant 0 : i32
      %dma_wait3A_423 = tpu.memref_slice %arg6[%dma_wait3A_421, %dma_wait3A_422] : memref<160x128xi32, #tpu.memory_space<vmem>> -> memref<1x128xi32, #tpu.memory_space<vmem>>
      %dma_wait3A_424 = tpu.memref_squeeze %dma_wait3A_423 : memref<1x128xi32, #tpu.memory_space<vmem>> -> memref<128xi32, #tpu.memory_space<vmem>>
      %dma_wait3A_425 = arith.constant 0 : i32
      %dma_wait3A_426 = arith.constant 0 : i32
      %dma_wait3A_427 = tpu.memref_slice %arg2[%dma_wait3A_425, %dma_wait3A_426] : memref<20000x64xf32, #tpu.memory_space<hbm>> -> memref<20000x64xf32, #tpu.memory_space<hbm>>
      tpu.wait_indirect_dma semaphore(%arg18 : memref<!tpu.dma_semaphore, #tpu.memory_space<semaphore_mem>>) src(%dma_wait3A_427 : memref<20000x64xf32, #tpu.memory_space<hbm>>) dst(%arg12 : memref<128x64xf32, #tpu.memory_space<vmem>>)
      %mul3A_428 = arith.constant 5 : i32
      %mul3A_429 = arith.muli %scan3A_351, %mul3A_428 : i32
      %add3A_430 = arith.constant 4 : i32
      %add3A_431 = arith.addi %mul3A_429, %add3A_430 : i32
      %dma_start3A_432 = arith.constant 0 : i32
      %dma_start3A_433 = tpu.memref_slice %arg7[%add3A_431, %dma_start3A_432] : memref<160x128xi32, #tpu.memory_space<vmem>> -> memref<1x128xi32, #tpu.memory_space<vmem>>
      %dma_start3A_434 = tpu.memref_squeeze %dma_start3A_433 : memref<1x128xi32, #tpu.memory_space<vmem>> -> memref<128xi32, #tpu.memory_space<vmem>>
      %dma_start3A_435 = arith.constant 0 : i32
      %dma_start3A_436 = arith.constant 0 : i32
      %dma_start3A_437 = tpu.memref_slice %arg13[%dma_start3A_435, %dma_start3A_436] : memref<10240x64xf32, #tpu.memory_space<vmem_shared>> -> memref<10240x64xf32, #tpu.memory_space<vmem_shared>>
      tpu.enqueue_indirect_dma source(%arg12 : memref<128x64xf32, #tpu.memory_space<vmem>>) target(%dma_start3A_437 : memref<10240x64xf32, #tpu.memory_space<vmem_shared>>) offsets(%dma_start3A_434 : memref<128xi32, #tpu.memory_space<vmem>>) semaphore(%arg23 : memref<!tpu.dma_semaphore, #tpu.memory_space<semaphore_mem>>) {add = true}
      %add3A_438 = arith.constant 1 : i32
      %add3A_439 = arith.addi %scan3A_351, %add3A_438 : i32
      %mul3A_440 = arith.constant 5 : i32
      %mul3A_441 = arith.muli %add3A_439, %mul3A_440 : i32
      %add3A_442 = arith.constant 0 : i32
      %add3A_443 = arith.addi %mul3A_441, %add3A_442 : i32
      %min3A = arith.constant 159 : i32
      %min3A_444 = arith.minsi %add3A_443, %min3A : i32
      %dma_wait3A_445 = arith.constant 0 : i32
      %dma_wait3A_446 = arith.constant 0 : i32
      %dma_wait3A_447 = tpu.memref_slice %arg7[%dma_wait3A_445, %dma_wait3A_446] : memref<160x128xi32, #tpu.memory_space<vmem>> -> memref<1x128xi32, #tpu.memory_space<vmem>>
      %dma_wait3A_448 = tpu.memref_squeeze %dma_wait3A_447 : memref<1x128xi32, #tpu.memory_space<vmem>> -> memref<128xi32, #tpu.memory_space<vmem>>
      %dma_wait3A_449 = arith.constant 0 : i32
      %dma_wait3A_450 = arith.constant 0 : i32
      %dma_wait3A_451 = tpu.memref_slice %arg13[%dma_wait3A_449, %dma_wait3A_450] : memref<10240x64xf32, #tpu.memory_space<vmem_shared>> -> memref<10240x64xf32, #tpu.memory_space<vmem_shared>>
      tpu.wait_indirect_dma semaphore(%arg19 : memref<!tpu.dma_semaphore, #tpu.memory_space<semaphore_mem>>) src(%arg8 : memref<128x64xf32, #tpu.memory_space<vmem>>) dst(%dma_wait3A_451 : memref<10240x64xf32, #tpu.memory_space<vmem_shared>>)
      %dma_start3A_452 = arith.constant 0 : i32
      %dma_start3A_453 = tpu.memref_slice %arg6[%min3A_444, %dma_start3A_452] : memref<160x128xi32, #tpu.memory_space<vmem>> -> memref<1x128xi32, #tpu.memory_space<vmem>>
      %dma_start3A_454 = tpu.memref_squeeze %dma_start3A_453 : memref<1x128xi32, #tpu.memory_space<vmem>> -> memref<128xi32, #tpu.memory_space<vmem>>
      %dma_start3A_455 = arith.constant 0 : i32
      %dma_start3A_456 = arith.constant 0 : i32
      %dma_start3A_457 = tpu.memref_slice %arg2[%dma_start3A_455, %dma_start3A_456] : memref<20000x64xf32, #tpu.memory_space<hbm>> -> memref<20000x64xf32, #tpu.memory_space<hbm>>
      tpu.enqueue_indirect_dma source(%dma_start3A_457 : memref<20000x64xf32, #tpu.memory_space<hbm>>) target(%arg8 : memref<128x64xf32, #tpu.memory_space<vmem>>) offsets(%dma_start3A_454 : memref<128xi32, #tpu.memory_space<vmem>>) semaphore(%arg14 : memref<!tpu.dma_semaphore, #tpu.memory_space<semaphore_mem>>)
      %add3A_458 = arith.constant 1 : i32
      %add3A_459 = arith.addi %scan3A_351, %add3A_458 : i32
      %mul3A_460 = arith.constant 5 : i32
      %mul3A_461 = arith.muli %add3A_459, %mul3A_460 : i32
      %add3A_462 = arith.constant 1 : i32
      %add3A_463 = arith.addi %mul3A_461, %add3A_462 : i32
      %min3A_464 = arith.constant 159 : i32
      %min3A_465 = arith.minsi %add3A_463, %min3A_464 : i32
      %dma_wait3A_466 = arith.constant 0 : i32
      %dma_wait3A_467 = arith.constant 0 : i32
      %dma_wait3A_468 = tpu.memref_slice %arg7[%dma_wait3A_466, %dma_wait3A_467] : memref<160x128xi32, #tpu.memory_space<vmem>> -> memref<1x128xi32, #tpu.memory_space<vmem>>
      %dma_wait3A_469 = tpu.memref_squeeze %dma_wait3A_468 : memref<1x128xi32, #tpu.memory_space<vmem>> -> memref<128xi32, #tpu.memory_space<vmem>>
      %dma_wait3A_470 = arith.constant 0 : i32
      %dma_wait3A_471 = arith.constant 0 : i32
      %dma_wait3A_472 = tpu.memref_slice %arg13[%dma_wait3A_470, %dma_wait3A_471] : memref<10240x64xf32, #tpu.memory_space<vmem_shared>> -> memref<10240x64xf32, #tpu.memory_space<vmem_shared>>
      tpu.wait_indirect_dma semaphore(%arg20 : memref<!tpu.dma_semaphore, #tpu.memory_space<semaphore_mem>>) src(%arg9 : memref<128x64xf32, #tpu.memory_space<vmem>>) dst(%dma_wait3A_472 : memref<10240x64xf32, #tpu.memory_space<vmem_shared>>)
      %dma_start3A_473 = arith.constant 0 : i32
      %dma_start3A_474 = tpu.memref_slice %arg6[%min3A_465, %dma_start3A_473] : memref<160x128xi32, #tpu.memory_space<vmem>> -> memref<1x128xi32, #tpu.memory_space<vmem>>
      %dma_start3A_475 = tpu.memref_squeeze %dma_start3A_474 : memref<1x128xi32, #tpu.memory_space<vmem>> -> memref<128xi32, #tpu.memory_space<vmem>>
      %dma_start3A_476 = arith.constant 0 : i32
      %dma_start3A_477 = arith.constant 0 : i32
      %dma_start3A_478 = tpu.memref_slice %arg2[%dma_start3A_476, %dma_start3A_477] : memref<20000x64xf32, #tpu.memory_space<hbm>> -> memref<20000x64xf32, #tpu.memory_space<hbm>>
      tpu.enqueue_indirect_dma source(%dma_start3A_478 : memref<20000x64xf32, #tpu.memory_space<hbm>>) target(%arg9 : memref<128x64xf32, #tpu.memory_space<vmem>>) offsets(%dma_start3A_475 : memref<128xi32, #tpu.memory_space<vmem>>) semaphore(%arg15 : memref<!tpu.dma_semaphore, #tpu.memory_space<semaphore_mem>>)
      %add3A_479 = arith.constant 1 : i32
      %add3A_480 = arith.addi %scan3A_351, %add3A_479 : i32
      %mul3A_481 = arith.constant 5 : i32
      %mul3A_482 = arith.muli %add3A_480, %mul3A_481 : i32
      %add3A_483 = arith.constant 2 : i32
      %add3A_484 = arith.addi %mul3A_482, %add3A_483 : i32
      %min3A_485 = arith.constant 159 : i32
      %min3A_486 = arith.minsi %add3A_484, %min3A_485 : i32
      %dma_wait3A_487 = arith.constant 0 : i32
      %dma_wait3A_488 = arith.constant 0 : i32
      %dma_wait3A_489 = tpu.memref_slice %arg7[%dma_wait3A_487, %dma_wait3A_488] : memref<160x128xi32, #tpu.memory_space<vmem>> -> memref<1x128xi32, #tpu.memory_space<vmem>>
      %dma_wait3A_490 = tpu.memref_squeeze %dma_wait3A_489 : memref<1x128xi32, #tpu.memory_space<vmem>> -> memref<128xi32, #tpu.memory_space<vmem>>
      %dma_wait3A_491 = arith.constant 0 : i32
      %dma_wait3A_492 = arith.constant 0 : i32
      %dma_wait3A_493 = tpu.memref_slice %arg13[%dma_wait3A_491, %dma_wait3A_492] : memref<10240x64xf32, #tpu.memory_space<vmem_shared>> -> memref<10240x64xf32, #tpu.memory_space<vmem_shared>>
      tpu.wait_indirect_dma semaphore(%arg21 : memref<!tpu.dma_semaphore, #tpu.memory_space<semaphore_mem>>) src(%arg10 : memref<128x64xf32, #tpu.memory_space<vmem>>) dst(%dma_wait3A_493 : memref<10240x64xf32, #tpu.memory_space<vmem_shared>>)
      %dma_start3A_494 = arith.constant 0 : i32
      %dma_start3A_495 = tpu.memref_slice %arg6[%min3A_486, %dma_start3A_494] : memref<160x128xi32, #tpu.memory_space<vmem>> -> memref<1x128xi32, #tpu.memory_space<vmem>>
      %dma_start3A_496 = tpu.memref_squeeze %dma_start3A_495 : memref<1x128xi32, #tpu.memory_space<vmem>> -> memref<128xi32, #tpu.memory_space<vmem>>
      %dma_start3A_497 = arith.constant 0 : i32
      %dma_start3A_498 = arith.constant 0 : i32
      %dma_start3A_499 = tpu.memref_slice %arg2[%dma_start3A_497, %dma_start3A_498] : memref<20000x64xf32, #tpu.memory_space<hbm>> -> memref<20000x64xf32, #tpu.memory_space<hbm>>
      tpu.enqueue_indirect_dma source(%dma_start3A_499 : memref<20000x64xf32, #tpu.memory_space<hbm>>) target(%arg10 : memref<128x64xf32, #tpu.memory_space<vmem>>) offsets(%dma_start3A_496 : memref<128xi32, #tpu.memory_space<vmem>>) semaphore(%arg16 : memref<!tpu.dma_semaphore, #tpu.memory_space<semaphore_mem>>)
      %add3A_500 = arith.constant 1 : i32
      %add3A_501 = arith.addi %scan3A_351, %add3A_500 : i32
      %mul3A_502 = arith.constant 5 : i32
      %mul3A_503 = arith.muli %add3A_501, %mul3A_502 : i32
      %add3A_504 = arith.constant 3 : i32
      %add3A_505 = arith.addi %mul3A_503, %add3A_504 : i32
      %min3A_506 = arith.constant 159 : i32
      %min3A_507 = arith.minsi %add3A_505, %min3A_506 : i32
      %dma_wait3A_508 = arith.constant 0 : i32
      %dma_wait3A_509 = arith.constant 0 : i32
      %dma_wait3A_510 = tpu.memref_slice %arg7[%dma_wait3A_508, %dma_wait3A_509] : memref<160x128xi32, #tpu.memory_space<vmem>> -> memref<1x128xi32, #tpu.memory_space<vmem>>
      %dma_wait3A_511 = tpu.memref_squeeze %dma_wait3A_510 : memref<1x128xi32, #tpu.memory_space<vmem>> -> memref<128xi32, #tpu.memory_space<vmem>>
      %dma_wait3A_512 = arith.constant 0 : i32
      %dma_wait3A_513 = arith.constant 0 : i32
      %dma_wait3A_514 = tpu.memref_slice %arg13[%dma_wait3A_512, %dma_wait3A_513] : memref<10240x64xf32, #tpu.memory_space<vmem_shared>> -> memref<10240x64xf32, #tpu.memory_space<vmem_shared>>
      tpu.wait_indirect_dma semaphore(%arg22 : memref<!tpu.dma_semaphore, #tpu.memory_space<semaphore_mem>>) src(%arg11 : memref<128x64xf32, #tpu.memory_space<vmem>>) dst(%dma_wait3A_514 : memref<10240x64xf32, #tpu.memory_space<vmem_shared>>)
      %dma_start3A_515 = arith.constant 0 : i32
      %dma_start3A_516 = tpu.memref_slice %arg6[%min3A_507, %dma_start3A_515] : memref<160x128xi32, #tpu.memory_space<vmem>> -> memref<1x128xi32, #tpu.memory_space<vmem>>
      %dma_start3A_517 = tpu.memref_squeeze %dma_start3A_516 : memref<1x128xi32, #tpu.memory_space<vmem>> -> memref<128xi32, #tpu.memory_space<vmem>>
      %dma_start3A_518 = arith.constant 0 : i32
      %dma_start3A_519 = arith.constant 0 : i32
      %dma_start3A_520 = tpu.memref_slice %arg2[%dma_start3A_518, %dma_start3A_519] : memref<20000x64xf32, #tpu.memory_space<hbm>> -> memref<20000x64xf32, #tpu.memory_space<hbm>>
      tpu.enqueue_indirect_dma source(%dma_start3A_520 : memref<20000x64xf32, #tpu.memory_space<hbm>>) target(%arg11 : memref<128x64xf32, #tpu.memory_space<vmem>>) offsets(%dma_start3A_517 : memref<128xi32, #tpu.memory_space<vmem>>) semaphore(%arg17 : memref<!tpu.dma_semaphore, #tpu.memory_space<semaphore_mem>>)
      %add3A_521 = arith.constant 1 : i32
      %add3A_522 = arith.addi %scan3A_351, %add3A_521 : i32
      %mul3A_523 = arith.constant 5 : i32
      %mul3A_524 = arith.muli %add3A_522, %mul3A_523 : i32
      %add3A_525 = arith.constant 4 : i32
      %add3A_526 = arith.addi %mul3A_524, %add3A_525 : i32
      %min3A_527 = arith.constant 159 : i32
      %min3A_528 = arith.minsi %add3A_526, %min3A_527 : i32
      %dma_wait3A_529 = arith.constant 0 : i32
      %dma_wait3A_530 = arith.constant 0 : i32
      %dma_wait3A_531 = tpu.memref_slice %arg7[%dma_wait3A_529, %dma_wait3A_530] : memref<160x128xi32, #tpu.memory_space<vmem>> -> memref<1x128xi32, #tpu.memory_space<vmem>>
      %dma_wait3A_532 = tpu.memref_squeeze %dma_wait3A_531 : memref<1x128xi32, #tpu.memory_space<vmem>> -> memref<128xi32, #tpu.memory_space<vmem>>
      %dma_wait3A_533 = arith.constant 0 : i32
      %dma_wait3A_534 = arith.constant 0 : i32
      %dma_wait3A_535 = tpu.memref_slice %arg13[%dma_wait3A_533, %dma_wait3A_534] : memref<10240x64xf32, #tpu.memory_space<vmem_shared>> -> memref<10240x64xf32, #tpu.memory_space<vmem_shared>>
      tpu.wait_indirect_dma semaphore(%arg23 : memref<!tpu.dma_semaphore, #tpu.memory_space<semaphore_mem>>) src(%arg12 : memref<128x64xf32, #tpu.memory_space<vmem>>) dst(%dma_wait3A_535 : memref<10240x64xf32, #tpu.memory_space<vmem_shared>>)
      %dma_start3A_536 = arith.constant 0 : i32
      %dma_start3A_537 = tpu.memref_slice %arg6[%min3A_528, %dma_start3A_536] : memref<160x128xi32, #tpu.memory_space<vmem>> -> memref<1x128xi32, #tpu.memory_space<vmem>>
      %dma_start3A_538 = tpu.memref_squeeze %dma_start3A_537 : memref<1x128xi32, #tpu.memory_space<vmem>> -> memref<128xi32, #tpu.memory_space<vmem>>
      %dma_start3A_539 = arith.constant 0 : i32
      %dma_start3A_540 = arith.constant 0 : i32
      %dma_start3A_541 = tpu.memref_slice %arg2[%dma_start3A_539, %dma_start3A_540] : memref<20000x64xf32, #tpu.memory_space<hbm>> -> memref<20000x64xf32, #tpu.memory_space<hbm>>
      tpu.enqueue_indirect_dma source(%dma_start3A_541 : memref<20000x64xf32, #tpu.memory_space<hbm>>) target(%arg12 : memref<128x64xf32, #tpu.memory_space<vmem>>) offsets(%dma_start3A_538 : memref<128xi32, #tpu.memory_space<vmem>>) semaphore(%arg18 : memref<!tpu.dma_semaphore, #tpu.memory_space<semaphore_mem>>)
      %scan3A_542 = arith.constant 0 : i32
      scf.yield %scan3A_542 : i32
    }
    %scan3A_304 = arith.constant 32 : i32
    %dma_wait3A_305 = arith.constant 0 : i32
    %dma_wait3A_306 = arith.constant 0 : i32
    %dma_wait3A_307 = tpu.memref_slice %arg6[%dma_wait3A_305, %dma_wait3A_306] : memref<160x128xi32, #tpu.memory_space<vmem>> -> memref<1x128xi32, #tpu.memory_space<vmem>>
    %dma_wait3A_308 = tpu.memref_squeeze %dma_wait3A_307 : memref<1x128xi32, #tpu.memory_space<vmem>> -> memref<128xi32, #tpu.memory_space<vmem>>
    %dma_wait3A_309 = arith.constant 0 : i32
    %dma_wait3A_310 = arith.constant 0 : i32
    %dma_wait3A_311 = tpu.memref_slice %arg2[%dma_wait3A_309, %dma_wait3A_310] : memref<20000x64xf32, #tpu.memory_space<hbm>> -> memref<20000x64xf32, #tpu.memory_space<hbm>>
    tpu.wait_indirect_dma semaphore(%arg14 : memref<!tpu.dma_semaphore, #tpu.memory_space<semaphore_mem>>) src(%dma_wait3A_311 : memref<20000x64xf32, #tpu.memory_space<hbm>>) dst(%arg8 : memref<128x64xf32, #tpu.memory_space<vmem>>)
    %dma_wait3A_312 = arith.constant 0 : i32
    %dma_wait3A_313 = arith.constant 0 : i32
    %dma_wait3A_314 = tpu.memref_slice %arg6[%dma_wait3A_312, %dma_wait3A_313] : memref<160x128xi32, #tpu.memory_space<vmem>> -> memref<1x128xi32, #tpu.memory_space<vmem>>
    %dma_wait3A_315 = tpu.memref_squeeze %dma_wait3A_314 : memref<1x128xi32, #tpu.memory_space<vmem>> -> memref<128xi32, #tpu.memory_space<vmem>>
    %dma_wait3A_316 = arith.constant 0 : i32
    %dma_wait3A_317 = arith.constant 0 : i32
    %dma_wait3A_318 = tpu.memref_slice %arg2[%dma_wait3A_316, %dma_wait3A_317] : memref<20000x64xf32, #tpu.memory_space<hbm>> -> memref<20000x64xf32, #tpu.memory_space<hbm>>
    tpu.wait_indirect_dma semaphore(%arg15 : memref<!tpu.dma_semaphore, #tpu.memory_space<semaphore_mem>>) src(%dma_wait3A_318 : memref<20000x64xf32, #tpu.memory_space<hbm>>) dst(%arg9 : memref<128x64xf32, #tpu.memory_space<vmem>>)
    %dma_wait3A_319 = arith.constant 0 : i32
    %dma_wait3A_320 = arith.constant 0 : i32
    %dma_wait3A_321 = tpu.memref_slice %arg6[%dma_wait3A_319, %dma_wait3A_320] : memref<160x128xi32, #tpu.memory_space<vmem>> -> memref<1x128xi32, #tpu.memory_space<vmem>>
    %dma_wait3A_322 = tpu.memref_squeeze %dma_wait3A_321 : memref<1x128xi32, #tpu.memory_space<vmem>> -> memref<128xi32, #tpu.memory_space<vmem>>
    %dma_wait3A_323 = arith.constant 0 : i32
    %dma_wait3A_324 = arith.constant 0 : i32
    %dma_wait3A_325 = tpu.memref_slice %arg2[%dma_wait3A_323, %dma_wait3A_324] : memref<20000x64xf32, #tpu.memory_space<hbm>> -> memref<20000x64xf32, #tpu.memory_space<hbm>>
    tpu.wait_indirect_dma semaphore(%arg16 : memref<!tpu.dma_semaphore, #tpu.memory_space<semaphore_mem>>) src(%dma_wait3A_325 : memref<20000x64xf32, #tpu.memory_space<hbm>>) dst(%arg10 : memref<128x64xf32, #tpu.memory_space<vmem>>)
    %dma_wait3A_326 = arith.constant 0 : i32
    %dma_wait3A_327 = arith.constant 0 : i32
    %dma_wait3A_328 = tpu.memref_slice %arg6[%dma_wait3A_326, %dma_wait3A_327] : memref<160x128xi32, #tpu.memory_space<vmem>> -> memref<1x128xi32, #tpu.memory_space<vmem>>
    %dma_wait3A_329 = tpu.memref_squeeze %dma_wait3A_328 : memref<1x128xi32, #tpu.memory_space<vmem>> -> memref<128xi32, #tpu.memory_space<vmem>>
    %dma_wait3A_330 = arith.constant 0 : i32
    %dma_wait3A_331 = arith.constant 0 : i32
    %dma_wait3A_332 = tpu.memref_slice %arg2[%dma_wait3A_330, %dma_wait3A_331] : memref<20000x64xf32, #tpu.memory_space<hbm>> -> memref<20000x64xf32, #tpu.memory_space<hbm>>
    tpu.wait_indirect_dma semaphore(%arg17 : memref<!tpu.dma_semaphore, #tpu.memory_space<semaphore_mem>>) src(%dma_wait3A_332 : memref<20000x64xf32, #tpu.memory_space<hbm>>) dst(%arg11 : memref<128x64xf32, #tpu.memory_space<vmem>>)
    %dma_wait3A_333 = arith.constant 0 : i32
    %dma_wait3A_334 = arith.constant 0 : i32
    %dma_wait3A_335 = tpu.memref_slice %arg6[%dma_wait3A_333, %dma_wait3A_334] : memref<160x128xi32, #tpu.memory_space<vmem>> -> memref<1x128xi32, #tpu.memory_space<vmem>>
    %dma_wait3A_336 = tpu.memref_squeeze %dma_wait3A_335 : memref<1x128xi32, #tpu.memory_space<vmem>> -> memref<128xi32, #tpu.memory_space<vmem>>
    %dma_wait3A_337 = arith.constant 0 : i32
    %dma_wait3A_338 = arith.constant 0 : i32
    %dma_wait3A_339 = tpu.memref_slice %arg2[%dma_wait3A_337, %dma_wait3A_338] : memref<20000x64xf32, #tpu.memory_space<hbm>> -> memref<20000x64xf32, #tpu.memory_space<hbm>>
    tpu.wait_indirect_dma semaphore(%arg18 : memref<!tpu.dma_semaphore, #tpu.memory_space<semaphore_mem>>) src(%dma_wait3A_339 : memref<20000x64xf32, #tpu.memory_space<hbm>>) dst(%arg12 : memref<128x64xf32, #tpu.memory_space<vmem>>)
    %barrier3A_340 = arith.constant 0 : index
    tpu.barrier barrier_id(%barrier3A_340)
    %dma_start3A_341 = arith.constant 0 : i32
    %dma_start3A_342 = tpu.memref_slice %arg5[%arg0, %mul3A_0, %dma_start3A_341] : memref<2x10240x64xf32, #tpu.memory_space<hbm>> -> memref<1x640x64xf32, #tpu.memory_space<hbm>>
    %dma_start3A_343 = tpu.memref_squeeze %dma_start3A_342 : memref<1x640x64xf32, #tpu.memory_space<hbm>> -> memref<640x64xf32, #tpu.memory_space<hbm>>
    %dma_start3A_344 = arith.constant 0 : i32
    %dma_start3A_345 = tpu.memref_slice %arg13[%mul3A_0, %dma_start3A_344] : memref<10240x64xf32, #tpu.memory_space<vmem_shared>> -> memref<640x64xf32, #tpu.memory_space<vmem_shared>>
    tpu.enqueue_dma source(%dma_start3A_345 : memref<640x64xf32, #tpu.memory_space<vmem_shared>>) target(%dma_start3A_343 : memref<640x64xf32, #tpu.memory_space<hbm>>) target_semaphore(%arg14 : memref<!tpu.dma_semaphore, #tpu.memory_space<semaphore_mem>>)
    %dma_wait3A_346 = arith.constant 0 : i32
    %dma_wait3A_347 = tpu.memref_slice %arg5[%arg0, %mul3A_0, %dma_wait3A_346] : memref<2x10240x64xf32, #tpu.memory_space<hbm>> -> memref<1x640x64xf32, #tpu.memory_space<hbm>>
    %dma_wait3A_348 = tpu.memref_squeeze %dma_wait3A_347 : memref<1x640x64xf32, #tpu.memory_space<hbm>> -> memref<640x64xf32, #tpu.memory_space<hbm>>
    %dma_wait3A_349 = arith.constant 0 : i32
    %dma_wait3A_350 = tpu.memref_slice %arg13[%mul3A_0, %dma_wait3A_349] : memref<10240x64xf32, #tpu.memory_space<vmem_shared>> -> memref<640x64xf32, #tpu.memory_space<vmem_shared>>
    tpu.wait_dma2 semaphore(%arg14 : memref<!tpu.dma_semaphore, #tpu.memory_space<semaphore_mem>>) src(%dma_wait3A_350 : memref<640x64xf32, #tpu.memory_space<vmem_shared>>) dst(%dma_wait3A_348 : memref<640x64xf32, #tpu.memory_space<hbm>>)
    return
  }
}

#map = affine_map<(d0, d1) -> (0, 0)>
#map1 = affine_map<(d0, d1) -> (0, 0, 0)>
module attributes {stable_mosaic.version = 14 : i64} {
  func.func @scatter_kernel(%arg0: i32, %arg1: i32, %arg2: memref<10000x16xf32, #tpu.memory_space<hbm>>, %arg3: memref<32x80x128xi32, #tpu.memory_space<hbm>>, %arg4: memref<32x80x128xi32, #tpu.memory_space<hbm>>, %arg5: memref<2x10240x16xf32, #tpu.memory_space<hbm>>, %arg6: memref<80x128xi32, #tpu.memory_space<vmem>>, %arg7: memref<80x128xi32, #tpu.memory_space<vmem>>, %arg8: memref<128x16xf32, #tpu.memory_space<vmem>>, %arg9: memref<128x16xf32, #tpu.memory_space<vmem>>, %arg10: memref<128x16xf32, #tpu.memory_space<vmem>>, %arg11: memref<128x16xf32, #tpu.memory_space<vmem>>, %arg12: memref<128x16xf32, #tpu.memory_space<vmem>>, %arg13: memref<128x16xf32, #tpu.memory_space<vmem>>, %arg14: memref<128x16xf32, #tpu.memory_space<vmem>>, %arg15: memref<128x16xf32, #tpu.memory_space<vmem>>, %arg16: memref<128x16xf32, #tpu.memory_space<vmem>>, %arg17: memref<128x16xf32, #tpu.memory_space<vmem>>, %arg18: memref<10240x16xf32, #tpu.memory_space<vmem_shared>>, %arg19: memref<!tpu.dma_semaphore, #tpu.memory_space<semaphore_mem>>, %arg20: memref<!tpu.dma_semaphore, #tpu.memory_space<semaphore_mem>>, %arg21: memref<!tpu.dma_semaphore, #tpu.memory_space<semaphore_mem>>, %arg22: memref<!tpu.dma_semaphore, #tpu.memory_space<semaphore_mem>>, %arg23: memref<!tpu.dma_semaphore, #tpu.memory_space<semaphore_mem>>, %arg24: memref<!tpu.dma_semaphore, #tpu.memory_space<semaphore_mem>>, %arg25: memref<!tpu.dma_semaphore, #tpu.memory_space<semaphore_mem>>, %arg26: memref<!tpu.dma_semaphore, #tpu.memory_space<semaphore_mem>>, %arg27: memref<!tpu.dma_semaphore, #tpu.memory_space<semaphore_mem>>, %arg28: memref<!tpu.dma_semaphore, #tpu.memory_space<semaphore_mem>>, %arg29: memref<!tpu.dma_semaphore, #tpu.memory_space<semaphore_mem>>, %arg30: memref<!tpu.dma_semaphore, #tpu.memory_space<semaphore_mem>>, %arg31: memref<!tpu.dma_semaphore, #tpu.memory_space<semaphore_mem>>, %arg32: memref<!tpu.dma_semaphore, #tpu.memory_space<semaphore_mem>>, %arg33: memref<!tpu.dma_semaphore, #tpu.memory_space<semaphore_mem>>, %arg34: memref<!tpu.dma_semaphore, #tpu.memory_space<semaphore_mem>>, %arg35: memref<!tpu.dma_semaphore, #tpu.memory_space<semaphore_mem>>, %arg36: memref<!tpu.dma_semaphore, #tpu.memory_space<semaphore_mem>>, %arg37: memref<!tpu.dma_semaphore, #tpu.memory_space<semaphore_mem>>, %arg38: memref<!tpu.dma_semaphore, #tpu.memory_space<semaphore_mem>>) attributes {dimension_semantics = [#tpu.dimension_semantics<core_parallel>, #tpu.dimension_semantics<subcore_parallel>], iteration_bounds = array<i64: 2, 16>, scalar_prefetch = 0 : i64, scratch_operands = 33 : i64, tpu.core_type = #tpu.core_type<sc_vector_subcore>, window_params = [{transform_indices = #map}, {transform_indices = #map1}, {transform_indices = #map1}, {transform_indices = #map1}]} {
    %mul3A = arith.constant 16 : i32
    %mul3A_0 = arith.muli %arg0, %mul3A : i32
    %add3A = arith.addi %mul3A_0, %arg1 : i32
    %mul3A_1 = arith.constant 640 : i32
    %mul3A_2 = arith.muli %arg1, %mul3A_1 : i32
    %dma_start3A = arith.constant 0 : i32
    %dma_start3A_3 = arith.constant 0 : i32
    %dma_start3A_4 = tpu.memref_slice %arg3[%add3A, %dma_start3A, %dma_start3A_3] : memref<32x80x128xi32, #tpu.memory_space<hbm>> -> memref<1x80x128xi32, #tpu.memory_space<hbm>>
    %dma_start3A_5 = tpu.memref_squeeze %dma_start3A_4 : memref<1x80x128xi32, #tpu.memory_space<hbm>> -> memref<80x128xi32, #tpu.memory_space<hbm>>
    %dma_start3A_6 = arith.constant 0 : i32
    %dma_start3A_7 = arith.constant 0 : i32
    %dma_start3A_8 = tpu.memref_slice %arg3[%add3A, %dma_start3A_6, %dma_start3A_7] : memref<32x80x128xi32, #tpu.memory_space<hbm>> -> memref<1x80x128xi32, #tpu.memory_space<hbm>>
    %dma_start3A_9 = tpu.memref_squeeze %dma_start3A_8 : memref<1x80x128xi32, #tpu.memory_space<hbm>> -> memref<80x128xi32, #tpu.memory_space<hbm>>
    tpu.enqueue_dma source(%dma_start3A_9 : memref<80x128xi32, #tpu.memory_space<hbm>>) target(%arg6 : memref<80x128xi32, #tpu.memory_space<vmem>>) target_semaphore(%arg19 : memref<!tpu.dma_semaphore, #tpu.memory_space<semaphore_mem>>)
    %dma_start3A_10 = arith.constant 0 : i32
    %dma_start3A_11 = arith.constant 0 : i32
    %dma_start3A_12 = tpu.memref_slice %arg4[%add3A, %dma_start3A_10, %dma_start3A_11] : memref<32x80x128xi32, #tpu.memory_space<hbm>> -> memref<1x80x128xi32, #tpu.memory_space<hbm>>
    %dma_start3A_13 = tpu.memref_squeeze %dma_start3A_12 : memref<1x80x128xi32, #tpu.memory_space<hbm>> -> memref<80x128xi32, #tpu.memory_space<hbm>>
    %dma_start3A_14 = arith.constant 0 : i32
    %dma_start3A_15 = arith.constant 0 : i32
    %dma_start3A_16 = tpu.memref_slice %arg4[%add3A, %dma_start3A_14, %dma_start3A_15] : memref<32x80x128xi32, #tpu.memory_space<hbm>> -> memref<1x80x128xi32, #tpu.memory_space<hbm>>
    %dma_start3A_17 = tpu.memref_squeeze %dma_start3A_16 : memref<1x80x128xi32, #tpu.memory_space<hbm>> -> memref<80x128xi32, #tpu.memory_space<hbm>>
    tpu.enqueue_dma source(%dma_start3A_17 : memref<80x128xi32, #tpu.memory_space<hbm>>) target(%arg7 : memref<80x128xi32, #tpu.memory_space<vmem>>) target_semaphore(%arg29 : memref<!tpu.dma_semaphore, #tpu.memory_space<semaphore_mem>>)
    %scan3A = arith.constant 0 : i32
    %scan3A_18 = arith.constant 0 : i32
    %scan3A_19 = arith.constant 64 : i32
    %scan3A_20 = arith.addi %scan3A_18, %scan3A_19 : i32
    %scan3A_21 = arith.constant 1 : i32
    %scan3A_22 = scf.for %scan3A_417 = %scan3A_18 to %scan3A_20 step %scan3A_21 iter_args(%scan3A_418 = %scan3A) -> (i32)  : i32 {
      %scan3A_419 = arith.constant 0 : i32
      %scan3A_420 = arith.constant 0 : i32
      %broadcast_in_dim3A = arith.constant 0.000000e+00 : f32
      %broadcast_in_dim3A_421 = vector.broadcast %broadcast_in_dim3A : f32 to vector<16xf32>
      %mul3A_422 = arith.constant 16 : i32
      %mul3A_423 = arith.muli %scan3A_420, %mul3A_422 : i32
      %swap3A = arith.index_cast %scan3A_417 : i32 to index
      %swap3A_424 = arith.index_cast %mul3A_423 : i32 to index
      %swap3A_425 = tpu.vector_load %arg8[%swap3A, %swap3A_424] {strides = array<i32>} : memref<128x16xf32, #tpu.memory_space<vmem>>, vector<1x16xf32>,
      %swap3A_426 = vector.shape_cast %swap3A_425 : vector<1x16xf32> to vector<16xf32>
      %swap3A_427 = vector.shape_cast %broadcast_in_dim3A_421 : vector<16xf32> to vector<1x16xf32>
      tpu.vector_store %arg8[%swap3A, %swap3A_424], %swap3A_427 {strides = array<i32>} : memref<128x16xf32, #tpu.memory_space<vmem>>, vector<1x16xf32>,
      %scan3A_428 = arith.constant 0 : i32
      %scan3A_429 = arith.constant 1 : i32
      scf.yield %scan3A_428 : i32
    }
    %scan3A_23 = arith.constant 64 : i32
    %add3A_24 = arith.constant 0 : i32
    %add3A_25 = arith.addi %mul3A_2, %add3A_24 : i32
    %dma_start3A_26 = arith.constant 0 : i32
    %dma_start3A_27 = arith.constant 0 : i32
    %dma_start3A_28 = tpu.memref_slice %arg8[%dma_start3A_26, %dma_start3A_27] : memref<128x16xf32, #tpu.memory_space<vmem>> -> memref<64x16xf32, #tpu.memory_space<vmem>>
    %dma_start3A_29 = arith.constant 0 : i32
    %dma_start3A_30 = tpu.memref_slice %arg18[%add3A_25, %dma_start3A_29] : memref<10240x16xf32, #tpu.memory_space<vmem_shared>> -> memref<64x16xf32, #tpu.memory_space<vmem_shared>>
    %dma_start3A_31 = arith.constant 0 : i32
    %dma_start3A_32 = tpu.memref_slice %arg18[%add3A_25, %dma_start3A_31] : memref<10240x16xf32, #tpu.memory_space<vmem_shared>> -> memref<64x16xf32, #tpu.memory_space<vmem_shared>>
    %dma_start3A_33 = arith.constant 0 : i32
    %dma_start3A_34 = arith.constant 0 : i32
    %dma_start3A_35 = tpu.memref_slice %arg8[%dma_start3A_33, %dma_start3A_34] : memref<128x16xf32, #tpu.memory_space<vmem>> -> memref<64x16xf32, #tpu.memory_space<vmem>>
    tpu.enqueue_dma source(%dma_start3A_35 : memref<64x16xf32, #tpu.memory_space<vmem>>) target(%dma_start3A_32 : memref<64x16xf32, #tpu.memory_space<vmem_shared>>) target_semaphore(%arg20 : memref<!tpu.dma_semaphore, #tpu.memory_space<semaphore_mem>>)
    %add3A_36 = arith.constant 64 : i32
    %add3A_37 = arith.addi %mul3A_2, %add3A_36 : i32
    %dma_start3A_38 = arith.constant 0 : i32
    %dma_start3A_39 = arith.constant 0 : i32
    %dma_start3A_40 = tpu.memref_slice %arg8[%dma_start3A_38, %dma_start3A_39] : memref<128x16xf32, #tpu.memory_space<vmem>> -> memref<64x16xf32, #tpu.memory_space<vmem>>
    %dma_start3A_41 = arith.constant 0 : i32
    %dma_start3A_42 = tpu.memref_slice %arg18[%add3A_37, %dma_start3A_41] : memref<10240x16xf32, #tpu.memory_space<vmem_shared>> -> memref<64x16xf32, #tpu.memory_space<vmem_shared>>
    %dma_start3A_43 = arith.constant 0 : i32
    %dma_start3A_44 = tpu.memref_slice %arg18[%add3A_37, %dma_start3A_43] : memref<10240x16xf32, #tpu.memory_space<vmem_shared>> -> memref<64x16xf32, #tpu.memory_space<vmem_shared>>
    %dma_start3A_45 = arith.constant 0 : i32
    %dma_start3A_46 = arith.constant 0 : i32
    %dma_start3A_47 = tpu.memref_slice %arg8[%dma_start3A_45, %dma_start3A_46] : memref<128x16xf32, #tpu.memory_space<vmem>> -> memref<64x16xf32, #tpu.memory_space<vmem>>
    tpu.enqueue_dma source(%dma_start3A_47 : memref<64x16xf32, #tpu.memory_space<vmem>>) target(%dma_start3A_44 : memref<64x16xf32, #tpu.memory_space<vmem_shared>>) target_semaphore(%arg20 : memref<!tpu.dma_semaphore, #tpu.memory_space<semaphore_mem>>)
    %add3A_48 = arith.constant 128 : i32
    %add3A_49 = arith.addi %mul3A_2, %add3A_48 : i32
    %dma_start3A_50 = arith.constant 0 : i32
    %dma_start3A_51 = arith.constant 0 : i32
    %dma_start3A_52 = tpu.memref_slice %arg8[%dma_start3A_50, %dma_start3A_51] : memref<128x16xf32, #tpu.memory_space<vmem>> -> memref<64x16xf32, #tpu.memory_space<vmem>>
    %dma_start3A_53 = arith.constant 0 : i32
    %dma_start3A_54 = tpu.memref_slice %arg18[%add3A_49, %dma_start3A_53] : memref<10240x16xf32, #tpu.memory_space<vmem_shared>> -> memref<64x16xf32, #tpu.memory_space<vmem_shared>>
    %dma_start3A_55 = arith.constant 0 : i32
    %dma_start3A_56 = tpu.memref_slice %arg18[%add3A_49, %dma_start3A_55] : memref<10240x16xf32, #tpu.memory_space<vmem_shared>> -> memref<64x16xf32, #tpu.memory_space<vmem_shared>>
    %dma_start3A_57 = arith.constant 0 : i32
    %dma_start3A_58 = arith.constant 0 : i32
    %dma_start3A_59 = tpu.memref_slice %arg8[%dma_start3A_57, %dma_start3A_58] : memref<128x16xf32, #tpu.memory_space<vmem>> -> memref<64x16xf32, #tpu.memory_space<vmem>>
    tpu.enqueue_dma source(%dma_start3A_59 : memref<64x16xf32, #tpu.memory_space<vmem>>) target(%dma_start3A_56 : memref<64x16xf32, #tpu.memory_space<vmem_shared>>) target_semaphore(%arg20 : memref<!tpu.dma_semaphore, #tpu.memory_space<semaphore_mem>>)
    %add3A_60 = arith.constant 192 : i32
    %add3A_61 = arith.addi %mul3A_2, %add3A_60 : i32
    %dma_start3A_62 = arith.constant 0 : i32
    %dma_start3A_63 = arith.constant 0 : i32
    %dma_start3A_64 = tpu.memref_slice %arg8[%dma_start3A_62, %dma_start3A_63] : memref<128x16xf32, #tpu.memory_space<vmem>> -> memref<64x16xf32, #tpu.memory_space<vmem>>
    %dma_start3A_65 = arith.constant 0 : i32
    %dma_start3A_66 = tpu.memref_slice %arg18[%add3A_61, %dma_start3A_65] : memref<10240x16xf32, #tpu.memory_space<vmem_shared>> -> memref<64x16xf32, #tpu.memory_space<vmem_shared>>
    %dma_start3A_67 = arith.constant 0 : i32
    %dma_start3A_68 = tpu.memref_slice %arg18[%add3A_61, %dma_start3A_67] : memref<10240x16xf32, #tpu.memory_space<vmem_shared>> -> memref<64x16xf32, #tpu.memory_space<vmem_shared>>
    %dma_start3A_69 = arith.constant 0 : i32
    %dma_start3A_70 = arith.constant 0 : i32
    %dma_start3A_71 = tpu.memref_slice %arg8[%dma_start3A_69, %dma_start3A_70] : memref<128x16xf32, #tpu.memory_space<vmem>> -> memref<64x16xf32, #tpu.memory_space<vmem>>
    tpu.enqueue_dma source(%dma_start3A_71 : memref<64x16xf32, #tpu.memory_space<vmem>>) target(%dma_start3A_68 : memref<64x16xf32, #tpu.memory_space<vmem_shared>>) target_semaphore(%arg20 : memref<!tpu.dma_semaphore, #tpu.memory_space<semaphore_mem>>)
    %add3A_72 = arith.constant 256 : i32
    %add3A_73 = arith.addi %mul3A_2, %add3A_72 : i32
    %dma_start3A_74 = arith.constant 0 : i32
    %dma_start3A_75 = arith.constant 0 : i32
    %dma_start3A_76 = tpu.memref_slice %arg8[%dma_start3A_74, %dma_start3A_75] : memref<128x16xf32, #tpu.memory_space<vmem>> -> memref<64x16xf32, #tpu.memory_space<vmem>>
    %dma_start3A_77 = arith.constant 0 : i32
    %dma_start3A_78 = tpu.memref_slice %arg18[%add3A_73, %dma_start3A_77] : memref<10240x16xf32, #tpu.memory_space<vmem_shared>> -> memref<64x16xf32, #tpu.memory_space<vmem_shared>>
    %dma_start3A_79 = arith.constant 0 : i32
    %dma_start3A_80 = tpu.memref_slice %arg18[%add3A_73, %dma_start3A_79] : memref<10240x16xf32, #tpu.memory_space<vmem_shared>> -> memref<64x16xf32, #tpu.memory_space<vmem_shared>>
    %dma_start3A_81 = arith.constant 0 : i32
    %dma_start3A_82 = arith.constant 0 : i32
    %dma_start3A_83 = tpu.memref_slice %arg8[%dma_start3A_81, %dma_start3A_82] : memref<128x16xf32, #tpu.memory_space<vmem>> -> memref<64x16xf32, #tpu.memory_space<vmem>>
    tpu.enqueue_dma source(%dma_start3A_83 : memref<64x16xf32, #tpu.memory_space<vmem>>) target(%dma_start3A_80 : memref<64x16xf32, #tpu.memory_space<vmem_shared>>) target_semaphore(%arg20 : memref<!tpu.dma_semaphore, #tpu.memory_space<semaphore_mem>>)
    %add3A_84 = arith.constant 320 : i32
    %add3A_85 = arith.addi %mul3A_2, %add3A_84 : i32
    %dma_start3A_86 = arith.constant 0 : i32
    %dma_start3A_87 = arith.constant 0 : i32
    %dma_start3A_88 = tpu.memref_slice %arg8[%dma_start3A_86, %dma_start3A_87] : memref<128x16xf32, #tpu.memory_space<vmem>> -> memref<64x16xf32, #tpu.memory_space<vmem>>
    %dma_start3A_89 = arith.constant 0 : i32
    %dma_start3A_90 = tpu.memref_slice %arg18[%add3A_85, %dma_start3A_89] : memref<10240x16xf32, #tpu.memory_space<vmem_shared>> -> memref<64x16xf32, #tpu.memory_space<vmem_shared>>
    %dma_start3A_91 = arith.constant 0 : i32
    %dma_start3A_92 = tpu.memref_slice %arg18[%add3A_85, %dma_start3A_91] : memref<10240x16xf32, #tpu.memory_space<vmem_shared>> -> memref<64x16xf32, #tpu.memory_space<vmem_shared>>
    %dma_start3A_93 = arith.constant 0 : i32
    %dma_start3A_94 = arith.constant 0 : i32
    %dma_start3A_95 = tpu.memref_slice %arg8[%dma_start3A_93, %dma_start3A_94] : memref<128x16xf32, #tpu.memory_space<vmem>> -> memref<64x16xf32, #tpu.memory_space<vmem>>
    tpu.enqueue_dma source(%dma_start3A_95 : memref<64x16xf32, #tpu.memory_space<vmem>>) target(%dma_start3A_92 : memref<64x16xf32, #tpu.memory_space<vmem_shared>>) target_semaphore(%arg20 : memref<!tpu.dma_semaphore, #tpu.memory_space<semaphore_mem>>)
    %add3A_96 = arith.constant 384 : i32
    %add3A_97 = arith.addi %mul3A_2, %add3A_96 : i32
    %dma_start3A_98 = arith.constant 0 : i32
    %dma_start3A_99 = arith.constant 0 : i32
    %dma_start3A_100 = tpu.memref_slice %arg8[%dma_start3A_98, %dma_start3A_99] : memref<128x16xf32, #tpu.memory_space<vmem>> -> memref<64x16xf32, #tpu.memory_space<vmem>>
    %dma_start3A_101 = arith.constant 0 : i32
    %dma_start3A_102 = tpu.memref_slice %arg18[%add3A_97, %dma_start3A_101] : memref<10240x16xf32, #tpu.memory_space<vmem_shared>> -> memref<64x16xf32, #tpu.memory_space<vmem_shared>>
    %dma_start3A_103 = arith.constant 0 : i32
    %dma_start3A_104 = tpu.memref_slice %arg18[%add3A_97, %dma_start3A_103] : memref<10240x16xf32, #tpu.memory_space<vmem_shared>> -> memref<64x16xf32, #tpu.memory_space<vmem_shared>>
    %dma_start3A_105 = arith.constant 0 : i32
    %dma_start3A_106 = arith.constant 0 : i32
    %dma_start3A_107 = tpu.memref_slice %arg8[%dma_start3A_105, %dma_start3A_106] : memref<128x16xf32, #tpu.memory_space<vmem>> -> memref<64x16xf32, #tpu.memory_space<vmem>>
    tpu.enqueue_dma source(%dma_start3A_107 : memref<64x16xf32, #tpu.memory_space<vmem>>) target(%dma_start3A_104 : memref<64x16xf32, #tpu.memory_space<vmem_shared>>) target_semaphore(%arg20 : memref<!tpu.dma_semaphore, #tpu.memory_space<semaphore_mem>>)
    %add3A_108 = arith.constant 448 : i32
    %add3A_109 = arith.addi %mul3A_2, %add3A_108 : i32
    %dma_start3A_110 = arith.constant 0 : i32
    %dma_start3A_111 = arith.constant 0 : i32
    %dma_start3A_112 = tpu.memref_slice %arg8[%dma_start3A_110, %dma_start3A_111] : memref<128x16xf32, #tpu.memory_space<vmem>> -> memref<64x16xf32, #tpu.memory_space<vmem>>
    %dma_start3A_113 = arith.constant 0 : i32
    %dma_start3A_114 = tpu.memref_slice %arg18[%add3A_109, %dma_start3A_113] : memref<10240x16xf32, #tpu.memory_space<vmem_shared>> -> memref<64x16xf32, #tpu.memory_space<vmem_shared>>
    %dma_start3A_115 = arith.constant 0 : i32
    %dma_start3A_116 = tpu.memref_slice %arg18[%add3A_109, %dma_start3A_115] : memref<10240x16xf32, #tpu.memory_space<vmem_shared>> -> memref<64x16xf32, #tpu.memory_space<vmem_shared>>
    %dma_start3A_117 = arith.constant 0 : i32
    %dma_start3A_118 = arith.constant 0 : i32
    %dma_start3A_119 = tpu.memref_slice %arg8[%dma_start3A_117, %dma_start3A_118] : memref<128x16xf32, #tpu.memory_space<vmem>> -> memref<64x16xf32, #tpu.memory_space<vmem>>
    tpu.enqueue_dma source(%dma_start3A_119 : memref<64x16xf32, #tpu.memory_space<vmem>>) target(%dma_start3A_116 : memref<64x16xf32, #tpu.memory_space<vmem_shared>>) target_semaphore(%arg20 : memref<!tpu.dma_semaphore, #tpu.memory_space<semaphore_mem>>)
    %add3A_120 = arith.constant 512 : i32
    %add3A_121 = arith.addi %mul3A_2, %add3A_120 : i32
    %dma_start3A_122 = arith.constant 0 : i32
    %dma_start3A_123 = arith.constant 0 : i32
    %dma_start3A_124 = tpu.memref_slice %arg8[%dma_start3A_122, %dma_start3A_123] : memref<128x16xf32, #tpu.memory_space<vmem>> -> memref<64x16xf32, #tpu.memory_space<vmem>>
    %dma_start3A_125 = arith.constant 0 : i32
    %dma_start3A_126 = tpu.memref_slice %arg18[%add3A_121, %dma_start3A_125] : memref<10240x16xf32, #tpu.memory_space<vmem_shared>> -> memref<64x16xf32, #tpu.memory_space<vmem_shared>>
    %dma_start3A_127 = arith.constant 0 : i32
    %dma_start3A_128 = tpu.memref_slice %arg18[%add3A_121, %dma_start3A_127] : memref<10240x16xf32, #tpu.memory_space<vmem_shared>> -> memref<64x16xf32, #tpu.memory_space<vmem_shared>>
    %dma_start3A_129 = arith.constant 0 : i32
    %dma_start3A_130 = arith.constant 0 : i32
    %dma_start3A_131 = tpu.memref_slice %arg8[%dma_start3A_129, %dma_start3A_130] : memref<128x16xf32, #tpu.memory_space<vmem>> -> memref<64x16xf32, #tpu.memory_space<vmem>>
    tpu.enqueue_dma source(%dma_start3A_131 : memref<64x16xf32, #tpu.memory_space<vmem>>) target(%dma_start3A_128 : memref<64x16xf32, #tpu.memory_space<vmem_shared>>) target_semaphore(%arg20 : memref<!tpu.dma_semaphore, #tpu.memory_space<semaphore_mem>>)
    %add3A_132 = arith.constant 576 : i32
    %add3A_133 = arith.addi %mul3A_2, %add3A_132 : i32
    %dma_start3A_134 = arith.constant 0 : i32
    %dma_start3A_135 = arith.constant 0 : i32
    %dma_start3A_136 = tpu.memref_slice %arg8[%dma_start3A_134, %dma_start3A_135] : memref<128x16xf32, #tpu.memory_space<vmem>> -> memref<64x16xf32, #tpu.memory_space<vmem>>
    %dma_start3A_137 = arith.constant 0 : i32
    %dma_start3A_138 = tpu.memref_slice %arg18[%add3A_133, %dma_start3A_137] : memref<10240x16xf32, #tpu.memory_space<vmem_shared>> -> memref<64x16xf32, #tpu.memory_space<vmem_shared>>
    %dma_start3A_139 = arith.constant 0 : i32
    %dma_start3A_140 = tpu.memref_slice %arg18[%add3A_133, %dma_start3A_139] : memref<10240x16xf32, #tpu.memory_space<vmem_shared>> -> memref<64x16xf32, #tpu.memory_space<vmem_shared>>
    %dma_start3A_141 = arith.constant 0 : i32
    %dma_start3A_142 = arith.constant 0 : i32
    %dma_start3A_143 = tpu.memref_slice %arg8[%dma_start3A_141, %dma_start3A_142] : memref<128x16xf32, #tpu.memory_space<vmem>> -> memref<64x16xf32, #tpu.memory_space<vmem>>
    tpu.enqueue_dma source(%dma_start3A_143 : memref<64x16xf32, #tpu.memory_space<vmem>>) target(%dma_start3A_140 : memref<64x16xf32, #tpu.memory_space<vmem_shared>>) target_semaphore(%arg20 : memref<!tpu.dma_semaphore, #tpu.memory_space<semaphore_mem>>)
    %dma_wait3A = arith.constant 0 : i32
    %dma_wait3A_144 = arith.constant 0 : i32
    %dma_wait3A_145 = tpu.memref_slice %arg8[%dma_wait3A, %dma_wait3A_144] : memref<128x16xf32, #tpu.memory_space<vmem>> -> memref<64x16xf32, #tpu.memory_space<vmem>>
    %dma_wait3A_146 = arith.constant 0 : i32
    %dma_wait3A_147 = tpu.memref_slice %arg18[%add3A_25, %dma_wait3A_146] : memref<10240x16xf32, #tpu.memory_space<vmem_shared>> -> memref<64x16xf32, #tpu.memory_space<vmem_shared>>
    %dma_wait3A_148 = arith.constant 0 : i32
    %dma_wait3A_149 = tpu.memref_slice %arg18[%add3A_25, %dma_wait3A_148] : memref<10240x16xf32, #tpu.memory_space<vmem_shared>> -> memref<64x16xf32, #tpu.memory_space<vmem_shared>>
    %dma_wait3A_150 = arith.constant 0 : i32
    %dma_wait3A_151 = arith.constant 0 : i32
    %dma_wait3A_152 = tpu.memref_slice %arg8[%dma_wait3A_150, %dma_wait3A_151] : memref<128x16xf32, #tpu.memory_space<vmem>> -> memref<64x16xf32, #tpu.memory_space<vmem>>
    tpu.wait_dma2 semaphore(%arg20 : memref<!tpu.dma_semaphore, #tpu.memory_space<semaphore_mem>>) src(%dma_wait3A_152 : memref<64x16xf32, #tpu.memory_space<vmem>>) dst(%dma_wait3A_149 : memref<64x16xf32, #tpu.memory_space<vmem_shared>>)
    %dma_wait3A_153 = arith.constant 0 : i32
    %dma_wait3A_154 = arith.constant 0 : i32
    %dma_wait3A_155 = tpu.memref_slice %arg8[%dma_wait3A_153, %dma_wait3A_154] : memref<128x16xf32, #tpu.memory_space<vmem>> -> memref<64x16xf32, #tpu.memory_space<vmem>>
    %dma_wait3A_156 = arith.constant 0 : i32
    %dma_wait3A_157 = tpu.memref_slice %arg18[%add3A_37, %dma_wait3A_156] : memref<10240x16xf32, #tpu.memory_space<vmem_shared>> -> memref<64x16xf32, #tpu.memory_space<vmem_shared>>
    %dma_wait3A_158 = arith.constant 0 : i32
    %dma_wait3A_159 = tpu.memref_slice %arg18[%add3A_37, %dma_wait3A_158] : memref<10240x16xf32, #tpu.memory_space<vmem_shared>> -> memref<64x16xf32, #tpu.memory_space<vmem_shared>>
    %dma_wait3A_160 = arith.constant 0 : i32
    %dma_wait3A_161 = arith.constant 0 : i32
    %dma_wait3A_162 = tpu.memref_slice %arg8[%dma_wait3A_160, %dma_wait3A_161] : memref<128x16xf32, #tpu.memory_space<vmem>> -> memref<64x16xf32, #tpu.memory_space<vmem>>
    tpu.wait_dma2 semaphore(%arg20 : memref<!tpu.dma_semaphore, #tpu.memory_space<semaphore_mem>>) src(%dma_wait3A_162 : memref<64x16xf32, #tpu.memory_space<vmem>>) dst(%dma_wait3A_159 : memref<64x16xf32, #tpu.memory_space<vmem_shared>>)
    %dma_wait3A_163 = arith.constant 0 : i32
    %dma_wait3A_164 = arith.constant 0 : i32
    %dma_wait3A_165 = tpu.memref_slice %arg8[%dma_wait3A_163, %dma_wait3A_164] : memref<128x16xf32, #tpu.memory_space<vmem>> -> memref<64x16xf32, #tpu.memory_space<vmem>>
    %dma_wait3A_166 = arith.constant 0 : i32
    %dma_wait3A_167 = tpu.memref_slice %arg18[%add3A_49, %dma_wait3A_166] : memref<10240x16xf32, #tpu.memory_space<vmem_shared>> -> memref<64x16xf32, #tpu.memory_space<vmem_shared>>
    %dma_wait3A_168 = arith.constant 0 : i32
    %dma_wait3A_169 = tpu.memref_slice %arg18[%add3A_49, %dma_wait3A_168] : memref<10240x16xf32, #tpu.memory_space<vmem_shared>> -> memref<64x16xf32, #tpu.memory_space<vmem_shared>>
    %dma_wait3A_170 = arith.constant 0 : i32
    %dma_wait3A_171 = arith.constant 0 : i32
    %dma_wait3A_172 = tpu.memref_slice %arg8[%dma_wait3A_170, %dma_wait3A_171] : memref<128x16xf32, #tpu.memory_space<vmem>> -> memref<64x16xf32, #tpu.memory_space<vmem>>
    tpu.wait_dma2 semaphore(%arg20 : memref<!tpu.dma_semaphore, #tpu.memory_space<semaphore_mem>>) src(%dma_wait3A_172 : memref<64x16xf32, #tpu.memory_space<vmem>>) dst(%dma_wait3A_169 : memref<64x16xf32, #tpu.memory_space<vmem_shared>>)
    %dma_wait3A_173 = arith.constant 0 : i32
    %dma_wait3A_174 = arith.constant 0 : i32
    %dma_wait3A_175 = tpu.memref_slice %arg8[%dma_wait3A_173, %dma_wait3A_174] : memref<128x16xf32, #tpu.memory_space<vmem>> -> memref<64x16xf32, #tpu.memory_space<vmem>>
    %dma_wait3A_176 = arith.constant 0 : i32
    %dma_wait3A_177 = tpu.memref_slice %arg18[%add3A_61, %dma_wait3A_176] : memref<10240x16xf32, #tpu.memory_space<vmem_shared>> -> memref<64x16xf32, #tpu.memory_space<vmem_shared>>
    %dma_wait3A_178 = arith.constant 0 : i32
    %dma_wait3A_179 = tpu.memref_slice %arg18[%add3A_61, %dma_wait3A_178] : memref<10240x16xf32, #tpu.memory_space<vmem_shared>> -> memref<64x16xf32, #tpu.memory_space<vmem_shared>>
    %dma_wait3A_180 = arith.constant 0 : i32
    %dma_wait3A_181 = arith.constant 0 : i32
    %dma_wait3A_182 = tpu.memref_slice %arg8[%dma_wait3A_180, %dma_wait3A_181] : memref<128x16xf32, #tpu.memory_space<vmem>> -> memref<64x16xf32, #tpu.memory_space<vmem>>
    tpu.wait_dma2 semaphore(%arg20 : memref<!tpu.dma_semaphore, #tpu.memory_space<semaphore_mem>>) src(%dma_wait3A_182 : memref<64x16xf32, #tpu.memory_space<vmem>>) dst(%dma_wait3A_179 : memref<64x16xf32, #tpu.memory_space<vmem_shared>>)
    %dma_wait3A_183 = arith.constant 0 : i32
    %dma_wait3A_184 = arith.constant 0 : i32
    %dma_wait3A_185 = tpu.memref_slice %arg8[%dma_wait3A_183, %dma_wait3A_184] : memref<128x16xf32, #tpu.memory_space<vmem>> -> memref<64x16xf32, #tpu.memory_space<vmem>>
    %dma_wait3A_186 = arith.constant 0 : i32
    %dma_wait3A_187 = tpu.memref_slice %arg18[%add3A_73, %dma_wait3A_186] : memref<10240x16xf32, #tpu.memory_space<vmem_shared>> -> memref<64x16xf32, #tpu.memory_space<vmem_shared>>
    %dma_wait3A_188 = arith.constant 0 : i32
    %dma_wait3A_189 = tpu.memref_slice %arg18[%add3A_73, %dma_wait3A_188] : memref<10240x16xf32, #tpu.memory_space<vmem_shared>> -> memref<64x16xf32, #tpu.memory_space<vmem_shared>>
    %dma_wait3A_190 = arith.constant 0 : i32
    %dma_wait3A_191 = arith.constant 0 : i32
    %dma_wait3A_192 = tpu.memref_slice %arg8[%dma_wait3A_190, %dma_wait3A_191] : memref<128x16xf32, #tpu.memory_space<vmem>> -> memref<64x16xf32, #tpu.memory_space<vmem>>
    tpu.wait_dma2 semaphore(%arg20 : memref<!tpu.dma_semaphore, #tpu.memory_space<semaphore_mem>>) src(%dma_wait3A_192 : memref<64x16xf32, #tpu.memory_space<vmem>>) dst(%dma_wait3A_189 : memref<64x16xf32, #tpu.memory_space<vmem_shared>>)
    %dma_wait3A_193 = arith.constant 0 : i32
    %dma_wait3A_194 = arith.constant 0 : i32
    %dma_wait3A_195 = tpu.memref_slice %arg8[%dma_wait3A_193, %dma_wait3A_194] : memref<128x16xf32, #tpu.memory_space<vmem>> -> memref<64x16xf32, #tpu.memory_space<vmem>>
    %dma_wait3A_196 = arith.constant 0 : i32
    %dma_wait3A_197 = tpu.memref_slice %arg18[%add3A_85, %dma_wait3A_196] : memref<10240x16xf32, #tpu.memory_space<vmem_shared>> -> memref<64x16xf32, #tpu.memory_space<vmem_shared>>
    %dma_wait3A_198 = arith.constant 0 : i32
    %dma_wait3A_199 = tpu.memref_slice %arg18[%add3A_85, %dma_wait3A_198] : memref<10240x16xf32, #tpu.memory_space<vmem_shared>> -> memref<64x16xf32, #tpu.memory_space<vmem_shared>>
    %dma_wait3A_200 = arith.constant 0 : i32
    %dma_wait3A_201 = arith.constant 0 : i32
    %dma_wait3A_202 = tpu.memref_slice %arg8[%dma_wait3A_200, %dma_wait3A_201] : memref<128x16xf32, #tpu.memory_space<vmem>> -> memref<64x16xf32, #tpu.memory_space<vmem>>
    tpu.wait_dma2 semaphore(%arg20 : memref<!tpu.dma_semaphore, #tpu.memory_space<semaphore_mem>>) src(%dma_wait3A_202 : memref<64x16xf32, #tpu.memory_space<vmem>>) dst(%dma_wait3A_199 : memref<64x16xf32, #tpu.memory_space<vmem_shared>>)
    %dma_wait3A_203 = arith.constant 0 : i32
    %dma_wait3A_204 = arith.constant 0 : i32
    %dma_wait3A_205 = tpu.memref_slice %arg8[%dma_wait3A_203, %dma_wait3A_204] : memref<128x16xf32, #tpu.memory_space<vmem>> -> memref<64x16xf32, #tpu.memory_space<vmem>>
    %dma_wait3A_206 = arith.constant 0 : i32
    %dma_wait3A_207 = tpu.memref_slice %arg18[%add3A_97, %dma_wait3A_206] : memref<10240x16xf32, #tpu.memory_space<vmem_shared>> -> memref<64x16xf32, #tpu.memory_space<vmem_shared>>
    %dma_wait3A_208 = arith.constant 0 : i32
    %dma_wait3A_209 = tpu.memref_slice %arg18[%add3A_97, %dma_wait3A_208] : memref<10240x16xf32, #tpu.memory_space<vmem_shared>> -> memref<64x16xf32, #tpu.memory_space<vmem_shared>>
    %dma_wait3A_210 = arith.constant 0 : i32
    %dma_wait3A_211 = arith.constant 0 : i32
    %dma_wait3A_212 = tpu.memref_slice %arg8[%dma_wait3A_210, %dma_wait3A_211] : memref<128x16xf32, #tpu.memory_space<vmem>> -> memref<64x16xf32, #tpu.memory_space<vmem>>
    tpu.wait_dma2 semaphore(%arg20 : memref<!tpu.dma_semaphore, #tpu.memory_space<semaphore_mem>>) src(%dma_wait3A_212 : memref<64x16xf32, #tpu.memory_space<vmem>>) dst(%dma_wait3A_209 : memref<64x16xf32, #tpu.memory_space<vmem_shared>>)
    %dma_wait3A_213 = arith.constant 0 : i32
    %dma_wait3A_214 = arith.constant 0 : i32
    %dma_wait3A_215 = tpu.memref_slice %arg8[%dma_wait3A_213, %dma_wait3A_214] : memref<128x16xf32, #tpu.memory_space<vmem>> -> memref<64x16xf32, #tpu.memory_space<vmem>>
    %dma_wait3A_216 = arith.constant 0 : i32
    %dma_wait3A_217 = tpu.memref_slice %arg18[%add3A_109, %dma_wait3A_216] : memref<10240x16xf32, #tpu.memory_space<vmem_shared>> -> memref<64x16xf32, #tpu.memory_space<vmem_shared>>
    %dma_wait3A_218 = arith.constant 0 : i32
    %dma_wait3A_219 = tpu.memref_slice %arg18[%add3A_109, %dma_wait3A_218] : memref<10240x16xf32, #tpu.memory_space<vmem_shared>> -> memref<64x16xf32, #tpu.memory_space<vmem_shared>>
    %dma_wait3A_220 = arith.constant 0 : i32
    %dma_wait3A_221 = arith.constant 0 : i32
    %dma_wait3A_222 = tpu.memref_slice %arg8[%dma_wait3A_220, %dma_wait3A_221] : memref<128x16xf32, #tpu.memory_space<vmem>> -> memref<64x16xf32, #tpu.memory_space<vmem>>
    tpu.wait_dma2 semaphore(%arg20 : memref<!tpu.dma_semaphore, #tpu.memory_space<semaphore_mem>>) src(%dma_wait3A_222 : memref<64x16xf32, #tpu.memory_space<vmem>>) dst(%dma_wait3A_219 : memref<64x16xf32, #tpu.memory_space<vmem_shared>>)
    %dma_wait3A_223 = arith.constant 0 : i32
    %dma_wait3A_224 = arith.constant 0 : i32
    %dma_wait3A_225 = tpu.memref_slice %arg8[%dma_wait3A_223, %dma_wait3A_224] : memref<128x16xf32, #tpu.memory_space<vmem>> -> memref<64x16xf32, #tpu.memory_space<vmem>>
    %dma_wait3A_226 = arith.constant 0 : i32
    %dma_wait3A_227 = tpu.memref_slice %arg18[%add3A_121, %dma_wait3A_226] : memref<10240x16xf32, #tpu.memory_space<vmem_shared>> -> memref<64x16xf32, #tpu.memory_space<vmem_shared>>
    %dma_wait3A_228 = arith.constant 0 : i32
    %dma_wait3A_229 = tpu.memref_slice %arg18[%add3A_121, %dma_wait3A_228] : memref<10240x16xf32, #tpu.memory_space<vmem_shared>> -> memref<64x16xf32, #tpu.memory_space<vmem_shared>>
    %dma_wait3A_230 = arith.constant 0 : i32
    %dma_wait3A_231 = arith.constant 0 : i32
    %dma_wait3A_232 = tpu.memref_slice %arg8[%dma_wait3A_230, %dma_wait3A_231] : memref<128x16xf32, #tpu.memory_space<vmem>> -> memref<64x16xf32, #tpu.memory_space<vmem>>
    tpu.wait_dma2 semaphore(%arg20 : memref<!tpu.dma_semaphore, #tpu.memory_space<semaphore_mem>>) src(%dma_wait3A_232 : memref<64x16xf32, #tpu.memory_space<vmem>>) dst(%dma_wait3A_229 : memref<64x16xf32, #tpu.memory_space<vmem_shared>>)
    %dma_wait3A_233 = arith.constant 0 : i32
    %dma_wait3A_234 = arith.constant 0 : i32
    %dma_wait3A_235 = tpu.memref_slice %arg8[%dma_wait3A_233, %dma_wait3A_234] : memref<128x16xf32, #tpu.memory_space<vmem>> -> memref<64x16xf32, #tpu.memory_space<vmem>>
    %dma_wait3A_236 = arith.constant 0 : i32
    %dma_wait3A_237 = tpu.memref_slice %arg18[%add3A_133, %dma_wait3A_236] : memref<10240x16xf32, #tpu.memory_space<vmem_shared>> -> memref<64x16xf32, #tpu.memory_space<vmem_shared>>
    %dma_wait3A_238 = arith.constant 0 : i32
    %dma_wait3A_239 = tpu.memref_slice %arg18[%add3A_133, %dma_wait3A_238] : memref<10240x16xf32, #tpu.memory_space<vmem_shared>> -> memref<64x16xf32, #tpu.memory_space<vmem_shared>>
    %dma_wait3A_240 = arith.constant 0 : i32
    %dma_wait3A_241 = arith.constant 0 : i32
    %dma_wait3A_242 = tpu.memref_slice %arg8[%dma_wait3A_240, %dma_wait3A_241] : memref<128x16xf32, #tpu.memory_space<vmem>> -> memref<64x16xf32, #tpu.memory_space<vmem>>
    tpu.wait_dma2 semaphore(%arg20 : memref<!tpu.dma_semaphore, #tpu.memory_space<semaphore_mem>>) src(%dma_wait3A_242 : memref<64x16xf32, #tpu.memory_space<vmem>>) dst(%dma_wait3A_239 : memref<64x16xf32, #tpu.memory_space<vmem_shared>>)
    %dma_wait3A_243 = arith.constant 0 : i32
    %dma_wait3A_244 = arith.constant 0 : i32
    %dma_wait3A_245 = tpu.memref_slice %arg3[%add3A, %dma_wait3A_243, %dma_wait3A_244] : memref<32x80x128xi32, #tpu.memory_space<hbm>> -> memref<1x80x128xi32, #tpu.memory_space<hbm>>
    %dma_wait3A_246 = tpu.memref_squeeze %dma_wait3A_245 : memref<1x80x128xi32, #tpu.memory_space<hbm>> -> memref<80x128xi32, #tpu.memory_space<hbm>>
    %dma_wait3A_247 = arith.constant 0 : i32
    %dma_wait3A_248 = arith.constant 0 : i32
    %dma_wait3A_249 = tpu.memref_slice %arg3[%add3A, %dma_wait3A_247, %dma_wait3A_248] : memref<32x80x128xi32, #tpu.memory_space<hbm>> -> memref<1x80x128xi32, #tpu.memory_space<hbm>>
    %dma_wait3A_250 = tpu.memref_squeeze %dma_wait3A_249 : memref<1x80x128xi32, #tpu.memory_space<hbm>> -> memref<80x128xi32, #tpu.memory_space<hbm>>
    tpu.wait_dma2 semaphore(%arg19 : memref<!tpu.dma_semaphore, #tpu.memory_space<semaphore_mem>>) src(%dma_wait3A_250 : memref<80x128xi32, #tpu.memory_space<hbm>>) dst(%arg6 : memref<80x128xi32, #tpu.memory_space<vmem>>)
    %dma_wait3A_251 = arith.constant 0 : i32
    %dma_wait3A_252 = arith.constant 0 : i32
    %dma_wait3A_253 = tpu.memref_slice %arg4[%add3A, %dma_wait3A_251, %dma_wait3A_252] : memref<32x80x128xi32, #tpu.memory_space<hbm>> -> memref<1x80x128xi32, #tpu.memory_space<hbm>>
    %dma_wait3A_254 = tpu.memref_squeeze %dma_wait3A_253 : memref<1x80x128xi32, #tpu.memory_space<hbm>> -> memref<80x128xi32, #tpu.memory_space<hbm>>
    %dma_wait3A_255 = arith.constant 0 : i32
    %dma_wait3A_256 = arith.constant 0 : i32
    %dma_wait3A_257 = tpu.memref_slice %arg4[%add3A, %dma_wait3A_255, %dma_wait3A_256] : memref<32x80x128xi32, #tpu.memory_space<hbm>> -> memref<1x80x128xi32, #tpu.memory_space<hbm>>
    %dma_wait3A_258 = tpu.memref_squeeze %dma_wait3A_257 : memref<1x80x128xi32, #tpu.memory_space<hbm>> -> memref<80x128xi32, #tpu.memory_space<hbm>>
    tpu.wait_dma2 semaphore(%arg29 : memref<!tpu.dma_semaphore, #tpu.memory_space<semaphore_mem>>) src(%dma_wait3A_258 : memref<80x128xi32, #tpu.memory_space<hbm>>) dst(%arg7 : memref<80x128xi32, #tpu.memory_space<vmem>>)
    %barrier3A = arith.constant 0 : index
    tpu.barrier barrier_id(%barrier3A)
    %dma_start3A_259 = arith.constant 0 : i32
    %dma_start3A_260 = arith.constant 0 : i32
    %dma_start3A_261 = tpu.memref_slice %arg6[%dma_start3A_259, %dma_start3A_260] : memref<80x128xi32, #tpu.memory_space<vmem>> -> memref<1x128xi32, #tpu.memory_space<vmem>>
    %dma_start3A_262 = tpu.memref_squeeze %dma_start3A_261 : memref<1x128xi32, #tpu.memory_space<vmem>> -> memref<128xi32, #tpu.memory_space<vmem>>
    %dma_start3A_263 = arith.constant 0 : i32
    %dma_start3A_264 = arith.constant 0 : i32
    %dma_start3A_265 = tpu.memref_slice %arg2[%dma_start3A_263, %dma_start3A_264] : memref<10000x16xf32, #tpu.memory_space<hbm>> -> memref<10000x16xf32, #tpu.memory_space<hbm>>
    tpu.enqueue_indirect_dma source(%dma_start3A_265 : memref<10000x16xf32, #tpu.memory_space<hbm>>) target(%arg8 : memref<128x16xf32, #tpu.memory_space<vmem>>) offsets(%dma_start3A_262 : memref<128xi32, #tpu.memory_space<vmem>>) semaphore(%arg19 : memref<!tpu.dma_semaphore, #tpu.memory_space<semaphore_mem>>)
    %dma_start3A_266 = arith.constant 1 : i32
    %dma_start3A_267 = arith.constant 0 : i32
    %dma_start3A_268 = tpu.memref_slice %arg6[%dma_start3A_266, %dma_start3A_267] : memref<80x128xi32, #tpu.memory_space<vmem>> -> memref<1x128xi32, #tpu.memory_space<vmem>>
    %dma_start3A_269 = tpu.memref_squeeze %dma_start3A_268 : memref<1x128xi32, #tpu.memory_space<vmem>> -> memref<128xi32, #tpu.memory_space<vmem>>
    %dma_start3A_270 = arith.constant 0 : i32
    %dma_start3A_271 = arith.constant 0 : i32
    %dma_start3A_272 = tpu.memref_slice %arg2[%dma_start3A_270, %dma_start3A_271] : memref<10000x16xf32, #tpu.memory_space<hbm>> -> memref<10000x16xf32, #tpu.memory_space<hbm>>
    tpu.enqueue_indirect_dma source(%dma_start3A_272 : memref<10000x16xf32, #tpu.memory_space<hbm>>) target(%arg9 : memref<128x16xf32, #tpu.memory_space<vmem>>) offsets(%dma_start3A_269 : memref<128xi32, #tpu.memory_space<vmem>>) semaphore(%arg20 : memref<!tpu.dma_semaphore, #tpu.memory_space<semaphore_mem>>)
    %dma_start3A_273 = arith.constant 2 : i32
    %dma_start3A_274 = arith.constant 0 : i32
    %dma_start3A_275 = tpu.memref_slice %arg6[%dma_start3A_273, %dma_start3A_274] : memref<80x128xi32, #tpu.memory_space<vmem>> -> memref<1x128xi32, #tpu.memory_space<vmem>>
    %dma_start3A_276 = tpu.memref_squeeze %dma_start3A_275 : memref<1x128xi32, #tpu.memory_space<vmem>> -> memref<128xi32, #tpu.memory_space<vmem>>
    %dma_start3A_277 = arith.constant 0 : i32
    %dma_start3A_278 = arith.constant 0 : i32
    %dma_start3A_279 = tpu.memref_slice %arg2[%dma_start3A_277, %dma_start3A_278] : memref<10000x16xf32, #tpu.memory_space<hbm>> -> memref<10000x16xf32, #tpu.memory_space<hbm>>
    tpu.enqueue_indirect_dma source(%dma_start3A_279 : memref<10000x16xf32, #tpu.memory_space<hbm>>) target(%arg10 : memref<128x16xf32, #tpu.memory_space<vmem>>) offsets(%dma_start3A_276 : memref<128xi32, #tpu.memory_space<vmem>>) semaphore(%arg21 : memref<!tpu.dma_semaphore, #tpu.memory_space<semaphore_mem>>)
    %dma_start3A_280 = arith.constant 3 : i32
    %dma_start3A_281 = arith.constant 0 : i32
    %dma_start3A_282 = tpu.memref_slice %arg6[%dma_start3A_280, %dma_start3A_281] : memref<80x128xi32, #tpu.memory_space<vmem>> -> memref<1x128xi32, #tpu.memory_space<vmem>>
    %dma_start3A_283 = tpu.memref_squeeze %dma_start3A_282 : memref<1x128xi32, #tpu.memory_space<vmem>> -> memref<128xi32, #tpu.memory_space<vmem>>
    %dma_start3A_284 = arith.constant 0 : i32
    %dma_start3A_285 = arith.constant 0 : i32
    %dma_start3A_286 = tpu.memref_slice %arg2[%dma_start3A_284, %dma_start3A_285] : memref<10000x16xf32, #tpu.memory_space<hbm>> -> memref<10000x16xf32, #tpu.memory_space<hbm>>
    tpu.enqueue_indirect_dma source(%dma_start3A_286 : memref<10000x16xf32, #tpu.memory_space<hbm>>) target(%arg11 : memref<128x16xf32, #tpu.memory_space<vmem>>) offsets(%dma_start3A_283 : memref<128xi32, #tpu.memory_space<vmem>>) semaphore(%arg22 : memref<!tpu.dma_semaphore, #tpu.memory_space<semaphore_mem>>)
    %dma_start3A_287 = arith.constant 4 : i32
    %dma_start3A_288 = arith.constant 0 : i32
    %dma_start3A_289 = tpu.memref_slice %arg6[%dma_start3A_287, %dma_start3A_288] : memref<80x128xi32, #tpu.memory_space<vmem>> -> memref<1x128xi32, #tpu.memory_space<vmem>>
    %dma_start3A_290 = tpu.memref_squeeze %dma_start3A_289 : memref<1x128xi32, #tpu.memory_space<vmem>> -> memref<128xi32, #tpu.memory_space<vmem>>
    %dma_start3A_291 = arith.constant 0 : i32
    %dma_start3A_292 = arith.constant 0 : i32
    %dma_start3A_293 = tpu.memref_slice %arg2[%dma_start3A_291, %dma_start3A_292] : memref<10000x16xf32, #tpu.memory_space<hbm>> -> memref<10000x16xf32, #tpu.memory_space<hbm>>
    tpu.enqueue_indirect_dma source(%dma_start3A_293 : memref<10000x16xf32, #tpu.memory_space<hbm>>) target(%arg12 : memref<128x16xf32, #tpu.memory_space<vmem>>) offsets(%dma_start3A_290 : memref<128xi32, #tpu.memory_space<vmem>>) semaphore(%arg23 : memref<!tpu.dma_semaphore, #tpu.memory_space<semaphore_mem>>)
    %dma_start3A_294 = arith.constant 5 : i32
    %dma_start3A_295 = arith.constant 0 : i32
    %dma_start3A_296 = tpu.memref_slice %arg6[%dma_start3A_294, %dma_start3A_295] : memref<80x128xi32, #tpu.memory_space<vmem>> -> memref<1x128xi32, #tpu.memory_space<vmem>>
    %dma_start3A_297 = tpu.memref_squeeze %dma_start3A_296 : memref<1x128xi32, #tpu.memory_space<vmem>> -> memref<128xi32, #tpu.memory_space<vmem>>
    %dma_start3A_298 = arith.constant 0 : i32
    %dma_start3A_299 = arith.constant 0 : i32
    %dma_start3A_300 = tpu.memref_slice %arg2[%dma_start3A_298, %dma_start3A_299] : memref<10000x16xf32, #tpu.memory_space<hbm>> -> memref<10000x16xf32, #tpu.memory_space<hbm>>
    tpu.enqueue_indirect_dma source(%dma_start3A_300 : memref<10000x16xf32, #tpu.memory_space<hbm>>) target(%arg13 : memref<128x16xf32, #tpu.memory_space<vmem>>) offsets(%dma_start3A_297 : memref<128xi32, #tpu.memory_space<vmem>>) semaphore(%arg24 : memref<!tpu.dma_semaphore, #tpu.memory_space<semaphore_mem>>)
    %dma_start3A_301 = arith.constant 6 : i32
    %dma_start3A_302 = arith.constant 0 : i32
    %dma_start3A_303 = tpu.memref_slice %arg6[%dma_start3A_301, %dma_start3A_302] : memref<80x128xi32, #tpu.memory_space<vmem>> -> memref<1x128xi32, #tpu.memory_space<vmem>>
    %dma_start3A_304 = tpu.memref_squeeze %dma_start3A_303 : memref<1x128xi32, #tpu.memory_space<vmem>> -> memref<128xi32, #tpu.memory_space<vmem>>
    %dma_start3A_305 = arith.constant 0 : i32
    %dma_start3A_306 = arith.constant 0 : i32
    %dma_start3A_307 = tpu.memref_slice %arg2[%dma_start3A_305, %dma_start3A_306] : memref<10000x16xf32, #tpu.memory_space<hbm>> -> memref<10000x16xf32, #tpu.memory_space<hbm>>
    tpu.enqueue_indirect_dma source(%dma_start3A_307 : memref<10000x16xf32, #tpu.memory_space<hbm>>) target(%arg14 : memref<128x16xf32, #tpu.memory_space<vmem>>) offsets(%dma_start3A_304 : memref<128xi32, #tpu.memory_space<vmem>>) semaphore(%arg25 : memref<!tpu.dma_semaphore, #tpu.memory_space<semaphore_mem>>)
    %dma_start3A_308 = arith.constant 7 : i32
    %dma_start3A_309 = arith.constant 0 : i32
    %dma_start3A_310 = tpu.memref_slice %arg6[%dma_start3A_308, %dma_start3A_309] : memref<80x128xi32, #tpu.memory_space<vmem>> -> memref<1x128xi32, #tpu.memory_space<vmem>>
    %dma_start3A_311 = tpu.memref_squeeze %dma_start3A_310 : memref<1x128xi32, #tpu.memory_space<vmem>> -> memref<128xi32, #tpu.memory_space<vmem>>
    %dma_start3A_312 = arith.constant 0 : i32
    %dma_start3A_313 = arith.constant 0 : i32
    %dma_start3A_314 = tpu.memref_slice %arg2[%dma_start3A_312, %dma_start3A_313] : memref<10000x16xf32, #tpu.memory_space<hbm>> -> memref<10000x16xf32, #tpu.memory_space<hbm>>
    tpu.enqueue_indirect_dma source(%dma_start3A_314 : memref<10000x16xf32, #tpu.memory_space<hbm>>) target(%arg15 : memref<128x16xf32, #tpu.memory_space<vmem>>) offsets(%dma_start3A_311 : memref<128xi32, #tpu.memory_space<vmem>>) semaphore(%arg26 : memref<!tpu.dma_semaphore, #tpu.memory_space<semaphore_mem>>)
    %dma_start3A_315 = arith.constant 8 : i32
    %dma_start3A_316 = arith.constant 0 : i32
    %dma_start3A_317 = tpu.memref_slice %arg6[%dma_start3A_315, %dma_start3A_316] : memref<80x128xi32, #tpu.memory_space<vmem>> -> memref<1x128xi32, #tpu.memory_space<vmem>>
    %dma_start3A_318 = tpu.memref_squeeze %dma_start3A_317 : memref<1x128xi32, #tpu.memory_space<vmem>> -> memref<128xi32, #tpu.memory_space<vmem>>
    %dma_start3A_319 = arith.constant 0 : i32
    %dma_start3A_320 = arith.constant 0 : i32
    %dma_start3A_321 = tpu.memref_slice %arg2[%dma_start3A_319, %dma_start3A_320] : memref<10000x16xf32, #tpu.memory_space<hbm>> -> memref<10000x16xf32, #tpu.memory_space<hbm>>
    tpu.enqueue_indirect_dma source(%dma_start3A_321 : memref<10000x16xf32, #tpu.memory_space<hbm>>) target(%arg16 : memref<128x16xf32, #tpu.memory_space<vmem>>) offsets(%dma_start3A_318 : memref<128xi32, #tpu.memory_space<vmem>>) semaphore(%arg27 : memref<!tpu.dma_semaphore, #tpu.memory_space<semaphore_mem>>)
    %dma_start3A_322 = arith.constant 9 : i32
    %dma_start3A_323 = arith.constant 0 : i32
    %dma_start3A_324 = tpu.memref_slice %arg6[%dma_start3A_322, %dma_start3A_323] : memref<80x128xi32, #tpu.memory_space<vmem>> -> memref<1x128xi32, #tpu.memory_space<vmem>>
    %dma_start3A_325 = tpu.memref_squeeze %dma_start3A_324 : memref<1x128xi32, #tpu.memory_space<vmem>> -> memref<128xi32, #tpu.memory_space<vmem>>
    %dma_start3A_326 = arith.constant 0 : i32
    %dma_start3A_327 = arith.constant 0 : i32
    %dma_start3A_328 = tpu.memref_slice %arg2[%dma_start3A_326, %dma_start3A_327] : memref<10000x16xf32, #tpu.memory_space<hbm>> -> memref<10000x16xf32, #tpu.memory_space<hbm>>
    tpu.enqueue_indirect_dma source(%dma_start3A_328 : memref<10000x16xf32, #tpu.memory_space<hbm>>) target(%arg17 : memref<128x16xf32, #tpu.memory_space<vmem>>) offsets(%dma_start3A_325 : memref<128xi32, #tpu.memory_space<vmem>>) semaphore(%arg28 : memref<!tpu.dma_semaphore, #tpu.memory_space<semaphore_mem>>)
    %scan3A_329 = arith.constant 0 : i32
    %scan3A_330 = arith.constant 0 : i32
    %scan3A_331 = arith.constant 8 : i32
    %scan3A_332 = arith.addi %scan3A_330, %scan3A_331 : i32
    %scan3A_333 = arith.constant 1 : i32
    %scan3A_334 = scf.for %scan3A_417 = %scan3A_330 to %scan3A_332 step %scan3A_333 iter_args(%scan3A_418 = %scan3A_329) -> (i32)  : i32 {
      %dma_wait3A_419 = arith.constant 0 : i32
      %dma_wait3A_420 = arith.constant 0 : i32
      %dma_wait3A_421 = tpu.memref_slice %arg6[%dma_wait3A_419, %dma_wait3A_420] : memref<80x128xi32, #tpu.memory_space<vmem>> -> memref<1x128xi32, #tpu.memory_space<vmem>>
      %dma_wait3A_422 = tpu.memref_squeeze %dma_wait3A_421 : memref<1x128xi32, #tpu.memory_space<vmem>> -> memref<128xi32, #tpu.memory_space<vmem>>
      %dma_wait3A_423 = arith.constant 0 : i32
      %dma_wait3A_424 = arith.constant 0 : i32
      %dma_wait3A_425 = tpu.memref_slice %arg2[%dma_wait3A_423, %dma_wait3A_424] : memref<10000x16xf32, #tpu.memory_space<hbm>> -> memref<10000x16xf32, #tpu.memory_space<hbm>>
      tpu.wait_indirect_dma semaphore(%arg19 : memref<!tpu.dma_semaphore, #tpu.memory_space<semaphore_mem>>) src(%dma_wait3A_425 : memref<10000x16xf32, #tpu.memory_space<hbm>>) dst(%arg8 : memref<128x16xf32, #tpu.memory_space<vmem>>)
      %mul3A_426 = arith.constant 10 : i32
      %mul3A_427 = arith.muli %scan3A_417, %mul3A_426 : i32
      %add3A_428 = arith.constant 0 : i32
      %add3A_429 = arith.addi %mul3A_427, %add3A_428 : i32
      %dma_start3A_430 = arith.constant 0 : i32
      %dma_start3A_431 = tpu.memref_slice %arg7[%add3A_429, %dma_start3A_430] : memref<80x128xi32, #tpu.memory_space<vmem>> -> memref<1x128xi32, #tpu.memory_space<vmem>>
      %dma_start3A_432 = tpu.memref_squeeze %dma_start3A_431 : memref<1x128xi32, #tpu.memory_space<vmem>> -> memref<128xi32, #tpu.memory_space<vmem>>
      %dma_start3A_433 = arith.constant 0 : i32
      %dma_start3A_434 = arith.constant 0 : i32
      %dma_start3A_435 = tpu.memref_slice %arg18[%dma_start3A_433, %dma_start3A_434] : memref<10240x16xf32, #tpu.memory_space<vmem_shared>> -> memref<10240x16xf32, #tpu.memory_space<vmem_shared>>
      tpu.enqueue_indirect_dma source(%arg8 : memref<128x16xf32, #tpu.memory_space<vmem>>) target(%dma_start3A_435 : memref<10240x16xf32, #tpu.memory_space<vmem_shared>>) offsets(%dma_start3A_432 : memref<128xi32, #tpu.memory_space<vmem>>) semaphore(%arg29 : memref<!tpu.dma_semaphore, #tpu.memory_space<semaphore_mem>>) {add = true}
      %dma_wait3A_436 = arith.constant 0 : i32
      %dma_wait3A_437 = arith.constant 0 : i32
      %dma_wait3A_438 = tpu.memref_slice %arg6[%dma_wait3A_436, %dma_wait3A_437] : memref<80x128xi32, #tpu.memory_space<vmem>> -> memref<1x128xi32, #tpu.memory_space<vmem>>
      %dma_wait3A_439 = tpu.memref_squeeze %dma_wait3A_438 : memref<1x128xi32, #tpu.memory_space<vmem>> -> memref<128xi32, #tpu.memory_space<vmem>>
      %dma_wait3A_440 = arith.constant 0 : i32
      %dma_wait3A_441 = arith.constant 0 : i32
      %dma_wait3A_442 = tpu.memref_slice %arg2[%dma_wait3A_440, %dma_wait3A_441] : memref<10000x16xf32, #tpu.memory_space<hbm>> -> memref<10000x16xf32, #tpu.memory_space<hbm>>
      tpu.wait_indirect_dma semaphore(%arg20 : memref<!tpu.dma_semaphore, #tpu.memory_space<semaphore_mem>>) src(%dma_wait3A_442 : memref<10000x16xf32, #tpu.memory_space<hbm>>) dst(%arg9 : memref<128x16xf32, #tpu.memory_space<vmem>>)
      %mul3A_443 = arith.constant 10 : i32
      %mul3A_444 = arith.muli %scan3A_417, %mul3A_443 : i32
      %add3A_445 = arith.constant 1 : i32
      %add3A_446 = arith.addi %mul3A_444, %add3A_445 : i32
      %dma_start3A_447 = arith.constant 0 : i32
      %dma_start3A_448 = tpu.memref_slice %arg7[%add3A_446, %dma_start3A_447] : memref<80x128xi32, #tpu.memory_space<vmem>> -> memref<1x128xi32, #tpu.memory_space<vmem>>
      %dma_start3A_449 = tpu.memref_squeeze %dma_start3A_448 : memref<1x128xi32, #tpu.memory_space<vmem>> -> memref<128xi32, #tpu.memory_space<vmem>>
      %dma_start3A_450 = arith.constant 0 : i32
      %dma_start3A_451 = arith.constant 0 : i32
      %dma_start3A_452 = tpu.memref_slice %arg18[%dma_start3A_450, %dma_start3A_451] : memref<10240x16xf32, #tpu.memory_space<vmem_shared>> -> memref<10240x16xf32, #tpu.memory_space<vmem_shared>>
      tpu.enqueue_indirect_dma source(%arg9 : memref<128x16xf32, #tpu.memory_space<vmem>>) target(%dma_start3A_452 : memref<10240x16xf32, #tpu.memory_space<vmem_shared>>) offsets(%dma_start3A_449 : memref<128xi32, #tpu.memory_space<vmem>>) semaphore(%arg30 : memref<!tpu.dma_semaphore, #tpu.memory_space<semaphore_mem>>) {add = true}
      %dma_wait3A_453 = arith.constant 0 : i32
      %dma_wait3A_454 = arith.constant 0 : i32
      %dma_wait3A_455 = tpu.memref_slice %arg6[%dma_wait3A_453, %dma_wait3A_454] : memref<80x128xi32, #tpu.memory_space<vmem>> -> memref<1x128xi32, #tpu.memory_space<vmem>>
      %dma_wait3A_456 = tpu.memref_squeeze %dma_wait3A_455 : memref<1x128xi32, #tpu.memory_space<vmem>> -> memref<128xi32, #tpu.memory_space<vmem>>
      %dma_wait3A_457 = arith.constant 0 : i32
      %dma_wait3A_458 = arith.constant 0 : i32
      %dma_wait3A_459 = tpu.memref_slice %arg2[%dma_wait3A_457, %dma_wait3A_458] : memref<10000x16xf32, #tpu.memory_space<hbm>> -> memref<10000x16xf32, #tpu.memory_space<hbm>>
      tpu.wait_indirect_dma semaphore(%arg21 : memref<!tpu.dma_semaphore, #tpu.memory_space<semaphore_mem>>) src(%dma_wait3A_459 : memref<10000x16xf32, #tpu.memory_space<hbm>>) dst(%arg10 : memref<128x16xf32, #tpu.memory_space<vmem>>)
      %mul3A_460 = arith.constant 10 : i32
      %mul3A_461 = arith.muli %scan3A_417, %mul3A_460 : i32
      %add3A_462 = arith.constant 2 : i32
      %add3A_463 = arith.addi %mul3A_461, %add3A_462 : i32
      %dma_start3A_464 = arith.constant 0 : i32
      %dma_start3A_465 = tpu.memref_slice %arg7[%add3A_463, %dma_start3A_464] : memref<80x128xi32, #tpu.memory_space<vmem>> -> memref<1x128xi32, #tpu.memory_space<vmem>>
      %dma_start3A_466 = tpu.memref_squeeze %dma_start3A_465 : memref<1x128xi32, #tpu.memory_space<vmem>> -> memref<128xi32, #tpu.memory_space<vmem>>
      %dma_start3A_467 = arith.constant 0 : i32
      %dma_start3A_468 = arith.constant 0 : i32
      %dma_start3A_469 = tpu.memref_slice %arg18[%dma_start3A_467, %dma_start3A_468] : memref<10240x16xf32, #tpu.memory_space<vmem_shared>> -> memref<10240x16xf32, #tpu.memory_space<vmem_shared>>
      tpu.enqueue_indirect_dma source(%arg10 : memref<128x16xf32, #tpu.memory_space<vmem>>) target(%dma_start3A_469 : memref<10240x16xf32, #tpu.memory_space<vmem_shared>>) offsets(%dma_start3A_466 : memref<128xi32, #tpu.memory_space<vmem>>) semaphore(%arg31 : memref<!tpu.dma_semaphore, #tpu.memory_space<semaphore_mem>>) {add = true}
      %dma_wait3A_470 = arith.constant 0 : i32
      %dma_wait3A_471 = arith.constant 0 : i32
      %dma_wait3A_472 = tpu.memref_slice %arg6[%dma_wait3A_470, %dma_wait3A_471] : memref<80x128xi32, #tpu.memory_space<vmem>> -> memref<1x128xi32, #tpu.memory_space<vmem>>
      %dma_wait3A_473 = tpu.memref_squeeze %dma_wait3A_472 : memref<1x128xi32, #tpu.memory_space<vmem>> -> memref<128xi32, #tpu.memory_space<vmem>>
      %dma_wait3A_474 = arith.constant 0 : i32
      %dma_wait3A_475 = arith.constant 0 : i32
      %dma_wait3A_476 = tpu.memref_slice %arg2[%dma_wait3A_474, %dma_wait3A_475] : memref<10000x16xf32, #tpu.memory_space<hbm>> -> memref<10000x16xf32, #tpu.memory_space<hbm>>
      tpu.wait_indirect_dma semaphore(%arg22 : memref<!tpu.dma_semaphore, #tpu.memory_space<semaphore_mem>>) src(%dma_wait3A_476 : memref<10000x16xf32, #tpu.memory_space<hbm>>) dst(%arg11 : memref<128x16xf32, #tpu.memory_space<vmem>>)
      %mul3A_477 = arith.constant 10 : i32
      %mul3A_478 = arith.muli %scan3A_417, %mul3A_477 : i32
      %add3A_479 = arith.constant 3 : i32
      %add3A_480 = arith.addi %mul3A_478, %add3A_479 : i32
      %dma_start3A_481 = arith.constant 0 : i32
      %dma_start3A_482 = tpu.memref_slice %arg7[%add3A_480, %dma_start3A_481] : memref<80x128xi32, #tpu.memory_space<vmem>> -> memref<1x128xi32, #tpu.memory_space<vmem>>
      %dma_start3A_483 = tpu.memref_squeeze %dma_start3A_482 : memref<1x128xi32, #tpu.memory_space<vmem>> -> memref<128xi32, #tpu.memory_space<vmem>>
      %dma_start3A_484 = arith.constant 0 : i32
      %dma_start3A_485 = arith.constant 0 : i32
      %dma_start3A_486 = tpu.memref_slice %arg18[%dma_start3A_484, %dma_start3A_485] : memref<10240x16xf32, #tpu.memory_space<vmem_shared>> -> memref<10240x16xf32, #tpu.memory_space<vmem_shared>>
      tpu.enqueue_indirect_dma source(%arg11 : memref<128x16xf32, #tpu.memory_space<vmem>>) target(%dma_start3A_486 : memref<10240x16xf32, #tpu.memory_space<vmem_shared>>) offsets(%dma_start3A_483 : memref<128xi32, #tpu.memory_space<vmem>>) semaphore(%arg32 : memref<!tpu.dma_semaphore, #tpu.memory_space<semaphore_mem>>) {add = true}
      %dma_wait3A_487 = arith.constant 0 : i32
      %dma_wait3A_488 = arith.constant 0 : i32
      %dma_wait3A_489 = tpu.memref_slice %arg6[%dma_wait3A_487, %dma_wait3A_488] : memref<80x128xi32, #tpu.memory_space<vmem>> -> memref<1x128xi32, #tpu.memory_space<vmem>>
      %dma_wait3A_490 = tpu.memref_squeeze %dma_wait3A_489 : memref<1x128xi32, #tpu.memory_space<vmem>> -> memref<128xi32, #tpu.memory_space<vmem>>
      %dma_wait3A_491 = arith.constant 0 : i32
      %dma_wait3A_492 = arith.constant 0 : i32
      %dma_wait3A_493 = tpu.memref_slice %arg2[%dma_wait3A_491, %dma_wait3A_492] : memref<10000x16xf32, #tpu.memory_space<hbm>> -> memref<10000x16xf32, #tpu.memory_space<hbm>>
      tpu.wait_indirect_dma semaphore(%arg23 : memref<!tpu.dma_semaphore, #tpu.memory_space<semaphore_mem>>) src(%dma_wait3A_493 : memref<10000x16xf32, #tpu.memory_space<hbm>>) dst(%arg12 : memref<128x16xf32, #tpu.memory_space<vmem>>)
      %mul3A_494 = arith.constant 10 : i32
      %mul3A_495 = arith.muli %scan3A_417, %mul3A_494 : i32
      %add3A_496 = arith.constant 4 : i32
      %add3A_497 = arith.addi %mul3A_495, %add3A_496 : i32
      %dma_start3A_498 = arith.constant 0 : i32
      %dma_start3A_499 = tpu.memref_slice %arg7[%add3A_497, %dma_start3A_498] : memref<80x128xi32, #tpu.memory_space<vmem>> -> memref<1x128xi32, #tpu.memory_space<vmem>>
      %dma_start3A_500 = tpu.memref_squeeze %dma_start3A_499 : memref<1x128xi32, #tpu.memory_space<vmem>> -> memref<128xi32, #tpu.memory_space<vmem>>
      %dma_start3A_501 = arith.constant 0 : i32
      %dma_start3A_502 = arith.constant 0 : i32
      %dma_start3A_503 = tpu.memref_slice %arg18[%dma_start3A_501, %dma_start3A_502] : memref<10240x16xf32, #tpu.memory_space<vmem_shared>> -> memref<10240x16xf32, #tpu.memory_space<vmem_shared>>
      tpu.enqueue_indirect_dma source(%arg12 : memref<128x16xf32, #tpu.memory_space<vmem>>) target(%dma_start3A_503 : memref<10240x16xf32, #tpu.memory_space<vmem_shared>>) offsets(%dma_start3A_500 : memref<128xi32, #tpu.memory_space<vmem>>) semaphore(%arg33 : memref<!tpu.dma_semaphore, #tpu.memory_space<semaphore_mem>>) {add = true}
      %dma_wait3A_504 = arith.constant 0 : i32
      %dma_wait3A_505 = arith.constant 0 : i32
      %dma_wait3A_506 = tpu.memref_slice %arg6[%dma_wait3A_504, %dma_wait3A_505] : memref<80x128xi32, #tpu.memory_space<vmem>> -> memref<1x128xi32, #tpu.memory_space<vmem>>
      %dma_wait3A_507 = tpu.memref_squeeze %dma_wait3A_506 : memref<1x128xi32, #tpu.memory_space<vmem>> -> memref<128xi32, #tpu.memory_space<vmem>>
      %dma_wait3A_508 = arith.constant 0 : i32
      %dma_wait3A_509 = arith.constant 0 : i32
      %dma_wait3A_510 = tpu.memref_slice %arg2[%dma_wait3A_508, %dma_wait3A_509] : memref<10000x16xf32, #tpu.memory_space<hbm>> -> memref<10000x16xf32, #tpu.memory_space<hbm>>
      tpu.wait_indirect_dma semaphore(%arg24 : memref<!tpu.dma_semaphore, #tpu.memory_space<semaphore_mem>>) src(%dma_wait3A_510 : memref<10000x16xf32, #tpu.memory_space<hbm>>) dst(%arg13 : memref<128x16xf32, #tpu.memory_space<vmem>>)
      %mul3A_511 = arith.constant 10 : i32
      %mul3A_512 = arith.muli %scan3A_417, %mul3A_511 : i32
      %add3A_513 = arith.constant 5 : i32
      %add3A_514 = arith.addi %mul3A_512, %add3A_513 : i32
      %dma_start3A_515 = arith.constant 0 : i32
      %dma_start3A_516 = tpu.memref_slice %arg7[%add3A_514, %dma_start3A_515] : memref<80x128xi32, #tpu.memory_space<vmem>> -> memref<1x128xi32, #tpu.memory_space<vmem>>
      %dma_start3A_517 = tpu.memref_squeeze %dma_start3A_516 : memref<1x128xi32, #tpu.memory_space<vmem>> -> memref<128xi32, #tpu.memory_space<vmem>>
      %dma_start3A_518 = arith.constant 0 : i32
      %dma_start3A_519 = arith.constant 0 : i32
      %dma_start3A_520 = tpu.memref_slice %arg18[%dma_start3A_518, %dma_start3A_519] : memref<10240x16xf32, #tpu.memory_space<vmem_shared>> -> memref<10240x16xf32, #tpu.memory_space<vmem_shared>>
      tpu.enqueue_indirect_dma source(%arg13 : memref<128x16xf32, #tpu.memory_space<vmem>>) target(%dma_start3A_520 : memref<10240x16xf32, #tpu.memory_space<vmem_shared>>) offsets(%dma_start3A_517 : memref<128xi32, #tpu.memory_space<vmem>>) semaphore(%arg34 : memref<!tpu.dma_semaphore, #tpu.memory_space<semaphore_mem>>) {add = true}
      %dma_wait3A_521 = arith.constant 0 : i32
      %dma_wait3A_522 = arith.constant 0 : i32
      %dma_wait3A_523 = tpu.memref_slice %arg6[%dma_wait3A_521, %dma_wait3A_522] : memref<80x128xi32, #tpu.memory_space<vmem>> -> memref<1x128xi32, #tpu.memory_space<vmem>>
      %dma_wait3A_524 = tpu.memref_squeeze %dma_wait3A_523 : memref<1x128xi32, #tpu.memory_space<vmem>> -> memref<128xi32, #tpu.memory_space<vmem>>
      %dma_wait3A_525 = arith.constant 0 : i32
      %dma_wait3A_526 = arith.constant 0 : i32
      %dma_wait3A_527 = tpu.memref_slice %arg2[%dma_wait3A_525, %dma_wait3A_526] : memref<10000x16xf32, #tpu.memory_space<hbm>> -> memref<10000x16xf32, #tpu.memory_space<hbm>>
      tpu.wait_indirect_dma semaphore(%arg25 : memref<!tpu.dma_semaphore, #tpu.memory_space<semaphore_mem>>) src(%dma_wait3A_527 : memref<10000x16xf32, #tpu.memory_space<hbm>>) dst(%arg14 : memref<128x16xf32, #tpu.memory_space<vmem>>)
      %mul3A_528 = arith.constant 10 : i32
      %mul3A_529 = arith.muli %scan3A_417, %mul3A_528 : i32
      %add3A_530 = arith.constant 6 : i32
      %add3A_531 = arith.addi %mul3A_529, %add3A_530 : i32
      %dma_start3A_532 = arith.constant 0 : i32
      %dma_start3A_533 = tpu.memref_slice %arg7[%add3A_531, %dma_start3A_532] : memref<80x128xi32, #tpu.memory_space<vmem>> -> memref<1x128xi32, #tpu.memory_space<vmem>>
      %dma_start3A_534 = tpu.memref_squeeze %dma_start3A_533 : memref<1x128xi32, #tpu.memory_space<vmem>> -> memref<128xi32, #tpu.memory_space<vmem>>
      %dma_start3A_535 = arith.constant 0 : i32
      %dma_start3A_536 = arith.constant 0 : i32
      %dma_start3A_537 = tpu.memref_slice %arg18[%dma_start3A_535, %dma_start3A_536] : memref<10240x16xf32, #tpu.memory_space<vmem_shared>> -> memref<10240x16xf32, #tpu.memory_space<vmem_shared>>
      tpu.enqueue_indirect_dma source(%arg14 : memref<128x16xf32, #tpu.memory_space<vmem>>) target(%dma_start3A_537 : memref<10240x16xf32, #tpu.memory_space<vmem_shared>>) offsets(%dma_start3A_534 : memref<128xi32, #tpu.memory_space<vmem>>) semaphore(%arg35 : memref<!tpu.dma_semaphore, #tpu.memory_space<semaphore_mem>>) {add = true}
      %dma_wait3A_538 = arith.constant 0 : i32
      %dma_wait3A_539 = arith.constant 0 : i32
      %dma_wait3A_540 = tpu.memref_slice %arg6[%dma_wait3A_538, %dma_wait3A_539] : memref<80x128xi32, #tpu.memory_space<vmem>> -> memref<1x128xi32, #tpu.memory_space<vmem>>
      %dma_wait3A_541 = tpu.memref_squeeze %dma_wait3A_540 : memref<1x128xi32, #tpu.memory_space<vmem>> -> memref<128xi32, #tpu.memory_space<vmem>>
      %dma_wait3A_542 = arith.constant 0 : i32
      %dma_wait3A_543 = arith.constant 0 : i32
      %dma_wait3A_544 = tpu.memref_slice %arg2[%dma_wait3A_542, %dma_wait3A_543] : memref<10000x16xf32, #tpu.memory_space<hbm>> -> memref<10000x16xf32, #tpu.memory_space<hbm>>
      tpu.wait_indirect_dma semaphore(%arg26 : memref<!tpu.dma_semaphore, #tpu.memory_space<semaphore_mem>>) src(%dma_wait3A_544 : memref<10000x16xf32, #tpu.memory_space<hbm>>) dst(%arg15 : memref<128x16xf32, #tpu.memory_space<vmem>>)
      %mul3A_545 = arith.constant 10 : i32
      %mul3A_546 = arith.muli %scan3A_417, %mul3A_545 : i32
      %add3A_547 = arith.constant 7 : i32
      %add3A_548 = arith.addi %mul3A_546, %add3A_547 : i32
      %dma_start3A_549 = arith.constant 0 : i32
      %dma_start3A_550 = tpu.memref_slice %arg7[%add3A_548, %dma_start3A_549] : memref<80x128xi32, #tpu.memory_space<vmem>> -> memref<1x128xi32, #tpu.memory_space<vmem>>
      %dma_start3A_551 = tpu.memref_squeeze %dma_start3A_550 : memref<1x128xi32, #tpu.memory_space<vmem>> -> memref<128xi32, #tpu.memory_space<vmem>>
      %dma_start3A_552 = arith.constant 0 : i32
      %dma_start3A_553 = arith.constant 0 : i32
      %dma_start3A_554 = tpu.memref_slice %arg18[%dma_start3A_552, %dma_start3A_553] : memref<10240x16xf32, #tpu.memory_space<vmem_shared>> -> memref<10240x16xf32, #tpu.memory_space<vmem_shared>>
      tpu.enqueue_indirect_dma source(%arg15 : memref<128x16xf32, #tpu.memory_space<vmem>>) target(%dma_start3A_554 : memref<10240x16xf32, #tpu.memory_space<vmem_shared>>) offsets(%dma_start3A_551 : memref<128xi32, #tpu.memory_space<vmem>>) semaphore(%arg36 : memref<!tpu.dma_semaphore, #tpu.memory_space<semaphore_mem>>) {add = true}
      %dma_wait3A_555 = arith.constant 0 : i32
      %dma_wait3A_556 = arith.constant 0 : i32
      %dma_wait3A_557 = tpu.memref_slice %arg6[%dma_wait3A_555, %dma_wait3A_556] : memref<80x128xi32, #tpu.memory_space<vmem>> -> memref<1x128xi32, #tpu.memory_space<vmem>>
      %dma_wait3A_558 = tpu.memref_squeeze %dma_wait3A_557 : memref<1x128xi32, #tpu.memory_space<vmem>> -> memref<128xi32, #tpu.memory_space<vmem>>
      %dma_wait3A_559 = arith.constant 0 : i32
      %dma_wait3A_560 = arith.constant 0 : i32
      %dma_wait3A_561 = tpu.memref_slice %arg2[%dma_wait3A_559, %dma_wait3A_560] : memref<10000x16xf32, #tpu.memory_space<hbm>> -> memref<10000x16xf32, #tpu.memory_space<hbm>>
      tpu.wait_indirect_dma semaphore(%arg27 : memref<!tpu.dma_semaphore, #tpu.memory_space<semaphore_mem>>) src(%dma_wait3A_561 : memref<10000x16xf32, #tpu.memory_space<hbm>>) dst(%arg16 : memref<128x16xf32, #tpu.memory_space<vmem>>)
      %mul3A_562 = arith.constant 10 : i32
      %mul3A_563 = arith.muli %scan3A_417, %mul3A_562 : i32
      %add3A_564 = arith.constant 8 : i32
      %add3A_565 = arith.addi %mul3A_563, %add3A_564 : i32
      %dma_start3A_566 = arith.constant 0 : i32
      %dma_start3A_567 = tpu.memref_slice %arg7[%add3A_565, %dma_start3A_566] : memref<80x128xi32, #tpu.memory_space<vmem>> -> memref<1x128xi32, #tpu.memory_space<vmem>>
      %dma_start3A_568 = tpu.memref_squeeze %dma_start3A_567 : memref<1x128xi32, #tpu.memory_space<vmem>> -> memref<128xi32, #tpu.memory_space<vmem>>
      %dma_start3A_569 = arith.constant 0 : i32
      %dma_start3A_570 = arith.constant 0 : i32
      %dma_start3A_571 = tpu.memref_slice %arg18[%dma_start3A_569, %dma_start3A_570] : memref<10240x16xf32, #tpu.memory_space<vmem_shared>> -> memref<10240x16xf32, #tpu.memory_space<vmem_shared>>
      tpu.enqueue_indirect_dma source(%arg16 : memref<128x16xf32, #tpu.memory_space<vmem>>) target(%dma_start3A_571 : memref<10240x16xf32, #tpu.memory_space<vmem_shared>>) offsets(%dma_start3A_568 : memref<128xi32, #tpu.memory_space<vmem>>) semaphore(%arg37 : memref<!tpu.dma_semaphore, #tpu.memory_space<semaphore_mem>>) {add = true}
      %dma_wait3A_572 = arith.constant 0 : i32
      %dma_wait3A_573 = arith.constant 0 : i32
      %dma_wait3A_574 = tpu.memref_slice %arg6[%dma_wait3A_572, %dma_wait3A_573] : memref<80x128xi32, #tpu.memory_space<vmem>> -> memref<1x128xi32, #tpu.memory_space<vmem>>
      %dma_wait3A_575 = tpu.memref_squeeze %dma_wait3A_574 : memref<1x128xi32, #tpu.memory_space<vmem>> -> memref<128xi32, #tpu.memory_space<vmem>>
      %dma_wait3A_576 = arith.constant 0 : i32
      %dma_wait3A_577 = arith.constant 0 : i32
      %dma_wait3A_578 = tpu.memref_slice %arg2[%dma_wait3A_576, %dma_wait3A_577] : memref<10000x16xf32, #tpu.memory_space<hbm>> -> memref<10000x16xf32, #tpu.memory_space<hbm>>
      tpu.wait_indirect_dma semaphore(%arg28 : memref<!tpu.dma_semaphore, #tpu.memory_space<semaphore_mem>>) src(%dma_wait3A_578 : memref<10000x16xf32, #tpu.memory_space<hbm>>) dst(%arg17 : memref<128x16xf32, #tpu.memory_space<vmem>>)
      %mul3A_579 = arith.constant 10 : i32
      %mul3A_580 = arith.muli %scan3A_417, %mul3A_579 : i32
      %add3A_581 = arith.constant 9 : i32
      %add3A_582 = arith.addi %mul3A_580, %add3A_581 : i32
      %dma_start3A_583 = arith.constant 0 : i32
      %dma_start3A_584 = tpu.memref_slice %arg7[%add3A_582, %dma_start3A_583] : memref<80x128xi32, #tpu.memory_space<vmem>> -> memref<1x128xi32, #tpu.memory_space<vmem>>
      %dma_start3A_585 = tpu.memref_squeeze %dma_start3A_584 : memref<1x128xi32, #tpu.memory_space<vmem>> -> memref<128xi32, #tpu.memory_space<vmem>>
      %dma_start3A_586 = arith.constant 0 : i32
      %dma_start3A_587 = arith.constant 0 : i32
      %dma_start3A_588 = tpu.memref_slice %arg18[%dma_start3A_586, %dma_start3A_587] : memref<10240x16xf32, #tpu.memory_space<vmem_shared>> -> memref<10240x16xf32, #tpu.memory_space<vmem_shared>>
      tpu.enqueue_indirect_dma source(%arg17 : memref<128x16xf32, #tpu.memory_space<vmem>>) target(%dma_start3A_588 : memref<10240x16xf32, #tpu.memory_space<vmem_shared>>) offsets(%dma_start3A_585 : memref<128xi32, #tpu.memory_space<vmem>>) semaphore(%arg38 : memref<!tpu.dma_semaphore, #tpu.memory_space<semaphore_mem>>) {add = true}
      %add3A_589 = arith.constant 1 : i32
      %add3A_590 = arith.addi %scan3A_417, %add3A_589 : i32
      %mul3A_591 = arith.constant 10 : i32
      %mul3A_592 = arith.muli %add3A_590, %mul3A_591 : i32
      %add3A_593 = arith.constant 0 : i32
      %add3A_594 = arith.addi %mul3A_592, %add3A_593 : i32
      %min3A = arith.constant 79 : i32
      %min3A_595 = arith.minsi %add3A_594, %min3A : i32
      %dma_wait3A_596 = arith.constant 0 : i32
      %dma_wait3A_597 = arith.constant 0 : i32
      %dma_wait3A_598 = tpu.memref_slice %arg7[%dma_wait3A_596, %dma_wait3A_597] : memref<80x128xi32, #tpu.memory_space<vmem>> -> memref<1x128xi32, #tpu.memory_space<vmem>>
      %dma_wait3A_599 = tpu.memref_squeeze %dma_wait3A_598 : memref<1x128xi32, #tpu.memory_space<vmem>> -> memref<128xi32, #tpu.memory_space<vmem>>
      %dma_wait3A_600 = arith.constant 0 : i32
      %dma_wait3A_601 = arith.constant 0 : i32
      %dma_wait3A_602 = tpu.memref_slice %arg18[%dma_wait3A_600, %dma_wait3A_601] : memref<10240x16xf32, #tpu.memory_space<vmem_shared>> -> memref<10240x16xf32, #tpu.memory_space<vmem_shared>>
      tpu.wait_indirect_dma semaphore(%arg29 : memref<!tpu.dma_semaphore, #tpu.memory_space<semaphore_mem>>) src(%arg8 : memref<128x16xf32, #tpu.memory_space<vmem>>) dst(%dma_wait3A_602 : memref<10240x16xf32, #tpu.memory_space<vmem_shared>>)
      %dma_start3A_603 = arith.constant 0 : i32
      %dma_start3A_604 = tpu.memref_slice %arg6[%min3A_595, %dma_start3A_603] : memref<80x128xi32, #tpu.memory_space<vmem>> -> memref<1x128xi32, #tpu.memory_space<vmem>>
      %dma_start3A_605 = tpu.memref_squeeze %dma_start3A_604 : memref<1x128xi32, #tpu.memory_space<vmem>> -> memref<128xi32, #tpu.memory_space<vmem>>
      %dma_start3A_606 = arith.constant 0 : i32
      %dma_start3A_607 = arith.constant 0 : i32
      %dma_start3A_608 = tpu.memref_slice %arg2[%dma_start3A_606, %dma_start3A_607] : memref<10000x16xf32, #tpu.memory_space<hbm>> -> memref<10000x16xf32, #tpu.memory_space<hbm>>
      tpu.enqueue_indirect_dma source(%dma_start3A_608 : memref<10000x16xf32, #tpu.memory_space<hbm>>) target(%arg8 : memref<128x16xf32, #tpu.memory_space<vmem>>) offsets(%dma_start3A_605 : memref<128xi32, #tpu.memory_space<vmem>>) semaphore(%arg19 : memref<!tpu.dma_semaphore, #tpu.memory_space<semaphore_mem>>)
      %add3A_609 = arith.constant 1 : i32
      %add3A_610 = arith.addi %scan3A_417, %add3A_609 : i32
      %mul3A_611 = arith.constant 10 : i32
      %mul3A_612 = arith.muli %add3A_610, %mul3A_611 : i32
      %add3A_613 = arith.constant 1 : i32
      %add3A_614 = arith.addi %mul3A_612, %add3A_613 : i32
      %min3A_615 = arith.constant 79 : i32
      %min3A_616 = arith.minsi %add3A_614, %min3A_615 : i32
      %dma_wait3A_617 = arith.constant 0 : i32
      %dma_wait3A_618 = arith.constant 0 : i32
      %dma_wait3A_619 = tpu.memref_slice %arg7[%dma_wait3A_617, %dma_wait3A_618] : memref<80x128xi32, #tpu.memory_space<vmem>> -> memref<1x128xi32, #tpu.memory_space<vmem>>
      %dma_wait3A_620 = tpu.memref_squeeze %dma_wait3A_619 : memref<1x128xi32, #tpu.memory_space<vmem>> -> memref<128xi32, #tpu.memory_space<vmem>>
      %dma_wait3A_621 = arith.constant 0 : i32
      %dma_wait3A_622 = arith.constant 0 : i32
      %dma_wait3A_623 = tpu.memref_slice %arg18[%dma_wait3A_621, %dma_wait3A_622] : memref<10240x16xf32, #tpu.memory_space<vmem_shared>> -> memref<10240x16xf32, #tpu.memory_space<vmem_shared>>
      tpu.wait_indirect_dma semaphore(%arg30 : memref<!tpu.dma_semaphore, #tpu.memory_space<semaphore_mem>>) src(%arg9 : memref<128x16xf32, #tpu.memory_space<vmem>>) dst(%dma_wait3A_623 : memref<10240x16xf32, #tpu.memory_space<vmem_shared>>)
      %dma_start3A_624 = arith.constant 0 : i32
      %dma_start3A_625 = tpu.memref_slice %arg6[%min3A_616, %dma_start3A_624] : memref<80x128xi32, #tpu.memory_space<vmem>> -> memref<1x128xi32, #tpu.memory_space<vmem>>
      %dma_start3A_626 = tpu.memref_squeeze %dma_start3A_625 : memref<1x128xi32, #tpu.memory_space<vmem>> -> memref<128xi32, #tpu.memory_space<vmem>>
      %dma_start3A_627 = arith.constant 0 : i32
      %dma_start3A_628 = arith.constant 0 : i32
      %dma_start3A_629 = tpu.memref_slice %arg2[%dma_start3A_627, %dma_start3A_628] : memref<10000x16xf32, #tpu.memory_space<hbm>> -> memref<10000x16xf32, #tpu.memory_space<hbm>>
      tpu.enqueue_indirect_dma source(%dma_start3A_629 : memref<10000x16xf32, #tpu.memory_space<hbm>>) target(%arg9 : memref<128x16xf32, #tpu.memory_space<vmem>>) offsets(%dma_start3A_626 : memref<128xi32, #tpu.memory_space<vmem>>) semaphore(%arg20 : memref<!tpu.dma_semaphore, #tpu.memory_space<semaphore_mem>>)
      %add3A_630 = arith.constant 1 : i32
      %add3A_631 = arith.addi %scan3A_417, %add3A_630 : i32
      %mul3A_632 = arith.constant 10 : i32
      %mul3A_633 = arith.muli %add3A_631, %mul3A_632 : i32
      %add3A_634 = arith.constant 2 : i32
      %add3A_635 = arith.addi %mul3A_633, %add3A_634 : i32
      %min3A_636 = arith.constant 79 : i32
      %min3A_637 = arith.minsi %add3A_635, %min3A_636 : i32
      %dma_wait3A_638 = arith.constant 0 : i32
      %dma_wait3A_639 = arith.constant 0 : i32
      %dma_wait3A_640 = tpu.memref_slice %arg7[%dma_wait3A_638, %dma_wait3A_639] : memref<80x128xi32, #tpu.memory_space<vmem>> -> memref<1x128xi32, #tpu.memory_space<vmem>>
      %dma_wait3A_641 = tpu.memref_squeeze %dma_wait3A_640 : memref<1x128xi32, #tpu.memory_space<vmem>> -> memref<128xi32, #tpu.memory_space<vmem>>
      %dma_wait3A_642 = arith.constant 0 : i32
      %dma_wait3A_643 = arith.constant 0 : i32
      %dma_wait3A_644 = tpu.memref_slice %arg18[%dma_wait3A_642, %dma_wait3A_643] : memref<10240x16xf32, #tpu.memory_space<vmem_shared>> -> memref<10240x16xf32, #tpu.memory_space<vmem_shared>>
      tpu.wait_indirect_dma semaphore(%arg31 : memref<!tpu.dma_semaphore, #tpu.memory_space<semaphore_mem>>) src(%arg10 : memref<128x16xf32, #tpu.memory_space<vmem>>) dst(%dma_wait3A_644 : memref<10240x16xf32, #tpu.memory_space<vmem_shared>>)
      %dma_start3A_645 = arith.constant 0 : i32
      %dma_start3A_646 = tpu.memref_slice %arg6[%min3A_637, %dma_start3A_645] : memref<80x128xi32, #tpu.memory_space<vmem>> -> memref<1x128xi32, #tpu.memory_space<vmem>>
      %dma_start3A_647 = tpu.memref_squeeze %dma_start3A_646 : memref<1x128xi32, #tpu.memory_space<vmem>> -> memref<128xi32, #tpu.memory_space<vmem>>
      %dma_start3A_648 = arith.constant 0 : i32
      %dma_start3A_649 = arith.constant 0 : i32
      %dma_start3A_650 = tpu.memref_slice %arg2[%dma_start3A_648, %dma_start3A_649] : memref<10000x16xf32, #tpu.memory_space<hbm>> -> memref<10000x16xf32, #tpu.memory_space<hbm>>
      tpu.enqueue_indirect_dma source(%dma_start3A_650 : memref<10000x16xf32, #tpu.memory_space<hbm>>) target(%arg10 : memref<128x16xf32, #tpu.memory_space<vmem>>) offsets(%dma_start3A_647 : memref<128xi32, #tpu.memory_space<vmem>>) semaphore(%arg21 : memref<!tpu.dma_semaphore, #tpu.memory_space<semaphore_mem>>)
      %add3A_651 = arith.constant 1 : i32
      %add3A_652 = arith.addi %scan3A_417, %add3A_651 : i32
      %mul3A_653 = arith.constant 10 : i32
      %mul3A_654 = arith.muli %add3A_652, %mul3A_653 : i32
      %add3A_655 = arith.constant 3 : i32
      %add3A_656 = arith.addi %mul3A_654, %add3A_655 : i32
      %min3A_657 = arith.constant 79 : i32
      %min3A_658 = arith.minsi %add3A_656, %min3A_657 : i32
      %dma_wait3A_659 = arith.constant 0 : i32
      %dma_wait3A_660 = arith.constant 0 : i32
      %dma_wait3A_661 = tpu.memref_slice %arg7[%dma_wait3A_659, %dma_wait3A_660] : memref<80x128xi32, #tpu.memory_space<vmem>> -> memref<1x128xi32, #tpu.memory_space<vmem>>
      %dma_wait3A_662 = tpu.memref_squeeze %dma_wait3A_661 : memref<1x128xi32, #tpu.memory_space<vmem>> -> memref<128xi32, #tpu.memory_space<vmem>>
      %dma_wait3A_663 = arith.constant 0 : i32
      %dma_wait3A_664 = arith.constant 0 : i32
      %dma_wait3A_665 = tpu.memref_slice %arg18[%dma_wait3A_663, %dma_wait3A_664] : memref<10240x16xf32, #tpu.memory_space<vmem_shared>> -> memref<10240x16xf32, #tpu.memory_space<vmem_shared>>
      tpu.wait_indirect_dma semaphore(%arg32 : memref<!tpu.dma_semaphore, #tpu.memory_space<semaphore_mem>>) src(%arg11 : memref<128x16xf32, #tpu.memory_space<vmem>>) dst(%dma_wait3A_665 : memref<10240x16xf32, #tpu.memory_space<vmem_shared>>)
      %dma_start3A_666 = arith.constant 0 : i32
      %dma_start3A_667 = tpu.memref_slice %arg6[%min3A_658, %dma_start3A_666] : memref<80x128xi32, #tpu.memory_space<vmem>> -> memref<1x128xi32, #tpu.memory_space<vmem>>
      %dma_start3A_668 = tpu.memref_squeeze %dma_start3A_667 : memref<1x128xi32, #tpu.memory_space<vmem>> -> memref<128xi32, #tpu.memory_space<vmem>>
      %dma_start3A_669 = arith.constant 0 : i32
      %dma_start3A_670 = arith.constant 0 : i32
      %dma_start3A_671 = tpu.memref_slice %arg2[%dma_start3A_669, %dma_start3A_670] : memref<10000x16xf32, #tpu.memory_space<hbm>> -> memref<10000x16xf32, #tpu.memory_space<hbm>>
      tpu.enqueue_indirect_dma source(%dma_start3A_671 : memref<10000x16xf32, #tpu.memory_space<hbm>>) target(%arg11 : memref<128x16xf32, #tpu.memory_space<vmem>>) offsets(%dma_start3A_668 : memref<128xi32, #tpu.memory_space<vmem>>) semaphore(%arg22 : memref<!tpu.dma_semaphore, #tpu.memory_space<semaphore_mem>>)
      %add3A_672 = arith.constant 1 : i32
      %add3A_673 = arith.addi %scan3A_417, %add3A_672 : i32
      %mul3A_674 = arith.constant 10 : i32
      %mul3A_675 = arith.muli %add3A_673, %mul3A_674 : i32
      %add3A_676 = arith.constant 4 : i32
      %add3A_677 = arith.addi %mul3A_675, %add3A_676 : i32
      %min3A_678 = arith.constant 79 : i32
      %min3A_679 = arith.minsi %add3A_677, %min3A_678 : i32
      %dma_wait3A_680 = arith.constant 0 : i32
      %dma_wait3A_681 = arith.constant 0 : i32
      %dma_wait3A_682 = tpu.memref_slice %arg7[%dma_wait3A_680, %dma_wait3A_681] : memref<80x128xi32, #tpu.memory_space<vmem>> -> memref<1x128xi32, #tpu.memory_space<vmem>>
      %dma_wait3A_683 = tpu.memref_squeeze %dma_wait3A_682 : memref<1x128xi32, #tpu.memory_space<vmem>> -> memref<128xi32, #tpu.memory_space<vmem>>
      %dma_wait3A_684 = arith.constant 0 : i32
      %dma_wait3A_685 = arith.constant 0 : i32
      %dma_wait3A_686 = tpu.memref_slice %arg18[%dma_wait3A_684, %dma_wait3A_685] : memref<10240x16xf32, #tpu.memory_space<vmem_shared>> -> memref<10240x16xf32, #tpu.memory_space<vmem_shared>>
      tpu.wait_indirect_dma semaphore(%arg33 : memref<!tpu.dma_semaphore, #tpu.memory_space<semaphore_mem>>) src(%arg12 : memref<128x16xf32, #tpu.memory_space<vmem>>) dst(%dma_wait3A_686 : memref<10240x16xf32, #tpu.memory_space<vmem_shared>>)
      %dma_start3A_687 = arith.constant 0 : i32
      %dma_start3A_688 = tpu.memref_slice %arg6[%min3A_679, %dma_start3A_687] : memref<80x128xi32, #tpu.memory_space<vmem>> -> memref<1x128xi32, #tpu.memory_space<vmem>>
      %dma_start3A_689 = tpu.memref_squeeze %dma_start3A_688 : memref<1x128xi32, #tpu.memory_space<vmem>> -> memref<128xi32, #tpu.memory_space<vmem>>
      %dma_start3A_690 = arith.constant 0 : i32
      %dma_start3A_691 = arith.constant 0 : i32
      %dma_start3A_692 = tpu.memref_slice %arg2[%dma_start3A_690, %dma_start3A_691] : memref<10000x16xf32, #tpu.memory_space<hbm>> -> memref<10000x16xf32, #tpu.memory_space<hbm>>
      tpu.enqueue_indirect_dma source(%dma_start3A_692 : memref<10000x16xf32, #tpu.memory_space<hbm>>) target(%arg12 : memref<128x16xf32, #tpu.memory_space<vmem>>) offsets(%dma_start3A_689 : memref<128xi32, #tpu.memory_space<vmem>>) semaphore(%arg23 : memref<!tpu.dma_semaphore, #tpu.memory_space<semaphore_mem>>)
      %add3A_693 = arith.constant 1 : i32
      %add3A_694 = arith.addi %scan3A_417, %add3A_693 : i32
      %mul3A_695 = arith.constant 10 : i32
      %mul3A_696 = arith.muli %add3A_694, %mul3A_695 : i32
      %add3A_697 = arith.constant 5 : i32
      %add3A_698 = arith.addi %mul3A_696, %add3A_697 : i32
      %min3A_699 = arith.constant 79 : i32
      %min3A_700 = arith.minsi %add3A_698, %min3A_699 : i32
      %dma_wait3A_701 = arith.constant 0 : i32
      %dma_wait3A_702 = arith.constant 0 : i32
      %dma_wait3A_703 = tpu.memref_slice %arg7[%dma_wait3A_701, %dma_wait3A_702] : memref<80x128xi32, #tpu.memory_space<vmem>> -> memref<1x128xi32, #tpu.memory_space<vmem>>
      %dma_wait3A_704 = tpu.memref_squeeze %dma_wait3A_703 : memref<1x128xi32, #tpu.memory_space<vmem>> -> memref<128xi32, #tpu.memory_space<vmem>>
      %dma_wait3A_705 = arith.constant 0 : i32
      %dma_wait3A_706 = arith.constant 0 : i32
      %dma_wait3A_707 = tpu.memref_slice %arg18[%dma_wait3A_705, %dma_wait3A_706] : memref<10240x16xf32, #tpu.memory_space<vmem_shared>> -> memref<10240x16xf32, #tpu.memory_space<vmem_shared>>
      tpu.wait_indirect_dma semaphore(%arg34 : memref<!tpu.dma_semaphore, #tpu.memory_space<semaphore_mem>>) src(%arg13 : memref<128x16xf32, #tpu.memory_space<vmem>>) dst(%dma_wait3A_707 : memref<10240x16xf32, #tpu.memory_space<vmem_shared>>)
      %dma_start3A_708 = arith.constant 0 : i32
      %dma_start3A_709 = tpu.memref_slice %arg6[%min3A_700, %dma_start3A_708] : memref<80x128xi32, #tpu.memory_space<vmem>> -> memref<1x128xi32, #tpu.memory_space<vmem>>
      %dma_start3A_710 = tpu.memref_squeeze %dma_start3A_709 : memref<1x128xi32, #tpu.memory_space<vmem>> -> memref<128xi32, #tpu.memory_space<vmem>>
      %dma_start3A_711 = arith.constant 0 : i32
      %dma_start3A_712 = arith.constant 0 : i32
      %dma_start3A_713 = tpu.memref_slice %arg2[%dma_start3A_711, %dma_start3A_712] : memref<10000x16xf32, #tpu.memory_space<hbm>> -> memref<10000x16xf32, #tpu.memory_space<hbm>>
      tpu.enqueue_indirect_dma source(%dma_start3A_713 : memref<10000x16xf32, #tpu.memory_space<hbm>>) target(%arg13 : memref<128x16xf32, #tpu.memory_space<vmem>>) offsets(%dma_start3A_710 : memref<128xi32, #tpu.memory_space<vmem>>) semaphore(%arg24 : memref<!tpu.dma_semaphore, #tpu.memory_space<semaphore_mem>>)
      %add3A_714 = arith.constant 1 : i32
      %add3A_715 = arith.addi %scan3A_417, %add3A_714 : i32
      %mul3A_716 = arith.constant 10 : i32
      %mul3A_717 = arith.muli %add3A_715, %mul3A_716 : i32
      %add3A_718 = arith.constant 6 : i32
      %add3A_719 = arith.addi %mul3A_717, %add3A_718 : i32
      %min3A_720 = arith.constant 79 : i32
      %min3A_721 = arith.minsi %add3A_719, %min3A_720 : i32
      %dma_wait3A_722 = arith.constant 0 : i32
      %dma_wait3A_723 = arith.constant 0 : i32
      %dma_wait3A_724 = tpu.memref_slice %arg7[%dma_wait3A_722, %dma_wait3A_723] : memref<80x128xi32, #tpu.memory_space<vmem>> -> memref<1x128xi32, #tpu.memory_space<vmem>>
      %dma_wait3A_725 = tpu.memref_squeeze %dma_wait3A_724 : memref<1x128xi32, #tpu.memory_space<vmem>> -> memref<128xi32, #tpu.memory_space<vmem>>
      %dma_wait3A_726 = arith.constant 0 : i32
      %dma_wait3A_727 = arith.constant 0 : i32
      %dma_wait3A_728 = tpu.memref_slice %arg18[%dma_wait3A_726, %dma_wait3A_727] : memref<10240x16xf32, #tpu.memory_space<vmem_shared>> -> memref<10240x16xf32, #tpu.memory_space<vmem_shared>>
      tpu.wait_indirect_dma semaphore(%arg35 : memref<!tpu.dma_semaphore, #tpu.memory_space<semaphore_mem>>) src(%arg14 : memref<128x16xf32, #tpu.memory_space<vmem>>) dst(%dma_wait3A_728 : memref<10240x16xf32, #tpu.memory_space<vmem_shared>>)
      %dma_start3A_729 = arith.constant 0 : i32
      %dma_start3A_730 = tpu.memref_slice %arg6[%min3A_721, %dma_start3A_729] : memref<80x128xi32, #tpu.memory_space<vmem>> -> memref<1x128xi32, #tpu.memory_space<vmem>>
      %dma_start3A_731 = tpu.memref_squeeze %dma_start3A_730 : memref<1x128xi32, #tpu.memory_space<vmem>> -> memref<128xi32, #tpu.memory_space<vmem>>
      %dma_start3A_732 = arith.constant 0 : i32
      %dma_start3A_733 = arith.constant 0 : i32
      %dma_start3A_734 = tpu.memref_slice %arg2[%dma_start3A_732, %dma_start3A_733] : memref<10000x16xf32, #tpu.memory_space<hbm>> -> memref<10000x16xf32, #tpu.memory_space<hbm>>
      tpu.enqueue_indirect_dma source(%dma_start3A_734 : memref<10000x16xf32, #tpu.memory_space<hbm>>) target(%arg14 : memref<128x16xf32, #tpu.memory_space<vmem>>) offsets(%dma_start3A_731 : memref<128xi32, #tpu.memory_space<vmem>>) semaphore(%arg25 : memref<!tpu.dma_semaphore, #tpu.memory_space<semaphore_mem>>)
      %add3A_735 = arith.constant 1 : i32
      %add3A_736 = arith.addi %scan3A_417, %add3A_735 : i32
      %mul3A_737 = arith.constant 10 : i32
      %mul3A_738 = arith.muli %add3A_736, %mul3A_737 : i32
      %add3A_739 = arith.constant 7 : i32
      %add3A_740 = arith.addi %mul3A_738, %add3A_739 : i32
      %min3A_741 = arith.constant 79 : i32
      %min3A_742 = arith.minsi %add3A_740, %min3A_741 : i32
      %dma_wait3A_743 = arith.constant 0 : i32
      %dma_wait3A_744 = arith.constant 0 : i32
      %dma_wait3A_745 = tpu.memref_slice %arg7[%dma_wait3A_743, %dma_wait3A_744] : memref<80x128xi32, #tpu.memory_space<vmem>> -> memref<1x128xi32, #tpu.memory_space<vmem>>
      %dma_wait3A_746 = tpu.memref_squeeze %dma_wait3A_745 : memref<1x128xi32, #tpu.memory_space<vmem>> -> memref<128xi32, #tpu.memory_space<vmem>>
      %dma_wait3A_747 = arith.constant 0 : i32
      %dma_wait3A_748 = arith.constant 0 : i32
      %dma_wait3A_749 = tpu.memref_slice %arg18[%dma_wait3A_747, %dma_wait3A_748] : memref<10240x16xf32, #tpu.memory_space<vmem_shared>> -> memref<10240x16xf32, #tpu.memory_space<vmem_shared>>
      tpu.wait_indirect_dma semaphore(%arg36 : memref<!tpu.dma_semaphore, #tpu.memory_space<semaphore_mem>>) src(%arg15 : memref<128x16xf32, #tpu.memory_space<vmem>>) dst(%dma_wait3A_749 : memref<10240x16xf32, #tpu.memory_space<vmem_shared>>)
      %dma_start3A_750 = arith.constant 0 : i32
      %dma_start3A_751 = tpu.memref_slice %arg6[%min3A_742, %dma_start3A_750] : memref<80x128xi32, #tpu.memory_space<vmem>> -> memref<1x128xi32, #tpu.memory_space<vmem>>
      %dma_start3A_752 = tpu.memref_squeeze %dma_start3A_751 : memref<1x128xi32, #tpu.memory_space<vmem>> -> memref<128xi32, #tpu.memory_space<vmem>>
      %dma_start3A_753 = arith.constant 0 : i32
      %dma_start3A_754 = arith.constant 0 : i32
      %dma_start3A_755 = tpu.memref_slice %arg2[%dma_start3A_753, %dma_start3A_754] : memref<10000x16xf32, #tpu.memory_space<hbm>> -> memref<10000x16xf32, #tpu.memory_space<hbm>>
      tpu.enqueue_indirect_dma source(%dma_start3A_755 : memref<10000x16xf32, #tpu.memory_space<hbm>>) target(%arg15 : memref<128x16xf32, #tpu.memory_space<vmem>>) offsets(%dma_start3A_752 : memref<128xi32, #tpu.memory_space<vmem>>) semaphore(%arg26 : memref<!tpu.dma_semaphore, #tpu.memory_space<semaphore_mem>>)
      %add3A_756 = arith.constant 1 : i32
      %add3A_757 = arith.addi %scan3A_417, %add3A_756 : i32
      %mul3A_758 = arith.constant 10 : i32
      %mul3A_759 = arith.muli %add3A_757, %mul3A_758 : i32
      %add3A_760 = arith.constant 8 : i32
      %add3A_761 = arith.addi %mul3A_759, %add3A_760 : i32
      %min3A_762 = arith.constant 79 : i32
      %min3A_763 = arith.minsi %add3A_761, %min3A_762 : i32
      %dma_wait3A_764 = arith.constant 0 : i32
      %dma_wait3A_765 = arith.constant 0 : i32
      %dma_wait3A_766 = tpu.memref_slice %arg7[%dma_wait3A_764, %dma_wait3A_765] : memref<80x128xi32, #tpu.memory_space<vmem>> -> memref<1x128xi32, #tpu.memory_space<vmem>>
      %dma_wait3A_767 = tpu.memref_squeeze %dma_wait3A_766 : memref<1x128xi32, #tpu.memory_space<vmem>> -> memref<128xi32, #tpu.memory_space<vmem>>
      %dma_wait3A_768 = arith.constant 0 : i32
      %dma_wait3A_769 = arith.constant 0 : i32
      %dma_wait3A_770 = tpu.memref_slice %arg18[%dma_wait3A_768, %dma_wait3A_769] : memref<10240x16xf32, #tpu.memory_space<vmem_shared>> -> memref<10240x16xf32, #tpu.memory_space<vmem_shared>>
      tpu.wait_indirect_dma semaphore(%arg37 : memref<!tpu.dma_semaphore, #tpu.memory_space<semaphore_mem>>) src(%arg16 : memref<128x16xf32, #tpu.memory_space<vmem>>) dst(%dma_wait3A_770 : memref<10240x16xf32, #tpu.memory_space<vmem_shared>>)
      %dma_start3A_771 = arith.constant 0 : i32
      %dma_start3A_772 = tpu.memref_slice %arg6[%min3A_763, %dma_start3A_771] : memref<80x128xi32, #tpu.memory_space<vmem>> -> memref<1x128xi32, #tpu.memory_space<vmem>>
      %dma_start3A_773 = tpu.memref_squeeze %dma_start3A_772 : memref<1x128xi32, #tpu.memory_space<vmem>> -> memref<128xi32, #tpu.memory_space<vmem>>
      %dma_start3A_774 = arith.constant 0 : i32
      %dma_start3A_775 = arith.constant 0 : i32
      %dma_start3A_776 = tpu.memref_slice %arg2[%dma_start3A_774, %dma_start3A_775] : memref<10000x16xf32, #tpu.memory_space<hbm>> -> memref<10000x16xf32, #tpu.memory_space<hbm>>
      tpu.enqueue_indirect_dma source(%dma_start3A_776 : memref<10000x16xf32, #tpu.memory_space<hbm>>) target(%arg16 : memref<128x16xf32, #tpu.memory_space<vmem>>) offsets(%dma_start3A_773 : memref<128xi32, #tpu.memory_space<vmem>>) semaphore(%arg27 : memref<!tpu.dma_semaphore, #tpu.memory_space<semaphore_mem>>)
      %add3A_777 = arith.constant 1 : i32
      %add3A_778 = arith.addi %scan3A_417, %add3A_777 : i32
      %mul3A_779 = arith.constant 10 : i32
      %mul3A_780 = arith.muli %add3A_778, %mul3A_779 : i32
      %add3A_781 = arith.constant 9 : i32
      %add3A_782 = arith.addi %mul3A_780, %add3A_781 : i32
      %min3A_783 = arith.constant 79 : i32
      %min3A_784 = arith.minsi %add3A_782, %min3A_783 : i32
      %dma_wait3A_785 = arith.constant 0 : i32
      %dma_wait3A_786 = arith.constant 0 : i32
      %dma_wait3A_787 = tpu.memref_slice %arg7[%dma_wait3A_785, %dma_wait3A_786] : memref<80x128xi32, #tpu.memory_space<vmem>> -> memref<1x128xi32, #tpu.memory_space<vmem>>
      %dma_wait3A_788 = tpu.memref_squeeze %dma_wait3A_787 : memref<1x128xi32, #tpu.memory_space<vmem>> -> memref<128xi32, #tpu.memory_space<vmem>>
      %dma_wait3A_789 = arith.constant 0 : i32
      %dma_wait3A_790 = arith.constant 0 : i32
      %dma_wait3A_791 = tpu.memref_slice %arg18[%dma_wait3A_789, %dma_wait3A_790] : memref<10240x16xf32, #tpu.memory_space<vmem_shared>> -> memref<10240x16xf32, #tpu.memory_space<vmem_shared>>
      tpu.wait_indirect_dma semaphore(%arg38 : memref<!tpu.dma_semaphore, #tpu.memory_space<semaphore_mem>>) src(%arg17 : memref<128x16xf32, #tpu.memory_space<vmem>>) dst(%dma_wait3A_791 : memref<10240x16xf32, #tpu.memory_space<vmem_shared>>)
      %dma_start3A_792 = arith.constant 0 : i32
      %dma_start3A_793 = tpu.memref_slice %arg6[%min3A_784, %dma_start3A_792] : memref<80x128xi32, #tpu.memory_space<vmem>> -> memref<1x128xi32, #tpu.memory_space<vmem>>
      %dma_start3A_794 = tpu.memref_squeeze %dma_start3A_793 : memref<1x128xi32, #tpu.memory_space<vmem>> -> memref<128xi32, #tpu.memory_space<vmem>>
      %dma_start3A_795 = arith.constant 0 : i32
      %dma_start3A_796 = arith.constant 0 : i32
      %dma_start3A_797 = tpu.memref_slice %arg2[%dma_start3A_795, %dma_start3A_796] : memref<10000x16xf32, #tpu.memory_space<hbm>> -> memref<10000x16xf32, #tpu.memory_space<hbm>>
      tpu.enqueue_indirect_dma source(%dma_start3A_797 : memref<10000x16xf32, #tpu.memory_space<hbm>>) target(%arg17 : memref<128x16xf32, #tpu.memory_space<vmem>>) offsets(%dma_start3A_794 : memref<128xi32, #tpu.memory_space<vmem>>) semaphore(%arg28 : memref<!tpu.dma_semaphore, #tpu.memory_space<semaphore_mem>>)
      %scan3A_798 = arith.constant 0 : i32
      scf.yield %scan3A_798 : i32
    }
    %scan3A_335 = arith.constant 8 : i32
    %dma_wait3A_336 = arith.constant 0 : i32
    %dma_wait3A_337 = arith.constant 0 : i32
    %dma_wait3A_338 = tpu.memref_slice %arg6[%dma_wait3A_336, %dma_wait3A_337] : memref<80x128xi32, #tpu.memory_space<vmem>> -> memref<1x128xi32, #tpu.memory_space<vmem>>
    %dma_wait3A_339 = tpu.memref_squeeze %dma_wait3A_338 : memref<1x128xi32, #tpu.memory_space<vmem>> -> memref<128xi32, #tpu.memory_space<vmem>>
    %dma_wait3A_340 = arith.constant 0 : i32
    %dma_wait3A_341 = arith.constant 0 : i32
    %dma_wait3A_342 = tpu.memref_slice %arg2[%dma_wait3A_340, %dma_wait3A_341] : memref<10000x16xf32, #tpu.memory_space<hbm>> -> memref<10000x16xf32, #tpu.memory_space<hbm>>
    tpu.wait_indirect_dma semaphore(%arg19 : memref<!tpu.dma_semaphore, #tpu.memory_space<semaphore_mem>>) src(%dma_wait3A_342 : memref<10000x16xf32, #tpu.memory_space<hbm>>) dst(%arg8 : memref<128x16xf32, #tpu.memory_space<vmem>>)
    %dma_wait3A_343 = arith.constant 0 : i32
    %dma_wait3A_344 = arith.constant 0 : i32
    %dma_wait3A_345 = tpu.memref_slice %arg6[%dma_wait3A_343, %dma_wait3A_344] : memref<80x128xi32, #tpu.memory_space<vmem>> -> memref<1x128xi32, #tpu.memory_space<vmem>>
    %dma_wait3A_346 = tpu.memref_squeeze %dma_wait3A_345 : memref<1x128xi32, #tpu.memory_space<vmem>> -> memref<128xi32, #tpu.memory_space<vmem>>
    %dma_wait3A_347 = arith.constant 0 : i32
    %dma_wait3A_348 = arith.constant 0 : i32
    %dma_wait3A_349 = tpu.memref_slice %arg2[%dma_wait3A_347, %dma_wait3A_348] : memref<10000x16xf32, #tpu.memory_space<hbm>> -> memref<10000x16xf32, #tpu.memory_space<hbm>>
    tpu.wait_indirect_dma semaphore(%arg20 : memref<!tpu.dma_semaphore, #tpu.memory_space<semaphore_mem>>) src(%dma_wait3A_349 : memref<10000x16xf32, #tpu.memory_space<hbm>>) dst(%arg9 : memref<128x16xf32, #tpu.memory_space<vmem>>)
    %dma_wait3A_350 = arith.constant 0 : i32
    %dma_wait3A_351 = arith.constant 0 : i32
    %dma_wait3A_352 = tpu.memref_slice %arg6[%dma_wait3A_350, %dma_wait3A_351] : memref<80x128xi32, #tpu.memory_space<vmem>> -> memref<1x128xi32, #tpu.memory_space<vmem>>
    %dma_wait3A_353 = tpu.memref_squeeze %dma_wait3A_352 : memref<1x128xi32, #tpu.memory_space<vmem>> -> memref<128xi32, #tpu.memory_space<vmem>>
    %dma_wait3A_354 = arith.constant 0 : i32
    %dma_wait3A_355 = arith.constant 0 : i32
    %dma_wait3A_356 = tpu.memref_slice %arg2[%dma_wait3A_354, %dma_wait3A_355] : memref<10000x16xf32, #tpu.memory_space<hbm>> -> memref<10000x16xf32, #tpu.memory_space<hbm>>
    tpu.wait_indirect_dma semaphore(%arg21 : memref<!tpu.dma_semaphore, #tpu.memory_space<semaphore_mem>>) src(%dma_wait3A_356 : memref<10000x16xf32, #tpu.memory_space<hbm>>) dst(%arg10 : memref<128x16xf32, #tpu.memory_space<vmem>>)
    %dma_wait3A_357 = arith.constant 0 : i32
    %dma_wait3A_358 = arith.constant 0 : i32
    %dma_wait3A_359 = tpu.memref_slice %arg6[%dma_wait3A_357, %dma_wait3A_358] : memref<80x128xi32, #tpu.memory_space<vmem>> -> memref<1x128xi32, #tpu.memory_space<vmem>>
    %dma_wait3A_360 = tpu.memref_squeeze %dma_wait3A_359 : memref<1x128xi32, #tpu.memory_space<vmem>> -> memref<128xi32, #tpu.memory_space<vmem>>
    %dma_wait3A_361 = arith.constant 0 : i32
    %dma_wait3A_362 = arith.constant 0 : i32
    %dma_wait3A_363 = tpu.memref_slice %arg2[%dma_wait3A_361, %dma_wait3A_362] : memref<10000x16xf32, #tpu.memory_space<hbm>> -> memref<10000x16xf32, #tpu.memory_space<hbm>>
    tpu.wait_indirect_dma semaphore(%arg22 : memref<!tpu.dma_semaphore, #tpu.memory_space<semaphore_mem>>) src(%dma_wait3A_363 : memref<10000x16xf32, #tpu.memory_space<hbm>>) dst(%arg11 : memref<128x16xf32, #tpu.memory_space<vmem>>)
    %dma_wait3A_364 = arith.constant 0 : i32
    %dma_wait3A_365 = arith.constant 0 : i32
    %dma_wait3A_366 = tpu.memref_slice %arg6[%dma_wait3A_364, %dma_wait3A_365] : memref<80x128xi32, #tpu.memory_space<vmem>> -> memref<1x128xi32, #tpu.memory_space<vmem>>
    %dma_wait3A_367 = tpu.memref_squeeze %dma_wait3A_366 : memref<1x128xi32, #tpu.memory_space<vmem>> -> memref<128xi32, #tpu.memory_space<vmem>>
    %dma_wait3A_368 = arith.constant 0 : i32
    %dma_wait3A_369 = arith.constant 0 : i32
    %dma_wait3A_370 = tpu.memref_slice %arg2[%dma_wait3A_368, %dma_wait3A_369] : memref<10000x16xf32, #tpu.memory_space<hbm>> -> memref<10000x16xf32, #tpu.memory_space<hbm>>
    tpu.wait_indirect_dma semaphore(%arg23 : memref<!tpu.dma_semaphore, #tpu.memory_space<semaphore_mem>>) src(%dma_wait3A_370 : memref<10000x16xf32, #tpu.memory_space<hbm>>) dst(%arg12 : memref<128x16xf32, #tpu.memory_space<vmem>>)
    %dma_wait3A_371 = arith.constant 0 : i32
    %dma_wait3A_372 = arith.constant 0 : i32
    %dma_wait3A_373 = tpu.memref_slice %arg6[%dma_wait3A_371, %dma_wait3A_372] : memref<80x128xi32, #tpu.memory_space<vmem>> -> memref<1x128xi32, #tpu.memory_space<vmem>>
    %dma_wait3A_374 = tpu.memref_squeeze %dma_wait3A_373 : memref<1x128xi32, #tpu.memory_space<vmem>> -> memref<128xi32, #tpu.memory_space<vmem>>
    %dma_wait3A_375 = arith.constant 0 : i32
    %dma_wait3A_376 = arith.constant 0 : i32
    %dma_wait3A_377 = tpu.memref_slice %arg2[%dma_wait3A_375, %dma_wait3A_376] : memref<10000x16xf32, #tpu.memory_space<hbm>> -> memref<10000x16xf32, #tpu.memory_space<hbm>>
    tpu.wait_indirect_dma semaphore(%arg24 : memref<!tpu.dma_semaphore, #tpu.memory_space<semaphore_mem>>) src(%dma_wait3A_377 : memref<10000x16xf32, #tpu.memory_space<hbm>>) dst(%arg13 : memref<128x16xf32, #tpu.memory_space<vmem>>)
    %dma_wait3A_378 = arith.constant 0 : i32
    %dma_wait3A_379 = arith.constant 0 : i32
    %dma_wait3A_380 = tpu.memref_slice %arg6[%dma_wait3A_378, %dma_wait3A_379] : memref<80x128xi32, #tpu.memory_space<vmem>> -> memref<1x128xi32, #tpu.memory_space<vmem>>
    %dma_wait3A_381 = tpu.memref_squeeze %dma_wait3A_380 : memref<1x128xi32, #tpu.memory_space<vmem>> -> memref<128xi32, #tpu.memory_space<vmem>>
    %dma_wait3A_382 = arith.constant 0 : i32
    %dma_wait3A_383 = arith.constant 0 : i32
    %dma_wait3A_384 = tpu.memref_slice %arg2[%dma_wait3A_382, %dma_wait3A_383] : memref<10000x16xf32, #tpu.memory_space<hbm>> -> memref<10000x16xf32, #tpu.memory_space<hbm>>
    tpu.wait_indirect_dma semaphore(%arg25 : memref<!tpu.dma_semaphore, #tpu.memory_space<semaphore_mem>>) src(%dma_wait3A_384 : memref<10000x16xf32, #tpu.memory_space<hbm>>) dst(%arg14 : memref<128x16xf32, #tpu.memory_space<vmem>>)
    %dma_wait3A_385 = arith.constant 0 : i32
    %dma_wait3A_386 = arith.constant 0 : i32
    %dma_wait3A_387 = tpu.memref_slice %arg6[%dma_wait3A_385, %dma_wait3A_386] : memref<80x128xi32, #tpu.memory_space<vmem>> -> memref<1x128xi32, #tpu.memory_space<vmem>>
    %dma_wait3A_388 = tpu.memref_squeeze %dma_wait3A_387 : memref<1x128xi32, #tpu.memory_space<vmem>> -> memref<128xi32, #tpu.memory_space<vmem>>
    %dma_wait3A_389 = arith.constant 0 : i32
    %dma_wait3A_390 = arith.constant 0 : i32
    %dma_wait3A_391 = tpu.memref_slice %arg2[%dma_wait3A_389, %dma_wait3A_390] : memref<10000x16xf32, #tpu.memory_space<hbm>> -> memref<10000x16xf32, #tpu.memory_space<hbm>>
    tpu.wait_indirect_dma semaphore(%arg26 : memref<!tpu.dma_semaphore, #tpu.memory_space<semaphore_mem>>) src(%dma_wait3A_391 : memref<10000x16xf32, #tpu.memory_space<hbm>>) dst(%arg15 : memref<128x16xf32, #tpu.memory_space<vmem>>)
    %dma_wait3A_392 = arith.constant 0 : i32
    %dma_wait3A_393 = arith.constant 0 : i32
    %dma_wait3A_394 = tpu.memref_slice %arg6[%dma_wait3A_392, %dma_wait3A_393] : memref<80x128xi32, #tpu.memory_space<vmem>> -> memref<1x128xi32, #tpu.memory_space<vmem>>
    %dma_wait3A_395 = tpu.memref_squeeze %dma_wait3A_394 : memref<1x128xi32, #tpu.memory_space<vmem>> -> memref<128xi32, #tpu.memory_space<vmem>>
    %dma_wait3A_396 = arith.constant 0 : i32
    %dma_wait3A_397 = arith.constant 0 : i32
    %dma_wait3A_398 = tpu.memref_slice %arg2[%dma_wait3A_396, %dma_wait3A_397] : memref<10000x16xf32, #tpu.memory_space<hbm>> -> memref<10000x16xf32, #tpu.memory_space<hbm>>
    tpu.wait_indirect_dma semaphore(%arg27 : memref<!tpu.dma_semaphore, #tpu.memory_space<semaphore_mem>>) src(%dma_wait3A_398 : memref<10000x16xf32, #tpu.memory_space<hbm>>) dst(%arg16 : memref<128x16xf32, #tpu.memory_space<vmem>>)
    %dma_wait3A_399 = arith.constant 0 : i32
    %dma_wait3A_400 = arith.constant 0 : i32
    %dma_wait3A_401 = tpu.memref_slice %arg6[%dma_wait3A_399, %dma_wait3A_400] : memref<80x128xi32, #tpu.memory_space<vmem>> -> memref<1x128xi32, #tpu.memory_space<vmem>>
    %dma_wait3A_402 = tpu.memref_squeeze %dma_wait3A_401 : memref<1x128xi32, #tpu.memory_space<vmem>> -> memref<128xi32, #tpu.memory_space<vmem>>
    %dma_wait3A_403 = arith.constant 0 : i32
    %dma_wait3A_404 = arith.constant 0 : i32
    %dma_wait3A_405 = tpu.memref_slice %arg2[%dma_wait3A_403, %dma_wait3A_404] : memref<10000x16xf32, #tpu.memory_space<hbm>> -> memref<10000x16xf32, #tpu.memory_space<hbm>>
    tpu.wait_indirect_dma semaphore(%arg28 : memref<!tpu.dma_semaphore, #tpu.memory_space<semaphore_mem>>) src(%dma_wait3A_405 : memref<10000x16xf32, #tpu.memory_space<hbm>>) dst(%arg17 : memref<128x16xf32, #tpu.memory_space<vmem>>)
    %barrier3A_406 = arith.constant 0 : index
    tpu.barrier barrier_id(%barrier3A_406)
    %dma_start3A_407 = arith.constant 0 : i32
    %dma_start3A_408 = tpu.memref_slice %arg5[%arg0, %mul3A_2, %dma_start3A_407] : memref<2x10240x16xf32, #tpu.memory_space<hbm>> -> memref<1x640x16xf32, #tpu.memory_space<hbm>>
    %dma_start3A_409 = tpu.memref_squeeze %dma_start3A_408 : memref<1x640x16xf32, #tpu.memory_space<hbm>> -> memref<640x16xf32, #tpu.memory_space<hbm>>
    %dma_start3A_410 = arith.constant 0 : i32
    %dma_start3A_411 = tpu.memref_slice %arg18[%mul3A_2, %dma_start3A_410] : memref<10240x16xf32, #tpu.memory_space<vmem_shared>> -> memref<640x16xf32, #tpu.memory_space<vmem_shared>>
    tpu.enqueue_dma source(%dma_start3A_411 : memref<640x16xf32, #tpu.memory_space<vmem_shared>>) target(%dma_start3A_409 : memref<640x16xf32, #tpu.memory_space<hbm>>) target_semaphore(%arg19 : memref<!tpu.dma_semaphore, #tpu.memory_space<semaphore_mem>>)
    %dma_wait3A_412 = arith.constant 0 : i32
    %dma_wait3A_413 = tpu.memref_slice %arg5[%arg0, %mul3A_2, %dma_wait3A_412] : memref<2x10240x16xf32, #tpu.memory_space<hbm>> -> memref<1x640x16xf32, #tpu.memory_space<hbm>>
    %dma_wait3A_414 = tpu.memref_squeeze %dma_wait3A_413 : memref<1x640x16xf32, #tpu.memory_space<hbm>> -> memref<640x16xf32, #tpu.memory_space<hbm>>
    %dma_wait3A_415 = arith.constant 0 : i32
    %dma_wait3A_416 = tpu.memref_slice %arg18[%mul3A_2, %dma_wait3A_415] : memref<10240x16xf32, #tpu.memory_space<vmem_shared>> -> memref<640x16xf32, #tpu.memory_space<vmem_shared>>
    tpu.wait_dma2 semaphore(%arg19 : memref<!tpu.dma_semaphore, #tpu.memory_space<semaphore_mem>>) src(%dma_wait3A_416 : memref<640x16xf32, #tpu.memory_space<vmem_shared>>) dst(%dma_wait3A_414 : memref<640x16xf32, #tpu.memory_space<hbm>>)
    return
  }
}

#map = affine_map<(d0, d1) -> (0, 0, 0)>
module attributes {stable_mosaic.version = 14 : i64} {
  func.func @_degree_kernel(%arg0: i32, %arg1: i32, %arg2: memref<32x80x128xi32, #tpu.memory_space<hbm>>, %arg3: memref<2x10240x16xf32, #tpu.memory_space<hbm>>, %arg4: memref<80x128xi32, #tpu.memory_space<vmem>>, %arg5: memref<128x16xf32, #tpu.memory_space<vmem>>, %arg6: memref<64x16xf32, #tpu.memory_space<vmem>>, %arg7: memref<10240x16xf32, #tpu.memory_space<vmem_shared>>, %arg8: memref<!tpu.dma_semaphore, #tpu.memory_space<semaphore_mem>>, %arg9: memref<!tpu.dma_semaphore, #tpu.memory_space<semaphore_mem>>, %arg10: memref<!tpu.dma_semaphore, #tpu.memory_space<semaphore_mem>>, %arg11: memref<!tpu.dma_semaphore, #tpu.memory_space<semaphore_mem>>) attributes {dimension_semantics = [#tpu.dimension_semantics<core_parallel>, #tpu.dimension_semantics<subcore_parallel>], iteration_bounds = array<i64: 2, 16>, scalar_prefetch = 0 : i64, scratch_operands = 8 : i64, tpu.core_type = #tpu.core_type<sc_vector_subcore>, window_params = [{transform_indices = #map}, {transform_indices = #map}]} {
    %mul3A = arith.constant 16 : i32
    %mul3A_0 = arith.muli %arg0, %mul3A : i32
    %add3A = arith.addi %mul3A_0, %arg1 : i32
    %mul3A_1 = arith.constant 640 : i32
    %mul3A_2 = arith.muli %arg1, %mul3A_1 : i32
    %dma_start3A = arith.constant 0 : i32
    %dma_start3A_3 = arith.constant 0 : i32
    %dma_start3A_4 = tpu.memref_slice %arg2[%add3A, %dma_start3A, %dma_start3A_3] : memref<32x80x128xi32, #tpu.memory_space<hbm>> -> memref<1x80x128xi32, #tpu.memory_space<hbm>>
    %dma_start3A_5 = tpu.memref_squeeze %dma_start3A_4 : memref<1x80x128xi32, #tpu.memory_space<hbm>> -> memref<80x128xi32, #tpu.memory_space<hbm>>
    %dma_start3A_6 = arith.constant 0 : i32
    %dma_start3A_7 = arith.constant 0 : i32
    %dma_start3A_8 = tpu.memref_slice %arg2[%add3A, %dma_start3A_6, %dma_start3A_7] : memref<32x80x128xi32, #tpu.memory_space<hbm>> -> memref<1x80x128xi32, #tpu.memory_space<hbm>>
    %dma_start3A_9 = tpu.memref_squeeze %dma_start3A_8 : memref<1x80x128xi32, #tpu.memory_space<hbm>> -> memref<80x128xi32, #tpu.memory_space<hbm>>
    tpu.enqueue_dma source(%dma_start3A_9 : memref<80x128xi32, #tpu.memory_space<hbm>>) target(%arg4 : memref<80x128xi32, #tpu.memory_space<vmem>>) target_semaphore(%arg9 : memref<!tpu.dma_semaphore, #tpu.memory_space<semaphore_mem>>)
    %scan3A = arith.constant 0 : i32
    %scan3A_10 = arith.constant 0 : i32
    %scan3A_11 = arith.constant 64 : i32
    %scan3A_12 = arith.addi %scan3A_10, %scan3A_11 : i32
    %scan3A_13 = arith.constant 1 : i32
    %scan3A_14 = scf.for %scan3A_324 = %scan3A_10 to %scan3A_12 step %scan3A_13 iter_args(%scan3A_325 = %scan3A) -> (i32)  : i32 {
      %scan3A_326 = arith.constant 0 : i32
      %scan3A_327 = arith.constant 0 : i32
      %broadcast_in_dim3A = arith.constant 0.000000e+00 : f32
      %broadcast_in_dim3A_328 = vector.broadcast %broadcast_in_dim3A : f32 to vector<16xf32>
      %mul3A_329 = arith.constant 16 : i32
      %mul3A_330 = arith.muli %scan3A_327, %mul3A_329 : i32
      %swap3A = arith.index_cast %scan3A_324 : i32 to index
      %swap3A_331 = arith.index_cast %mul3A_330 : i32 to index
      %swap3A_332 = tpu.vector_load %arg6[%swap3A, %swap3A_331] {strides = array<i32>} : memref<64x16xf32, #tpu.memory_space<vmem>>, vector<1x16xf32>,
      %swap3A_333 = vector.shape_cast %swap3A_332 : vector<1x16xf32> to vector<16xf32>
      %swap3A_334 = vector.shape_cast %broadcast_in_dim3A_328 : vector<16xf32> to vector<1x16xf32>
      tpu.vector_store %arg6[%swap3A, %swap3A_331], %swap3A_334 {strides = array<i32>} : memref<64x16xf32, #tpu.memory_space<vmem>>, vector<1x16xf32>,
      %scan3A_335 = arith.constant 0 : i32
      %scan3A_336 = arith.constant 1 : i32
      scf.yield %scan3A_335 : i32
    }
    %scan3A_15 = arith.constant 64 : i32
    %add3A_16 = arith.constant 0 : i32
    %add3A_17 = arith.addi %mul3A_2, %add3A_16 : i32
    %dma_start3A_18 = arith.constant 0 : i32
    %dma_start3A_19 = arith.constant 0 : i32
    %dma_start3A_20 = tpu.memref_slice %arg6[%dma_start3A_18, %dma_start3A_19] : memref<64x16xf32, #tpu.memory_space<vmem>> -> memref<64x16xf32, #tpu.memory_space<vmem>>
    %dma_start3A_21 = arith.constant 0 : i32
    %dma_start3A_22 = tpu.memref_slice %arg7[%add3A_17, %dma_start3A_21] : memref<10240x16xf32, #tpu.memory_space<vmem_shared>> -> memref<64x16xf32, #tpu.memory_space<vmem_shared>>
    %dma_start3A_23 = arith.constant 0 : i32
    %dma_start3A_24 = tpu.memref_slice %arg7[%add3A_17, %dma_start3A_23] : memref<10240x16xf32, #tpu.memory_space<vmem_shared>> -> memref<64x16xf32, #tpu.memory_space<vmem_shared>>
    %dma_start3A_25 = arith.constant 0 : i32
    %dma_start3A_26 = arith.constant 0 : i32
    %dma_start3A_27 = tpu.memref_slice %arg6[%dma_start3A_25, %dma_start3A_26] : memref<64x16xf32, #tpu.memory_space<vmem>> -> memref<64x16xf32, #tpu.memory_space<vmem>>
    tpu.enqueue_dma source(%dma_start3A_27 : memref<64x16xf32, #tpu.memory_space<vmem>>) target(%dma_start3A_24 : memref<64x16xf32, #tpu.memory_space<vmem_shared>>) target_semaphore(%arg8 : memref<!tpu.dma_semaphore, #tpu.memory_space<semaphore_mem>>)
    %add3A_28 = arith.constant 64 : i32
    %add3A_29 = arith.addi %mul3A_2, %add3A_28 : i32
    %dma_start3A_30 = arith.constant 0 : i32
    %dma_start3A_31 = arith.constant 0 : i32
    %dma_start3A_32 = tpu.memref_slice %arg6[%dma_start3A_30, %dma_start3A_31] : memref<64x16xf32, #tpu.memory_space<vmem>> -> memref<64x16xf32, #tpu.memory_space<vmem>>
    %dma_start3A_33 = arith.constant 0 : i32
    %dma_start3A_34 = tpu.memref_slice %arg7[%add3A_29, %dma_start3A_33] : memref<10240x16xf32, #tpu.memory_space<vmem_shared>> -> memref<64x16xf32, #tpu.memory_space<vmem_shared>>
    %dma_start3A_35 = arith.constant 0 : i32
    %dma_start3A_36 = tpu.memref_slice %arg7[%add3A_29, %dma_start3A_35] : memref<10240x16xf32, #tpu.memory_space<vmem_shared>> -> memref<64x16xf32, #tpu.memory_space<vmem_shared>>
    %dma_start3A_37 = arith.constant 0 : i32
    %dma_start3A_38 = arith.constant 0 : i32
    %dma_start3A_39 = tpu.memref_slice %arg6[%dma_start3A_37, %dma_start3A_38] : memref<64x16xf32, #tpu.memory_space<vmem>> -> memref<64x16xf32, #tpu.memory_space<vmem>>
    tpu.enqueue_dma source(%dma_start3A_39 : memref<64x16xf32, #tpu.memory_space<vmem>>) target(%dma_start3A_36 : memref<64x16xf32, #tpu.memory_space<vmem_shared>>) target_semaphore(%arg8 : memref<!tpu.dma_semaphore, #tpu.memory_space<semaphore_mem>>)
    %add3A_40 = arith.constant 128 : i32
    %add3A_41 = arith.addi %mul3A_2, %add3A_40 : i32
    %dma_start3A_42 = arith.constant 0 : i32
    %dma_start3A_43 = arith.constant 0 : i32
    %dma_start3A_44 = tpu.memref_slice %arg6[%dma_start3A_42, %dma_start3A_43] : memref<64x16xf32, #tpu.memory_space<vmem>> -> memref<64x16xf32, #tpu.memory_space<vmem>>
    %dma_start3A_45 = arith.constant 0 : i32
    %dma_start3A_46 = tpu.memref_slice %arg7[%add3A_41, %dma_start3A_45] : memref<10240x16xf32, #tpu.memory_space<vmem_shared>> -> memref<64x16xf32, #tpu.memory_space<vmem_shared>>
    %dma_start3A_47 = arith.constant 0 : i32
    %dma_start3A_48 = tpu.memref_slice %arg7[%add3A_41, %dma_start3A_47] : memref<10240x16xf32, #tpu.memory_space<vmem_shared>> -> memref<64x16xf32, #tpu.memory_space<vmem_shared>>
    %dma_start3A_49 = arith.constant 0 : i32
    %dma_start3A_50 = arith.constant 0 : i32
    %dma_start3A_51 = tpu.memref_slice %arg6[%dma_start3A_49, %dma_start3A_50] : memref<64x16xf32, #tpu.memory_space<vmem>> -> memref<64x16xf32, #tpu.memory_space<vmem>>
    tpu.enqueue_dma source(%dma_start3A_51 : memref<64x16xf32, #tpu.memory_space<vmem>>) target(%dma_start3A_48 : memref<64x16xf32, #tpu.memory_space<vmem_shared>>) target_semaphore(%arg8 : memref<!tpu.dma_semaphore, #tpu.memory_space<semaphore_mem>>)
    %add3A_52 = arith.constant 192 : i32
    %add3A_53 = arith.addi %mul3A_2, %add3A_52 : i32
    %dma_start3A_54 = arith.constant 0 : i32
    %dma_start3A_55 = arith.constant 0 : i32
    %dma_start3A_56 = tpu.memref_slice %arg6[%dma_start3A_54, %dma_start3A_55] : memref<64x16xf32, #tpu.memory_space<vmem>> -> memref<64x16xf32, #tpu.memory_space<vmem>>
    %dma_start3A_57 = arith.constant 0 : i32
    %dma_start3A_58 = tpu.memref_slice %arg7[%add3A_53, %dma_start3A_57] : memref<10240x16xf32, #tpu.memory_space<vmem_shared>> -> memref<64x16xf32, #tpu.memory_space<vmem_shared>>
    %dma_start3A_59 = arith.constant 0 : i32
    %dma_start3A_60 = tpu.memref_slice %arg7[%add3A_53, %dma_start3A_59] : memref<10240x16xf32, #tpu.memory_space<vmem_shared>> -> memref<64x16xf32, #tpu.memory_space<vmem_shared>>
    %dma_start3A_61 = arith.constant 0 : i32
    %dma_start3A_62 = arith.constant 0 : i32
    %dma_start3A_63 = tpu.memref_slice %arg6[%dma_start3A_61, %dma_start3A_62] : memref<64x16xf32, #tpu.memory_space<vmem>> -> memref<64x16xf32, #tpu.memory_space<vmem>>
    tpu.enqueue_dma source(%dma_start3A_63 : memref<64x16xf32, #tpu.memory_space<vmem>>) target(%dma_start3A_60 : memref<64x16xf32, #tpu.memory_space<vmem_shared>>) target_semaphore(%arg8 : memref<!tpu.dma_semaphore, #tpu.memory_space<semaphore_mem>>)
    %add3A_64 = arith.constant 256 : i32
    %add3A_65 = arith.addi %mul3A_2, %add3A_64 : i32
    %dma_start3A_66 = arith.constant 0 : i32
    %dma_start3A_67 = arith.constant 0 : i32
    %dma_start3A_68 = tpu.memref_slice %arg6[%dma_start3A_66, %dma_start3A_67] : memref<64x16xf32, #tpu.memory_space<vmem>> -> memref<64x16xf32, #tpu.memory_space<vmem>>
    %dma_start3A_69 = arith.constant 0 : i32
    %dma_start3A_70 = tpu.memref_slice %arg7[%add3A_65, %dma_start3A_69] : memref<10240x16xf32, #tpu.memory_space<vmem_shared>> -> memref<64x16xf32, #tpu.memory_space<vmem_shared>>
    %dma_start3A_71 = arith.constant 0 : i32
    %dma_start3A_72 = tpu.memref_slice %arg7[%add3A_65, %dma_start3A_71] : memref<10240x16xf32, #tpu.memory_space<vmem_shared>> -> memref<64x16xf32, #tpu.memory_space<vmem_shared>>
    %dma_start3A_73 = arith.constant 0 : i32
    %dma_start3A_74 = arith.constant 0 : i32
    %dma_start3A_75 = tpu.memref_slice %arg6[%dma_start3A_73, %dma_start3A_74] : memref<64x16xf32, #tpu.memory_space<vmem>> -> memref<64x16xf32, #tpu.memory_space<vmem>>
    tpu.enqueue_dma source(%dma_start3A_75 : memref<64x16xf32, #tpu.memory_space<vmem>>) target(%dma_start3A_72 : memref<64x16xf32, #tpu.memory_space<vmem_shared>>) target_semaphore(%arg8 : memref<!tpu.dma_semaphore, #tpu.memory_space<semaphore_mem>>)
    %add3A_76 = arith.constant 320 : i32
    %add3A_77 = arith.addi %mul3A_2, %add3A_76 : i32
    %dma_start3A_78 = arith.constant 0 : i32
    %dma_start3A_79 = arith.constant 0 : i32
    %dma_start3A_80 = tpu.memref_slice %arg6[%dma_start3A_78, %dma_start3A_79] : memref<64x16xf32, #tpu.memory_space<vmem>> -> memref<64x16xf32, #tpu.memory_space<vmem>>
    %dma_start3A_81 = arith.constant 0 : i32
    %dma_start3A_82 = tpu.memref_slice %arg7[%add3A_77, %dma_start3A_81] : memref<10240x16xf32, #tpu.memory_space<vmem_shared>> -> memref<64x16xf32, #tpu.memory_space<vmem_shared>>
    %dma_start3A_83 = arith.constant 0 : i32
    %dma_start3A_84 = tpu.memref_slice %arg7[%add3A_77, %dma_start3A_83] : memref<10240x16xf32, #tpu.memory_space<vmem_shared>> -> memref<64x16xf32, #tpu.memory_space<vmem_shared>>
    %dma_start3A_85 = arith.constant 0 : i32
    %dma_start3A_86 = arith.constant 0 : i32
    %dma_start3A_87 = tpu.memref_slice %arg6[%dma_start3A_85, %dma_start3A_86] : memref<64x16xf32, #tpu.memory_space<vmem>> -> memref<64x16xf32, #tpu.memory_space<vmem>>
    tpu.enqueue_dma source(%dma_start3A_87 : memref<64x16xf32, #tpu.memory_space<vmem>>) target(%dma_start3A_84 : memref<64x16xf32, #tpu.memory_space<vmem_shared>>) target_semaphore(%arg8 : memref<!tpu.dma_semaphore, #tpu.memory_space<semaphore_mem>>)
    %add3A_88 = arith.constant 384 : i32
    %add3A_89 = arith.addi %mul3A_2, %add3A_88 : i32
    %dma_start3A_90 = arith.constant 0 : i32
    %dma_start3A_91 = arith.constant 0 : i32
    %dma_start3A_92 = tpu.memref_slice %arg6[%dma_start3A_90, %dma_start3A_91] : memref<64x16xf32, #tpu.memory_space<vmem>> -> memref<64x16xf32, #tpu.memory_space<vmem>>
    %dma_start3A_93 = arith.constant 0 : i32
    %dma_start3A_94 = tpu.memref_slice %arg7[%add3A_89, %dma_start3A_93] : memref<10240x16xf32, #tpu.memory_space<vmem_shared>> -> memref<64x16xf32, #tpu.memory_space<vmem_shared>>
    %dma_start3A_95 = arith.constant 0 : i32
    %dma_start3A_96 = tpu.memref_slice %arg7[%add3A_89, %dma_start3A_95] : memref<10240x16xf32, #tpu.memory_space<vmem_shared>> -> memref<64x16xf32, #tpu.memory_space<vmem_shared>>
    %dma_start3A_97 = arith.constant 0 : i32
    %dma_start3A_98 = arith.constant 0 : i32
    %dma_start3A_99 = tpu.memref_slice %arg6[%dma_start3A_97, %dma_start3A_98] : memref<64x16xf32, #tpu.memory_space<vmem>> -> memref<64x16xf32, #tpu.memory_space<vmem>>
    tpu.enqueue_dma source(%dma_start3A_99 : memref<64x16xf32, #tpu.memory_space<vmem>>) target(%dma_start3A_96 : memref<64x16xf32, #tpu.memory_space<vmem_shared>>) target_semaphore(%arg8 : memref<!tpu.dma_semaphore, #tpu.memory_space<semaphore_mem>>)
    %add3A_100 = arith.constant 448 : i32
    %add3A_101 = arith.addi %mul3A_2, %add3A_100 : i32
    %dma_start3A_102 = arith.constant 0 : i32
    %dma_start3A_103 = arith.constant 0 : i32
    %dma_start3A_104 = tpu.memref_slice %arg6[%dma_start3A_102, %dma_start3A_103] : memref<64x16xf32, #tpu.memory_space<vmem>> -> memref<64x16xf32, #tpu.memory_space<vmem>>
    %dma_start3A_105 = arith.constant 0 : i32
    %dma_start3A_106 = tpu.memref_slice %arg7[%add3A_101, %dma_start3A_105] : memref<10240x16xf32, #tpu.memory_space<vmem_shared>> -> memref<64x16xf32, #tpu.memory_space<vmem_shared>>
    %dma_start3A_107 = arith.constant 0 : i32
    %dma_start3A_108 = tpu.memref_slice %arg7[%add3A_101, %dma_start3A_107] : memref<10240x16xf32, #tpu.memory_space<vmem_shared>> -> memref<64x16xf32, #tpu.memory_space<vmem_shared>>
    %dma_start3A_109 = arith.constant 0 : i32
    %dma_start3A_110 = arith.constant 0 : i32
    %dma_start3A_111 = tpu.memref_slice %arg6[%dma_start3A_109, %dma_start3A_110] : memref<64x16xf32, #tpu.memory_space<vmem>> -> memref<64x16xf32, #tpu.memory_space<vmem>>
    tpu.enqueue_dma source(%dma_start3A_111 : memref<64x16xf32, #tpu.memory_space<vmem>>) target(%dma_start3A_108 : memref<64x16xf32, #tpu.memory_space<vmem_shared>>) target_semaphore(%arg8 : memref<!tpu.dma_semaphore, #tpu.memory_space<semaphore_mem>>)
    %add3A_112 = arith.constant 512 : i32
    %add3A_113 = arith.addi %mul3A_2, %add3A_112 : i32
    %dma_start3A_114 = arith.constant 0 : i32
    %dma_start3A_115 = arith.constant 0 : i32
    %dma_start3A_116 = tpu.memref_slice %arg6[%dma_start3A_114, %dma_start3A_115] : memref<64x16xf32, #tpu.memory_space<vmem>> -> memref<64x16xf32, #tpu.memory_space<vmem>>
    %dma_start3A_117 = arith.constant 0 : i32
    %dma_start3A_118 = tpu.memref_slice %arg7[%add3A_113, %dma_start3A_117] : memref<10240x16xf32, #tpu.memory_space<vmem_shared>> -> memref<64x16xf32, #tpu.memory_space<vmem_shared>>
    %dma_start3A_119 = arith.constant 0 : i32
    %dma_start3A_120 = tpu.memref_slice %arg7[%add3A_113, %dma_start3A_119] : memref<10240x16xf32, #tpu.memory_space<vmem_shared>> -> memref<64x16xf32, #tpu.memory_space<vmem_shared>>
    %dma_start3A_121 = arith.constant 0 : i32
    %dma_start3A_122 = arith.constant 0 : i32
    %dma_start3A_123 = tpu.memref_slice %arg6[%dma_start3A_121, %dma_start3A_122] : memref<64x16xf32, #tpu.memory_space<vmem>> -> memref<64x16xf32, #tpu.memory_space<vmem>>
    tpu.enqueue_dma source(%dma_start3A_123 : memref<64x16xf32, #tpu.memory_space<vmem>>) target(%dma_start3A_120 : memref<64x16xf32, #tpu.memory_space<vmem_shared>>) target_semaphore(%arg8 : memref<!tpu.dma_semaphore, #tpu.memory_space<semaphore_mem>>)
    %add3A_124 = arith.constant 576 : i32
    %add3A_125 = arith.addi %mul3A_2, %add3A_124 : i32
    %dma_start3A_126 = arith.constant 0 : i32
    %dma_start3A_127 = arith.constant 0 : i32
    %dma_start3A_128 = tpu.memref_slice %arg6[%dma_start3A_126, %dma_start3A_127] : memref<64x16xf32, #tpu.memory_space<vmem>> -> memref<64x16xf32, #tpu.memory_space<vmem>>
    %dma_start3A_129 = arith.constant 0 : i32
    %dma_start3A_130 = tpu.memref_slice %arg7[%add3A_125, %dma_start3A_129] : memref<10240x16xf32, #tpu.memory_space<vmem_shared>> -> memref<64x16xf32, #tpu.memory_space<vmem_shared>>
    %dma_start3A_131 = arith.constant 0 : i32
    %dma_start3A_132 = tpu.memref_slice %arg7[%add3A_125, %dma_start3A_131] : memref<10240x16xf32, #tpu.memory_space<vmem_shared>> -> memref<64x16xf32, #tpu.memory_space<vmem_shared>>
    %dma_start3A_133 = arith.constant 0 : i32
    %dma_start3A_134 = arith.constant 0 : i32
    %dma_start3A_135 = tpu.memref_slice %arg6[%dma_start3A_133, %dma_start3A_134] : memref<64x16xf32, #tpu.memory_space<vmem>> -> memref<64x16xf32, #tpu.memory_space<vmem>>
    tpu.enqueue_dma source(%dma_start3A_135 : memref<64x16xf32, #tpu.memory_space<vmem>>) target(%dma_start3A_132 : memref<64x16xf32, #tpu.memory_space<vmem_shared>>) target_semaphore(%arg8 : memref<!tpu.dma_semaphore, #tpu.memory_space<semaphore_mem>>)
    %dma_wait3A = arith.constant 0 : i32
    %dma_wait3A_136 = arith.constant 0 : i32
    %dma_wait3A_137 = tpu.memref_slice %arg6[%dma_wait3A, %dma_wait3A_136] : memref<64x16xf32, #tpu.memory_space<vmem>> -> memref<64x16xf32, #tpu.memory_space<vmem>>
    %dma_wait3A_138 = arith.constant 0 : i32
    %dma_wait3A_139 = tpu.memref_slice %arg7[%add3A_17, %dma_wait3A_138] : memref<10240x16xf32, #tpu.memory_space<vmem_shared>> -> memref<64x16xf32, #tpu.memory_space<vmem_shared>>
    %dma_wait3A_140 = arith.constant 0 : i32
    %dma_wait3A_141 = tpu.memref_slice %arg7[%add3A_17, %dma_wait3A_140] : memref<10240x16xf32, #tpu.memory_space<vmem_shared>> -> memref<64x16xf32, #tpu.memory_space<vmem_shared>>
    %dma_wait3A_142 = arith.constant 0 : i32
    %dma_wait3A_143 = arith.constant 0 : i32
    %dma_wait3A_144 = tpu.memref_slice %arg6[%dma_wait3A_142, %dma_wait3A_143] : memref<64x16xf32, #tpu.memory_space<vmem>> -> memref<64x16xf32, #tpu.memory_space<vmem>>
    tpu.wait_dma2 semaphore(%arg8 : memref<!tpu.dma_semaphore, #tpu.memory_space<semaphore_mem>>) src(%dma_wait3A_144 : memref<64x16xf32, #tpu.memory_space<vmem>>) dst(%dma_wait3A_141 : memref<64x16xf32, #tpu.memory_space<vmem_shared>>)
    %dma_wait3A_145 = arith.constant 0 : i32
    %dma_wait3A_146 = arith.constant 0 : i32
    %dma_wait3A_147 = tpu.memref_slice %arg6[%dma_wait3A_145, %dma_wait3A_146] : memref<64x16xf32, #tpu.memory_space<vmem>> -> memref<64x16xf32, #tpu.memory_space<vmem>>
    %dma_wait3A_148 = arith.constant 0 : i32
    %dma_wait3A_149 = tpu.memref_slice %arg7[%add3A_29, %dma_wait3A_148] : memref<10240x16xf32, #tpu.memory_space<vmem_shared>> -> memref<64x16xf32, #tpu.memory_space<vmem_shared>>
    %dma_wait3A_150 = arith.constant 0 : i32
    %dma_wait3A_151 = tpu.memref_slice %arg7[%add3A_29, %dma_wait3A_150] : memref<10240x16xf32, #tpu.memory_space<vmem_shared>> -> memref<64x16xf32, #tpu.memory_space<vmem_shared>>
    %dma_wait3A_152 = arith.constant 0 : i32
    %dma_wait3A_153 = arith.constant 0 : i32
    %dma_wait3A_154 = tpu.memref_slice %arg6[%dma_wait3A_152, %dma_wait3A_153] : memref<64x16xf32, #tpu.memory_space<vmem>> -> memref<64x16xf32, #tpu.memory_space<vmem>>
    tpu.wait_dma2 semaphore(%arg8 : memref<!tpu.dma_semaphore, #tpu.memory_space<semaphore_mem>>) src(%dma_wait3A_154 : memref<64x16xf32, #tpu.memory_space<vmem>>) dst(%dma_wait3A_151 : memref<64x16xf32, #tpu.memory_space<vmem_shared>>)
    %dma_wait3A_155 = arith.constant 0 : i32
    %dma_wait3A_156 = arith.constant 0 : i32
    %dma_wait3A_157 = tpu.memref_slice %arg6[%dma_wait3A_155, %dma_wait3A_156] : memref<64x16xf32, #tpu.memory_space<vmem>> -> memref<64x16xf32, #tpu.memory_space<vmem>>
    %dma_wait3A_158 = arith.constant 0 : i32
    %dma_wait3A_159 = tpu.memref_slice %arg7[%add3A_41, %dma_wait3A_158] : memref<10240x16xf32, #tpu.memory_space<vmem_shared>> -> memref<64x16xf32, #tpu.memory_space<vmem_shared>>
    %dma_wait3A_160 = arith.constant 0 : i32
    %dma_wait3A_161 = tpu.memref_slice %arg7[%add3A_41, %dma_wait3A_160] : memref<10240x16xf32, #tpu.memory_space<vmem_shared>> -> memref<64x16xf32, #tpu.memory_space<vmem_shared>>
    %dma_wait3A_162 = arith.constant 0 : i32
    %dma_wait3A_163 = arith.constant 0 : i32
    %dma_wait3A_164 = tpu.memref_slice %arg6[%dma_wait3A_162, %dma_wait3A_163] : memref<64x16xf32, #tpu.memory_space<vmem>> -> memref<64x16xf32, #tpu.memory_space<vmem>>
    tpu.wait_dma2 semaphore(%arg8 : memref<!tpu.dma_semaphore, #tpu.memory_space<semaphore_mem>>) src(%dma_wait3A_164 : memref<64x16xf32, #tpu.memory_space<vmem>>) dst(%dma_wait3A_161 : memref<64x16xf32, #tpu.memory_space<vmem_shared>>)
    %dma_wait3A_165 = arith.constant 0 : i32
    %dma_wait3A_166 = arith.constant 0 : i32
    %dma_wait3A_167 = tpu.memref_slice %arg6[%dma_wait3A_165, %dma_wait3A_166] : memref<64x16xf32, #tpu.memory_space<vmem>> -> memref<64x16xf32, #tpu.memory_space<vmem>>
    %dma_wait3A_168 = arith.constant 0 : i32
    %dma_wait3A_169 = tpu.memref_slice %arg7[%add3A_53, %dma_wait3A_168] : memref<10240x16xf32, #tpu.memory_space<vmem_shared>> -> memref<64x16xf32, #tpu.memory_space<vmem_shared>>
    %dma_wait3A_170 = arith.constant 0 : i32
    %dma_wait3A_171 = tpu.memref_slice %arg7[%add3A_53, %dma_wait3A_170] : memref<10240x16xf32, #tpu.memory_space<vmem_shared>> -> memref<64x16xf32, #tpu.memory_space<vmem_shared>>
    %dma_wait3A_172 = arith.constant 0 : i32
    %dma_wait3A_173 = arith.constant 0 : i32
    %dma_wait3A_174 = tpu.memref_slice %arg6[%dma_wait3A_172, %dma_wait3A_173] : memref<64x16xf32, #tpu.memory_space<vmem>> -> memref<64x16xf32, #tpu.memory_space<vmem>>
    tpu.wait_dma2 semaphore(%arg8 : memref<!tpu.dma_semaphore, #tpu.memory_space<semaphore_mem>>) src(%dma_wait3A_174 : memref<64x16xf32, #tpu.memory_space<vmem>>) dst(%dma_wait3A_171 : memref<64x16xf32, #tpu.memory_space<vmem_shared>>)
    %dma_wait3A_175 = arith.constant 0 : i32
    %dma_wait3A_176 = arith.constant 0 : i32
    %dma_wait3A_177 = tpu.memref_slice %arg6[%dma_wait3A_175, %dma_wait3A_176] : memref<64x16xf32, #tpu.memory_space<vmem>> -> memref<64x16xf32, #tpu.memory_space<vmem>>
    %dma_wait3A_178 = arith.constant 0 : i32
    %dma_wait3A_179 = tpu.memref_slice %arg7[%add3A_65, %dma_wait3A_178] : memref<10240x16xf32, #tpu.memory_space<vmem_shared>> -> memref<64x16xf32, #tpu.memory_space<vmem_shared>>
    %dma_wait3A_180 = arith.constant 0 : i32
    %dma_wait3A_181 = tpu.memref_slice %arg7[%add3A_65, %dma_wait3A_180] : memref<10240x16xf32, #tpu.memory_space<vmem_shared>> -> memref<64x16xf32, #tpu.memory_space<vmem_shared>>
    %dma_wait3A_182 = arith.constant 0 : i32
    %dma_wait3A_183 = arith.constant 0 : i32
    %dma_wait3A_184 = tpu.memref_slice %arg6[%dma_wait3A_182, %dma_wait3A_183] : memref<64x16xf32, #tpu.memory_space<vmem>> -> memref<64x16xf32, #tpu.memory_space<vmem>>
    tpu.wait_dma2 semaphore(%arg8 : memref<!tpu.dma_semaphore, #tpu.memory_space<semaphore_mem>>) src(%dma_wait3A_184 : memref<64x16xf32, #tpu.memory_space<vmem>>) dst(%dma_wait3A_181 : memref<64x16xf32, #tpu.memory_space<vmem_shared>>)
    %dma_wait3A_185 = arith.constant 0 : i32
    %dma_wait3A_186 = arith.constant 0 : i32
    %dma_wait3A_187 = tpu.memref_slice %arg6[%dma_wait3A_185, %dma_wait3A_186] : memref<64x16xf32, #tpu.memory_space<vmem>> -> memref<64x16xf32, #tpu.memory_space<vmem>>
    %dma_wait3A_188 = arith.constant 0 : i32
    %dma_wait3A_189 = tpu.memref_slice %arg7[%add3A_77, %dma_wait3A_188] : memref<10240x16xf32, #tpu.memory_space<vmem_shared>> -> memref<64x16xf32, #tpu.memory_space<vmem_shared>>
    %dma_wait3A_190 = arith.constant 0 : i32
    %dma_wait3A_191 = tpu.memref_slice %arg7[%add3A_77, %dma_wait3A_190] : memref<10240x16xf32, #tpu.memory_space<vmem_shared>> -> memref<64x16xf32, #tpu.memory_space<vmem_shared>>
    %dma_wait3A_192 = arith.constant 0 : i32
    %dma_wait3A_193 = arith.constant 0 : i32
    %dma_wait3A_194 = tpu.memref_slice %arg6[%dma_wait3A_192, %dma_wait3A_193] : memref<64x16xf32, #tpu.memory_space<vmem>> -> memref<64x16xf32, #tpu.memory_space<vmem>>
    tpu.wait_dma2 semaphore(%arg8 : memref<!tpu.dma_semaphore, #tpu.memory_space<semaphore_mem>>) src(%dma_wait3A_194 : memref<64x16xf32, #tpu.memory_space<vmem>>) dst(%dma_wait3A_191 : memref<64x16xf32, #tpu.memory_space<vmem_shared>>)
    %dma_wait3A_195 = arith.constant 0 : i32
    %dma_wait3A_196 = arith.constant 0 : i32
    %dma_wait3A_197 = tpu.memref_slice %arg6[%dma_wait3A_195, %dma_wait3A_196] : memref<64x16xf32, #tpu.memory_space<vmem>> -> memref<64x16xf32, #tpu.memory_space<vmem>>
    %dma_wait3A_198 = arith.constant 0 : i32
    %dma_wait3A_199 = tpu.memref_slice %arg7[%add3A_89, %dma_wait3A_198] : memref<10240x16xf32, #tpu.memory_space<vmem_shared>> -> memref<64x16xf32, #tpu.memory_space<vmem_shared>>
    %dma_wait3A_200 = arith.constant 0 : i32
    %dma_wait3A_201 = tpu.memref_slice %arg7[%add3A_89, %dma_wait3A_200] : memref<10240x16xf32, #tpu.memory_space<vmem_shared>> -> memref<64x16xf32, #tpu.memory_space<vmem_shared>>
    %dma_wait3A_202 = arith.constant 0 : i32
    %dma_wait3A_203 = arith.constant 0 : i32
    %dma_wait3A_204 = tpu.memref_slice %arg6[%dma_wait3A_202, %dma_wait3A_203] : memref<64x16xf32, #tpu.memory_space<vmem>> -> memref<64x16xf32, #tpu.memory_space<vmem>>
    tpu.wait_dma2 semaphore(%arg8 : memref<!tpu.dma_semaphore, #tpu.memory_space<semaphore_mem>>) src(%dma_wait3A_204 : memref<64x16xf32, #tpu.memory_space<vmem>>) dst(%dma_wait3A_201 : memref<64x16xf32, #tpu.memory_space<vmem_shared>>)
    %dma_wait3A_205 = arith.constant 0 : i32
    %dma_wait3A_206 = arith.constant 0 : i32
    %dma_wait3A_207 = tpu.memref_slice %arg6[%dma_wait3A_205, %dma_wait3A_206] : memref<64x16xf32, #tpu.memory_space<vmem>> -> memref<64x16xf32, #tpu.memory_space<vmem>>
    %dma_wait3A_208 = arith.constant 0 : i32
    %dma_wait3A_209 = tpu.memref_slice %arg7[%add3A_101, %dma_wait3A_208] : memref<10240x16xf32, #tpu.memory_space<vmem_shared>> -> memref<64x16xf32, #tpu.memory_space<vmem_shared>>
    %dma_wait3A_210 = arith.constant 0 : i32
    %dma_wait3A_211 = tpu.memref_slice %arg7[%add3A_101, %dma_wait3A_210] : memref<10240x16xf32, #tpu.memory_space<vmem_shared>> -> memref<64x16xf32, #tpu.memory_space<vmem_shared>>
    %dma_wait3A_212 = arith.constant 0 : i32
    %dma_wait3A_213 = arith.constant 0 : i32
    %dma_wait3A_214 = tpu.memref_slice %arg6[%dma_wait3A_212, %dma_wait3A_213] : memref<64x16xf32, #tpu.memory_space<vmem>> -> memref<64x16xf32, #tpu.memory_space<vmem>>
    tpu.wait_dma2 semaphore(%arg8 : memref<!tpu.dma_semaphore, #tpu.memory_space<semaphore_mem>>) src(%dma_wait3A_214 : memref<64x16xf32, #tpu.memory_space<vmem>>) dst(%dma_wait3A_211 : memref<64x16xf32, #tpu.memory_space<vmem_shared>>)
    %dma_wait3A_215 = arith.constant 0 : i32
    %dma_wait3A_216 = arith.constant 0 : i32
    %dma_wait3A_217 = tpu.memref_slice %arg6[%dma_wait3A_215, %dma_wait3A_216] : memref<64x16xf32, #tpu.memory_space<vmem>> -> memref<64x16xf32, #tpu.memory_space<vmem>>
    %dma_wait3A_218 = arith.constant 0 : i32
    %dma_wait3A_219 = tpu.memref_slice %arg7[%add3A_113, %dma_wait3A_218] : memref<10240x16xf32, #tpu.memory_space<vmem_shared>> -> memref<64x16xf32, #tpu.memory_space<vmem_shared>>
    %dma_wait3A_220 = arith.constant 0 : i32
    %dma_wait3A_221 = tpu.memref_slice %arg7[%add3A_113, %dma_wait3A_220] : memref<10240x16xf32, #tpu.memory_space<vmem_shared>> -> memref<64x16xf32, #tpu.memory_space<vmem_shared>>
    %dma_wait3A_222 = arith.constant 0 : i32
    %dma_wait3A_223 = arith.constant 0 : i32
    %dma_wait3A_224 = tpu.memref_slice %arg6[%dma_wait3A_222, %dma_wait3A_223] : memref<64x16xf32, #tpu.memory_space<vmem>> -> memref<64x16xf32, #tpu.memory_space<vmem>>
    tpu.wait_dma2 semaphore(%arg8 : memref<!tpu.dma_semaphore, #tpu.memory_space<semaphore_mem>>) src(%dma_wait3A_224 : memref<64x16xf32, #tpu.memory_space<vmem>>) dst(%dma_wait3A_221 : memref<64x16xf32, #tpu.memory_space<vmem_shared>>)
    %dma_wait3A_225 = arith.constant 0 : i32
    %dma_wait3A_226 = arith.constant 0 : i32
    %dma_wait3A_227 = tpu.memref_slice %arg6[%dma_wait3A_225, %dma_wait3A_226] : memref<64x16xf32, #tpu.memory_space<vmem>> -> memref<64x16xf32, #tpu.memory_space<vmem>>
    %dma_wait3A_228 = arith.constant 0 : i32
    %dma_wait3A_229 = tpu.memref_slice %arg7[%add3A_125, %dma_wait3A_228] : memref<10240x16xf32, #tpu.memory_space<vmem_shared>> -> memref<64x16xf32, #tpu.memory_space<vmem_shared>>
    %dma_wait3A_230 = arith.constant 0 : i32
    %dma_wait3A_231 = tpu.memref_slice %arg7[%add3A_125, %dma_wait3A_230] : memref<10240x16xf32, #tpu.memory_space<vmem_shared>> -> memref<64x16xf32, #tpu.memory_space<vmem_shared>>
    %dma_wait3A_232 = arith.constant 0 : i32
    %dma_wait3A_233 = arith.constant 0 : i32
    %dma_wait3A_234 = tpu.memref_slice %arg6[%dma_wait3A_232, %dma_wait3A_233] : memref<64x16xf32, #tpu.memory_space<vmem>> -> memref<64x16xf32, #tpu.memory_space<vmem>>
    tpu.wait_dma2 semaphore(%arg8 : memref<!tpu.dma_semaphore, #tpu.memory_space<semaphore_mem>>) src(%dma_wait3A_234 : memref<64x16xf32, #tpu.memory_space<vmem>>) dst(%dma_wait3A_231 : memref<64x16xf32, #tpu.memory_space<vmem_shared>>)
    %scan3A_235 = arith.constant 0 : i32
    %scan3A_236 = arith.constant 0 : i32
    %scan3A_237 = arith.constant 128 : i32
    %scan3A_238 = arith.addi %scan3A_236, %scan3A_237 : i32
    %scan3A_239 = arith.constant 1 : i32
    %scan3A_240 = scf.for %scan3A_324 = %scan3A_236 to %scan3A_238 step %scan3A_239 iter_args(%scan3A_325 = %scan3A_235) -> (i32)  : i32 {
      %broadcast_in_dim3A = arith.constant 1.000000e+00 : f32
      %broadcast_in_dim3A_326 = vector.broadcast %broadcast_in_dim3A : f32 to vector<16xf32>
      %swap3A = arith.index_cast %scan3A_324 : i32 to index
      %swap3A_327 = arith.constant 0 : index
      %swap3A_328 = tpu.vector_load %arg5[%swap3A, %swap3A_327] {strides = array<i32>} : memref<128x16xf32, #tpu.memory_space<vmem>>, vector<1x16xf32>,
      %swap3A_329 = vector.shape_cast %swap3A_328 : vector<1x16xf32> to vector<16xf32>
      %swap3A_330 = vector.shape_cast %broadcast_in_dim3A_326 : vector<16xf32> to vector<1x16xf32>
      tpu.vector_store %arg5[%swap3A, %swap3A_327], %swap3A_330 {strides = array<i32>} : memref<128x16xf32, #tpu.memory_space<vmem>>, vector<1x16xf32>,
      %scan3A_331 = arith.constant 0 : i32
      scf.yield %scan3A_331 : i32
    }
    %scan3A_241 = arith.constant 128 : i32
    %dma_wait3A_242 = arith.constant 0 : i32
    %dma_wait3A_243 = arith.constant 0 : i32
    %dma_wait3A_244 = tpu.memref_slice %arg2[%add3A, %dma_wait3A_242, %dma_wait3A_243] : memref<32x80x128xi32, #tpu.memory_space<hbm>> -> memref<1x80x128xi32, #tpu.memory_space<hbm>>
    %dma_wait3A_245 = tpu.memref_squeeze %dma_wait3A_244 : memref<1x80x128xi32, #tpu.memory_space<hbm>> -> memref<80x128xi32, #tpu.memory_space<hbm>>
    %dma_wait3A_246 = arith.constant 0 : i32
    %dma_wait3A_247 = arith.constant 0 : i32
    %dma_wait3A_248 = tpu.memref_slice %arg2[%add3A, %dma_wait3A_246, %dma_wait3A_247] : memref<32x80x128xi32, #tpu.memory_space<hbm>> -> memref<1x80x128xi32, #tpu.memory_space<hbm>>
    %dma_wait3A_249 = tpu.memref_squeeze %dma_wait3A_248 : memref<1x80x128xi32, #tpu.memory_space<hbm>> -> memref<80x128xi32, #tpu.memory_space<hbm>>
    tpu.wait_dma2 semaphore(%arg9 : memref<!tpu.dma_semaphore, #tpu.memory_space<semaphore_mem>>) src(%dma_wait3A_249 : memref<80x128xi32, #tpu.memory_space<hbm>>) dst(%arg4 : memref<80x128xi32, #tpu.memory_space<vmem>>)
    %barrier3A = arith.constant 0 : index
    tpu.barrier barrier_id(%barrier3A)
    %dma_start3A_250 = arith.constant 0 : i32
    %dma_start3A_251 = arith.constant 0 : i32
    %dma_start3A_252 = tpu.memref_slice %arg4[%dma_start3A_250, %dma_start3A_251] : memref<80x128xi32, #tpu.memory_space<vmem>> -> memref<1x128xi32, #tpu.memory_space<vmem>>
    %dma_start3A_253 = tpu.memref_squeeze %dma_start3A_252 : memref<1x128xi32, #tpu.memory_space<vmem>> -> memref<128xi32, #tpu.memory_space<vmem>>
    %dma_start3A_254 = arith.constant 0 : i32
    %dma_start3A_255 = arith.constant 0 : i32
    %dma_start3A_256 = tpu.memref_slice %arg7[%dma_start3A_254, %dma_start3A_255] : memref<10240x16xf32, #tpu.memory_space<vmem_shared>> -> memref<10240x16xf32, #tpu.memory_space<vmem_shared>>
    tpu.enqueue_indirect_dma source(%arg5 : memref<128x16xf32, #tpu.memory_space<vmem>>) target(%dma_start3A_256 : memref<10240x16xf32, #tpu.memory_space<vmem_shared>>) offsets(%dma_start3A_253 : memref<128xi32, #tpu.memory_space<vmem>>) semaphore(%arg8 : memref<!tpu.dma_semaphore, #tpu.memory_space<semaphore_mem>>) {add = true}
    %dma_start3A_257 = arith.constant 1 : i32
    %dma_start3A_258 = arith.constant 0 : i32
    %dma_start3A_259 = tpu.memref_slice %arg4[%dma_start3A_257, %dma_start3A_258] : memref<80x128xi32, #tpu.memory_space<vmem>> -> memref<1x128xi32, #tpu.memory_space<vmem>>
    %dma_start3A_260 = tpu.memref_squeeze %dma_start3A_259 : memref<1x128xi32, #tpu.memory_space<vmem>> -> memref<128xi32, #tpu.memory_space<vmem>>
    %dma_start3A_261 = arith.constant 0 : i32
    %dma_start3A_262 = arith.constant 0 : i32
    %dma_start3A_263 = tpu.memref_slice %arg7[%dma_start3A_261, %dma_start3A_262] : memref<10240x16xf32, #tpu.memory_space<vmem_shared>> -> memref<10240x16xf32, #tpu.memory_space<vmem_shared>>
    tpu.enqueue_indirect_dma source(%arg5 : memref<128x16xf32, #tpu.memory_space<vmem>>) target(%dma_start3A_263 : memref<10240x16xf32, #tpu.memory_space<vmem_shared>>) offsets(%dma_start3A_260 : memref<128xi32, #tpu.memory_space<vmem>>) semaphore(%arg9 : memref<!tpu.dma_semaphore, #tpu.memory_space<semaphore_mem>>) {add = true}
    %dma_start3A_264 = arith.constant 2 : i32
    %dma_start3A_265 = arith.constant 0 : i32
    %dma_start3A_266 = tpu.memref_slice %arg4[%dma_start3A_264, %dma_start3A_265] : memref<80x128xi32, #tpu.memory_space<vmem>> -> memref<1x128xi32, #tpu.memory_space<vmem>>
    %dma_start3A_267 = tpu.memref_squeeze %dma_start3A_266 : memref<1x128xi32, #tpu.memory_space<vmem>> -> memref<128xi32, #tpu.memory_space<vmem>>
    %dma_start3A_268 = arith.constant 0 : i32
    %dma_start3A_269 = arith.constant 0 : i32
    %dma_start3A_270 = tpu.memref_slice %arg7[%dma_start3A_268, %dma_start3A_269] : memref<10240x16xf32, #tpu.memory_space<vmem_shared>> -> memref<10240x16xf32, #tpu.memory_space<vmem_shared>>
    tpu.enqueue_indirect_dma source(%arg5 : memref<128x16xf32, #tpu.memory_space<vmem>>) target(%dma_start3A_270 : memref<10240x16xf32, #tpu.memory_space<vmem_shared>>) offsets(%dma_start3A_267 : memref<128xi32, #tpu.memory_space<vmem>>) semaphore(%arg10 : memref<!tpu.dma_semaphore, #tpu.memory_space<semaphore_mem>>) {add = true}
    %dma_start3A_271 = arith.constant 3 : i32
    %dma_start3A_272 = arith.constant 0 : i32
    %dma_start3A_273 = tpu.memref_slice %arg4[%dma_start3A_271, %dma_start3A_272] : memref<80x128xi32, #tpu.memory_space<vmem>> -> memref<1x128xi32, #tpu.memory_space<vmem>>
    %dma_start3A_274 = tpu.memref_squeeze %dma_start3A_273 : memref<1x128xi32, #tpu.memory_space<vmem>> -> memref<128xi32, #tpu.memory_space<vmem>>
    %dma_start3A_275 = arith.constant 0 : i32
    %dma_start3A_276 = arith.constant 0 : i32
    %dma_start3A_277 = tpu.memref_slice %arg7[%dma_start3A_275, %dma_start3A_276] : memref<10240x16xf32, #tpu.memory_space<vmem_shared>> -> memref<10240x16xf32, #tpu.memory_space<vmem_shared>>
    tpu.enqueue_indirect_dma source(%arg5 : memref<128x16xf32, #tpu.memory_space<vmem>>) target(%dma_start3A_277 : memref<10240x16xf32, #tpu.memory_space<vmem_shared>>) offsets(%dma_start3A_274 : memref<128xi32, #tpu.memory_space<vmem>>) semaphore(%arg11 : memref<!tpu.dma_semaphore, #tpu.memory_space<semaphore_mem>>) {add = true}
    %scan3A_278 = arith.constant 0 : i32
    %scan3A_279 = arith.constant 1 : i32
    %scan3A_280 = arith.constant 19 : i32
    %scan3A_281 = arith.addi %scan3A_279, %scan3A_280 : i32
    %scan3A_282 = arith.constant 1 : i32
    %scan3A_283 = scf.for %scan3A_324 = %scan3A_279 to %scan3A_281 step %scan3A_282 iter_args(%scan3A_325 = %scan3A_278) -> (i32)  : i32 {
      %dma_wait3A_326 = arith.constant 0 : i32
      %dma_wait3A_327 = arith.constant 0 : i32
      %dma_wait3A_328 = tpu.memref_slice %arg4[%dma_wait3A_326, %dma_wait3A_327] : memref<80x128xi32, #tpu.memory_space<vmem>> -> memref<1x128xi32, #tpu.memory_space<vmem>>
      %dma_wait3A_329 = tpu.memref_squeeze %dma_wait3A_328 : memref<1x128xi32, #tpu.memory_space<vmem>> -> memref<128xi32, #tpu.memory_space<vmem>>
      %dma_wait3A_330 = arith.constant 0 : i32
      %dma_wait3A_331 = arith.constant 0 : i32
      %dma_wait3A_332 = tpu.memref_slice %arg7[%dma_wait3A_330, %dma_wait3A_331] : memref<10240x16xf32, #tpu.memory_space<vmem_shared>> -> memref<10240x16xf32, #tpu.memory_space<vmem_shared>>
      tpu.wait_indirect_dma semaphore(%arg8 : memref<!tpu.dma_semaphore, #tpu.memory_space<semaphore_mem>>) src(%arg5 : memref<128x16xf32, #tpu.memory_space<vmem>>) dst(%dma_wait3A_332 : memref<10240x16xf32, #tpu.memory_space<vmem_shared>>)
      %mul3A_333 = arith.constant 4 : i32
      %mul3A_334 = arith.muli %scan3A_324, %mul3A_333 : i32
      %add3A_335 = arith.constant 0 : i32
      %add3A_336 = arith.addi %mul3A_334, %add3A_335 : i32
      %dma_start3A_337 = arith.constant 0 : i32
      %dma_start3A_338 = tpu.memref_slice %arg4[%add3A_336, %dma_start3A_337] : memref<80x128xi32, #tpu.memory_space<vmem>> -> memref<1x128xi32, #tpu.memory_space<vmem>>
      %dma_start3A_339 = tpu.memref_squeeze %dma_start3A_338 : memref<1x128xi32, #tpu.memory_space<vmem>> -> memref<128xi32, #tpu.memory_space<vmem>>
      %dma_start3A_340 = arith.constant 0 : i32
      %dma_start3A_341 = arith.constant 0 : i32
      %dma_start3A_342 = tpu.memref_slice %arg7[%dma_start3A_340, %dma_start3A_341] : memref<10240x16xf32, #tpu.memory_space<vmem_shared>> -> memref<10240x16xf32, #tpu.memory_space<vmem_shared>>
      tpu.enqueue_indirect_dma source(%arg5 : memref<128x16xf32, #tpu.memory_space<vmem>>) target(%dma_start3A_342 : memref<10240x16xf32, #tpu.memory_space<vmem_shared>>) offsets(%dma_start3A_339 : memref<128xi32, #tpu.memory_space<vmem>>) semaphore(%arg8 : memref<!tpu.dma_semaphore, #tpu.memory_space<semaphore_mem>>) {add = true}
      %dma_wait3A_343 = arith.constant 0 : i32
      %dma_wait3A_344 = arith.constant 0 : i32
      %dma_wait3A_345 = tpu.memref_slice %arg4[%dma_wait3A_343, %dma_wait3A_344] : memref<80x128xi32, #tpu.memory_space<vmem>> -> memref<1x128xi32, #tpu.memory_space<vmem>>
      %dma_wait3A_346 = tpu.memref_squeeze %dma_wait3A_345 : memref<1x128xi32, #tpu.memory_space<vmem>> -> memref<128xi32, #tpu.memory_space<vmem>>
      %dma_wait3A_347 = arith.constant 0 : i32
      %dma_wait3A_348 = arith.constant 0 : i32
      %dma_wait3A_349 = tpu.memref_slice %arg7[%dma_wait3A_347, %dma_wait3A_348] : memref<10240x16xf32, #tpu.memory_space<vmem_shared>> -> memref<10240x16xf32, #tpu.memory_space<vmem_shared>>
      tpu.wait_indirect_dma semaphore(%arg9 : memref<!tpu.dma_semaphore, #tpu.memory_space<semaphore_mem>>) src(%arg5 : memref<128x16xf32, #tpu.memory_space<vmem>>) dst(%dma_wait3A_349 : memref<10240x16xf32, #tpu.memory_space<vmem_shared>>)
      %mul3A_350 = arith.constant 4 : i32
      %mul3A_351 = arith.muli %scan3A_324, %mul3A_350 : i32
      %add3A_352 = arith.constant 1 : i32
      %add3A_353 = arith.addi %mul3A_351, %add3A_352 : i32
      %dma_start3A_354 = arith.constant 0 : i32
      %dma_start3A_355 = tpu.memref_slice %arg4[%add3A_353, %dma_start3A_354] : memref<80x128xi32, #tpu.memory_space<vmem>> -> memref<1x128xi32, #tpu.memory_space<vmem>>
      %dma_start3A_356 = tpu.memref_squeeze %dma_start3A_355 : memref<1x128xi32, #tpu.memory_space<vmem>> -> memref<128xi32, #tpu.memory_space<vmem>>
      %dma_start3A_357 = arith.constant 0 : i32
      %dma_start3A_358 = arith.constant 0 : i32
      %dma_start3A_359 = tpu.memref_slice %arg7[%dma_start3A_357, %dma_start3A_358] : memref<10240x16xf32, #tpu.memory_space<vmem_shared>> -> memref<10240x16xf32, #tpu.memory_space<vmem_shared>>
      tpu.enqueue_indirect_dma source(%arg5 : memref<128x16xf32, #tpu.memory_space<vmem>>) target(%dma_start3A_359 : memref<10240x16xf32, #tpu.memory_space<vmem_shared>>) offsets(%dma_start3A_356 : memref<128xi32, #tpu.memory_space<vmem>>) semaphore(%arg9 : memref<!tpu.dma_semaphore, #tpu.memory_space<semaphore_mem>>) {add = true}
      %dma_wait3A_360 = arith.constant 0 : i32
      %dma_wait3A_361 = arith.constant 0 : i32
      %dma_wait3A_362 = tpu.memref_slice %arg4[%dma_wait3A_360, %dma_wait3A_361] : memref<80x128xi32, #tpu.memory_space<vmem>> -> memref<1x128xi32, #tpu.memory_space<vmem>>
      %dma_wait3A_363 = tpu.memref_squeeze %dma_wait3A_362 : memref<1x128xi32, #tpu.memory_space<vmem>> -> memref<128xi32, #tpu.memory_space<vmem>>
      %dma_wait3A_364 = arith.constant 0 : i32
      %dma_wait3A_365 = arith.constant 0 : i32
      %dma_wait3A_366 = tpu.memref_slice %arg7[%dma_wait3A_364, %dma_wait3A_365] : memref<10240x16xf32, #tpu.memory_space<vmem_shared>> -> memref<10240x16xf32, #tpu.memory_space<vmem_shared>>
      tpu.wait_indirect_dma semaphore(%arg10 : memref<!tpu.dma_semaphore, #tpu.memory_space<semaphore_mem>>) src(%arg5 : memref<128x16xf32, #tpu.memory_space<vmem>>) dst(%dma_wait3A_366 : memref<10240x16xf32, #tpu.memory_space<vmem_shared>>)
      %mul3A_367 = arith.constant 4 : i32
      %mul3A_368 = arith.muli %scan3A_324, %mul3A_367 : i32
      %add3A_369 = arith.constant 2 : i32
      %add3A_370 = arith.addi %mul3A_368, %add3A_369 : i32
      %dma_start3A_371 = arith.constant 0 : i32
      %dma_start3A_372 = tpu.memref_slice %arg4[%add3A_370, %dma_start3A_371] : memref<80x128xi32, #tpu.memory_space<vmem>> -> memref<1x128xi32, #tpu.memory_space<vmem>>
      %dma_start3A_373 = tpu.memref_squeeze %dma_start3A_372 : memref<1x128xi32, #tpu.memory_space<vmem>> -> memref<128xi32, #tpu.memory_space<vmem>>
      %dma_start3A_374 = arith.constant 0 : i32
      %dma_start3A_375 = arith.constant 0 : i32
      %dma_start3A_376 = tpu.memref_slice %arg7[%dma_start3A_374, %dma_start3A_375] : memref<10240x16xf32, #tpu.memory_space<vmem_shared>> -> memref<10240x16xf32, #tpu.memory_space<vmem_shared>>
      tpu.enqueue_indirect_dma source(%arg5 : memref<128x16xf32, #tpu.memory_space<vmem>>) target(%dma_start3A_376 : memref<10240x16xf32, #tpu.memory_space<vmem_shared>>) offsets(%dma_start3A_373 : memref<128xi32, #tpu.memory_space<vmem>>) semaphore(%arg10 : memref<!tpu.dma_semaphore, #tpu.memory_space<semaphore_mem>>) {add = true}
      %dma_wait3A_377 = arith.constant 0 : i32
      %dma_wait3A_378 = arith.constant 0 : i32
      %dma_wait3A_379 = tpu.memref_slice %arg4[%dma_wait3A_377, %dma_wait3A_378] : memref<80x128xi32, #tpu.memory_space<vmem>> -> memref<1x128xi32, #tpu.memory_space<vmem>>
      %dma_wait3A_380 = tpu.memref_squeeze %dma_wait3A_379 : memref<1x128xi32, #tpu.memory_space<vmem>> -> memref<128xi32, #tpu.memory_space<vmem>>
      %dma_wait3A_381 = arith.constant 0 : i32
      %dma_wait3A_382 = arith.constant 0 : i32
      %dma_wait3A_383 = tpu.memref_slice %arg7[%dma_wait3A_381, %dma_wait3A_382] : memref<10240x16xf32, #tpu.memory_space<vmem_shared>> -> memref<10240x16xf32, #tpu.memory_space<vmem_shared>>
      tpu.wait_indirect_dma semaphore(%arg11 : memref<!tpu.dma_semaphore, #tpu.memory_space<semaphore_mem>>) src(%arg5 : memref<128x16xf32, #tpu.memory_space<vmem>>) dst(%dma_wait3A_383 : memref<10240x16xf32, #tpu.memory_space<vmem_shared>>)
      %mul3A_384 = arith.constant 4 : i32
      %mul3A_385 = arith.muli %scan3A_324, %mul3A_384 : i32
      %add3A_386 = arith.constant 3 : i32
      %add3A_387 = arith.addi %mul3A_385, %add3A_386 : i32
      %dma_start3A_388 = arith.constant 0 : i32
      %dma_start3A_389 = tpu.memref_slice %arg4[%add3A_387, %dma_start3A_388] : memref<80x128xi32, #tpu.memory_space<vmem>> -> memref<1x128xi32, #tpu.memory_space<vmem>>
      %dma_start3A_390 = tpu.memref_squeeze %dma_start3A_389 : memref<1x128xi32, #tpu.memory_space<vmem>> -> memref<128xi32, #tpu.memory_space<vmem>>
      %dma_start3A_391 = arith.constant 0 : i32
      %dma_start3A_392 = arith.constant 0 : i32
      %dma_start3A_393 = tpu.memref_slice %arg7[%dma_start3A_391, %dma_start3A_392] : memref<10240x16xf32, #tpu.memory_space<vmem_shared>> -> memref<10240x16xf32, #tpu.memory_space<vmem_shared>>
      tpu.enqueue_indirect_dma source(%arg5 : memref<128x16xf32, #tpu.memory_space<vmem>>) target(%dma_start3A_393 : memref<10240x16xf32, #tpu.memory_space<vmem_shared>>) offsets(%dma_start3A_390 : memref<128xi32, #tpu.memory_space<vmem>>) semaphore(%arg11 : memref<!tpu.dma_semaphore, #tpu.memory_space<semaphore_mem>>) {add = true}
      %scan3A_394 = arith.constant 0 : i32
      scf.yield %scan3A_394 : i32
    }
    %scan3A_284 = arith.constant 19 : i32
    %dma_wait3A_285 = arith.constant 0 : i32
    %dma_wait3A_286 = arith.constant 0 : i32
    %dma_wait3A_287 = tpu.memref_slice %arg4[%dma_wait3A_285, %dma_wait3A_286] : memref<80x128xi32, #tpu.memory_space<vmem>> -> memref<1x128xi32, #tpu.memory_space<vmem>>
    %dma_wait3A_288 = tpu.memref_squeeze %dma_wait3A_287 : memref<1x128xi32, #tpu.memory_space<vmem>> -> memref<128xi32, #tpu.memory_space<vmem>>
    %dma_wait3A_289 = arith.constant 0 : i32
    %dma_wait3A_290 = arith.constant 0 : i32
    %dma_wait3A_291 = tpu.memref_slice %arg7[%dma_wait3A_289, %dma_wait3A_290] : memref<10240x16xf32, #tpu.memory_space<vmem_shared>> -> memref<10240x16xf32, #tpu.memory_space<vmem_shared>>
    tpu.wait_indirect_dma semaphore(%arg8 : memref<!tpu.dma_semaphore, #tpu.memory_space<semaphore_mem>>) src(%arg5 : memref<128x16xf32, #tpu.memory_space<vmem>>) dst(%dma_wait3A_291 : memref<10240x16xf32, #tpu.memory_space<vmem_shared>>)
    %dma_wait3A_292 = arith.constant 0 : i32
    %dma_wait3A_293 = arith.constant 0 : i32
    %dma_wait3A_294 = tpu.memref_slice %arg4[%dma_wait3A_292, %dma_wait3A_293] : memref<80x128xi32, #tpu.memory_space<vmem>> -> memref<1x128xi32, #tpu.memory_space<vmem>>
    %dma_wait3A_295 = tpu.memref_squeeze %dma_wait3A_294 : memref<1x128xi32, #tpu.memory_space<vmem>> -> memref<128xi32, #tpu.memory_space<vmem>>
    %dma_wait3A_296 = arith.constant 0 : i32
    %dma_wait3A_297 = arith.constant 0 : i32
    %dma_wait3A_298 = tpu.memref_slice %arg7[%dma_wait3A_296, %dma_wait3A_297] : memref<10240x16xf32, #tpu.memory_space<vmem_shared>> -> memref<10240x16xf32, #tpu.memory_space<vmem_shared>>
    tpu.wait_indirect_dma semaphore(%arg9 : memref<!tpu.dma_semaphore, #tpu.memory_space<semaphore_mem>>) src(%arg5 : memref<128x16xf32, #tpu.memory_space<vmem>>) dst(%dma_wait3A_298 : memref<10240x16xf32, #tpu.memory_space<vmem_shared>>)
    %dma_wait3A_299 = arith.constant 0 : i32
    %dma_wait3A_300 = arith.constant 0 : i32
    %dma_wait3A_301 = tpu.memref_slice %arg4[%dma_wait3A_299, %dma_wait3A_300] : memref<80x128xi32, #tpu.memory_space<vmem>> -> memref<1x128xi32, #tpu.memory_space<vmem>>
    %dma_wait3A_302 = tpu.memref_squeeze %dma_wait3A_301 : memref<1x128xi32, #tpu.memory_space<vmem>> -> memref<128xi32, #tpu.memory_space<vmem>>
    %dma_wait3A_303 = arith.constant 0 : i32
    %dma_wait3A_304 = arith.constant 0 : i32
    %dma_wait3A_305 = tpu.memref_slice %arg7[%dma_wait3A_303, %dma_wait3A_304] : memref<10240x16xf32, #tpu.memory_space<vmem_shared>> -> memref<10240x16xf32, #tpu.memory_space<vmem_shared>>
    tpu.wait_indirect_dma semaphore(%arg10 : memref<!tpu.dma_semaphore, #tpu.memory_space<semaphore_mem>>) src(%arg5 : memref<128x16xf32, #tpu.memory_space<vmem>>) dst(%dma_wait3A_305 : memref<10240x16xf32, #tpu.memory_space<vmem_shared>>)
    %dma_wait3A_306 = arith.constant 0 : i32
    %dma_wait3A_307 = arith.constant 0 : i32
    %dma_wait3A_308 = tpu.memref_slice %arg4[%dma_wait3A_306, %dma_wait3A_307] : memref<80x128xi32, #tpu.memory_space<vmem>> -> memref<1x128xi32, #tpu.memory_space<vmem>>
    %dma_wait3A_309 = tpu.memref_squeeze %dma_wait3A_308 : memref<1x128xi32, #tpu.memory_space<vmem>> -> memref<128xi32, #tpu.memory_space<vmem>>
    %dma_wait3A_310 = arith.constant 0 : i32
    %dma_wait3A_311 = arith.constant 0 : i32
    %dma_wait3A_312 = tpu.memref_slice %arg7[%dma_wait3A_310, %dma_wait3A_311] : memref<10240x16xf32, #tpu.memory_space<vmem_shared>> -> memref<10240x16xf32, #tpu.memory_space<vmem_shared>>
    tpu.wait_indirect_dma semaphore(%arg11 : memref<!tpu.dma_semaphore, #tpu.memory_space<semaphore_mem>>) src(%arg5 : memref<128x16xf32, #tpu.memory_space<vmem>>) dst(%dma_wait3A_312 : memref<10240x16xf32, #tpu.memory_space<vmem_shared>>)
    %barrier3A_313 = arith.constant 0 : index
    tpu.barrier barrier_id(%barrier3A_313)
    %dma_start3A_314 = arith.constant 0 : i32
    %dma_start3A_315 = tpu.memref_slice %arg3[%arg0, %mul3A_2, %dma_start3A_314] : memref<2x10240x16xf32, #tpu.memory_space<hbm>> -> memref<1x640x16xf32, #tpu.memory_space<hbm>>
    %dma_start3A_316 = tpu.memref_squeeze %dma_start3A_315 : memref<1x640x16xf32, #tpu.memory_space<hbm>> -> memref<640x16xf32, #tpu.memory_space<hbm>>
    %dma_start3A_317 = arith.constant 0 : i32
    %dma_start3A_318 = tpu.memref_slice %arg7[%mul3A_2, %dma_start3A_317] : memref<10240x16xf32, #tpu.memory_space<vmem_shared>> -> memref<640x16xf32, #tpu.memory_space<vmem_shared>>
    tpu.enqueue_dma source(%dma_start3A_318 : memref<640x16xf32, #tpu.memory_space<vmem_shared>>) target(%dma_start3A_316 : memref<640x16xf32, #tpu.memory_space<hbm>>) target_semaphore(%arg8 : memref<!tpu.dma_semaphore, #tpu.memory_space<semaphore_mem>>)
    %dma_wait3A_319 = arith.constant 0 : i32
    %dma_wait3A_320 = tpu.memref_slice %arg3[%arg0, %mul3A_2, %dma_wait3A_319] : memref<2x10240x16xf32, #tpu.memory_space<hbm>> -> memref<1x640x16xf32, #tpu.memory_space<hbm>>
    %dma_wait3A_321 = tpu.memref_squeeze %dma_wait3A_320 : memref<1x640x16xf32, #tpu.memory_space<hbm>> -> memref<640x16xf32, #tpu.memory_space<hbm>>
    %dma_wait3A_322 = arith.constant 0 : i32
    %dma_wait3A_323 = tpu.memref_slice %arg7[%mul3A_2, %dma_wait3A_322] : memref<10240x16xf32, #tpu.memory_space<vmem_shared>> -> memref<640x16xf32, #tpu.memory_space<vmem_shared>>
    tpu.wait_dma2 semaphore(%arg8 : memref<!tpu.dma_semaphore, #tpu.memory_space<semaphore_mem>>) src(%dma_wait3A_323 : memref<640x16xf32, #tpu.memory_space<vmem_shared>>) dst(%dma_wait3A_321 : memref<640x16xf32, #tpu.memory_space<hbm>>)
    return
  }
}

#map = affine_map<(d0, d1) -> (0, 0)>
#map1 = affine_map<(d0, d1) -> (0, 0, 0)>
module attributes {stable_mosaic.version = 14 : i64} {
  func.func @scatter_kernel(%arg0: i32, %arg1: i32, %arg2: memref<10000x64xf32, #tpu.memory_space<hbm>>, %arg3: memref<32x80x128xi32, #tpu.memory_space<hbm>>, %arg4: memref<32x80x128xi32, #tpu.memory_space<hbm>>, %arg5: memref<2x10240x64xf32, #tpu.memory_space<hbm>>, %arg6: memref<80x128xi32, #tpu.memory_space<vmem>>, %arg7: memref<80x128xi32, #tpu.memory_space<vmem>>, %arg8: memref<128x64xf32, #tpu.memory_space<vmem>>, %arg9: memref<128x64xf32, #tpu.memory_space<vmem>>, %arg10: memref<128x64xf32, #tpu.memory_space<vmem>>, %arg11: memref<128x64xf32, #tpu.memory_space<vmem>>, %arg12: memref<128x64xf32, #tpu.memory_space<vmem>>, %arg13: memref<128x64xf32, #tpu.memory_space<vmem>>, %arg14: memref<128x64xf32, #tpu.memory_space<vmem>>, %arg15: memref<128x64xf32, #tpu.memory_space<vmem>>, %arg16: memref<10240x64xf32, #tpu.memory_space<vmem_shared>>, %arg17: memref<!tpu.dma_semaphore, #tpu.memory_space<semaphore_mem>>, %arg18: memref<!tpu.dma_semaphore, #tpu.memory_space<semaphore_mem>>, %arg19: memref<!tpu.dma_semaphore, #tpu.memory_space<semaphore_mem>>, %arg20: memref<!tpu.dma_semaphore, #tpu.memory_space<semaphore_mem>>, %arg21: memref<!tpu.dma_semaphore, #tpu.memory_space<semaphore_mem>>, %arg22: memref<!tpu.dma_semaphore, #tpu.memory_space<semaphore_mem>>, %arg23: memref<!tpu.dma_semaphore, #tpu.memory_space<semaphore_mem>>, %arg24: memref<!tpu.dma_semaphore, #tpu.memory_space<semaphore_mem>>, %arg25: memref<!tpu.dma_semaphore, #tpu.memory_space<semaphore_mem>>, %arg26: memref<!tpu.dma_semaphore, #tpu.memory_space<semaphore_mem>>, %arg27: memref<!tpu.dma_semaphore, #tpu.memory_space<semaphore_mem>>, %arg28: memref<!tpu.dma_semaphore, #tpu.memory_space<semaphore_mem>>, %arg29: memref<!tpu.dma_semaphore, #tpu.memory_space<semaphore_mem>>, %arg30: memref<!tpu.dma_semaphore, #tpu.memory_space<semaphore_mem>>, %arg31: memref<!tpu.dma_semaphore, #tpu.memory_space<semaphore_mem>>, %arg32: memref<!tpu.dma_semaphore, #tpu.memory_space<semaphore_mem>>) attributes {dimension_semantics = [#tpu.dimension_semantics<core_parallel>, #tpu.dimension_semantics<subcore_parallel>], iteration_bounds = array<i64: 2, 16>, scalar_prefetch = 0 : i64, scratch_operands = 27 : i64, tpu.core_type = #tpu.core_type<sc_vector_subcore>, window_params = [{transform_indices = #map}, {transform_indices = #map1}, {transform_indices = #map1}, {transform_indices = #map1}]} {
    %mul3A = arith.constant 16 : i32
    %mul3A_0 = arith.muli %arg0, %mul3A : i32
    %add3A = arith.addi %mul3A_0, %arg1 : i32
    %mul3A_1 = arith.constant 640 : i32
    %mul3A_2 = arith.muli %arg1, %mul3A_1 : i32
    %dma_start3A = arith.constant 0 : i32
    %dma_start3A_3 = arith.constant 0 : i32
    %dma_start3A_4 = tpu.memref_slice %arg3[%add3A, %dma_start3A, %dma_start3A_3] : memref<32x80x128xi32, #tpu.memory_space<hbm>> -> memref<1x80x128xi32, #tpu.memory_space<hbm>>
    %dma_start3A_5 = tpu.memref_squeeze %dma_start3A_4 : memref<1x80x128xi32, #tpu.memory_space<hbm>> -> memref<80x128xi32, #tpu.memory_space<hbm>>
    %dma_start3A_6 = arith.constant 0 : i32
    %dma_start3A_7 = arith.constant 0 : i32
    %dma_start3A_8 = tpu.memref_slice %arg3[%add3A, %dma_start3A_6, %dma_start3A_7] : memref<32x80x128xi32, #tpu.memory_space<hbm>> -> memref<1x80x128xi32, #tpu.memory_space<hbm>>
    %dma_start3A_9 = tpu.memref_squeeze %dma_start3A_8 : memref<1x80x128xi32, #tpu.memory_space<hbm>> -> memref<80x128xi32, #tpu.memory_space<hbm>>
    tpu.enqueue_dma source(%dma_start3A_9 : memref<80x128xi32, #tpu.memory_space<hbm>>) target(%arg6 : memref<80x128xi32, #tpu.memory_space<vmem>>) target_semaphore(%arg17 : memref<!tpu.dma_semaphore, #tpu.memory_space<semaphore_mem>>)
    %dma_start3A_10 = arith.constant 0 : i32
    %dma_start3A_11 = arith.constant 0 : i32
    %dma_start3A_12 = tpu.memref_slice %arg4[%add3A, %dma_start3A_10, %dma_start3A_11] : memref<32x80x128xi32, #tpu.memory_space<hbm>> -> memref<1x80x128xi32, #tpu.memory_space<hbm>>
    %dma_start3A_13 = tpu.memref_squeeze %dma_start3A_12 : memref<1x80x128xi32, #tpu.memory_space<hbm>> -> memref<80x128xi32, #tpu.memory_space<hbm>>
    %dma_start3A_14 = arith.constant 0 : i32
    %dma_start3A_15 = arith.constant 0 : i32
    %dma_start3A_16 = tpu.memref_slice %arg4[%add3A, %dma_start3A_14, %dma_start3A_15] : memref<32x80x128xi32, #tpu.memory_space<hbm>> -> memref<1x80x128xi32, #tpu.memory_space<hbm>>
    %dma_start3A_17 = tpu.memref_squeeze %dma_start3A_16 : memref<1x80x128xi32, #tpu.memory_space<hbm>> -> memref<80x128xi32, #tpu.memory_space<hbm>>
    tpu.enqueue_dma source(%dma_start3A_17 : memref<80x128xi32, #tpu.memory_space<hbm>>) target(%arg7 : memref<80x128xi32, #tpu.memory_space<vmem>>) target_semaphore(%arg25 : memref<!tpu.dma_semaphore, #tpu.memory_space<semaphore_mem>>)
    %scan3A = arith.constant 0 : i32
    %scan3A_18 = arith.constant 0 : i32
    %scan3A_19 = arith.constant 64 : i32
    %scan3A_20 = arith.addi %scan3A_18, %scan3A_19 : i32
    %scan3A_21 = arith.constant 1 : i32
    %scan3A_22 = scf.for %scan3A_389 = %scan3A_18 to %scan3A_20 step %scan3A_21 iter_args(%scan3A_390 = %scan3A) -> (i32)  : i32 {
      %scan3A_391 = arith.constant 0 : i32
      %scan3A_392 = arith.constant 0 : i32
      %scan3A_393 = arith.constant 4 : i32
      %scan3A_394 = arith.addi %scan3A_392, %scan3A_393 : i32
      %scan3A_395 = arith.constant 1 : i32
      %scan3A_396 = scf.for %scan3A_398 = %scan3A_392 to %scan3A_394 step %scan3A_395 iter_args(%scan3A_399 = %scan3A_391) -> (i32)  : i32 {
        %broadcast_in_dim3A = arith.constant 0.000000e+00 : f32
        %broadcast_in_dim3A_400 = vector.broadcast %broadcast_in_dim3A : f32 to vector<16xf32>
        %mul3A_401 = arith.constant 16 : i32
        %mul3A_402 = arith.muli %scan3A_398, %mul3A_401 : i32
        %swap3A = arith.index_cast %scan3A_389 : i32 to index
        %swap3A_403 = arith.index_cast %mul3A_402 : i32 to index
        %swap3A_404 = tpu.vector_load %arg8[%swap3A, %swap3A_403] {strides = array<i32>} : memref<128x64xf32, #tpu.memory_space<vmem>>, vector<1x16xf32>,
        %swap3A_405 = vector.shape_cast %swap3A_404 : vector<1x16xf32> to vector<16xf32>
        %swap3A_406 = vector.shape_cast %broadcast_in_dim3A_400 : vector<16xf32> to vector<1x16xf32>
        tpu.vector_store %arg8[%swap3A, %swap3A_403], %swap3A_406 {strides = array<i32>} : memref<128x64xf32, #tpu.memory_space<vmem>>, vector<1x16xf32>,
        %scan3A_407 = arith.constant 0 : i32
        scf.yield %scan3A_407 : i32
      }
      %scan3A_397 = arith.constant 4 : i32
      scf.yield %scan3A_396 : i32
    }
    %scan3A_23 = arith.constant 64 : i32
    %add3A_24 = arith.constant 0 : i32
    %add3A_25 = arith.addi %mul3A_2, %add3A_24 : i32
    %dma_start3A_26 = arith.constant 0 : i32
    %dma_start3A_27 = arith.constant 0 : i32
    %dma_start3A_28 = tpu.memref_slice %arg8[%dma_start3A_26, %dma_start3A_27] : memref<128x64xf32, #tpu.memory_space<vmem>> -> memref<64x64xf32, #tpu.memory_space<vmem>>
    %dma_start3A_29 = arith.constant 0 : i32
    %dma_start3A_30 = tpu.memref_slice %arg16[%add3A_25, %dma_start3A_29] : memref<10240x64xf32, #tpu.memory_space<vmem_shared>> -> memref<64x64xf32, #tpu.memory_space<vmem_shared>>
    %dma_start3A_31 = arith.constant 0 : i32
    %dma_start3A_32 = tpu.memref_slice %arg16[%add3A_25, %dma_start3A_31] : memref<10240x64xf32, #tpu.memory_space<vmem_shared>> -> memref<64x64xf32, #tpu.memory_space<vmem_shared>>
    %dma_start3A_33 = arith.constant 0 : i32
    %dma_start3A_34 = arith.constant 0 : i32
    %dma_start3A_35 = tpu.memref_slice %arg8[%dma_start3A_33, %dma_start3A_34] : memref<128x64xf32, #tpu.memory_space<vmem>> -> memref<64x64xf32, #tpu.memory_space<vmem>>
    tpu.enqueue_dma source(%dma_start3A_35 : memref<64x64xf32, #tpu.memory_space<vmem>>) target(%dma_start3A_32 : memref<64x64xf32, #tpu.memory_space<vmem_shared>>) target_semaphore(%arg18 : memref<!tpu.dma_semaphore, #tpu.memory_space<semaphore_mem>>)
    %add3A_36 = arith.constant 64 : i32
    %add3A_37 = arith.addi %mul3A_2, %add3A_36 : i32
    %dma_start3A_38 = arith.constant 0 : i32
    %dma_start3A_39 = arith.constant 0 : i32
    %dma_start3A_40 = tpu.memref_slice %arg8[%dma_start3A_38, %dma_start3A_39] : memref<128x64xf32, #tpu.memory_space<vmem>> -> memref<64x64xf32, #tpu.memory_space<vmem>>
    %dma_start3A_41 = arith.constant 0 : i32
    %dma_start3A_42 = tpu.memref_slice %arg16[%add3A_37, %dma_start3A_41] : memref<10240x64xf32, #tpu.memory_space<vmem_shared>> -> memref<64x64xf32, #tpu.memory_space<vmem_shared>>
    %dma_start3A_43 = arith.constant 0 : i32
    %dma_start3A_44 = tpu.memref_slice %arg16[%add3A_37, %dma_start3A_43] : memref<10240x64xf32, #tpu.memory_space<vmem_shared>> -> memref<64x64xf32, #tpu.memory_space<vmem_shared>>
    %dma_start3A_45 = arith.constant 0 : i32
    %dma_start3A_46 = arith.constant 0 : i32
    %dma_start3A_47 = tpu.memref_slice %arg8[%dma_start3A_45, %dma_start3A_46] : memref<128x64xf32, #tpu.memory_space<vmem>> -> memref<64x64xf32, #tpu.memory_space<vmem>>
    tpu.enqueue_dma source(%dma_start3A_47 : memref<64x64xf32, #tpu.memory_space<vmem>>) target(%dma_start3A_44 : memref<64x64xf32, #tpu.memory_space<vmem_shared>>) target_semaphore(%arg18 : memref<!tpu.dma_semaphore, #tpu.memory_space<semaphore_mem>>)
    %add3A_48 = arith.constant 128 : i32
    %add3A_49 = arith.addi %mul3A_2, %add3A_48 : i32
    %dma_start3A_50 = arith.constant 0 : i32
    %dma_start3A_51 = arith.constant 0 : i32
    %dma_start3A_52 = tpu.memref_slice %arg8[%dma_start3A_50, %dma_start3A_51] : memref<128x64xf32, #tpu.memory_space<vmem>> -> memref<64x64xf32, #tpu.memory_space<vmem>>
    %dma_start3A_53 = arith.constant 0 : i32
    %dma_start3A_54 = tpu.memref_slice %arg16[%add3A_49, %dma_start3A_53] : memref<10240x64xf32, #tpu.memory_space<vmem_shared>> -> memref<64x64xf32, #tpu.memory_space<vmem_shared>>
    %dma_start3A_55 = arith.constant 0 : i32
    %dma_start3A_56 = tpu.memref_slice %arg16[%add3A_49, %dma_start3A_55] : memref<10240x64xf32, #tpu.memory_space<vmem_shared>> -> memref<64x64xf32, #tpu.memory_space<vmem_shared>>
    %dma_start3A_57 = arith.constant 0 : i32
    %dma_start3A_58 = arith.constant 0 : i32
    %dma_start3A_59 = tpu.memref_slice %arg8[%dma_start3A_57, %dma_start3A_58] : memref<128x64xf32, #tpu.memory_space<vmem>> -> memref<64x64xf32, #tpu.memory_space<vmem>>
    tpu.enqueue_dma source(%dma_start3A_59 : memref<64x64xf32, #tpu.memory_space<vmem>>) target(%dma_start3A_56 : memref<64x64xf32, #tpu.memory_space<vmem_shared>>) target_semaphore(%arg18 : memref<!tpu.dma_semaphore, #tpu.memory_space<semaphore_mem>>)
    %add3A_60 = arith.constant 192 : i32
    %add3A_61 = arith.addi %mul3A_2, %add3A_60 : i32
    %dma_start3A_62 = arith.constant 0 : i32
    %dma_start3A_63 = arith.constant 0 : i32
    %dma_start3A_64 = tpu.memref_slice %arg8[%dma_start3A_62, %dma_start3A_63] : memref<128x64xf32, #tpu.memory_space<vmem>> -> memref<64x64xf32, #tpu.memory_space<vmem>>
    %dma_start3A_65 = arith.constant 0 : i32
    %dma_start3A_66 = tpu.memref_slice %arg16[%add3A_61, %dma_start3A_65] : memref<10240x64xf32, #tpu.memory_space<vmem_shared>> -> memref<64x64xf32, #tpu.memory_space<vmem_shared>>
    %dma_start3A_67 = arith.constant 0 : i32
    %dma_start3A_68 = tpu.memref_slice %arg16[%add3A_61, %dma_start3A_67] : memref<10240x64xf32, #tpu.memory_space<vmem_shared>> -> memref<64x64xf32, #tpu.memory_space<vmem_shared>>
    %dma_start3A_69 = arith.constant 0 : i32
    %dma_start3A_70 = arith.constant 0 : i32
    %dma_start3A_71 = tpu.memref_slice %arg8[%dma_start3A_69, %dma_start3A_70] : memref<128x64xf32, #tpu.memory_space<vmem>> -> memref<64x64xf32, #tpu.memory_space<vmem>>
    tpu.enqueue_dma source(%dma_start3A_71 : memref<64x64xf32, #tpu.memory_space<vmem>>) target(%dma_start3A_68 : memref<64x64xf32, #tpu.memory_space<vmem_shared>>) target_semaphore(%arg18 : memref<!tpu.dma_semaphore, #tpu.memory_space<semaphore_mem>>)
    %add3A_72 = arith.constant 256 : i32
    %add3A_73 = arith.addi %mul3A_2, %add3A_72 : i32
    %dma_start3A_74 = arith.constant 0 : i32
    %dma_start3A_75 = arith.constant 0 : i32
    %dma_start3A_76 = tpu.memref_slice %arg8[%dma_start3A_74, %dma_start3A_75] : memref<128x64xf32, #tpu.memory_space<vmem>> -> memref<64x64xf32, #tpu.memory_space<vmem>>
    %dma_start3A_77 = arith.constant 0 : i32
    %dma_start3A_78 = tpu.memref_slice %arg16[%add3A_73, %dma_start3A_77] : memref<10240x64xf32, #tpu.memory_space<vmem_shared>> -> memref<64x64xf32, #tpu.memory_space<vmem_shared>>
    %dma_start3A_79 = arith.constant 0 : i32
    %dma_start3A_80 = tpu.memref_slice %arg16[%add3A_73, %dma_start3A_79] : memref<10240x64xf32, #tpu.memory_space<vmem_shared>> -> memref<64x64xf32, #tpu.memory_space<vmem_shared>>
    %dma_start3A_81 = arith.constant 0 : i32
    %dma_start3A_82 = arith.constant 0 : i32
    %dma_start3A_83 = tpu.memref_slice %arg8[%dma_start3A_81, %dma_start3A_82] : memref<128x64xf32, #tpu.memory_space<vmem>> -> memref<64x64xf32, #tpu.memory_space<vmem>>
    tpu.enqueue_dma source(%dma_start3A_83 : memref<64x64xf32, #tpu.memory_space<vmem>>) target(%dma_start3A_80 : memref<64x64xf32, #tpu.memory_space<vmem_shared>>) target_semaphore(%arg18 : memref<!tpu.dma_semaphore, #tpu.memory_space<semaphore_mem>>)
    %add3A_84 = arith.constant 320 : i32
    %add3A_85 = arith.addi %mul3A_2, %add3A_84 : i32
    %dma_start3A_86 = arith.constant 0 : i32
    %dma_start3A_87 = arith.constant 0 : i32
    %dma_start3A_88 = tpu.memref_slice %arg8[%dma_start3A_86, %dma_start3A_87] : memref<128x64xf32, #tpu.memory_space<vmem>> -> memref<64x64xf32, #tpu.memory_space<vmem>>
    %dma_start3A_89 = arith.constant 0 : i32
    %dma_start3A_90 = tpu.memref_slice %arg16[%add3A_85, %dma_start3A_89] : memref<10240x64xf32, #tpu.memory_space<vmem_shared>> -> memref<64x64xf32, #tpu.memory_space<vmem_shared>>
    %dma_start3A_91 = arith.constant 0 : i32
    %dma_start3A_92 = tpu.memref_slice %arg16[%add3A_85, %dma_start3A_91] : memref<10240x64xf32, #tpu.memory_space<vmem_shared>> -> memref<64x64xf32, #tpu.memory_space<vmem_shared>>
    %dma_start3A_93 = arith.constant 0 : i32
    %dma_start3A_94 = arith.constant 0 : i32
    %dma_start3A_95 = tpu.memref_slice %arg8[%dma_start3A_93, %dma_start3A_94] : memref<128x64xf32, #tpu.memory_space<vmem>> -> memref<64x64xf32, #tpu.memory_space<vmem>>
    tpu.enqueue_dma source(%dma_start3A_95 : memref<64x64xf32, #tpu.memory_space<vmem>>) target(%dma_start3A_92 : memref<64x64xf32, #tpu.memory_space<vmem_shared>>) target_semaphore(%arg18 : memref<!tpu.dma_semaphore, #tpu.memory_space<semaphore_mem>>)
    %add3A_96 = arith.constant 384 : i32
    %add3A_97 = arith.addi %mul3A_2, %add3A_96 : i32
    %dma_start3A_98 = arith.constant 0 : i32
    %dma_start3A_99 = arith.constant 0 : i32
    %dma_start3A_100 = tpu.memref_slice %arg8[%dma_start3A_98, %dma_start3A_99] : memref<128x64xf32, #tpu.memory_space<vmem>> -> memref<64x64xf32, #tpu.memory_space<vmem>>
    %dma_start3A_101 = arith.constant 0 : i32
    %dma_start3A_102 = tpu.memref_slice %arg16[%add3A_97, %dma_start3A_101] : memref<10240x64xf32, #tpu.memory_space<vmem_shared>> -> memref<64x64xf32, #tpu.memory_space<vmem_shared>>
    %dma_start3A_103 = arith.constant 0 : i32
    %dma_start3A_104 = tpu.memref_slice %arg16[%add3A_97, %dma_start3A_103] : memref<10240x64xf32, #tpu.memory_space<vmem_shared>> -> memref<64x64xf32, #tpu.memory_space<vmem_shared>>
    %dma_start3A_105 = arith.constant 0 : i32
    %dma_start3A_106 = arith.constant 0 : i32
    %dma_start3A_107 = tpu.memref_slice %arg8[%dma_start3A_105, %dma_start3A_106] : memref<128x64xf32, #tpu.memory_space<vmem>> -> memref<64x64xf32, #tpu.memory_space<vmem>>
    tpu.enqueue_dma source(%dma_start3A_107 : memref<64x64xf32, #tpu.memory_space<vmem>>) target(%dma_start3A_104 : memref<64x64xf32, #tpu.memory_space<vmem_shared>>) target_semaphore(%arg18 : memref<!tpu.dma_semaphore, #tpu.memory_space<semaphore_mem>>)
    %add3A_108 = arith.constant 448 : i32
    %add3A_109 = arith.addi %mul3A_2, %add3A_108 : i32
    %dma_start3A_110 = arith.constant 0 : i32
    %dma_start3A_111 = arith.constant 0 : i32
    %dma_start3A_112 = tpu.memref_slice %arg8[%dma_start3A_110, %dma_start3A_111] : memref<128x64xf32, #tpu.memory_space<vmem>> -> memref<64x64xf32, #tpu.memory_space<vmem>>
    %dma_start3A_113 = arith.constant 0 : i32
    %dma_start3A_114 = tpu.memref_slice %arg16[%add3A_109, %dma_start3A_113] : memref<10240x64xf32, #tpu.memory_space<vmem_shared>> -> memref<64x64xf32, #tpu.memory_space<vmem_shared>>
    %dma_start3A_115 = arith.constant 0 : i32
    %dma_start3A_116 = tpu.memref_slice %arg16[%add3A_109, %dma_start3A_115] : memref<10240x64xf32, #tpu.memory_space<vmem_shared>> -> memref<64x64xf32, #tpu.memory_space<vmem_shared>>
    %dma_start3A_117 = arith.constant 0 : i32
    %dma_start3A_118 = arith.constant 0 : i32
    %dma_start3A_119 = tpu.memref_slice %arg8[%dma_start3A_117, %dma_start3A_118] : memref<128x64xf32, #tpu.memory_space<vmem>> -> memref<64x64xf32, #tpu.memory_space<vmem>>
    tpu.enqueue_dma source(%dma_start3A_119 : memref<64x64xf32, #tpu.memory_space<vmem>>) target(%dma_start3A_116 : memref<64x64xf32, #tpu.memory_space<vmem_shared>>) target_semaphore(%arg18 : memref<!tpu.dma_semaphore, #tpu.memory_space<semaphore_mem>>)
    %add3A_120 = arith.constant 512 : i32
    %add3A_121 = arith.addi %mul3A_2, %add3A_120 : i32
    %dma_start3A_122 = arith.constant 0 : i32
    %dma_start3A_123 = arith.constant 0 : i32
    %dma_start3A_124 = tpu.memref_slice %arg8[%dma_start3A_122, %dma_start3A_123] : memref<128x64xf32, #tpu.memory_space<vmem>> -> memref<64x64xf32, #tpu.memory_space<vmem>>
    %dma_start3A_125 = arith.constant 0 : i32
    %dma_start3A_126 = tpu.memref_slice %arg16[%add3A_121, %dma_start3A_125] : memref<10240x64xf32, #tpu.memory_space<vmem_shared>> -> memref<64x64xf32, #tpu.memory_space<vmem_shared>>
    %dma_start3A_127 = arith.constant 0 : i32
    %dma_start3A_128 = tpu.memref_slice %arg16[%add3A_121, %dma_start3A_127] : memref<10240x64xf32, #tpu.memory_space<vmem_shared>> -> memref<64x64xf32, #tpu.memory_space<vmem_shared>>
    %dma_start3A_129 = arith.constant 0 : i32
    %dma_start3A_130 = arith.constant 0 : i32
    %dma_start3A_131 = tpu.memref_slice %arg8[%dma_start3A_129, %dma_start3A_130] : memref<128x64xf32, #tpu.memory_space<vmem>> -> memref<64x64xf32, #tpu.memory_space<vmem>>
    tpu.enqueue_dma source(%dma_start3A_131 : memref<64x64xf32, #tpu.memory_space<vmem>>) target(%dma_start3A_128 : memref<64x64xf32, #tpu.memory_space<vmem_shared>>) target_semaphore(%arg18 : memref<!tpu.dma_semaphore, #tpu.memory_space<semaphore_mem>>)
    %add3A_132 = arith.constant 576 : i32
    %add3A_133 = arith.addi %mul3A_2, %add3A_132 : i32
    %dma_start3A_134 = arith.constant 0 : i32
    %dma_start3A_135 = arith.constant 0 : i32
    %dma_start3A_136 = tpu.memref_slice %arg8[%dma_start3A_134, %dma_start3A_135] : memref<128x64xf32, #tpu.memory_space<vmem>> -> memref<64x64xf32, #tpu.memory_space<vmem>>
    %dma_start3A_137 = arith.constant 0 : i32
    %dma_start3A_138 = tpu.memref_slice %arg16[%add3A_133, %dma_start3A_137] : memref<10240x64xf32, #tpu.memory_space<vmem_shared>> -> memref<64x64xf32, #tpu.memory_space<vmem_shared>>
    %dma_start3A_139 = arith.constant 0 : i32
    %dma_start3A_140 = tpu.memref_slice %arg16[%add3A_133, %dma_start3A_139] : memref<10240x64xf32, #tpu.memory_space<vmem_shared>> -> memref<64x64xf32, #tpu.memory_space<vmem_shared>>
    %dma_start3A_141 = arith.constant 0 : i32
    %dma_start3A_142 = arith.constant 0 : i32
    %dma_start3A_143 = tpu.memref_slice %arg8[%dma_start3A_141, %dma_start3A_142] : memref<128x64xf32, #tpu.memory_space<vmem>> -> memref<64x64xf32, #tpu.memory_space<vmem>>
    tpu.enqueue_dma source(%dma_start3A_143 : memref<64x64xf32, #tpu.memory_space<vmem>>) target(%dma_start3A_140 : memref<64x64xf32, #tpu.memory_space<vmem_shared>>) target_semaphore(%arg18 : memref<!tpu.dma_semaphore, #tpu.memory_space<semaphore_mem>>)
    %dma_wait3A = arith.constant 0 : i32
    %dma_wait3A_144 = arith.constant 0 : i32
    %dma_wait3A_145 = tpu.memref_slice %arg8[%dma_wait3A, %dma_wait3A_144] : memref<128x64xf32, #tpu.memory_space<vmem>> -> memref<64x64xf32, #tpu.memory_space<vmem>>
    %dma_wait3A_146 = arith.constant 0 : i32
    %dma_wait3A_147 = tpu.memref_slice %arg16[%add3A_25, %dma_wait3A_146] : memref<10240x64xf32, #tpu.memory_space<vmem_shared>> -> memref<64x64xf32, #tpu.memory_space<vmem_shared>>
    %dma_wait3A_148 = arith.constant 0 : i32
    %dma_wait3A_149 = tpu.memref_slice %arg16[%add3A_25, %dma_wait3A_148] : memref<10240x64xf32, #tpu.memory_space<vmem_shared>> -> memref<64x64xf32, #tpu.memory_space<vmem_shared>>
    %dma_wait3A_150 = arith.constant 0 : i32
    %dma_wait3A_151 = arith.constant 0 : i32
    %dma_wait3A_152 = tpu.memref_slice %arg8[%dma_wait3A_150, %dma_wait3A_151] : memref<128x64xf32, #tpu.memory_space<vmem>> -> memref<64x64xf32, #tpu.memory_space<vmem>>
    tpu.wait_dma2 semaphore(%arg18 : memref<!tpu.dma_semaphore, #tpu.memory_space<semaphore_mem>>) src(%dma_wait3A_152 : memref<64x64xf32, #tpu.memory_space<vmem>>) dst(%dma_wait3A_149 : memref<64x64xf32, #tpu.memory_space<vmem_shared>>)
    %dma_wait3A_153 = arith.constant 0 : i32
    %dma_wait3A_154 = arith.constant 0 : i32
    %dma_wait3A_155 = tpu.memref_slice %arg8[%dma_wait3A_153, %dma_wait3A_154] : memref<128x64xf32, #tpu.memory_space<vmem>> -> memref<64x64xf32, #tpu.memory_space<vmem>>
    %dma_wait3A_156 = arith.constant 0 : i32
    %dma_wait3A_157 = tpu.memref_slice %arg16[%add3A_37, %dma_wait3A_156] : memref<10240x64xf32, #tpu.memory_space<vmem_shared>> -> memref<64x64xf32, #tpu.memory_space<vmem_shared>>
    %dma_wait3A_158 = arith.constant 0 : i32
    %dma_wait3A_159 = tpu.memref_slice %arg16[%add3A_37, %dma_wait3A_158] : memref<10240x64xf32, #tpu.memory_space<vmem_shared>> -> memref<64x64xf32, #tpu.memory_space<vmem_shared>>
    %dma_wait3A_160 = arith.constant 0 : i32
    %dma_wait3A_161 = arith.constant 0 : i32
    %dma_wait3A_162 = tpu.memref_slice %arg8[%dma_wait3A_160, %dma_wait3A_161] : memref<128x64xf32, #tpu.memory_space<vmem>> -> memref<64x64xf32, #tpu.memory_space<vmem>>
    tpu.wait_dma2 semaphore(%arg18 : memref<!tpu.dma_semaphore, #tpu.memory_space<semaphore_mem>>) src(%dma_wait3A_162 : memref<64x64xf32, #tpu.memory_space<vmem>>) dst(%dma_wait3A_159 : memref<64x64xf32, #tpu.memory_space<vmem_shared>>)
    %dma_wait3A_163 = arith.constant 0 : i32
    %dma_wait3A_164 = arith.constant 0 : i32
    %dma_wait3A_165 = tpu.memref_slice %arg8[%dma_wait3A_163, %dma_wait3A_164] : memref<128x64xf32, #tpu.memory_space<vmem>> -> memref<64x64xf32, #tpu.memory_space<vmem>>
    %dma_wait3A_166 = arith.constant 0 : i32
    %dma_wait3A_167 = tpu.memref_slice %arg16[%add3A_49, %dma_wait3A_166] : memref<10240x64xf32, #tpu.memory_space<vmem_shared>> -> memref<64x64xf32, #tpu.memory_space<vmem_shared>>
    %dma_wait3A_168 = arith.constant 0 : i32
    %dma_wait3A_169 = tpu.memref_slice %arg16[%add3A_49, %dma_wait3A_168] : memref<10240x64xf32, #tpu.memory_space<vmem_shared>> -> memref<64x64xf32, #tpu.memory_space<vmem_shared>>
    %dma_wait3A_170 = arith.constant 0 : i32
    %dma_wait3A_171 = arith.constant 0 : i32
    %dma_wait3A_172 = tpu.memref_slice %arg8[%dma_wait3A_170, %dma_wait3A_171] : memref<128x64xf32, #tpu.memory_space<vmem>> -> memref<64x64xf32, #tpu.memory_space<vmem>>
    tpu.wait_dma2 semaphore(%arg18 : memref<!tpu.dma_semaphore, #tpu.memory_space<semaphore_mem>>) src(%dma_wait3A_172 : memref<64x64xf32, #tpu.memory_space<vmem>>) dst(%dma_wait3A_169 : memref<64x64xf32, #tpu.memory_space<vmem_shared>>)
    %dma_wait3A_173 = arith.constant 0 : i32
    %dma_wait3A_174 = arith.constant 0 : i32
    %dma_wait3A_175 = tpu.memref_slice %arg8[%dma_wait3A_173, %dma_wait3A_174] : memref<128x64xf32, #tpu.memory_space<vmem>> -> memref<64x64xf32, #tpu.memory_space<vmem>>
    %dma_wait3A_176 = arith.constant 0 : i32
    %dma_wait3A_177 = tpu.memref_slice %arg16[%add3A_61, %dma_wait3A_176] : memref<10240x64xf32, #tpu.memory_space<vmem_shared>> -> memref<64x64xf32, #tpu.memory_space<vmem_shared>>
    %dma_wait3A_178 = arith.constant 0 : i32
    %dma_wait3A_179 = tpu.memref_slice %arg16[%add3A_61, %dma_wait3A_178] : memref<10240x64xf32, #tpu.memory_space<vmem_shared>> -> memref<64x64xf32, #tpu.memory_space<vmem_shared>>
    %dma_wait3A_180 = arith.constant 0 : i32
    %dma_wait3A_181 = arith.constant 0 : i32
    %dma_wait3A_182 = tpu.memref_slice %arg8[%dma_wait3A_180, %dma_wait3A_181] : memref<128x64xf32, #tpu.memory_space<vmem>> -> memref<64x64xf32, #tpu.memory_space<vmem>>
    tpu.wait_dma2 semaphore(%arg18 : memref<!tpu.dma_semaphore, #tpu.memory_space<semaphore_mem>>) src(%dma_wait3A_182 : memref<64x64xf32, #tpu.memory_space<vmem>>) dst(%dma_wait3A_179 : memref<64x64xf32, #tpu.memory_space<vmem_shared>>)
    %dma_wait3A_183 = arith.constant 0 : i32
    %dma_wait3A_184 = arith.constant 0 : i32
    %dma_wait3A_185 = tpu.memref_slice %arg8[%dma_wait3A_183, %dma_wait3A_184] : memref<128x64xf32, #tpu.memory_space<vmem>> -> memref<64x64xf32, #tpu.memory_space<vmem>>
    %dma_wait3A_186 = arith.constant 0 : i32
    %dma_wait3A_187 = tpu.memref_slice %arg16[%add3A_73, %dma_wait3A_186] : memref<10240x64xf32, #tpu.memory_space<vmem_shared>> -> memref<64x64xf32, #tpu.memory_space<vmem_shared>>
    %dma_wait3A_188 = arith.constant 0 : i32
    %dma_wait3A_189 = tpu.memref_slice %arg16[%add3A_73, %dma_wait3A_188] : memref<10240x64xf32, #tpu.memory_space<vmem_shared>> -> memref<64x64xf32, #tpu.memory_space<vmem_shared>>
    %dma_wait3A_190 = arith.constant 0 : i32
    %dma_wait3A_191 = arith.constant 0 : i32
    %dma_wait3A_192 = tpu.memref_slice %arg8[%dma_wait3A_190, %dma_wait3A_191] : memref<128x64xf32, #tpu.memory_space<vmem>> -> memref<64x64xf32, #tpu.memory_space<vmem>>
    tpu.wait_dma2 semaphore(%arg18 : memref<!tpu.dma_semaphore, #tpu.memory_space<semaphore_mem>>) src(%dma_wait3A_192 : memref<64x64xf32, #tpu.memory_space<vmem>>) dst(%dma_wait3A_189 : memref<64x64xf32, #tpu.memory_space<vmem_shared>>)
    %dma_wait3A_193 = arith.constant 0 : i32
    %dma_wait3A_194 = arith.constant 0 : i32
    %dma_wait3A_195 = tpu.memref_slice %arg8[%dma_wait3A_193, %dma_wait3A_194] : memref<128x64xf32, #tpu.memory_space<vmem>> -> memref<64x64xf32, #tpu.memory_space<vmem>>
    %dma_wait3A_196 = arith.constant 0 : i32
    %dma_wait3A_197 = tpu.memref_slice %arg16[%add3A_85, %dma_wait3A_196] : memref<10240x64xf32, #tpu.memory_space<vmem_shared>> -> memref<64x64xf32, #tpu.memory_space<vmem_shared>>
    %dma_wait3A_198 = arith.constant 0 : i32
    %dma_wait3A_199 = tpu.memref_slice %arg16[%add3A_85, %dma_wait3A_198] : memref<10240x64xf32, #tpu.memory_space<vmem_shared>> -> memref<64x64xf32, #tpu.memory_space<vmem_shared>>
    %dma_wait3A_200 = arith.constant 0 : i32
    %dma_wait3A_201 = arith.constant 0 : i32
    %dma_wait3A_202 = tpu.memref_slice %arg8[%dma_wait3A_200, %dma_wait3A_201] : memref<128x64xf32, #tpu.memory_space<vmem>> -> memref<64x64xf32, #tpu.memory_space<vmem>>
    tpu.wait_dma2 semaphore(%arg18 : memref<!tpu.dma_semaphore, #tpu.memory_space<semaphore_mem>>) src(%dma_wait3A_202 : memref<64x64xf32, #tpu.memory_space<vmem>>) dst(%dma_wait3A_199 : memref<64x64xf32, #tpu.memory_space<vmem_shared>>)
    %dma_wait3A_203 = arith.constant 0 : i32
    %dma_wait3A_204 = arith.constant 0 : i32
    %dma_wait3A_205 = tpu.memref_slice %arg8[%dma_wait3A_203, %dma_wait3A_204] : memref<128x64xf32, #tpu.memory_space<vmem>> -> memref<64x64xf32, #tpu.memory_space<vmem>>
    %dma_wait3A_206 = arith.constant 0 : i32
    %dma_wait3A_207 = tpu.memref_slice %arg16[%add3A_97, %dma_wait3A_206] : memref<10240x64xf32, #tpu.memory_space<vmem_shared>> -> memref<64x64xf32, #tpu.memory_space<vmem_shared>>
    %dma_wait3A_208 = arith.constant 0 : i32
    %dma_wait3A_209 = tpu.memref_slice %arg16[%add3A_97, %dma_wait3A_208] : memref<10240x64xf32, #tpu.memory_space<vmem_shared>> -> memref<64x64xf32, #tpu.memory_space<vmem_shared>>
    %dma_wait3A_210 = arith.constant 0 : i32
    %dma_wait3A_211 = arith.constant 0 : i32
    %dma_wait3A_212 = tpu.memref_slice %arg8[%dma_wait3A_210, %dma_wait3A_211] : memref<128x64xf32, #tpu.memory_space<vmem>> -> memref<64x64xf32, #tpu.memory_space<vmem>>
    tpu.wait_dma2 semaphore(%arg18 : memref<!tpu.dma_semaphore, #tpu.memory_space<semaphore_mem>>) src(%dma_wait3A_212 : memref<64x64xf32, #tpu.memory_space<vmem>>) dst(%dma_wait3A_209 : memref<64x64xf32, #tpu.memory_space<vmem_shared>>)
    %dma_wait3A_213 = arith.constant 0 : i32
    %dma_wait3A_214 = arith.constant 0 : i32
    %dma_wait3A_215 = tpu.memref_slice %arg8[%dma_wait3A_213, %dma_wait3A_214] : memref<128x64xf32, #tpu.memory_space<vmem>> -> memref<64x64xf32, #tpu.memory_space<vmem>>
    %dma_wait3A_216 = arith.constant 0 : i32
    %dma_wait3A_217 = tpu.memref_slice %arg16[%add3A_109, %dma_wait3A_216] : memref<10240x64xf32, #tpu.memory_space<vmem_shared>> -> memref<64x64xf32, #tpu.memory_space<vmem_shared>>
    %dma_wait3A_218 = arith.constant 0 : i32
    %dma_wait3A_219 = tpu.memref_slice %arg16[%add3A_109, %dma_wait3A_218] : memref<10240x64xf32, #tpu.memory_space<vmem_shared>> -> memref<64x64xf32, #tpu.memory_space<vmem_shared>>
    %dma_wait3A_220 = arith.constant 0 : i32
    %dma_wait3A_221 = arith.constant 0 : i32
    %dma_wait3A_222 = tpu.memref_slice %arg8[%dma_wait3A_220, %dma_wait3A_221] : memref<128x64xf32, #tpu.memory_space<vmem>> -> memref<64x64xf32, #tpu.memory_space<vmem>>
    tpu.wait_dma2 semaphore(%arg18 : memref<!tpu.dma_semaphore, #tpu.memory_space<semaphore_mem>>) src(%dma_wait3A_222 : memref<64x64xf32, #tpu.memory_space<vmem>>) dst(%dma_wait3A_219 : memref<64x64xf32, #tpu.memory_space<vmem_shared>>)
    %dma_wait3A_223 = arith.constant 0 : i32
    %dma_wait3A_224 = arith.constant 0 : i32
    %dma_wait3A_225 = tpu.memref_slice %arg8[%dma_wait3A_223, %dma_wait3A_224] : memref<128x64xf32, #tpu.memory_space<vmem>> -> memref<64x64xf32, #tpu.memory_space<vmem>>
    %dma_wait3A_226 = arith.constant 0 : i32
    %dma_wait3A_227 = tpu.memref_slice %arg16[%add3A_121, %dma_wait3A_226] : memref<10240x64xf32, #tpu.memory_space<vmem_shared>> -> memref<64x64xf32, #tpu.memory_space<vmem_shared>>
    %dma_wait3A_228 = arith.constant 0 : i32
    %dma_wait3A_229 = tpu.memref_slice %arg16[%add3A_121, %dma_wait3A_228] : memref<10240x64xf32, #tpu.memory_space<vmem_shared>> -> memref<64x64xf32, #tpu.memory_space<vmem_shared>>
    %dma_wait3A_230 = arith.constant 0 : i32
    %dma_wait3A_231 = arith.constant 0 : i32
    %dma_wait3A_232 = tpu.memref_slice %arg8[%dma_wait3A_230, %dma_wait3A_231] : memref<128x64xf32, #tpu.memory_space<vmem>> -> memref<64x64xf32, #tpu.memory_space<vmem>>
    tpu.wait_dma2 semaphore(%arg18 : memref<!tpu.dma_semaphore, #tpu.memory_space<semaphore_mem>>) src(%dma_wait3A_232 : memref<64x64xf32, #tpu.memory_space<vmem>>) dst(%dma_wait3A_229 : memref<64x64xf32, #tpu.memory_space<vmem_shared>>)
    %dma_wait3A_233 = arith.constant 0 : i32
    %dma_wait3A_234 = arith.constant 0 : i32
    %dma_wait3A_235 = tpu.memref_slice %arg8[%dma_wait3A_233, %dma_wait3A_234] : memref<128x64xf32, #tpu.memory_space<vmem>> -> memref<64x64xf32, #tpu.memory_space<vmem>>
    %dma_wait3A_236 = arith.constant 0 : i32
    %dma_wait3A_237 = tpu.memref_slice %arg16[%add3A_133, %dma_wait3A_236] : memref<10240x64xf32, #tpu.memory_space<vmem_shared>> -> memref<64x64xf32, #tpu.memory_space<vmem_shared>>
    %dma_wait3A_238 = arith.constant 0 : i32
    %dma_wait3A_239 = tpu.memref_slice %arg16[%add3A_133, %dma_wait3A_238] : memref<10240x64xf32, #tpu.memory_space<vmem_shared>> -> memref<64x64xf32, #tpu.memory_space<vmem_shared>>
    %dma_wait3A_240 = arith.constant 0 : i32
    %dma_wait3A_241 = arith.constant 0 : i32
    %dma_wait3A_242 = tpu.memref_slice %arg8[%dma_wait3A_240, %dma_wait3A_241] : memref<128x64xf32, #tpu.memory_space<vmem>> -> memref<64x64xf32, #tpu.memory_space<vmem>>
    tpu.wait_dma2 semaphore(%arg18 : memref<!tpu.dma_semaphore, #tpu.memory_space<semaphore_mem>>) src(%dma_wait3A_242 : memref<64x64xf32, #tpu.memory_space<vmem>>) dst(%dma_wait3A_239 : memref<64x64xf32, #tpu.memory_space<vmem_shared>>)
    %dma_wait3A_243 = arith.constant 0 : i32
    %dma_wait3A_244 = arith.constant 0 : i32
    %dma_wait3A_245 = tpu.memref_slice %arg3[%add3A, %dma_wait3A_243, %dma_wait3A_244] : memref<32x80x128xi32, #tpu.memory_space<hbm>> -> memref<1x80x128xi32, #tpu.memory_space<hbm>>
    %dma_wait3A_246 = tpu.memref_squeeze %dma_wait3A_245 : memref<1x80x128xi32, #tpu.memory_space<hbm>> -> memref<80x128xi32, #tpu.memory_space<hbm>>
    %dma_wait3A_247 = arith.constant 0 : i32
    %dma_wait3A_248 = arith.constant 0 : i32
    %dma_wait3A_249 = tpu.memref_slice %arg3[%add3A, %dma_wait3A_247, %dma_wait3A_248] : memref<32x80x128xi32, #tpu.memory_space<hbm>> -> memref<1x80x128xi32, #tpu.memory_space<hbm>>
    %dma_wait3A_250 = tpu.memref_squeeze %dma_wait3A_249 : memref<1x80x128xi32, #tpu.memory_space<hbm>> -> memref<80x128xi32, #tpu.memory_space<hbm>>
    tpu.wait_dma2 semaphore(%arg17 : memref<!tpu.dma_semaphore, #tpu.memory_space<semaphore_mem>>) src(%dma_wait3A_250 : memref<80x128xi32, #tpu.memory_space<hbm>>) dst(%arg6 : memref<80x128xi32, #tpu.memory_space<vmem>>)
    %dma_wait3A_251 = arith.constant 0 : i32
    %dma_wait3A_252 = arith.constant 0 : i32
    %dma_wait3A_253 = tpu.memref_slice %arg4[%add3A, %dma_wait3A_251, %dma_wait3A_252] : memref<32x80x128xi32, #tpu.memory_space<hbm>> -> memref<1x80x128xi32, #tpu.memory_space<hbm>>
    %dma_wait3A_254 = tpu.memref_squeeze %dma_wait3A_253 : memref<1x80x128xi32, #tpu.memory_space<hbm>> -> memref<80x128xi32, #tpu.memory_space<hbm>>
    %dma_wait3A_255 = arith.constant 0 : i32
    %dma_wait3A_256 = arith.constant 0 : i32
    %dma_wait3A_257 = tpu.memref_slice %arg4[%add3A, %dma_wait3A_255, %dma_wait3A_256] : memref<32x80x128xi32, #tpu.memory_space<hbm>> -> memref<1x80x128xi32, #tpu.memory_space<hbm>>
    %dma_wait3A_258 = tpu.memref_squeeze %dma_wait3A_257 : memref<1x80x128xi32, #tpu.memory_space<hbm>> -> memref<80x128xi32, #tpu.memory_space<hbm>>
    tpu.wait_dma2 semaphore(%arg25 : memref<!tpu.dma_semaphore, #tpu.memory_space<semaphore_mem>>) src(%dma_wait3A_258 : memref<80x128xi32, #tpu.memory_space<hbm>>) dst(%arg7 : memref<80x128xi32, #tpu.memory_space<vmem>>)
    %barrier3A = arith.constant 0 : index
    tpu.barrier barrier_id(%barrier3A)
    %dma_start3A_259 = arith.constant 0 : i32
    %dma_start3A_260 = arith.constant 0 : i32
    %dma_start3A_261 = tpu.memref_slice %arg6[%dma_start3A_259, %dma_start3A_260] : memref<80x128xi32, #tpu.memory_space<vmem>> -> memref<1x128xi32, #tpu.memory_space<vmem>>
    %dma_start3A_262 = tpu.memref_squeeze %dma_start3A_261 : memref<1x128xi32, #tpu.memory_space<vmem>> -> memref<128xi32, #tpu.memory_space<vmem>>
    %dma_start3A_263 = arith.constant 0 : i32
    %dma_start3A_264 = arith.constant 0 : i32
    %dma_start3A_265 = tpu.memref_slice %arg2[%dma_start3A_263, %dma_start3A_264] : memref<10000x64xf32, #tpu.memory_space<hbm>> -> memref<10000x64xf32, #tpu.memory_space<hbm>>
    tpu.enqueue_indirect_dma source(%dma_start3A_265 : memref<10000x64xf32, #tpu.memory_space<hbm>>) target(%arg8 : memref<128x64xf32, #tpu.memory_space<vmem>>) offsets(%dma_start3A_262 : memref<128xi32, #tpu.memory_space<vmem>>) semaphore(%arg17 : memref<!tpu.dma_semaphore, #tpu.memory_space<semaphore_mem>>)
    %dma_start3A_266 = arith.constant 1 : i32
    %dma_start3A_267 = arith.constant 0 : i32
    %dma_start3A_268 = tpu.memref_slice %arg6[%dma_start3A_266, %dma_start3A_267] : memref<80x128xi32, #tpu.memory_space<vmem>> -> memref<1x128xi32, #tpu.memory_space<vmem>>
    %dma_start3A_269 = tpu.memref_squeeze %dma_start3A_268 : memref<1x128xi32, #tpu.memory_space<vmem>> -> memref<128xi32, #tpu.memory_space<vmem>>
    %dma_start3A_270 = arith.constant 0 : i32
    %dma_start3A_271 = arith.constant 0 : i32
    %dma_start3A_272 = tpu.memref_slice %arg2[%dma_start3A_270, %dma_start3A_271] : memref<10000x64xf32, #tpu.memory_space<hbm>> -> memref<10000x64xf32, #tpu.memory_space<hbm>>
    tpu.enqueue_indirect_dma source(%dma_start3A_272 : memref<10000x64xf32, #tpu.memory_space<hbm>>) target(%arg9 : memref<128x64xf32, #tpu.memory_space<vmem>>) offsets(%dma_start3A_269 : memref<128xi32, #tpu.memory_space<vmem>>) semaphore(%arg18 : memref<!tpu.dma_semaphore, #tpu.memory_space<semaphore_mem>>)
    %dma_start3A_273 = arith.constant 2 : i32
    %dma_start3A_274 = arith.constant 0 : i32
    %dma_start3A_275 = tpu.memref_slice %arg6[%dma_start3A_273, %dma_start3A_274] : memref<80x128xi32, #tpu.memory_space<vmem>> -> memref<1x128xi32, #tpu.memory_space<vmem>>
    %dma_start3A_276 = tpu.memref_squeeze %dma_start3A_275 : memref<1x128xi32, #tpu.memory_space<vmem>> -> memref<128xi32, #tpu.memory_space<vmem>>
    %dma_start3A_277 = arith.constant 0 : i32
    %dma_start3A_278 = arith.constant 0 : i32
    %dma_start3A_279 = tpu.memref_slice %arg2[%dma_start3A_277, %dma_start3A_278] : memref<10000x64xf32, #tpu.memory_space<hbm>> -> memref<10000x64xf32, #tpu.memory_space<hbm>>
    tpu.enqueue_indirect_dma source(%dma_start3A_279 : memref<10000x64xf32, #tpu.memory_space<hbm>>) target(%arg10 : memref<128x64xf32, #tpu.memory_space<vmem>>) offsets(%dma_start3A_276 : memref<128xi32, #tpu.memory_space<vmem>>) semaphore(%arg19 : memref<!tpu.dma_semaphore, #tpu.memory_space<semaphore_mem>>)
    %dma_start3A_280 = arith.constant 3 : i32
    %dma_start3A_281 = arith.constant 0 : i32
    %dma_start3A_282 = tpu.memref_slice %arg6[%dma_start3A_280, %dma_start3A_281] : memref<80x128xi32, #tpu.memory_space<vmem>> -> memref<1x128xi32, #tpu.memory_space<vmem>>
    %dma_start3A_283 = tpu.memref_squeeze %dma_start3A_282 : memref<1x128xi32, #tpu.memory_space<vmem>> -> memref<128xi32, #tpu.memory_space<vmem>>
    %dma_start3A_284 = arith.constant 0 : i32
    %dma_start3A_285 = arith.constant 0 : i32
    %dma_start3A_286 = tpu.memref_slice %arg2[%dma_start3A_284, %dma_start3A_285] : memref<10000x64xf32, #tpu.memory_space<hbm>> -> memref<10000x64xf32, #tpu.memory_space<hbm>>
    tpu.enqueue_indirect_dma source(%dma_start3A_286 : memref<10000x64xf32, #tpu.memory_space<hbm>>) target(%arg11 : memref<128x64xf32, #tpu.memory_space<vmem>>) offsets(%dma_start3A_283 : memref<128xi32, #tpu.memory_space<vmem>>) semaphore(%arg20 : memref<!tpu.dma_semaphore, #tpu.memory_space<semaphore_mem>>)
    %dma_start3A_287 = arith.constant 4 : i32
    %dma_start3A_288 = arith.constant 0 : i32
    %dma_start3A_289 = tpu.memref_slice %arg6[%dma_start3A_287, %dma_start3A_288] : memref<80x128xi32, #tpu.memory_space<vmem>> -> memref<1x128xi32, #tpu.memory_space<vmem>>
    %dma_start3A_290 = tpu.memref_squeeze %dma_start3A_289 : memref<1x128xi32, #tpu.memory_space<vmem>> -> memref<128xi32, #tpu.memory_space<vmem>>
    %dma_start3A_291 = arith.constant 0 : i32
    %dma_start3A_292 = arith.constant 0 : i32
    %dma_start3A_293 = tpu.memref_slice %arg2[%dma_start3A_291, %dma_start3A_292] : memref<10000x64xf32, #tpu.memory_space<hbm>> -> memref<10000x64xf32, #tpu.memory_space<hbm>>
    tpu.enqueue_indirect_dma source(%dma_start3A_293 : memref<10000x64xf32, #tpu.memory_space<hbm>>) target(%arg12 : memref<128x64xf32, #tpu.memory_space<vmem>>) offsets(%dma_start3A_290 : memref<128xi32, #tpu.memory_space<vmem>>) semaphore(%arg21 : memref<!tpu.dma_semaphore, #tpu.memory_space<semaphore_mem>>)
    %dma_start3A_294 = arith.constant 5 : i32
    %dma_start3A_295 = arith.constant 0 : i32
    %dma_start3A_296 = tpu.memref_slice %arg6[%dma_start3A_294, %dma_start3A_295] : memref<80x128xi32, #tpu.memory_space<vmem>> -> memref<1x128xi32, #tpu.memory_space<vmem>>
    %dma_start3A_297 = tpu.memref_squeeze %dma_start3A_296 : memref<1x128xi32, #tpu.memory_space<vmem>> -> memref<128xi32, #tpu.memory_space<vmem>>
    %dma_start3A_298 = arith.constant 0 : i32
    %dma_start3A_299 = arith.constant 0 : i32
    %dma_start3A_300 = tpu.memref_slice %arg2[%dma_start3A_298, %dma_start3A_299] : memref<10000x64xf32, #tpu.memory_space<hbm>> -> memref<10000x64xf32, #tpu.memory_space<hbm>>
    tpu.enqueue_indirect_dma source(%dma_start3A_300 : memref<10000x64xf32, #tpu.memory_space<hbm>>) target(%arg13 : memref<128x64xf32, #tpu.memory_space<vmem>>) offsets(%dma_start3A_297 : memref<128xi32, #tpu.memory_space<vmem>>) semaphore(%arg22 : memref<!tpu.dma_semaphore, #tpu.memory_space<semaphore_mem>>)
    %dma_start3A_301 = arith.constant 6 : i32
    %dma_start3A_302 = arith.constant 0 : i32
    %dma_start3A_303 = tpu.memref_slice %arg6[%dma_start3A_301, %dma_start3A_302] : memref<80x128xi32, #tpu.memory_space<vmem>> -> memref<1x128xi32, #tpu.memory_space<vmem>>
    %dma_start3A_304 = tpu.memref_squeeze %dma_start3A_303 : memref<1x128xi32, #tpu.memory_space<vmem>> -> memref<128xi32, #tpu.memory_space<vmem>>
    %dma_start3A_305 = arith.constant 0 : i32
    %dma_start3A_306 = arith.constant 0 : i32
    %dma_start3A_307 = tpu.memref_slice %arg2[%dma_start3A_305, %dma_start3A_306] : memref<10000x64xf32, #tpu.memory_space<hbm>> -> memref<10000x64xf32, #tpu.memory_space<hbm>>
    tpu.enqueue_indirect_dma source(%dma_start3A_307 : memref<10000x64xf32, #tpu.memory_space<hbm>>) target(%arg14 : memref<128x64xf32, #tpu.memory_space<vmem>>) offsets(%dma_start3A_304 : memref<128xi32, #tpu.memory_space<vmem>>) semaphore(%arg23 : memref<!tpu.dma_semaphore, #tpu.memory_space<semaphore_mem>>)
    %dma_start3A_308 = arith.constant 7 : i32
    %dma_start3A_309 = arith.constant 0 : i32
    %dma_start3A_310 = tpu.memref_slice %arg6[%dma_start3A_308, %dma_start3A_309] : memref<80x128xi32, #tpu.memory_space<vmem>> -> memref<1x128xi32, #tpu.memory_space<vmem>>
    %dma_start3A_311 = tpu.memref_squeeze %dma_start3A_310 : memref<1x128xi32, #tpu.memory_space<vmem>> -> memref<128xi32, #tpu.memory_space<vmem>>
    %dma_start3A_312 = arith.constant 0 : i32
    %dma_start3A_313 = arith.constant 0 : i32
    %dma_start3A_314 = tpu.memref_slice %arg2[%dma_start3A_312, %dma_start3A_313] : memref<10000x64xf32, #tpu.memory_space<hbm>> -> memref<10000x64xf32, #tpu.memory_space<hbm>>
    tpu.enqueue_indirect_dma source(%dma_start3A_314 : memref<10000x64xf32, #tpu.memory_space<hbm>>) target(%arg15 : memref<128x64xf32, #tpu.memory_space<vmem>>) offsets(%dma_start3A_311 : memref<128xi32, #tpu.memory_space<vmem>>) semaphore(%arg24 : memref<!tpu.dma_semaphore, #tpu.memory_space<semaphore_mem>>)
    %scan3A_315 = arith.constant 0 : i32
    %scan3A_316 = arith.constant 0 : i32
    %scan3A_317 = arith.constant 10 : i32
    %scan3A_318 = arith.addi %scan3A_316, %scan3A_317 : i32
    %scan3A_319 = arith.constant 1 : i32
    %scan3A_320 = scf.for %scan3A_389 = %scan3A_316 to %scan3A_318 step %scan3A_319 iter_args(%scan3A_390 = %scan3A_315) -> (i32)  : i32 {
      %dma_wait3A_391 = arith.constant 0 : i32
      %dma_wait3A_392 = arith.constant 0 : i32
      %dma_wait3A_393 = tpu.memref_slice %arg6[%dma_wait3A_391, %dma_wait3A_392] : memref<80x128xi32, #tpu.memory_space<vmem>> -> memref<1x128xi32, #tpu.memory_space<vmem>>
      %dma_wait3A_394 = tpu.memref_squeeze %dma_wait3A_393 : memref<1x128xi32, #tpu.memory_space<vmem>> -> memref<128xi32, #tpu.memory_space<vmem>>
      %dma_wait3A_395 = arith.constant 0 : i32
      %dma_wait3A_396 = arith.constant 0 : i32
      %dma_wait3A_397 = tpu.memref_slice %arg2[%dma_wait3A_395, %dma_wait3A_396] : memref<10000x64xf32, #tpu.memory_space<hbm>> -> memref<10000x64xf32, #tpu.memory_space<hbm>>
      tpu.wait_indirect_dma semaphore(%arg17 : memref<!tpu.dma_semaphore, #tpu.memory_space<semaphore_mem>>) src(%dma_wait3A_397 : memref<10000x64xf32, #tpu.memory_space<hbm>>) dst(%arg8 : memref<128x64xf32, #tpu.memory_space<vmem>>)
      %mul3A_398 = arith.constant 8 : i32
      %mul3A_399 = arith.muli %scan3A_389, %mul3A_398 : i32
      %add3A_400 = arith.constant 0 : i32
      %add3A_401 = arith.addi %mul3A_399, %add3A_400 : i32
      %dma_start3A_402 = arith.constant 0 : i32
      %dma_start3A_403 = tpu.memref_slice %arg7[%add3A_401, %dma_start3A_402] : memref<80x128xi32, #tpu.memory_space<vmem>> -> memref<1x128xi32, #tpu.memory_space<vmem>>
      %dma_start3A_404 = tpu.memref_squeeze %dma_start3A_403 : memref<1x128xi32, #tpu.memory_space<vmem>> -> memref<128xi32, #tpu.memory_space<vmem>>
      %dma_start3A_405 = arith.constant 0 : i32
      %dma_start3A_406 = arith.constant 0 : i32
      %dma_start3A_407 = tpu.memref_slice %arg16[%dma_start3A_405, %dma_start3A_406] : memref<10240x64xf32, #tpu.memory_space<vmem_shared>> -> memref<10240x64xf32, #tpu.memory_space<vmem_shared>>
      tpu.enqueue_indirect_dma source(%arg8 : memref<128x64xf32, #tpu.memory_space<vmem>>) target(%dma_start3A_407 : memref<10240x64xf32, #tpu.memory_space<vmem_shared>>) offsets(%dma_start3A_404 : memref<128xi32, #tpu.memory_space<vmem>>) semaphore(%arg25 : memref<!tpu.dma_semaphore, #tpu.memory_space<semaphore_mem>>) {add = true}
      %dma_wait3A_408 = arith.constant 0 : i32
      %dma_wait3A_409 = arith.constant 0 : i32
      %dma_wait3A_410 = tpu.memref_slice %arg6[%dma_wait3A_408, %dma_wait3A_409] : memref<80x128xi32, #tpu.memory_space<vmem>> -> memref<1x128xi32, #tpu.memory_space<vmem>>
      %dma_wait3A_411 = tpu.memref_squeeze %dma_wait3A_410 : memref<1x128xi32, #tpu.memory_space<vmem>> -> memref<128xi32, #tpu.memory_space<vmem>>
      %dma_wait3A_412 = arith.constant 0 : i32
      %dma_wait3A_413 = arith.constant 0 : i32
      %dma_wait3A_414 = tpu.memref_slice %arg2[%dma_wait3A_412, %dma_wait3A_413] : memref<10000x64xf32, #tpu.memory_space<hbm>> -> memref<10000x64xf32, #tpu.memory_space<hbm>>
      tpu.wait_indirect_dma semaphore(%arg18 : memref<!tpu.dma_semaphore, #tpu.memory_space<semaphore_mem>>) src(%dma_wait3A_414 : memref<10000x64xf32, #tpu.memory_space<hbm>>) dst(%arg9 : memref<128x64xf32, #tpu.memory_space<vmem>>)
      %mul3A_415 = arith.constant 8 : i32
      %mul3A_416 = arith.muli %scan3A_389, %mul3A_415 : i32
      %add3A_417 = arith.constant 1 : i32
      %add3A_418 = arith.addi %mul3A_416, %add3A_417 : i32
      %dma_start3A_419 = arith.constant 0 : i32
      %dma_start3A_420 = tpu.memref_slice %arg7[%add3A_418, %dma_start3A_419] : memref<80x128xi32, #tpu.memory_space<vmem>> -> memref<1x128xi32, #tpu.memory_space<vmem>>
      %dma_start3A_421 = tpu.memref_squeeze %dma_start3A_420 : memref<1x128xi32, #tpu.memory_space<vmem>> -> memref<128xi32, #tpu.memory_space<vmem>>
      %dma_start3A_422 = arith.constant 0 : i32
      %dma_start3A_423 = arith.constant 0 : i32
      %dma_start3A_424 = tpu.memref_slice %arg16[%dma_start3A_422, %dma_start3A_423] : memref<10240x64xf32, #tpu.memory_space<vmem_shared>> -> memref<10240x64xf32, #tpu.memory_space<vmem_shared>>
      tpu.enqueue_indirect_dma source(%arg9 : memref<128x64xf32, #tpu.memory_space<vmem>>) target(%dma_start3A_424 : memref<10240x64xf32, #tpu.memory_space<vmem_shared>>) offsets(%dma_start3A_421 : memref<128xi32, #tpu.memory_space<vmem>>) semaphore(%arg26 : memref<!tpu.dma_semaphore, #tpu.memory_space<semaphore_mem>>) {add = true}
      %dma_wait3A_425 = arith.constant 0 : i32
      %dma_wait3A_426 = arith.constant 0 : i32
      %dma_wait3A_427 = tpu.memref_slice %arg6[%dma_wait3A_425, %dma_wait3A_426] : memref<80x128xi32, #tpu.memory_space<vmem>> -> memref<1x128xi32, #tpu.memory_space<vmem>>
      %dma_wait3A_428 = tpu.memref_squeeze %dma_wait3A_427 : memref<1x128xi32, #tpu.memory_space<vmem>> -> memref<128xi32, #tpu.memory_space<vmem>>
      %dma_wait3A_429 = arith.constant 0 : i32
      %dma_wait3A_430 = arith.constant 0 : i32
      %dma_wait3A_431 = tpu.memref_slice %arg2[%dma_wait3A_429, %dma_wait3A_430] : memref<10000x64xf32, #tpu.memory_space<hbm>> -> memref<10000x64xf32, #tpu.memory_space<hbm>>
      tpu.wait_indirect_dma semaphore(%arg19 : memref<!tpu.dma_semaphore, #tpu.memory_space<semaphore_mem>>) src(%dma_wait3A_431 : memref<10000x64xf32, #tpu.memory_space<hbm>>) dst(%arg10 : memref<128x64xf32, #tpu.memory_space<vmem>>)
      %mul3A_432 = arith.constant 8 : i32
      %mul3A_433 = arith.muli %scan3A_389, %mul3A_432 : i32
      %add3A_434 = arith.constant 2 : i32
      %add3A_435 = arith.addi %mul3A_433, %add3A_434 : i32
      %dma_start3A_436 = arith.constant 0 : i32
      %dma_start3A_437 = tpu.memref_slice %arg7[%add3A_435, %dma_start3A_436] : memref<80x128xi32, #tpu.memory_space<vmem>> -> memref<1x128xi32, #tpu.memory_space<vmem>>
      %dma_start3A_438 = tpu.memref_squeeze %dma_start3A_437 : memref<1x128xi32, #tpu.memory_space<vmem>> -> memref<128xi32, #tpu.memory_space<vmem>>
      %dma_start3A_439 = arith.constant 0 : i32
      %dma_start3A_440 = arith.constant 0 : i32
      %dma_start3A_441 = tpu.memref_slice %arg16[%dma_start3A_439, %dma_start3A_440] : memref<10240x64xf32, #tpu.memory_space<vmem_shared>> -> memref<10240x64xf32, #tpu.memory_space<vmem_shared>>
      tpu.enqueue_indirect_dma source(%arg10 : memref<128x64xf32, #tpu.memory_space<vmem>>) target(%dma_start3A_441 : memref<10240x64xf32, #tpu.memory_space<vmem_shared>>) offsets(%dma_start3A_438 : memref<128xi32, #tpu.memory_space<vmem>>) semaphore(%arg27 : memref<!tpu.dma_semaphore, #tpu.memory_space<semaphore_mem>>) {add = true}
      %dma_wait3A_442 = arith.constant 0 : i32
      %dma_wait3A_443 = arith.constant 0 : i32
      %dma_wait3A_444 = tpu.memref_slice %arg6[%dma_wait3A_442, %dma_wait3A_443] : memref<80x128xi32, #tpu.memory_space<vmem>> -> memref<1x128xi32, #tpu.memory_space<vmem>>
      %dma_wait3A_445 = tpu.memref_squeeze %dma_wait3A_444 : memref<1x128xi32, #tpu.memory_space<vmem>> -> memref<128xi32, #tpu.memory_space<vmem>>
      %dma_wait3A_446 = arith.constant 0 : i32
      %dma_wait3A_447 = arith.constant 0 : i32
      %dma_wait3A_448 = tpu.memref_slice %arg2[%dma_wait3A_446, %dma_wait3A_447] : memref<10000x64xf32, #tpu.memory_space<hbm>> -> memref<10000x64xf32, #tpu.memory_space<hbm>>
      tpu.wait_indirect_dma semaphore(%arg20 : memref<!tpu.dma_semaphore, #tpu.memory_space<semaphore_mem>>) src(%dma_wait3A_448 : memref<10000x64xf32, #tpu.memory_space<hbm>>) dst(%arg11 : memref<128x64xf32, #tpu.memory_space<vmem>>)
      %mul3A_449 = arith.constant 8 : i32
      %mul3A_450 = arith.muli %scan3A_389, %mul3A_449 : i32
      %add3A_451 = arith.constant 3 : i32
      %add3A_452 = arith.addi %mul3A_450, %add3A_451 : i32
      %dma_start3A_453 = arith.constant 0 : i32
      %dma_start3A_454 = tpu.memref_slice %arg7[%add3A_452, %dma_start3A_453] : memref<80x128xi32, #tpu.memory_space<vmem>> -> memref<1x128xi32, #tpu.memory_space<vmem>>
      %dma_start3A_455 = tpu.memref_squeeze %dma_start3A_454 : memref<1x128xi32, #tpu.memory_space<vmem>> -> memref<128xi32, #tpu.memory_space<vmem>>
      %dma_start3A_456 = arith.constant 0 : i32
      %dma_start3A_457 = arith.constant 0 : i32
      %dma_start3A_458 = tpu.memref_slice %arg16[%dma_start3A_456, %dma_start3A_457] : memref<10240x64xf32, #tpu.memory_space<vmem_shared>> -> memref<10240x64xf32, #tpu.memory_space<vmem_shared>>
      tpu.enqueue_indirect_dma source(%arg11 : memref<128x64xf32, #tpu.memory_space<vmem>>) target(%dma_start3A_458 : memref<10240x64xf32, #tpu.memory_space<vmem_shared>>) offsets(%dma_start3A_455 : memref<128xi32, #tpu.memory_space<vmem>>) semaphore(%arg28 : memref<!tpu.dma_semaphore, #tpu.memory_space<semaphore_mem>>) {add = true}
      %dma_wait3A_459 = arith.constant 0 : i32
      %dma_wait3A_460 = arith.constant 0 : i32
      %dma_wait3A_461 = tpu.memref_slice %arg6[%dma_wait3A_459, %dma_wait3A_460] : memref<80x128xi32, #tpu.memory_space<vmem>> -> memref<1x128xi32, #tpu.memory_space<vmem>>
      %dma_wait3A_462 = tpu.memref_squeeze %dma_wait3A_461 : memref<1x128xi32, #tpu.memory_space<vmem>> -> memref<128xi32, #tpu.memory_space<vmem>>
      %dma_wait3A_463 = arith.constant 0 : i32
      %dma_wait3A_464 = arith.constant 0 : i32
      %dma_wait3A_465 = tpu.memref_slice %arg2[%dma_wait3A_463, %dma_wait3A_464] : memref<10000x64xf32, #tpu.memory_space<hbm>> -> memref<10000x64xf32, #tpu.memory_space<hbm>>
      tpu.wait_indirect_dma semaphore(%arg21 : memref<!tpu.dma_semaphore, #tpu.memory_space<semaphore_mem>>) src(%dma_wait3A_465 : memref<10000x64xf32, #tpu.memory_space<hbm>>) dst(%arg12 : memref<128x64xf32, #tpu.memory_space<vmem>>)
      %mul3A_466 = arith.constant 8 : i32
      %mul3A_467 = arith.muli %scan3A_389, %mul3A_466 : i32
      %add3A_468 = arith.constant 4 : i32
      %add3A_469 = arith.addi %mul3A_467, %add3A_468 : i32
      %dma_start3A_470 = arith.constant 0 : i32
      %dma_start3A_471 = tpu.memref_slice %arg7[%add3A_469, %dma_start3A_470] : memref<80x128xi32, #tpu.memory_space<vmem>> -> memref<1x128xi32, #tpu.memory_space<vmem>>
      %dma_start3A_472 = tpu.memref_squeeze %dma_start3A_471 : memref<1x128xi32, #tpu.memory_space<vmem>> -> memref<128xi32, #tpu.memory_space<vmem>>
      %dma_start3A_473 = arith.constant 0 : i32
      %dma_start3A_474 = arith.constant 0 : i32
      %dma_start3A_475 = tpu.memref_slice %arg16[%dma_start3A_473, %dma_start3A_474] : memref<10240x64xf32, #tpu.memory_space<vmem_shared>> -> memref<10240x64xf32, #tpu.memory_space<vmem_shared>>
      tpu.enqueue_indirect_dma source(%arg12 : memref<128x64xf32, #tpu.memory_space<vmem>>) target(%dma_start3A_475 : memref<10240x64xf32, #tpu.memory_space<vmem_shared>>) offsets(%dma_start3A_472 : memref<128xi32, #tpu.memory_space<vmem>>) semaphore(%arg29 : memref<!tpu.dma_semaphore, #tpu.memory_space<semaphore_mem>>) {add = true}
      %dma_wait3A_476 = arith.constant 0 : i32
      %dma_wait3A_477 = arith.constant 0 : i32
      %dma_wait3A_478 = tpu.memref_slice %arg6[%dma_wait3A_476, %dma_wait3A_477] : memref<80x128xi32, #tpu.memory_space<vmem>> -> memref<1x128xi32, #tpu.memory_space<vmem>>
      %dma_wait3A_479 = tpu.memref_squeeze %dma_wait3A_478 : memref<1x128xi32, #tpu.memory_space<vmem>> -> memref<128xi32, #tpu.memory_space<vmem>>
      %dma_wait3A_480 = arith.constant 0 : i32
      %dma_wait3A_481 = arith.constant 0 : i32
      %dma_wait3A_482 = tpu.memref_slice %arg2[%dma_wait3A_480, %dma_wait3A_481] : memref<10000x64xf32, #tpu.memory_space<hbm>> -> memref<10000x64xf32, #tpu.memory_space<hbm>>
      tpu.wait_indirect_dma semaphore(%arg22 : memref<!tpu.dma_semaphore, #tpu.memory_space<semaphore_mem>>) src(%dma_wait3A_482 : memref<10000x64xf32, #tpu.memory_space<hbm>>) dst(%arg13 : memref<128x64xf32, #tpu.memory_space<vmem>>)
      %mul3A_483 = arith.constant 8 : i32
      %mul3A_484 = arith.muli %scan3A_389, %mul3A_483 : i32
      %add3A_485 = arith.constant 5 : i32
      %add3A_486 = arith.addi %mul3A_484, %add3A_485 : i32
      %dma_start3A_487 = arith.constant 0 : i32
      %dma_start3A_488 = tpu.memref_slice %arg7[%add3A_486, %dma_start3A_487] : memref<80x128xi32, #tpu.memory_space<vmem>> -> memref<1x128xi32, #tpu.memory_space<vmem>>
      %dma_start3A_489 = tpu.memref_squeeze %dma_start3A_488 : memref<1x128xi32, #tpu.memory_space<vmem>> -> memref<128xi32, #tpu.memory_space<vmem>>
      %dma_start3A_490 = arith.constant 0 : i32
      %dma_start3A_491 = arith.constant 0 : i32
      %dma_start3A_492 = tpu.memref_slice %arg16[%dma_start3A_490, %dma_start3A_491] : memref<10240x64xf32, #tpu.memory_space<vmem_shared>> -> memref<10240x64xf32, #tpu.memory_space<vmem_shared>>
      tpu.enqueue_indirect_dma source(%arg13 : memref<128x64xf32, #tpu.memory_space<vmem>>) target(%dma_start3A_492 : memref<10240x64xf32, #tpu.memory_space<vmem_shared>>) offsets(%dma_start3A_489 : memref<128xi32, #tpu.memory_space<vmem>>) semaphore(%arg30 : memref<!tpu.dma_semaphore, #tpu.memory_space<semaphore_mem>>) {add = true}
      %dma_wait3A_493 = arith.constant 0 : i32
      %dma_wait3A_494 = arith.constant 0 : i32
      %dma_wait3A_495 = tpu.memref_slice %arg6[%dma_wait3A_493, %dma_wait3A_494] : memref<80x128xi32, #tpu.memory_space<vmem>> -> memref<1x128xi32, #tpu.memory_space<vmem>>
      %dma_wait3A_496 = tpu.memref_squeeze %dma_wait3A_495 : memref<1x128xi32, #tpu.memory_space<vmem>> -> memref<128xi32, #tpu.memory_space<vmem>>
      %dma_wait3A_497 = arith.constant 0 : i32
      %dma_wait3A_498 = arith.constant 0 : i32
      %dma_wait3A_499 = tpu.memref_slice %arg2[%dma_wait3A_497, %dma_wait3A_498] : memref<10000x64xf32, #tpu.memory_space<hbm>> -> memref<10000x64xf32, #tpu.memory_space<hbm>>
      tpu.wait_indirect_dma semaphore(%arg23 : memref<!tpu.dma_semaphore, #tpu.memory_space<semaphore_mem>>) src(%dma_wait3A_499 : memref<10000x64xf32, #tpu.memory_space<hbm>>) dst(%arg14 : memref<128x64xf32, #tpu.memory_space<vmem>>)
      %mul3A_500 = arith.constant 8 : i32
      %mul3A_501 = arith.muli %scan3A_389, %mul3A_500 : i32
      %add3A_502 = arith.constant 6 : i32
      %add3A_503 = arith.addi %mul3A_501, %add3A_502 : i32
      %dma_start3A_504 = arith.constant 0 : i32
      %dma_start3A_505 = tpu.memref_slice %arg7[%add3A_503, %dma_start3A_504] : memref<80x128xi32, #tpu.memory_space<vmem>> -> memref<1x128xi32, #tpu.memory_space<vmem>>
      %dma_start3A_506 = tpu.memref_squeeze %dma_start3A_505 : memref<1x128xi32, #tpu.memory_space<vmem>> -> memref<128xi32, #tpu.memory_space<vmem>>
      %dma_start3A_507 = arith.constant 0 : i32
      %dma_start3A_508 = arith.constant 0 : i32
      %dma_start3A_509 = tpu.memref_slice %arg16[%dma_start3A_507, %dma_start3A_508] : memref<10240x64xf32, #tpu.memory_space<vmem_shared>> -> memref<10240x64xf32, #tpu.memory_space<vmem_shared>>
      tpu.enqueue_indirect_dma source(%arg14 : memref<128x64xf32, #tpu.memory_space<vmem>>) target(%dma_start3A_509 : memref<10240x64xf32, #tpu.memory_space<vmem_shared>>) offsets(%dma_start3A_506 : memref<128xi32, #tpu.memory_space<vmem>>) semaphore(%arg31 : memref<!tpu.dma_semaphore, #tpu.memory_space<semaphore_mem>>) {add = true}
      %dma_wait3A_510 = arith.constant 0 : i32
      %dma_wait3A_511 = arith.constant 0 : i32
      %dma_wait3A_512 = tpu.memref_slice %arg6[%dma_wait3A_510, %dma_wait3A_511] : memref<80x128xi32, #tpu.memory_space<vmem>> -> memref<1x128xi32, #tpu.memory_space<vmem>>
      %dma_wait3A_513 = tpu.memref_squeeze %dma_wait3A_512 : memref<1x128xi32, #tpu.memory_space<vmem>> -> memref<128xi32, #tpu.memory_space<vmem>>
      %dma_wait3A_514 = arith.constant 0 : i32
      %dma_wait3A_515 = arith.constant 0 : i32
      %dma_wait3A_516 = tpu.memref_slice %arg2[%dma_wait3A_514, %dma_wait3A_515] : memref<10000x64xf32, #tpu.memory_space<hbm>> -> memref<10000x64xf32, #tpu.memory_space<hbm>>
      tpu.wait_indirect_dma semaphore(%arg24 : memref<!tpu.dma_semaphore, #tpu.memory_space<semaphore_mem>>) src(%dma_wait3A_516 : memref<10000x64xf32, #tpu.memory_space<hbm>>) dst(%arg15 : memref<128x64xf32, #tpu.memory_space<vmem>>)
      %mul3A_517 = arith.constant 8 : i32
      %mul3A_518 = arith.muli %scan3A_389, %mul3A_517 : i32
      %add3A_519 = arith.constant 7 : i32
      %add3A_520 = arith.addi %mul3A_518, %add3A_519 : i32
      %dma_start3A_521 = arith.constant 0 : i32
      %dma_start3A_522 = tpu.memref_slice %arg7[%add3A_520, %dma_start3A_521] : memref<80x128xi32, #tpu.memory_space<vmem>> -> memref<1x128xi32, #tpu.memory_space<vmem>>
      %dma_start3A_523 = tpu.memref_squeeze %dma_start3A_522 : memref<1x128xi32, #tpu.memory_space<vmem>> -> memref<128xi32, #tpu.memory_space<vmem>>
      %dma_start3A_524 = arith.constant 0 : i32
      %dma_start3A_525 = arith.constant 0 : i32
      %dma_start3A_526 = tpu.memref_slice %arg16[%dma_start3A_524, %dma_start3A_525] : memref<10240x64xf32, #tpu.memory_space<vmem_shared>> -> memref<10240x64xf32, #tpu.memory_space<vmem_shared>>
      tpu.enqueue_indirect_dma source(%arg15 : memref<128x64xf32, #tpu.memory_space<vmem>>) target(%dma_start3A_526 : memref<10240x64xf32, #tpu.memory_space<vmem_shared>>) offsets(%dma_start3A_523 : memref<128xi32, #tpu.memory_space<vmem>>) semaphore(%arg32 : memref<!tpu.dma_semaphore, #tpu.memory_space<semaphore_mem>>) {add = true}
      %add3A_527 = arith.constant 1 : i32
      %add3A_528 = arith.addi %scan3A_389, %add3A_527 : i32
      %mul3A_529 = arith.constant 8 : i32
      %mul3A_530 = arith.muli %add3A_528, %mul3A_529 : i32
      %add3A_531 = arith.constant 0 : i32
      %add3A_532 = arith.addi %mul3A_530, %add3A_531 : i32
      %min3A = arith.constant 79 : i32
      %min3A_533 = arith.minsi %add3A_532, %min3A : i32
      %dma_wait3A_534 = arith.constant 0 : i32
      %dma_wait3A_535 = arith.constant 0 : i32
      %dma_wait3A_536 = tpu.memref_slice %arg7[%dma_wait3A_534, %dma_wait3A_535] : memref<80x128xi32, #tpu.memory_space<vmem>> -> memref<1x128xi32, #tpu.memory_space<vmem>>
      %dma_wait3A_537 = tpu.memref_squeeze %dma_wait3A_536 : memref<1x128xi32, #tpu.memory_space<vmem>> -> memref<128xi32, #tpu.memory_space<vmem>>
      %dma_wait3A_538 = arith.constant 0 : i32
      %dma_wait3A_539 = arith.constant 0 : i32
      %dma_wait3A_540 = tpu.memref_slice %arg16[%dma_wait3A_538, %dma_wait3A_539] : memref<10240x64xf32, #tpu.memory_space<vmem_shared>> -> memref<10240x64xf32, #tpu.memory_space<vmem_shared>>
      tpu.wait_indirect_dma semaphore(%arg25 : memref<!tpu.dma_semaphore, #tpu.memory_space<semaphore_mem>>) src(%arg8 : memref<128x64xf32, #tpu.memory_space<vmem>>) dst(%dma_wait3A_540 : memref<10240x64xf32, #tpu.memory_space<vmem_shared>>)
      %dma_start3A_541 = arith.constant 0 : i32
      %dma_start3A_542 = tpu.memref_slice %arg6[%min3A_533, %dma_start3A_541] : memref<80x128xi32, #tpu.memory_space<vmem>> -> memref<1x128xi32, #tpu.memory_space<vmem>>
      %dma_start3A_543 = tpu.memref_squeeze %dma_start3A_542 : memref<1x128xi32, #tpu.memory_space<vmem>> -> memref<128xi32, #tpu.memory_space<vmem>>
      %dma_start3A_544 = arith.constant 0 : i32
      %dma_start3A_545 = arith.constant 0 : i32
      %dma_start3A_546 = tpu.memref_slice %arg2[%dma_start3A_544, %dma_start3A_545] : memref<10000x64xf32, #tpu.memory_space<hbm>> -> memref<10000x64xf32, #tpu.memory_space<hbm>>
      tpu.enqueue_indirect_dma source(%dma_start3A_546 : memref<10000x64xf32, #tpu.memory_space<hbm>>) target(%arg8 : memref<128x64xf32, #tpu.memory_space<vmem>>) offsets(%dma_start3A_543 : memref<128xi32, #tpu.memory_space<vmem>>) semaphore(%arg17 : memref<!tpu.dma_semaphore, #tpu.memory_space<semaphore_mem>>)
      %add3A_547 = arith.constant 1 : i32
      %add3A_548 = arith.addi %scan3A_389, %add3A_547 : i32
      %mul3A_549 = arith.constant 8 : i32
      %mul3A_550 = arith.muli %add3A_548, %mul3A_549 : i32
      %add3A_551 = arith.constant 1 : i32
      %add3A_552 = arith.addi %mul3A_550, %add3A_551 : i32
      %min3A_553 = arith.constant 79 : i32
      %min3A_554 = arith.minsi %add3A_552, %min3A_553 : i32
      %dma_wait3A_555 = arith.constant 0 : i32
      %dma_wait3A_556 = arith.constant 0 : i32
      %dma_wait3A_557 = tpu.memref_slice %arg7[%dma_wait3A_555, %dma_wait3A_556] : memref<80x128xi32, #tpu.memory_space<vmem>> -> memref<1x128xi32, #tpu.memory_space<vmem>>
      %dma_wait3A_558 = tpu.memref_squeeze %dma_wait3A_557 : memref<1x128xi32, #tpu.memory_space<vmem>> -> memref<128xi32, #tpu.memory_space<vmem>>
      %dma_wait3A_559 = arith.constant 0 : i32
      %dma_wait3A_560 = arith.constant 0 : i32
      %dma_wait3A_561 = tpu.memref_slice %arg16[%dma_wait3A_559, %dma_wait3A_560] : memref<10240x64xf32, #tpu.memory_space<vmem_shared>> -> memref<10240x64xf32, #tpu.memory_space<vmem_shared>>
      tpu.wait_indirect_dma semaphore(%arg26 : memref<!tpu.dma_semaphore, #tpu.memory_space<semaphore_mem>>) src(%arg9 : memref<128x64xf32, #tpu.memory_space<vmem>>) dst(%dma_wait3A_561 : memref<10240x64xf32, #tpu.memory_space<vmem_shared>>)
      %dma_start3A_562 = arith.constant 0 : i32
      %dma_start3A_563 = tpu.memref_slice %arg6[%min3A_554, %dma_start3A_562] : memref<80x128xi32, #tpu.memory_space<vmem>> -> memref<1x128xi32, #tpu.memory_space<vmem>>
      %dma_start3A_564 = tpu.memref_squeeze %dma_start3A_563 : memref<1x128xi32, #tpu.memory_space<vmem>> -> memref<128xi32, #tpu.memory_space<vmem>>
      %dma_start3A_565 = arith.constant 0 : i32
      %dma_start3A_566 = arith.constant 0 : i32
      %dma_start3A_567 = tpu.memref_slice %arg2[%dma_start3A_565, %dma_start3A_566] : memref<10000x64xf32, #tpu.memory_space<hbm>> -> memref<10000x64xf32, #tpu.memory_space<hbm>>
      tpu.enqueue_indirect_dma source(%dma_start3A_567 : memref<10000x64xf32, #tpu.memory_space<hbm>>) target(%arg9 : memref<128x64xf32, #tpu.memory_space<vmem>>) offsets(%dma_start3A_564 : memref<128xi32, #tpu.memory_space<vmem>>) semaphore(%arg18 : memref<!tpu.dma_semaphore, #tpu.memory_space<semaphore_mem>>)
      %add3A_568 = arith.constant 1 : i32
      %add3A_569 = arith.addi %scan3A_389, %add3A_568 : i32
      %mul3A_570 = arith.constant 8 : i32
      %mul3A_571 = arith.muli %add3A_569, %mul3A_570 : i32
      %add3A_572 = arith.constant 2 : i32
      %add3A_573 = arith.addi %mul3A_571, %add3A_572 : i32
      %min3A_574 = arith.constant 79 : i32
      %min3A_575 = arith.minsi %add3A_573, %min3A_574 : i32
      %dma_wait3A_576 = arith.constant 0 : i32
      %dma_wait3A_577 = arith.constant 0 : i32
      %dma_wait3A_578 = tpu.memref_slice %arg7[%dma_wait3A_576, %dma_wait3A_577] : memref<80x128xi32, #tpu.memory_space<vmem>> -> memref<1x128xi32, #tpu.memory_space<vmem>>
      %dma_wait3A_579 = tpu.memref_squeeze %dma_wait3A_578 : memref<1x128xi32, #tpu.memory_space<vmem>> -> memref<128xi32, #tpu.memory_space<vmem>>
      %dma_wait3A_580 = arith.constant 0 : i32
      %dma_wait3A_581 = arith.constant 0 : i32
      %dma_wait3A_582 = tpu.memref_slice %arg16[%dma_wait3A_580, %dma_wait3A_581] : memref<10240x64xf32, #tpu.memory_space<vmem_shared>> -> memref<10240x64xf32, #tpu.memory_space<vmem_shared>>
      tpu.wait_indirect_dma semaphore(%arg27 : memref<!tpu.dma_semaphore, #tpu.memory_space<semaphore_mem>>) src(%arg10 : memref<128x64xf32, #tpu.memory_space<vmem>>) dst(%dma_wait3A_582 : memref<10240x64xf32, #tpu.memory_space<vmem_shared>>)
      %dma_start3A_583 = arith.constant 0 : i32
      %dma_start3A_584 = tpu.memref_slice %arg6[%min3A_575, %dma_start3A_583] : memref<80x128xi32, #tpu.memory_space<vmem>> -> memref<1x128xi32, #tpu.memory_space<vmem>>
      %dma_start3A_585 = tpu.memref_squeeze %dma_start3A_584 : memref<1x128xi32, #tpu.memory_space<vmem>> -> memref<128xi32, #tpu.memory_space<vmem>>
      %dma_start3A_586 = arith.constant 0 : i32
      %dma_start3A_587 = arith.constant 0 : i32
      %dma_start3A_588 = tpu.memref_slice %arg2[%dma_start3A_586, %dma_start3A_587] : memref<10000x64xf32, #tpu.memory_space<hbm>> -> memref<10000x64xf32, #tpu.memory_space<hbm>>
      tpu.enqueue_indirect_dma source(%dma_start3A_588 : memref<10000x64xf32, #tpu.memory_space<hbm>>) target(%arg10 : memref<128x64xf32, #tpu.memory_space<vmem>>) offsets(%dma_start3A_585 : memref<128xi32, #tpu.memory_space<vmem>>) semaphore(%arg19 : memref<!tpu.dma_semaphore, #tpu.memory_space<semaphore_mem>>)
      %add3A_589 = arith.constant 1 : i32
      %add3A_590 = arith.addi %scan3A_389, %add3A_589 : i32
      %mul3A_591 = arith.constant 8 : i32
      %mul3A_592 = arith.muli %add3A_590, %mul3A_591 : i32
      %add3A_593 = arith.constant 3 : i32
      %add3A_594 = arith.addi %mul3A_592, %add3A_593 : i32
      %min3A_595 = arith.constant 79 : i32
      %min3A_596 = arith.minsi %add3A_594, %min3A_595 : i32
      %dma_wait3A_597 = arith.constant 0 : i32
      %dma_wait3A_598 = arith.constant 0 : i32
      %dma_wait3A_599 = tpu.memref_slice %arg7[%dma_wait3A_597, %dma_wait3A_598] : memref<80x128xi32, #tpu.memory_space<vmem>> -> memref<1x128xi32, #tpu.memory_space<vmem>>
      %dma_wait3A_600 = tpu.memref_squeeze %dma_wait3A_599 : memref<1x128xi32, #tpu.memory_space<vmem>> -> memref<128xi32, #tpu.memory_space<vmem>>
      %dma_wait3A_601 = arith.constant 0 : i32
      %dma_wait3A_602 = arith.constant 0 : i32
      %dma_wait3A_603 = tpu.memref_slice %arg16[%dma_wait3A_601, %dma_wait3A_602] : memref<10240x64xf32, #tpu.memory_space<vmem_shared>> -> memref<10240x64xf32, #tpu.memory_space<vmem_shared>>
      tpu.wait_indirect_dma semaphore(%arg28 : memref<!tpu.dma_semaphore, #tpu.memory_space<semaphore_mem>>) src(%arg11 : memref<128x64xf32, #tpu.memory_space<vmem>>) dst(%dma_wait3A_603 : memref<10240x64xf32, #tpu.memory_space<vmem_shared>>)
      %dma_start3A_604 = arith.constant 0 : i32
      %dma_start3A_605 = tpu.memref_slice %arg6[%min3A_596, %dma_start3A_604] : memref<80x128xi32, #tpu.memory_space<vmem>> -> memref<1x128xi32, #tpu.memory_space<vmem>>
      %dma_start3A_606 = tpu.memref_squeeze %dma_start3A_605 : memref<1x128xi32, #tpu.memory_space<vmem>> -> memref<128xi32, #tpu.memory_space<vmem>>
      %dma_start3A_607 = arith.constant 0 : i32
      %dma_start3A_608 = arith.constant 0 : i32
      %dma_start3A_609 = tpu.memref_slice %arg2[%dma_start3A_607, %dma_start3A_608] : memref<10000x64xf32, #tpu.memory_space<hbm>> -> memref<10000x64xf32, #tpu.memory_space<hbm>>
      tpu.enqueue_indirect_dma source(%dma_start3A_609 : memref<10000x64xf32, #tpu.memory_space<hbm>>) target(%arg11 : memref<128x64xf32, #tpu.memory_space<vmem>>) offsets(%dma_start3A_606 : memref<128xi32, #tpu.memory_space<vmem>>) semaphore(%arg20 : memref<!tpu.dma_semaphore, #tpu.memory_space<semaphore_mem>>)
      %add3A_610 = arith.constant 1 : i32
      %add3A_611 = arith.addi %scan3A_389, %add3A_610 : i32
      %mul3A_612 = arith.constant 8 : i32
      %mul3A_613 = arith.muli %add3A_611, %mul3A_612 : i32
      %add3A_614 = arith.constant 4 : i32
      %add3A_615 = arith.addi %mul3A_613, %add3A_614 : i32
      %min3A_616 = arith.constant 79 : i32
      %min3A_617 = arith.minsi %add3A_615, %min3A_616 : i32
      %dma_wait3A_618 = arith.constant 0 : i32
      %dma_wait3A_619 = arith.constant 0 : i32
      %dma_wait3A_620 = tpu.memref_slice %arg7[%dma_wait3A_618, %dma_wait3A_619] : memref<80x128xi32, #tpu.memory_space<vmem>> -> memref<1x128xi32, #tpu.memory_space<vmem>>
      %dma_wait3A_621 = tpu.memref_squeeze %dma_wait3A_620 : memref<1x128xi32, #tpu.memory_space<vmem>> -> memref<128xi32, #tpu.memory_space<vmem>>
      %dma_wait3A_622 = arith.constant 0 : i32
      %dma_wait3A_623 = arith.constant 0 : i32
      %dma_wait3A_624 = tpu.memref_slice %arg16[%dma_wait3A_622, %dma_wait3A_623] : memref<10240x64xf32, #tpu.memory_space<vmem_shared>> -> memref<10240x64xf32, #tpu.memory_space<vmem_shared>>
      tpu.wait_indirect_dma semaphore(%arg29 : memref<!tpu.dma_semaphore, #tpu.memory_space<semaphore_mem>>) src(%arg12 : memref<128x64xf32, #tpu.memory_space<vmem>>) dst(%dma_wait3A_624 : memref<10240x64xf32, #tpu.memory_space<vmem_shared>>)
      %dma_start3A_625 = arith.constant 0 : i32
      %dma_start3A_626 = tpu.memref_slice %arg6[%min3A_617, %dma_start3A_625] : memref<80x128xi32, #tpu.memory_space<vmem>> -> memref<1x128xi32, #tpu.memory_space<vmem>>
      %dma_start3A_627 = tpu.memref_squeeze %dma_start3A_626 : memref<1x128xi32, #tpu.memory_space<vmem>> -> memref<128xi32, #tpu.memory_space<vmem>>
      %dma_start3A_628 = arith.constant 0 : i32
      %dma_start3A_629 = arith.constant 0 : i32
      %dma_start3A_630 = tpu.memref_slice %arg2[%dma_start3A_628, %dma_start3A_629] : memref<10000x64xf32, #tpu.memory_space<hbm>> -> memref<10000x64xf32, #tpu.memory_space<hbm>>
      tpu.enqueue_indirect_dma source(%dma_start3A_630 : memref<10000x64xf32, #tpu.memory_space<hbm>>) target(%arg12 : memref<128x64xf32, #tpu.memory_space<vmem>>) offsets(%dma_start3A_627 : memref<128xi32, #tpu.memory_space<vmem>>) semaphore(%arg21 : memref<!tpu.dma_semaphore, #tpu.memory_space<semaphore_mem>>)
      %add3A_631 = arith.constant 1 : i32
      %add3A_632 = arith.addi %scan3A_389, %add3A_631 : i32
      %mul3A_633 = arith.constant 8 : i32
      %mul3A_634 = arith.muli %add3A_632, %mul3A_633 : i32
      %add3A_635 = arith.constant 5 : i32
      %add3A_636 = arith.addi %mul3A_634, %add3A_635 : i32
      %min3A_637 = arith.constant 79 : i32
      %min3A_638 = arith.minsi %add3A_636, %min3A_637 : i32
      %dma_wait3A_639 = arith.constant 0 : i32
      %dma_wait3A_640 = arith.constant 0 : i32
      %dma_wait3A_641 = tpu.memref_slice %arg7[%dma_wait3A_639, %dma_wait3A_640] : memref<80x128xi32, #tpu.memory_space<vmem>> -> memref<1x128xi32, #tpu.memory_space<vmem>>
      %dma_wait3A_642 = tpu.memref_squeeze %dma_wait3A_641 : memref<1x128xi32, #tpu.memory_space<vmem>> -> memref<128xi32, #tpu.memory_space<vmem>>
      %dma_wait3A_643 = arith.constant 0 : i32
      %dma_wait3A_644 = arith.constant 0 : i32
      %dma_wait3A_645 = tpu.memref_slice %arg16[%dma_wait3A_643, %dma_wait3A_644] : memref<10240x64xf32, #tpu.memory_space<vmem_shared>> -> memref<10240x64xf32, #tpu.memory_space<vmem_shared>>
      tpu.wait_indirect_dma semaphore(%arg30 : memref<!tpu.dma_semaphore, #tpu.memory_space<semaphore_mem>>) src(%arg13 : memref<128x64xf32, #tpu.memory_space<vmem>>) dst(%dma_wait3A_645 : memref<10240x64xf32, #tpu.memory_space<vmem_shared>>)
      %dma_start3A_646 = arith.constant 0 : i32
      %dma_start3A_647 = tpu.memref_slice %arg6[%min3A_638, %dma_start3A_646] : memref<80x128xi32, #tpu.memory_space<vmem>> -> memref<1x128xi32, #tpu.memory_space<vmem>>
      %dma_start3A_648 = tpu.memref_squeeze %dma_start3A_647 : memref<1x128xi32, #tpu.memory_space<vmem>> -> memref<128xi32, #tpu.memory_space<vmem>>
      %dma_start3A_649 = arith.constant 0 : i32
      %dma_start3A_650 = arith.constant 0 : i32
      %dma_start3A_651 = tpu.memref_slice %arg2[%dma_start3A_649, %dma_start3A_650] : memref<10000x64xf32, #tpu.memory_space<hbm>> -> memref<10000x64xf32, #tpu.memory_space<hbm>>
      tpu.enqueue_indirect_dma source(%dma_start3A_651 : memref<10000x64xf32, #tpu.memory_space<hbm>>) target(%arg13 : memref<128x64xf32, #tpu.memory_space<vmem>>) offsets(%dma_start3A_648 : memref<128xi32, #tpu.memory_space<vmem>>) semaphore(%arg22 : memref<!tpu.dma_semaphore, #tpu.memory_space<semaphore_mem>>)
      %add3A_652 = arith.constant 1 : i32
      %add3A_653 = arith.addi %scan3A_389, %add3A_652 : i32
      %mul3A_654 = arith.constant 8 : i32
      %mul3A_655 = arith.muli %add3A_653, %mul3A_654 : i32
      %add3A_656 = arith.constant 6 : i32
      %add3A_657 = arith.addi %mul3A_655, %add3A_656 : i32
      %min3A_658 = arith.constant 79 : i32
      %min3A_659 = arith.minsi %add3A_657, %min3A_658 : i32
      %dma_wait3A_660 = arith.constant 0 : i32
      %dma_wait3A_661 = arith.constant 0 : i32
      %dma_wait3A_662 = tpu.memref_slice %arg7[%dma_wait3A_660, %dma_wait3A_661] : memref<80x128xi32, #tpu.memory_space<vmem>> -> memref<1x128xi32, #tpu.memory_space<vmem>>
      %dma_wait3A_663 = tpu.memref_squeeze %dma_wait3A_662 : memref<1x128xi32, #tpu.memory_space<vmem>> -> memref<128xi32, #tpu.memory_space<vmem>>
      %dma_wait3A_664 = arith.constant 0 : i32
      %dma_wait3A_665 = arith.constant 0 : i32
      %dma_wait3A_666 = tpu.memref_slice %arg16[%dma_wait3A_664, %dma_wait3A_665] : memref<10240x64xf32, #tpu.memory_space<vmem_shared>> -> memref<10240x64xf32, #tpu.memory_space<vmem_shared>>
      tpu.wait_indirect_dma semaphore(%arg31 : memref<!tpu.dma_semaphore, #tpu.memory_space<semaphore_mem>>) src(%arg14 : memref<128x64xf32, #tpu.memory_space<vmem>>) dst(%dma_wait3A_666 : memref<10240x64xf32, #tpu.memory_space<vmem_shared>>)
      %dma_start3A_667 = arith.constant 0 : i32
      %dma_start3A_668 = tpu.memref_slice %arg6[%min3A_659, %dma_start3A_667] : memref<80x128xi32, #tpu.memory_space<vmem>> -> memref<1x128xi32, #tpu.memory_space<vmem>>
      %dma_start3A_669 = tpu.memref_squeeze %dma_start3A_668 : memref<1x128xi32, #tpu.memory_space<vmem>> -> memref<128xi32, #tpu.memory_space<vmem>>
      %dma_start3A_670 = arith.constant 0 : i32
      %dma_start3A_671 = arith.constant 0 : i32
      %dma_start3A_672 = tpu.memref_slice %arg2[%dma_start3A_670, %dma_start3A_671] : memref<10000x64xf32, #tpu.memory_space<hbm>> -> memref<10000x64xf32, #tpu.memory_space<hbm>>
      tpu.enqueue_indirect_dma source(%dma_start3A_672 : memref<10000x64xf32, #tpu.memory_space<hbm>>) target(%arg14 : memref<128x64xf32, #tpu.memory_space<vmem>>) offsets(%dma_start3A_669 : memref<128xi32, #tpu.memory_space<vmem>>) semaphore(%arg23 : memref<!tpu.dma_semaphore, #tpu.memory_space<semaphore_mem>>)
      %add3A_673 = arith.constant 1 : i32
      %add3A_674 = arith.addi %scan3A_389, %add3A_673 : i32
      %mul3A_675 = arith.constant 8 : i32
      %mul3A_676 = arith.muli %add3A_674, %mul3A_675 : i32
      %add3A_677 = arith.constant 7 : i32
      %add3A_678 = arith.addi %mul3A_676, %add3A_677 : i32
      %min3A_679 = arith.constant 79 : i32
      %min3A_680 = arith.minsi %add3A_678, %min3A_679 : i32
      %dma_wait3A_681 = arith.constant 0 : i32
      %dma_wait3A_682 = arith.constant 0 : i32
      %dma_wait3A_683 = tpu.memref_slice %arg7[%dma_wait3A_681, %dma_wait3A_682] : memref<80x128xi32, #tpu.memory_space<vmem>> -> memref<1x128xi32, #tpu.memory_space<vmem>>
      %dma_wait3A_684 = tpu.memref_squeeze %dma_wait3A_683 : memref<1x128xi32, #tpu.memory_space<vmem>> -> memref<128xi32, #tpu.memory_space<vmem>>
      %dma_wait3A_685 = arith.constant 0 : i32
      %dma_wait3A_686 = arith.constant 0 : i32
      %dma_wait3A_687 = tpu.memref_slice %arg16[%dma_wait3A_685, %dma_wait3A_686] : memref<10240x64xf32, #tpu.memory_space<vmem_shared>> -> memref<10240x64xf32, #tpu.memory_space<vmem_shared>>
      tpu.wait_indirect_dma semaphore(%arg32 : memref<!tpu.dma_semaphore, #tpu.memory_space<semaphore_mem>>) src(%arg15 : memref<128x64xf32, #tpu.memory_space<vmem>>) dst(%dma_wait3A_687 : memref<10240x64xf32, #tpu.memory_space<vmem_shared>>)
      %dma_start3A_688 = arith.constant 0 : i32
      %dma_start3A_689 = tpu.memref_slice %arg6[%min3A_680, %dma_start3A_688] : memref<80x128xi32, #tpu.memory_space<vmem>> -> memref<1x128xi32, #tpu.memory_space<vmem>>
      %dma_start3A_690 = tpu.memref_squeeze %dma_start3A_689 : memref<1x128xi32, #tpu.memory_space<vmem>> -> memref<128xi32, #tpu.memory_space<vmem>>
      %dma_start3A_691 = arith.constant 0 : i32
      %dma_start3A_692 = arith.constant 0 : i32
      %dma_start3A_693 = tpu.memref_slice %arg2[%dma_start3A_691, %dma_start3A_692] : memref<10000x64xf32, #tpu.memory_space<hbm>> -> memref<10000x64xf32, #tpu.memory_space<hbm>>
      tpu.enqueue_indirect_dma source(%dma_start3A_693 : memref<10000x64xf32, #tpu.memory_space<hbm>>) target(%arg15 : memref<128x64xf32, #tpu.memory_space<vmem>>) offsets(%dma_start3A_690 : memref<128xi32, #tpu.memory_space<vmem>>) semaphore(%arg24 : memref<!tpu.dma_semaphore, #tpu.memory_space<semaphore_mem>>)
      %scan3A_694 = arith.constant 0 : i32
      scf.yield %scan3A_694 : i32
    }
    %scan3A_321 = arith.constant 10 : i32
    %dma_wait3A_322 = arith.constant 0 : i32
    %dma_wait3A_323 = arith.constant 0 : i32
    %dma_wait3A_324 = tpu.memref_slice %arg6[%dma_wait3A_322, %dma_wait3A_323] : memref<80x128xi32, #tpu.memory_space<vmem>> -> memref<1x128xi32, #tpu.memory_space<vmem>>
    %dma_wait3A_325 = tpu.memref_squeeze %dma_wait3A_324 : memref<1x128xi32, #tpu.memory_space<vmem>> -> memref<128xi32, #tpu.memory_space<vmem>>
    %dma_wait3A_326 = arith.constant 0 : i32
    %dma_wait3A_327 = arith.constant 0 : i32
    %dma_wait3A_328 = tpu.memref_slice %arg2[%dma_wait3A_326, %dma_wait3A_327] : memref<10000x64xf32, #tpu.memory_space<hbm>> -> memref<10000x64xf32, #tpu.memory_space<hbm>>
    tpu.wait_indirect_dma semaphore(%arg17 : memref<!tpu.dma_semaphore, #tpu.memory_space<semaphore_mem>>) src(%dma_wait3A_328 : memref<10000x64xf32, #tpu.memory_space<hbm>>) dst(%arg8 : memref<128x64xf32, #tpu.memory_space<vmem>>)
    %dma_wait3A_329 = arith.constant 0 : i32
    %dma_wait3A_330 = arith.constant 0 : i32
    %dma_wait3A_331 = tpu.memref_slice %arg6[%dma_wait3A_329, %dma_wait3A_330] : memref<80x128xi32, #tpu.memory_space<vmem>> -> memref<1x128xi32, #tpu.memory_space<vmem>>
    %dma_wait3A_332 = tpu.memref_squeeze %dma_wait3A_331 : memref<1x128xi32, #tpu.memory_space<vmem>> -> memref<128xi32, #tpu.memory_space<vmem>>
    %dma_wait3A_333 = arith.constant 0 : i32
    %dma_wait3A_334 = arith.constant 0 : i32
    %dma_wait3A_335 = tpu.memref_slice %arg2[%dma_wait3A_333, %dma_wait3A_334] : memref<10000x64xf32, #tpu.memory_space<hbm>> -> memref<10000x64xf32, #tpu.memory_space<hbm>>
    tpu.wait_indirect_dma semaphore(%arg18 : memref<!tpu.dma_semaphore, #tpu.memory_space<semaphore_mem>>) src(%dma_wait3A_335 : memref<10000x64xf32, #tpu.memory_space<hbm>>) dst(%arg9 : memref<128x64xf32, #tpu.memory_space<vmem>>)
    %dma_wait3A_336 = arith.constant 0 : i32
    %dma_wait3A_337 = arith.constant 0 : i32
    %dma_wait3A_338 = tpu.memref_slice %arg6[%dma_wait3A_336, %dma_wait3A_337] : memref<80x128xi32, #tpu.memory_space<vmem>> -> memref<1x128xi32, #tpu.memory_space<vmem>>
    %dma_wait3A_339 = tpu.memref_squeeze %dma_wait3A_338 : memref<1x128xi32, #tpu.memory_space<vmem>> -> memref<128xi32, #tpu.memory_space<vmem>>
    %dma_wait3A_340 = arith.constant 0 : i32
    %dma_wait3A_341 = arith.constant 0 : i32
    %dma_wait3A_342 = tpu.memref_slice %arg2[%dma_wait3A_340, %dma_wait3A_341] : memref<10000x64xf32, #tpu.memory_space<hbm>> -> memref<10000x64xf32, #tpu.memory_space<hbm>>
    tpu.wait_indirect_dma semaphore(%arg19 : memref<!tpu.dma_semaphore, #tpu.memory_space<semaphore_mem>>) src(%dma_wait3A_342 : memref<10000x64xf32, #tpu.memory_space<hbm>>) dst(%arg10 : memref<128x64xf32, #tpu.memory_space<vmem>>)
    %dma_wait3A_343 = arith.constant 0 : i32
    %dma_wait3A_344 = arith.constant 0 : i32
    %dma_wait3A_345 = tpu.memref_slice %arg6[%dma_wait3A_343, %dma_wait3A_344] : memref<80x128xi32, #tpu.memory_space<vmem>> -> memref<1x128xi32, #tpu.memory_space<vmem>>
    %dma_wait3A_346 = tpu.memref_squeeze %dma_wait3A_345 : memref<1x128xi32, #tpu.memory_space<vmem>> -> memref<128xi32, #tpu.memory_space<vmem>>
    %dma_wait3A_347 = arith.constant 0 : i32
    %dma_wait3A_348 = arith.constant 0 : i32
    %dma_wait3A_349 = tpu.memref_slice %arg2[%dma_wait3A_347, %dma_wait3A_348] : memref<10000x64xf32, #tpu.memory_space<hbm>> -> memref<10000x64xf32, #tpu.memory_space<hbm>>
    tpu.wait_indirect_dma semaphore(%arg20 : memref<!tpu.dma_semaphore, #tpu.memory_space<semaphore_mem>>) src(%dma_wait3A_349 : memref<10000x64xf32, #tpu.memory_space<hbm>>) dst(%arg11 : memref<128x64xf32, #tpu.memory_space<vmem>>)
    %dma_wait3A_350 = arith.constant 0 : i32
    %dma_wait3A_351 = arith.constant 0 : i32
    %dma_wait3A_352 = tpu.memref_slice %arg6[%dma_wait3A_350, %dma_wait3A_351] : memref<80x128xi32, #tpu.memory_space<vmem>> -> memref<1x128xi32, #tpu.memory_space<vmem>>
    %dma_wait3A_353 = tpu.memref_squeeze %dma_wait3A_352 : memref<1x128xi32, #tpu.memory_space<vmem>> -> memref<128xi32, #tpu.memory_space<vmem>>
    %dma_wait3A_354 = arith.constant 0 : i32
    %dma_wait3A_355 = arith.constant 0 : i32
    %dma_wait3A_356 = tpu.memref_slice %arg2[%dma_wait3A_354, %dma_wait3A_355] : memref<10000x64xf32, #tpu.memory_space<hbm>> -> memref<10000x64xf32, #tpu.memory_space<hbm>>
    tpu.wait_indirect_dma semaphore(%arg21 : memref<!tpu.dma_semaphore, #tpu.memory_space<semaphore_mem>>) src(%dma_wait3A_356 : memref<10000x64xf32, #tpu.memory_space<hbm>>) dst(%arg12 : memref<128x64xf32, #tpu.memory_space<vmem>>)
    %dma_wait3A_357 = arith.constant 0 : i32
    %dma_wait3A_358 = arith.constant 0 : i32
    %dma_wait3A_359 = tpu.memref_slice %arg6[%dma_wait3A_357, %dma_wait3A_358] : memref<80x128xi32, #tpu.memory_space<vmem>> -> memref<1x128xi32, #tpu.memory_space<vmem>>
    %dma_wait3A_360 = tpu.memref_squeeze %dma_wait3A_359 : memref<1x128xi32, #tpu.memory_space<vmem>> -> memref<128xi32, #tpu.memory_space<vmem>>
    %dma_wait3A_361 = arith.constant 0 : i32
    %dma_wait3A_362 = arith.constant 0 : i32
    %dma_wait3A_363 = tpu.memref_slice %arg2[%dma_wait3A_361, %dma_wait3A_362] : memref<10000x64xf32, #tpu.memory_space<hbm>> -> memref<10000x64xf32, #tpu.memory_space<hbm>>
    tpu.wait_indirect_dma semaphore(%arg22 : memref<!tpu.dma_semaphore, #tpu.memory_space<semaphore_mem>>) src(%dma_wait3A_363 : memref<10000x64xf32, #tpu.memory_space<hbm>>) dst(%arg13 : memref<128x64xf32, #tpu.memory_space<vmem>>)
    %dma_wait3A_364 = arith.constant 0 : i32
    %dma_wait3A_365 = arith.constant 0 : i32
    %dma_wait3A_366 = tpu.memref_slice %arg6[%dma_wait3A_364, %dma_wait3A_365] : memref<80x128xi32, #tpu.memory_space<vmem>> -> memref<1x128xi32, #tpu.memory_space<vmem>>
    %dma_wait3A_367 = tpu.memref_squeeze %dma_wait3A_366 : memref<1x128xi32, #tpu.memory_space<vmem>> -> memref<128xi32, #tpu.memory_space<vmem>>
    %dma_wait3A_368 = arith.constant 0 : i32
    %dma_wait3A_369 = arith.constant 0 : i32
    %dma_wait3A_370 = tpu.memref_slice %arg2[%dma_wait3A_368, %dma_wait3A_369] : memref<10000x64xf32, #tpu.memory_space<hbm>> -> memref<10000x64xf32, #tpu.memory_space<hbm>>
    tpu.wait_indirect_dma semaphore(%arg23 : memref<!tpu.dma_semaphore, #tpu.memory_space<semaphore_mem>>) src(%dma_wait3A_370 : memref<10000x64xf32, #tpu.memory_space<hbm>>) dst(%arg14 : memref<128x64xf32, #tpu.memory_space<vmem>>)
    %dma_wait3A_371 = arith.constant 0 : i32
    %dma_wait3A_372 = arith.constant 0 : i32
    %dma_wait3A_373 = tpu.memref_slice %arg6[%dma_wait3A_371, %dma_wait3A_372] : memref<80x128xi32, #tpu.memory_space<vmem>> -> memref<1x128xi32, #tpu.memory_space<vmem>>
    %dma_wait3A_374 = tpu.memref_squeeze %dma_wait3A_373 : memref<1x128xi32, #tpu.memory_space<vmem>> -> memref<128xi32, #tpu.memory_space<vmem>>
    %dma_wait3A_375 = arith.constant 0 : i32
    %dma_wait3A_376 = arith.constant 0 : i32
    %dma_wait3A_377 = tpu.memref_slice %arg2[%dma_wait3A_375, %dma_wait3A_376] : memref<10000x64xf32, #tpu.memory_space<hbm>> -> memref<10000x64xf32, #tpu.memory_space<hbm>>
    tpu.wait_indirect_dma semaphore(%arg24 : memref<!tpu.dma_semaphore, #tpu.memory_space<semaphore_mem>>) src(%dma_wait3A_377 : memref<10000x64xf32, #tpu.memory_space<hbm>>) dst(%arg15 : memref<128x64xf32, #tpu.memory_space<vmem>>)
    %barrier3A_378 = arith.constant 0 : index
    tpu.barrier barrier_id(%barrier3A_378)
    %dma_start3A_379 = arith.constant 0 : i32
    %dma_start3A_380 = tpu.memref_slice %arg5[%arg0, %mul3A_2, %dma_start3A_379] : memref<2x10240x64xf32, #tpu.memory_space<hbm>> -> memref<1x640x64xf32, #tpu.memory_space<hbm>>
    %dma_start3A_381 = tpu.memref_squeeze %dma_start3A_380 : memref<1x640x64xf32, #tpu.memory_space<hbm>> -> memref<640x64xf32, #tpu.memory_space<hbm>>
    %dma_start3A_382 = arith.constant 0 : i32
    %dma_start3A_383 = tpu.memref_slice %arg16[%mul3A_2, %dma_start3A_382] : memref<10240x64xf32, #tpu.memory_space<vmem_shared>> -> memref<640x64xf32, #tpu.memory_space<vmem_shared>>
    tpu.enqueue_dma source(%dma_start3A_383 : memref<640x64xf32, #tpu.memory_space<vmem_shared>>) target(%dma_start3A_381 : memref<640x64xf32, #tpu.memory_space<hbm>>) target_semaphore(%arg17 : memref<!tpu.dma_semaphore, #tpu.memory_space<semaphore_mem>>)
    %dma_wait3A_384 = arith.constant 0 : i32
    %dma_wait3A_385 = tpu.memref_slice %arg5[%arg0, %mul3A_2, %dma_wait3A_384] : memref<2x10240x64xf32, #tpu.memory_space<hbm>> -> memref<1x640x64xf32, #tpu.memory_space<hbm>>
    %dma_wait3A_386 = tpu.memref_squeeze %dma_wait3A_385 : memref<1x640x64xf32, #tpu.memory_space<hbm>> -> memref<640x64xf32, #tpu.memory_space<hbm>>
    %dma_wait3A_387 = arith.constant 0 : i32
    %dma_wait3A_388 = tpu.memref_slice %arg16[%mul3A_2, %dma_wait3A_387] : memref<10240x64xf32, #tpu.memory_space<vmem_shared>> -> memref<640x64xf32, #tpu.memory_space<vmem_shared>>
    tpu.wait_dma2 semaphore(%arg17 : memref<!tpu.dma_semaphore, #tpu.memory_space<semaphore_mem>>) src(%dma_wait3A_388 : memref<640x64xf32, #tpu.memory_space<vmem_shared>>) dst(%dma_wait3A_386 : memref<640x64xf32, #tpu.memory_space<hbm>>)
    return
  }
}

module attributes {stable_mosaic.version = 14 : i64} {
  func.func @_mm_body(%arg0: memref<10000x128xf32, #tpu.memory_space<vmem>>, %arg1: memref<128x128xf32, #tpu.memory_space<vmem>>, %arg2: memref<10000x128xf32, #tpu.memory_space<vmem>>) attributes {dimension_semantics = [], scalar_prefetch = 0 : i64, scratch_operands = 0 : i64, tpu.core_type = #tpu.core_type<tc>} {
    %get3A = arith.constant 0 : index
    %get3A_0 = arith.constant 0 : index
    %get3A_1 = vector.load %arg0[%get3A, %get3A_0] : memref<10000x128xf32, #tpu.memory_space<vmem>>, vector<10000x128xf32>
    %get3A_2 = arith.constant 0 : index
    %get3A_3 = arith.constant 0 : index
    %get3A_4 = vector.load %arg1[%get3A_2, %get3A_3] : memref<128x128xf32, #tpu.memory_space<vmem>>, vector<128x128xf32>
    %dot_general3A = arith.constant dense<0.000000e+00> : vector<10000x128xf32>
    %dot_general3A_5 = tpu.matmul %get3A_1, %get3A_4, %dot_general3A {dimension_numbers = #tpu.dot_dimension_numbers<[1], [0], [0], [1], [0, 0, 1, 1], [], []>, transpose_lhs_hint = false} : vector<10000x128xf32>, vector<128x128xf32>, vector<10000x128xf32> -> vector<10000x128xf32>
    %swap3A = arith.constant 0 : index
    %swap3A_6 = arith.constant 0 : index
    %swap3A_7 = vector.load %arg2[%swap3A, %swap3A_6] : memref<10000x128xf32, #tpu.memory_space<vmem>>, vector<10000x128xf32>
    tpu.vector_store %arg2[%swap3A, %swap3A_6], %dot_general3A_5 {strides = array<i32>} : memref<10000x128xf32, #tpu.memory_space<vmem>>, vector<10000x128xf32>,
    return
  }
}

module attributes {stable_mosaic.version = 14 : i64} {
  func.func @_scale_body(%arg0: memref<10000x128xf32, #tpu.memory_space<vmem>>, %arg1: memref<2x10240x16xf32, #tpu.memory_space<vmem>>, %arg2: memref<10000x1xf32, #tpu.memory_space<vmem>>, %arg3: memref<10000x128xf32, #tpu.memory_space<vmem>>) attributes {dimension_semantics = [], scalar_prefetch = 0 : i64, scratch_operands = 0 : i64, tpu.core_type = #tpu.core_type<tc>} {
    %get3A = arith.constant 0 : index
    %get3A_0 = arith.constant 0 : index
    %get3A_1 = arith.constant 0 : index
    %get3A_2 = vector.load %arg1[%get3A, %get3A_0, %get3A_1] : memref<2x10240x16xf32, #tpu.memory_space<vmem>>, vector<1x10240x1xf32>
    %get3A_3 = vector.shape_cast %get3A_2 : vector<1x10240x1xf32> to vector<10240x1xf32>
    %get3A_4 = arith.constant 1 : index
    %get3A_5 = arith.constant 0 : index
    %get3A_6 = arith.constant 0 : index
    %get3A_7 = vector.load %arg1[%get3A_4, %get3A_5, %get3A_6] : memref<2x10240x16xf32, #tpu.memory_space<vmem>>, vector<1x10240x1xf32>
    %get3A_8 = vector.shape_cast %get3A_7 : vector<1x10240x1xf32> to vector<10240x1xf32>
    %add3A = arith.addf %get3A_3, %get3A_8 : vector<10240x1xf32>
    %add3A_9 = arith.constant 1.000000e+00 : f32
    %add3A_10 = vector.broadcast %add3A_9 : f32 to vector<10240x1xf32>
    %add3A_11 = arith.addf %add3A, %add3A_10 : vector<10240x1xf32>
    %slice3A = vector.extract_strided_slice %add3A_11 {offsets = [0, 0], sizes = [10000, 1], strides = [1, 1]} : vector<10240x1xf32> to vector<10000x1xf32>
    %rsqrt3A = math.rsqrt %slice3A : vector<10000x1xf32>
    %swap3A = arith.constant 0 : index
    %swap3A_12 = arith.constant 0 : index
    %swap3A_13 = vector.load %arg2[%swap3A, %swap3A_12] : memref<10000x1xf32, #tpu.memory_space<vmem>>, vector<10000x1xf32>
    tpu.vector_store %arg2[%swap3A, %swap3A_12], %rsqrt3A {strides = array<i32>} : memref<10000x1xf32, #tpu.memory_space<vmem>>, vector<10000x1xf32>,
    %get3A_14 = arith.constant 0 : index
    %get3A_15 = arith.constant 0 : index
    %get3A_16 = vector.load %arg0[%get3A_14, %get3A_15] : memref<10000x128xf32, #tpu.memory_space<vmem>>, vector<10000x128xf32>
    %mul3A = vector.broadcast %rsqrt3A : vector<10000x1xf32> to vector<10000x128xf32>
    %mul3A_17 = arith.mulf %get3A_16, %mul3A : vector<10000x128xf32>
    %swap3A_18 = arith.constant 0 : index
    %swap3A_19 = arith.constant 0 : index
    %swap3A_20 = vector.load %arg3[%swap3A_18, %swap3A_19] : memref<10000x128xf32, #tpu.memory_space<vmem>>, vector<10000x128xf32>
    tpu.vector_store %arg3[%swap3A_18, %swap3A_19], %mul3A_17 {strides = array<i32>} : memref<10000x128xf32, #tpu.memory_space<vmem>>, vector<10000x128xf32>,
    return
  }
}

module attributes {stable_mosaic.version = 14 : i64} {
  func.func @_mid_body_cols(%arg0: memref<2x10240x64xf32, #tpu.memory_space<vmem>>, %arg1: memref<10000x128xf32, #tpu.memory_space<vmem>>, %arg2: memref<10000x1xf32, #tpu.memory_space<vmem>>, %arg3: memref<1x128xf32, #tpu.memory_space<vmem>>, %arg4: memref<128x64xf32, #tpu.memory_space<vmem>>, %arg5: memref<10000x64xf32, #tpu.memory_space<vmem>>) attributes {dimension_semantics = [], scalar_prefetch = 0 : i64, scratch_operands = 0 : i64, tpu.core_type = #tpu.core_type<tc>} {
    %get3A = arith.constant 0 : index
    %get3A_0 = arith.constant 0 : index
    %get3A_1 = vector.load %arg2[%get3A, %get3A_0] : memref<10000x1xf32, #tpu.memory_space<vmem>>, vector<10000x1xf32>
    %get3A_2 = arith.constant 0 : index
    %get3A_3 = arith.constant 0 : index
    %get3A_4 = arith.constant 0 : index
    %get3A_5 = vector.load %arg0[%get3A_2, %get3A_3, %get3A_4] : memref<2x10240x64xf32, #tpu.memory_space<vmem>>, vector<1x10000x64xf32>
    %get3A_6 = vector.shape_cast %get3A_5 : vector<1x10000x64xf32> to vector<10000x64xf32>
    %get3A_7 = arith.constant 1 : index
    %get3A_8 = arith.constant 0 : index
    %get3A_9 = arith.constant 0 : index
    %get3A_10 = vector.load %arg0[%get3A_7, %get3A_8, %get3A_9] : memref<2x10240x64xf32, #tpu.memory_space<vmem>>, vector<1x10000x64xf32>
    %get3A_11 = vector.shape_cast %get3A_10 : vector<1x10000x64xf32> to vector<10000x64xf32>
    %concatenate3A = tpu.concatenate %get3A_6, %get3A_11 in 1 : vector<10000x64xf32>, vector<10000x64xf32> -> vector<10000x128xf32>
    %get3A_12 = arith.constant 0 : index
    %get3A_13 = arith.constant 0 : index
    %get3A_14 = vector.load %arg1[%get3A_12, %get3A_13] : memref<10000x128xf32, #tpu.memory_space<vmem>>, vector<10000x128xf32>
    %add3A = arith.addf %concatenate3A, %get3A_14 : vector<10000x128xf32>
    %mul3A = vector.broadcast %get3A_1 : vector<10000x1xf32> to vector<10000x128xf32>
    %mul3A_15 = arith.mulf %mul3A, %add3A : vector<10000x128xf32>
    %get3A_16 = arith.constant 0 : index
    %get3A_17 = arith.constant 0 : index
    %get3A_18 = vector.load %arg3[%get3A_16, %get3A_17] : memref<1x128xf32, #tpu.memory_space<vmem>>, vector<1x128xf32>
    %add3A_19 = vector.broadcast %get3A_18 : vector<1x128xf32> to vector<10000x128xf32>
    %add3A_20 = arith.addf %mul3A_15, %add3A_19 : vector<10000x128xf32>
    %max3A = arith.constant 0.000000e+00 : f32
    %max3A_21 = vector.broadcast %max3A : f32 to vector<10000x128xf32>
    %max3A_22 = arith.maximumf %add3A_20, %max3A_21 : vector<10000x128xf32>
    %mul3A_23 = vector.broadcast %get3A_1 : vector<10000x1xf32> to vector<10000x128xf32>
    %mul3A_24 = arith.mulf %max3A_22, %mul3A_23 : vector<10000x128xf32>
    %get3A_25 = arith.constant 0 : index
    %get3A_26 = arith.constant 0 : index
    %get3A_27 = vector.load %arg4[%get3A_25, %get3A_26] : memref<128x64xf32, #tpu.memory_space<vmem>>, vector<128x64xf32>
    %dot_general3A = arith.constant dense<0.000000e+00> : vector<10000x64xf32>
    %dot_general3A_28 = tpu.matmul %mul3A_24, %get3A_27, %dot_general3A {dimension_numbers = #tpu.dot_dimension_numbers<[1], [0], [0], [1], [0, 0, 1, 1], [], []>, transpose_lhs_hint = false} : vector<10000x128xf32>, vector<128x64xf32>, vector<10000x64xf32> -> vector<10000x64xf32>
    %swap3A = arith.constant 0 : index
    %swap3A_29 = arith.constant 0 : index
    %swap3A_30 = vector.load %arg5[%swap3A, %swap3A_29] : memref<10000x64xf32, #tpu.memory_space<vmem>>, vector<10000x64xf32>
    tpu.vector_store %arg5[%swap3A, %swap3A_29], %dot_general3A_28 {strides = array<i32>} : memref<10000x64xf32, #tpu.memory_space<vmem>>, vector<10000x64xf32>,
    return
  }
}

module attributes {stable_mosaic.version = 14 : i64} {
  func.func @_mid_body(%arg0: memref<2x10240x64xf32, #tpu.memory_space<vmem>>, %arg1: memref<10000x64xf32, #tpu.memory_space<vmem>>, %arg2: memref<10000x1xf32, #tpu.memory_space<vmem>>, %arg3: memref<1x64xf32, #tpu.memory_space<vmem>>, %arg4: memref<64x16xf32, #tpu.memory_space<vmem>>, %arg5: memref<10000x16xf32, #tpu.memory_space<vmem>>) attributes {dimension_semantics = [], scalar_prefetch = 0 : i64, scratch_operands = 0 : i64, tpu.core_type = #tpu.core_type<tc>} {
    %get3A = arith.constant 0 : index
    %get3A_0 = arith.constant 0 : index
    %get3A_1 = vector.load %arg2[%get3A, %get3A_0] : memref<10000x1xf32, #tpu.memory_space<vmem>>, vector<10000x1xf32>
    %get3A_2 = arith.constant 0 : index
    %get3A_3 = arith.constant 0 : index
    %get3A_4 = arith.constant 0 : index
    %get3A_5 = vector.load %arg0[%get3A_2, %get3A_3, %get3A_4] : memref<2x10240x64xf32, #tpu.memory_space<vmem>>, vector<1x10000x64xf32>
    %get3A_6 = vector.shape_cast %get3A_5 : vector<1x10000x64xf32> to vector<10000x64xf32>
    %get3A_7 = arith.constant 1 : index
    %get3A_8 = arith.constant 0 : index
    %get3A_9 = arith.constant 0 : index
    %get3A_10 = vector.load %arg0[%get3A_7, %get3A_8, %get3A_9] : memref<2x10240x64xf32, #tpu.memory_space<vmem>>, vector<1x10000x64xf32>
    %get3A_11 = vector.shape_cast %get3A_10 : vector<1x10000x64xf32> to vector<10000x64xf32>
    %add3A = arith.addf %get3A_6, %get3A_11 : vector<10000x64xf32>
    %get3A_12 = arith.constant 0 : index
    %get3A_13 = arith.constant 0 : index
    %get3A_14 = vector.load %arg1[%get3A_12, %get3A_13] : memref<10000x64xf32, #tpu.memory_space<vmem>>, vector<10000x64xf32>
    %add3A_15 = arith.addf %add3A, %get3A_14 : vector<10000x64xf32>
    %mul3A = vector.broadcast %get3A_1 : vector<10000x1xf32> to vector<10000x64xf32>
    %mul3A_16 = arith.mulf %mul3A, %add3A_15 : vector<10000x64xf32>
    %get3A_17 = arith.constant 0 : index
    %get3A_18 = arith.constant 0 : index
    %get3A_19 = vector.load %arg3[%get3A_17, %get3A_18] : memref<1x64xf32, #tpu.memory_space<vmem>>, vector<1x64xf32>
    %add3A_20 = vector.broadcast %get3A_19 : vector<1x64xf32> to vector<10000x64xf32>
    %add3A_21 = arith.addf %mul3A_16, %add3A_20 : vector<10000x64xf32>
    %max3A = arith.constant 0.000000e+00 : f32
    %max3A_22 = vector.broadcast %max3A : f32 to vector<10000x64xf32>
    %max3A_23 = arith.maximumf %add3A_21, %max3A_22 : vector<10000x64xf32>
    %mul3A_24 = vector.broadcast %get3A_1 : vector<10000x1xf32> to vector<10000x64xf32>
    %mul3A_25 = arith.mulf %max3A_23, %mul3A_24 : vector<10000x64xf32>
    %get3A_26 = arith.constant 0 : index
    %get3A_27 = arith.constant 0 : index
    %get3A_28 = vector.load %arg4[%get3A_26, %get3A_27] : memref<64x16xf32, #tpu.memory_space<vmem>>, vector<64x16xf32>
    %dot_general3A = arith.constant dense<0.000000e+00> : vector<10000x16xf32>
    %dot_general3A_29 = tpu.matmul %mul3A_25, %get3A_28, %dot_general3A {dimension_numbers = #tpu.dot_dimension_numbers<[1], [0], [0], [1], [0, 0, 1, 1], [], []>, transpose_lhs_hint = false} : vector<10000x64xf32>, vector<64x16xf32>, vector<10000x16xf32> -> vector<10000x16xf32>
    %swap3A = arith.constant 0 : index
    %swap3A_30 = arith.constant 0 : index
    %swap3A_31 = vector.load %arg5[%swap3A, %swap3A_30] : memref<10000x16xf32, #tpu.memory_space<vmem>>, vector<10000x16xf32>
    tpu.vector_store %arg5[%swap3A, %swap3A_30], %dot_general3A_29 {strides = array<i32>} : memref<10000x16xf32, #tpu.memory_space<vmem>>, vector<10000x16xf32>,
    return
  }
}

module attributes {stable_mosaic.version = 14 : i64} {
  func.func @_final_body(%arg0: memref<2x10240x16xf32, #tpu.memory_space<vmem>>, %arg1: memref<10000x16xf32, #tpu.memory_space<vmem>>, %arg2: memref<10000x1xf32, #tpu.memory_space<vmem>>, %arg3: memref<1x16xf32, #tpu.memory_space<vmem>>, %arg4: memref<10000x16xf32, #tpu.memory_space<vmem>>) attributes {dimension_semantics = [], scalar_prefetch = 0 : i64, scratch_operands = 0 : i64, tpu.core_type = #tpu.core_type<tc>} {
    %get3A = arith.constant 0 : index
    %get3A_0 = arith.constant 0 : index
    %get3A_1 = vector.load %arg2[%get3A, %get3A_0] : memref<10000x1xf32, #tpu.memory_space<vmem>>, vector<10000x1xf32>
    %get3A_2 = arith.constant 0 : index
    %get3A_3 = arith.constant 0 : index
    %get3A_4 = arith.constant 0 : index
    %get3A_5 = vector.load %arg0[%get3A_2, %get3A_3, %get3A_4] : memref<2x10240x16xf32, #tpu.memory_space<vmem>>, vector<1x10000x16xf32>
    %get3A_6 = vector.shape_cast %get3A_5 : vector<1x10000x16xf32> to vector<10000x16xf32>
    %get3A_7 = arith.constant 1 : index
    %get3A_8 = arith.constant 0 : index
    %get3A_9 = arith.constant 0 : index
    %get3A_10 = vector.load %arg0[%get3A_7, %get3A_8, %get3A_9] : memref<2x10240x16xf32, #tpu.memory_space<vmem>>, vector<1x10000x16xf32>
    %get3A_11 = vector.shape_cast %get3A_10 : vector<1x10000x16xf32> to vector<10000x16xf32>
    %add3A = arith.addf %get3A_6, %get3A_11 : vector<10000x16xf32>
    %get3A_12 = arith.constant 0 : index
    %get3A_13 = arith.constant 0 : index
    %get3A_14 = vector.load %arg1[%get3A_12, %get3A_13] : memref<10000x16xf32, #tpu.memory_space<vmem>>, vector<10000x16xf32>
    %add3A_15 = arith.addf %add3A, %get3A_14 : vector<10000x16xf32>
    %mul3A = vector.broadcast %get3A_1 : vector<10000x1xf32> to vector<10000x16xf32>
    %mul3A_16 = arith.mulf %mul3A, %add3A_15 : vector<10000x16xf32>
    %get3A_17 = arith.constant 0 : index
    %get3A_18 = arith.constant 0 : index
    %get3A_19 = vector.load %arg3[%get3A_17, %get3A_18] : memref<1x16xf32, #tpu.memory_space<vmem>>, vector<1x16xf32>
    %add3A_20 = vector.broadcast %get3A_19 : vector<1x16xf32> to vector<10000x16xf32>
    %add3A_21 = arith.addf %mul3A_16, %add3A_20 : vector<10000x16xf32>
    %swap3A = arith.constant 0 : index
    %swap3A_22 = arith.constant 0 : index
    %swap3A_23 = vector.load %arg4[%swap3A, %swap3A_22] : memref<10000x16xf32, #tpu.memory_space<vmem>>, vector<10000x16xf32>
    tpu.vector_store %arg4[%swap3A, %swap3A_22], %add3A_21 {strides = array<i32>} : memref<10000x16xf32, #tpu.memory_space<vmem>>, vector<10000x16xf32>,
    return
  }
}

</mosaic_0001>

<sc_bundles>
// kernel: kernel.11.cloned.1.call-start
scs
__scs_entry_jumppad:
0x0: {  	(pc) =	sbr.rel $0x88, $3  }
0x1: {  	(tag) =	ssettag $0x0;
	lr =	simm.s32 $0x1  }
0x2: {  	[smem:$0x3F99] =	sst lr;
	_ =	strace $0xD0000000  }
0x3: {  	_ = 	snop  }
0x4: {  	_ = 	snop  }
0x5: {  	_ = 	snop  }
0x6: {  	_ = 	snop  }
0x7: {  	_ = 	snop  }
__scs_overlays_trampoline_lowered:
0x8: {  	[smem:$0x3FA8] =	sst s0  }
0x9: {  	[smem:$0x3FA9] =	sst s1  }
0xa: {  	[smem:$0x3FAA] =	sst s2  }
0xb: {  	[smem:$0x3FAB] =	sst s3  }
0xc: {  	[smem:$0x3FAC] =	sst s4  }
0xd: {  	[smem:$0x3FAD] =	sst s5  }
0xe: {  	[smem:$0x3FAE] =	sst s6  }
0xf: {  	[smem:$0x3FAF] =	sst s7  }
0x10: {  	[smem:$0x3FB0] =	sst s8  }
0x11: {  	[smem:$0x3FB1] =	sst s9;
	s0 =	simm.s32 @!p0 $0x0  }
0x12: {  	s1 =	sld [smem:$0x3F97];
	s0 =	simm.s32 @p0 $0x1  }
0x13: {  	[smem:$0x3FB2] =	sst s0;
	s0 =	simm.s32 @!p1 $0x0  }
0x14: {  	s2 =	sld [smem:$0x3F96];
	s0 =	simm.s32 @p1 $0x1  }
0x15: {  	[smem:$0x3FB3] =	sst s0;
	s0 =	simm.s32 @!p2 $0x0  }
0x16: {  	s3 =	sld [smem:$0x3FDB];
	s0 =	simm.s32 @p2 $0x1  }
0x17: {  	s4 =	simm.s32 $0x1BF5;
	[smem:$0x3FB5] =	sst s0  }
0x18: {  	s0 =	sld [smem:$0x3F98];
	_ =	swait.ge [sflag:s4], $0x0  }
0x19: {  	s7 =	sld [smem:$0x3F99]  }
0x1a: {  	s8 =	sadd.s32 $0xFFFFE003, lr  }
0x1b: {  	s9 =	sadd.s32 $0xFFFFFEF7, lr;
	s5 =	simm.s32 $0xFFFFFFFF;
	p2 =	slt.u32 s8, $0xFFFFF086  }
0x1c: {  	p1 =	slt.u32 s9, $0xF7A;
	s5 =	simm.s32 @!p2 $0x0  }
0x1d: {  	s5 =	simm.s32 @p1 $0x1;
	p0 =	seq.s32 s7, s2  }
0x1e: {  	s7 =	smul.u32 @!p0 $0xF7A, s2;
	p2 =	seq.s32 @!p0 s5, $0x0  }
0x1f: {  	s9 =	smul.u32 $0xF7A, s1;
	s8 =	simm.s32 @!p0 $0x1BF5;
	p2 =	por !p2, p0  }
0x20: {  	[sflag:s8] =	ssyncset.s32 @!p0 $0xFFFFF086;
	s6 =	sadd.s32 @!p0 s3, s7;
	s7 =	simm.s32 @!p0 $0x108  }
0x21: {  	s3 =	sadd.s32 s3, s9;
	s6 =	sadd.s32 @!p0 $0x88, s6;
	s7 =	simm.s32 @p2 $0x1082  }
0x22: {  	[simem:s7], [sflag:s8] =	dma.local @!p0 [hbm:s6], $0xF7A  }
0x23: {  	s9 =	sor.u32 $0xD0000000, s2;
	s6 =	simm.s32 $0x108;
	_ =	swait.ge @!p0 [sflag:s8], $0x0  }
0x24: {  	s3 =	sadd.s32 $0x88, s3;
	s6 =	simm.s32 @!p1 $0x1082;
	[sflag:s4] =	ssyncset.s32 $0xFFFFF086  }
0x25: {  	[simem:s6], [sflag:s4] =	dma.local [hbm:s3], $0xF7A  }
0x26: {  	[smem:$0x3F99] =	sst s1;
	(tag) =	ssettag s2;
	_ =	strace s9  }
0x27: {  	s1 =	sld [smem:$0x3FA9]  }
0x28: {  	s2 =	sld [smem:$0x3FAA]  }
0x29: {  	s4 =	sld [smem:$0x3FAC]  }
0x2a: {  	p0 =	seq.s32 s5, $0x0;
	s5 =	sld [smem:$0x3FAD]  }
0x2b: {  	s6 =	sld [smem:$0x3FAE]  }
0x2c: {  	s7 =	sld [smem:$0x3FAF]  }
0x2d: {  	s3 =	simm.s32 $0x108;
	s8 =	sld [smem:$0x3FB0]  }
0x2e: {  	s3 =	simm.s32 @!p0 $0x1082;
	s9 =	sld [smem:$0x3FB1]  }
0x2f: {  	lr =	sadd.s32 s0, s3;
	s0 =	sld [smem:$0x3FA8]  }
0x30: {  	s3 =	sld [smem:$0x3FAB]  }
0x31: {  	[smem:$0x3FB4] =	sst s10  }
0x32: {  	s10 =	sld [smem:$0x3FB2];
	_ =	sdelay $0x3  }
0x33: {  	p0 =	seq.s32 s10, $0x1;
	s10 =	sld [smem:$0x3FB4];
	_ =	sdelay $0x3  }
0x34: {  	[smem:$0x3FB4] =	sst s10  }
0x35: {  	s10 =	sld [smem:$0x3FB3];
	_ =	sdelay $0x3  }
0x36: {  	p1 =	seq.s32 s10, $0x1;
	s10 =	sld [smem:$0x3FB4];
	_ =	sdelay $0x3  }
0x37: {  	[smem:$0x3FB4] =	sst s10  }
0x38: {  	s10 =	sld [smem:$0x3FB5]  }
0x39: {  	_ = 	snop;
	(pc) =	sbr.ind lr, $3  }
0x3a: {  	_ = 	snop  }
0x3b: {  	_ = 	snop  }
0x3c: {  	p2 =	seq.s32 s10, $0x1;
	s10 =	sld [smem:$0x3FB4]  }
0x3d: {  	_ =	shalt  }
0x3e: {  	_ =	shalt  }
0x3f: {  	_ =	shalt  }
0x40: {  	_ =	shalt  }
0x41: {  	_ =	shalt  }
0x42: {  	_ =	shalt  }
0x43: {  	_ =	shalt  }
0x44: {  	_ =	shalt  }
0x45: {  	_ =	shalt  }
0x46: {  	_ =	shalt  }
0x47: {  	_ =	shalt  }
0x48: {  	_ =	shalt  }
0x49: {  	_ =	shalt  }
0x4a: {  	_ =	shalt  }
0x4b: {  	_ =	shalt  }
0x4c: {  	_ =	shalt  }
0x4d: {  	_ =	shalt  }
0x4e: {  	_ =	shalt  }
0x4f: {  	_ =	shalt  }
0x50: {  	_ =	shalt  }
0x51: {  	_ =	shalt  }
0x52: {  	_ =	shalt  }
0x53: {  	_ =	shalt  }
0x54: {  	_ =	shalt  }
0x55: {  	_ =	shalt  }
0x56: {  	_ =	shalt  }
0x57: {  	_ =	shalt  }
0x58: {  	_ =	shalt  }
0x59: {  	_ =	shalt  }
0x5a: {  	_ =	shalt  }
0x5b: {  	_ =	shalt  }
0x5c: {  	_ =	shalt  }
0x5d: {  	_ =	shalt  }
0x5e: {  	_ =	shalt  }
0x5f: {  	_ =	shalt  }
0x60: {  	_ =	shalt  }
0x61: {  	_ =	shalt  }
0x62: {  	_ =	shalt  }
0x63: {  	_ =	shalt  }
0x64: {  	_ =	shalt  }
0x65: {  	_ =	shalt  }
0x66: {  	_ =	shalt  }
0x67: {  	_ =	shalt  }
0x68: {  	_ =	shalt  }
0x69: {  	_ =	shalt  }
0x6a: {  	_ =	shalt  }
0x6b: {  	_ =	shalt  }
0x6c: {  	_ =	shalt  }
0x6d: {  	_ =	shalt  }
0x6e: {  	_ =	shalt  }
0x6f: {  	_ =	shalt  }
0x70: {  	_ =	shalt  }
0x71: {  	_ =	shalt  }
0x72: {  	_ =	shalt  }
0x73: {  	_ =	shalt  }
0x74: {  	_ =	shalt  }
0x75: {  	_ =	shalt  }
0x76: {  	_ =	shalt  }
0x77: {  	_ =	shalt  }
0x78: {  	_ =	shalt  }
0x79: {  	_ =	shalt  }
0x7a: {  	_ =	shalt  }
0x7b: {  	_ =	shalt  }
0x7c: {  	_ =	shalt  }
0x7d: {  	_ =	shalt  }
0x7e: {  	_ =	shalt  }
0x7f: {  	_ =	shalt  }
0x80: {  	_ =	shalt  }
0x81: {  	_ =	shalt  }
0x82: {  	_ =	shalt  }
0x83: {  	_ =	shalt  }
0x84: {  	_ =	shalt  }
0x85: {  	_ =	shalt  }
0x86: {  	_ =	shalt  }
0x87: {  	_ =	shalt  }
.Lfunc_end0:
.L_simem_size_0:
called_computation_lowered:
.L_overlay_start_0:
0x88: {  	s2 =	sld [smem:$0x3FD9]  }
0x89: {  	s3 =	sld [smem:$0x3FFE];
	_ =	sdelay $0x1  }
0x8a: {  	s1 =	srdreg.scid  }
0x8b: {  	s0 =	sand.u32 $0x1, s1  }
0x8c: {  	s16 =	sshll.u32 s0, $0xA;
	s2 =	sadd.s32 s3, s2  }
0x8d: {  	s2 =	sadd.s32 s2, s16  }
0x8e: {  	[smem:$0x3FC0] =	sst s2  }
0x8f: {  	_ = 	snop  }
0x90: {  	(tm) =	ssettm $0x1  }
0x91: {  	s17 =	sld [smem:$0x3FFB];
	_ =	sdelay $0x3  }
0x92: {  	_ =	strace s17  }
0x93: {  	s2 =	sld [smem:$0x3FFC];
	_ =	sdelay $0x3  }
0x94: {  	_ =	strace s2  }
0x95: {  	s2 =	sld [smem:$0x3FFD];
	_ =	sdelay $0x3  }
0x96: {  	_ =	strace s2  }
0x97: {  	_ =	strace $0x8FFFFFFF  }
0x98: {  	s18 =	sld [smem:$0x3FDB];
	_ =	sdelay $0x1  }
0x99: {  	s19 =	simm.s32 $_scs_section_size  }
0x9a: {  	s4 =	simm.s32 $_size__tile_overlayer_lowered;
	s5 =	simm.s32 $_tile_overlayer_lowered  }
0x9b: {  	s22 =	simm.s32 $0x1BFF;
	s21 =	sshll.u32 s5, $0x1;
	s2 =	sadd.s32 s19, s18  }
0x9c: {  	s6 =	simm.s32 $0x0;
	s20 =	sshll.u32 s4, $0x1;
	s4 =	sadd.s32 s21, s2  }
0x9d: {  	[timem:s6], [sflag:s22] =	dma.local [hbm:s4], s20  }
0x9e: {  	_ =	swait.ge [sflag:s22], s20  }
0x9f: {  	s3 =	ssub.s32 $0x0, s20;
	[sflag:s22] =	ssyncset.done $0x0  }
0xa0: {  	[sflag:s22] =	ssyncadd.s32 s3;
	_ =	sdelay $0x1  }
0xa1: {  	s23 =	simm.s32 $0x1B8B  }
0xa2: {  	_ =	swait.ge [sflag:s23], $0x1  }
0xa3: {  	[sflag:s23] =	ssyncset.done $0x0  }
0xa4: {  	s25 =	simm.s32 $0x1B8E;
	s24 =	sld [smem:$0x3FFE];
	[sflag:s23] =	ssyncadd.s32 $0xFFFFFFFF  }
0xa5: {  	s26 =	simm.s32 $execute0_lowered;
	[smem:$0x3FD2] =	sst s25  }
0xa6: {  	s4 =	sshll.u32 s26, $0x1;
	_ =	strace $0x80000046;
	[dreg:$0x1] =	wrdreg $0xFFFFFFFF  }
0xa7: {  	s28 =	simm.s32 $_size_execute0_lowered;
	s2 =	sadd.s32 s2, s4;
	[dreg:$0x0] =	wrdreg $0x0  }
0xa8: {  	s4 =	sshll.u32 s28, $0x1;
	[dreg:$0x2] =	wrdreg s2  }
0xa9: {  	[dreg:$0x3] =	wrdreg s4  }
0xaa: {  	[dreg:$0x4] =	wrdreg $0xC0  }
0xab: {  	_ =	task [dreg:s6], $0x5FFFF  }
0xac: {  	[dreg:$0x1] =	wrdreg $0xFFFFFFFF  }
0xad: {  	[dreg:$0x0] =	wrdreg $0x60  }
0xae: {  	[dreg:$0x2] =	wrdreg s24  }
0xaf: {  	[dreg:$0x3] =	wrdreg $0x34000  }
0xb0: {  	[dreg:$0x4] =	wrdreg $0x9  }
0xb1: {  	_ =	task.clear_ibuf [dreg:s6], $0x5FFFF;
	_ =	strace $0x90000046  }
0xb2: {  	s29 =	simm.s32 $0x9;
	_ =	strace $0x80000048  }
0xb3: {  	_ =	swait.ge [sflag:s29], $0x1  }
0xb4: {  	[sflag:s29] =	ssyncadd.s32 $0xFFFFFFFF  }
0xb5: {  	_ =	strace $0x90000048  }
0xb6: {  	_ =	sfence  }
0xb7: {  	s30 =	sld [smem:$0x0];
	_ =	sdelay $0x2  }
0xb8: {  	s31 =	sshll.u32 s1, $0xD;
	s1 =	sshrl.u32 s1, $0x2  }
0xb9: {  	s3 =	sand.u32 $0x4000, s31;
	s1 =	sadd.s32 s1, s30  }
0xba: {  	s0 =	sor.u32 s3, s0;
	s1 =	sshll.u32 s1, $0x11  }
0xbb: {  	s0 =	sor.u32 s1, s0  }
0xbc: {  	s0 =	sadd.s32 $0x8F2B, s0  }
0xbd: {  	[sflag:s0] =	ssyncadd.remote.s32 $0x1  }
0xbe: {  	_ =	sfence.sel $0xFFFF  }
0xbf: {  	[dreg:$0x0] =	wrdreg $0xFFFFFFFF;
	(pc) =	sbr.abs _section_cstart, $3  }
0xc0: {  	[dreg:$0x1] =	wrdreg $0xFFFFFFFF  }
0xc1: {  	_ =	task.clear_ibuf [dreg:s6], $0x2FFFF;
	_ =	strace $0x9FFFFFFF  }
0xc2: {  	(tm) =	ssettm $0x7FFFFFFF  }
0xc3: {  	_ =	shalt  }
tec
execute0_lowered:
.L_overlay_start_1:
0x0: {  	(tag) =	ssettag $0x1  }
0x1: {  	s4 =	rddreg [dreg:$0x0]  }
0x2: {  	s2 =	rddreg [dreg:$0x1];
	s3 =	srdreg.scid  }
0x3: {  	s0 =	rddreg [dreg:$0x2];
	s1 =	stileid.u32  }
0x4: {  	s17 =	simm.s32 $0x3000;
	s18 =	simm.s32 $0x1;
	s19 =	simm.s32 $0x2  }
0x5: {  	s20 =	simm.s32 $0x80;
	s21 =	simm.s32 $0x2800;
	s22 =	simm.s32 $0x100  }
0x6: {  	s23 =	simm.s32 $0x180;
	s24 =	simm.s32 $0x3;
	s25 =	simm.s32 $0x4  }
0x7: {  	s26 =	simm.s32 $0x0;
	s5 =	sand.u32 $0x1, s3;
	s7 =	smul.u32 $0x2800, s1  }
0x8: {  	s3 =	simm.s32 $0x0;
	s9 =	smul.u32 $0xA000, s1;
	s6 =	sshll.u32 s5, $0x4  }
0x9: {  	[smem:$0x7FF] =	sst s3;
	s8 =	smul.u32 $0x28000, s5;
	s5 =	ssub.s32 $0x2, s5  }
0xa: {  	s6 =	sor.u32 s1, s6;
	_ =	strace $0x80000047;
	s10 =	sshrl.u32 s5, $0x1  }
0xb: {  	s31 =	sshrl.u32 s9, $0x2;
	s6 =	smul.u32 $0x500, s6;
	s8 =	sadd.s32 s7, s8  }
0xc: {  	s16 =	ssub.s32 s5, s10;
	s5 =	sadd.s32 s7, s2;
	s14 =	sadd.s32 s31, s2  }
0xd: {  	s8 =	sshrl.u32 s8, $0x3;
	s7 =	sadd.s32 $0x800, s14;
	s9 =	sadd.s32 $0x1000, s14  }
0xe: {  	s10 =	sadd.s32 $0x1400, s14;
	s11 =	sadd.s32 $0x1800, s14;
	s12 =	sadd.s32 $0x1C00, s14  }
0xf: {  	s13 =	sadd.s32 $0x2000, s14;
	s16 =	smax.u32 s16, $0x1;
	s6 =	sadd.s32 s6, s4  }
0x10: {  	s15 =	sadd.s32 s8, s4;
	s8 =	sadd.s32 $0xC00, s14;
	s4 =	sadd.s32 $0x2A00, s6  }
0x11: {  	v0 =	vimm.f32 $0.0e+00;
	v1 =	vimm.f32 $1.000000000e+00;
	s6 =	sadd.s32 $0x400, s14;
	s14 =	sadd.s32 $0x2400, s14;
	s15 =	sadd.s32 $0x16A00, s15  }
.LBB2_1:
0x12: {  	[tilespmem:s3], [sflag:$0x2] =	stream.linear.gather [hbm4b:s4+s3], $0x2800, $0x38;
	[tilespmem:$0x5C00] =	vst v63  }
0x13: {  	s28 =	simm.s32 $0x40;
	s29 =	simm.s32 $0x0  }
.LBB2_2:
0x14: {  	p0 =	sne.s32 s28, $0xFC0;
	[tilespmem:s29+$0x3000] =	vst v0;
	s29 =	smov.u32 s28;
	s28 =	sadd.s32 $0x40, s28  }
.Ltmp0:
0x15: {  	(pc) =	sbr.rel @p0 .LBB2_2-.Ltmp0, $2  }
0x16: {  	_ =	sdelay $0x2  }
0x17: {  	s29 =	sshra.s32 s29, $0x2  }
0x18: {  	[tilespmem:s29+$0x3000] =	vst v0  }
0x19: {  	[spmem:s5] =	stream.linear.scatter [tilespmem:s17], [sflag:$0x1], $0x400, $0x38;
	[tilespmem:$0x5C00] =	vst v63  }
0x1a: {  	_ = 	snop  }
0x1b: {  	[spmem:s6] =	stream.linear.scatter [tilespmem:s17], [sflag:$0x1], $0x400, $0x38;
	[tilespmem:$0x5C00] =	vst v63  }
0x1c: {  	_ = 	snop  }
0x1d: {  	[spmem:s7] =	stream.linear.scatter [tilespmem:s17], [sflag:$0x1], $0x400, $0x38;
	[tilespmem:$0x5C00] =	vst v63  }
0x1e: {  	_ = 	snop  }
0x1f: {  	[spmem:s8] =	stream.linear.scatter [tilespmem:s17], [sflag:$0x1], $0x400, $0x38;
	[tilespmem:$0x5C00] =	vst v63  }
0x20: {  	_ = 	snop  }
0x21: {  	[spmem:s9] =	stream.linear.scatter [tilespmem:s17], [sflag:$0x1], $0x400, $0x38;
	[tilespmem:$0x5C00] =	vst v63  }
0x22: {  	_ = 	snop  }
0x23: {  	[spmem:s10] =	stream.linear.scatter [tilespmem:s17], [sflag:$0x1], $0x400, $0x38;
	[tilespmem:$0x5C00] =	vst v63  }
0x24: {  	_ = 	snop  }
0x25: {  	[spmem:s11] =	stream.linear.scatter [tilespmem:s17], [sflag:$0x1], $0x400, $0x38;
	[tilespmem:$0x5C00] =	vst v63  }
0x26: {  	_ = 	snop  }
0x27: {  	[spmem:s12] =	stream.linear.scatter [tilespmem:s17], [sflag:$0x1], $0x400, $0x38;
	[tilespmem:$0x5C00] =	vst v63  }
0x28: {  	_ = 	snop  }
0x29: {  	[spmem:s13] =	stream.linear.scatter [tilespmem:s17], [sflag:$0x1], $0x400, $0x38;
	[tilespmem:$0x5C00] =	vst v63  }
0x2a: {  	_ = 	snop  }
0x2b: {  	[spmem:s14] =	stream.linear.scatter [tilespmem:s17], [sflag:$0x1], $0x400, $0x38;
	[tilespmem:$0x5C00] =	vst v63  }
0x2c: {  	_ =	swait.ge [sflag:s18], $0x400  }
0x2d: {  	[sflag:s18] =	ssyncset.done $0x0  }
0x2e: {  	[sflag:s18] =	ssyncadd.s32 $0xFFFFFC00  }
0x2f: {  	_ =	swait.ge [sflag:s18], $0x400  }
0x30: {  	[sflag:s18] =	ssyncset.done $0x0  }
0x31: {  	[sflag:s18] =	ssyncadd.s32 $0xFFFFFC00  }
0x32: {  	_ =	swait.ge [sflag:s18], $0x400  }
0x33: {  	[sflag:s18] =	ssyncset.done $0x0  }
0x34: {  	[sflag:s18] =	ssyncadd.s32 $0xFFFFFC00  }
0x35: {  	_ =	swait.ge [sflag:s18], $0x400  }
0x36: {  	[sflag:s18] =	ssyncset.done $0x0  }
0x37: {  	[sflag:s18] =	ssyncadd.s32 $0xFFFFFC00  }
0x38: {  	_ =	swait.ge [sflag:s18], $0x400  }
0x39: {  	[sflag:s18] =	ssyncset.done $0x0  }
0x3a: {  	[sflag:s18] =	ssyncadd.s32 $0xFFFFFC00  }
0x3b: {  	_ =	swait.ge [sflag:s18], $0x400  }
0x3c: {  	[sflag:s18] =	ssyncset.done $0x0  }
0x3d: {  	[sflag:s18] =	ssyncadd.s32 $0xFFFFFC00  }
0x3e: {  	_ =	swait.ge [sflag:s18], $0x400  }
0x3f: {  	[sflag:s18] =	ssyncset.done $0x0  }
0x40: {  	[sflag:s18] =	ssyncadd.s32 $0xFFFFFC00  }
0x41: {  	_ =	swait.ge [sflag:s18], $0x400  }
0x42: {  	[sflag:s18] =	ssyncset.done $0x0  }
0x43: {  	[sflag:s18] =	ssyncadd.s32 $0xFFFFFC00  }
0x44: {  	_ =	swait.ge [sflag:s18], $0x400  }
0x45: {  	[sflag:s18] =	ssyncset.done $0x0  }
0x46: {  	[sflag:s18] =	ssyncadd.s32 $0xFFFFFC00  }
0x47: {  	_ =	swait.ge [sflag:s18], $0x400  }
0x48: {  	[sflag:s18] =	ssyncset.done $0x0  }
0x49: {  	s28 =	simm.s32 $0x40;
	s29 =	simm.s32 $0x0;
	[sflag:s18] =	ssyncadd.s32 $0xFFFFFC00  }
.LBB2_4:
0x4a: {  	p0 =	sne.s32 s28, $0x1FC0;
	[tilespmem:s29+$0x2800] =	vst v1;
	s29 =	smov.u32 s28;
	s28 =	sadd.s32 $0x40, s28  }
.Ltmp1:
0x4b: {  	(pc) =	sbr.rel @p0 .LBB2_4-.Ltmp1, $2  }
0x4c: {  	_ =	sdelay $0x2  }
0x4d: {  	s29 =	sshra.s32 s29, $0x2  }
0x4e: {  	[tilespmem:s29+$0x2800] =	vst v1  }
0x4f: {  	_ =	swait.ge [sflag:s19], $0x2800  }
0x50: {  	[sflag:s19] =	ssyncset.done $0x0  }
0x51: {  	[sflag:s19] =	ssyncadd.s32 $0xFFFFD800  }
0x52: {  	[bflag:$0x0] =	sbarrier.arrive $0xFFFF  }
0x53: {  	[spmem:s2] =	stream.indirect.scatter.add.f32 [tilespmem:s21], [sflag:$0x1], $0x10, s3, s20, $0xb8;
	[tilespmem:$0x5C00] =	vst v63  }
0x54: {  	_ = 	snop  }
0x55: {  	[spmem:s2] =	stream.indirect.scatter.add.f32 [tilespmem:s21], [sflag:$0x2], $0x10, s20, s20, $0xb8;
	[tilespmem:$0x5C00] =	vst v63  }
0x56: {  	_ = 	snop  }
0x57: {  	[spmem:s2] =	stream.indirect.scatter.add.f32 [tilespmem:s21], [sflag:$0x3], $0x10, s22, s20, $0xb8;
	[tilespmem:$0x5C00] =	vst v63  }
0x58: {  	_ = 	snop  }
0x59: {  	[spmem:s2] =	stream.indirect.scatter.add.f32 [tilespmem:s21], [sflag:$0x4], $0x10, s23, s20, $0xb8;
	[tilespmem:$0x5C00] =	vst v63  }
0x5a: {  	_ =	swait.ge [sflag:s18], $0x800  }
0x5b: {  	[sflag:s18] =	ssyncset.done $0x0  }
0x5c: {  	s28 =	simm.s32 $0x200;
	[sflag:s18] =	ssyncadd.s32 $0xFFFFF800  }
0x5d: {  	[spmem:s2] =	stream.indirect.scatter.add.f32 [tilespmem:s21], [sflag:$0x1], $0x10, s28, s20, $0xb8;
	[tilespmem:$0x5C00] =	vst v63  }
0x5e: {  	_ =	swait.ge [sflag:s19], $0x800  }
0x5f: {  	[sflag:s19] =	ssyncset.done $0x0  }
0x60: {  	s28 =	simm.s32 $0x280;
	[sflag:s19] =	ssyncadd.s32 $0xFFFFF800  }
0x61: {  	[spmem:s2] =	stream.indirect.scatter.add.f32 [tilespmem:s21], [sflag:$0x2], $0x10, s28, s20, $0xb8;
	[tilespmem:$0x5C00] =	vst v63  }
0x62: {  	_ =	swait.ge [sflag:s24], $0x800  }
0x63: {  	[sflag:s24] =	ssyncset.done $0x0  }
0x64: {  	s28 =	simm.s32 $0x300;
	[sflag:s24] =	ssyncadd.s32 $0xFFFFF800  }
0x65: {  	[spmem:s2] =	stream.indirect.scatter.add.f32 [tilespmem:s21], [sflag:$0x3], $0x10, s28, s20, $0xb8;
	[tilespmem:$0x5C00] =	vst v63  }
0x66: {  	_ =	swait.ge [sflag:s25], $0x800  }
0x67: {  	[sflag:s25] =	ssyncset.done $0x0  }
0x68: {  	s29 =	simm.s32 $0x380;
	s28 =	simm.s32 $0xFFFF7000;
	[sflag:s25] =	ssyncadd.s32 $0xFFFFF800  }
.LBB2_6:
0x69: {  	[spmem:s2] =	stream.indirect.scatter.add.f32 [tilespmem:s21], [sflag:$0x4], $0x10, s29, s20, $0xb8;
	[tilespmem:$0x5C00] =	vst v63  }
0x6a: {  	s29 =	smov.u32 s28  }
0x6b: {  	p0 =	sne.s32 s28, $0xFFFFF800;
	s28 =	sadd.s32 $0x800, s28;
	_ =	swait.ge [sflag:s18], $0x800  }
0x6c: {  	s29 =	sshra.s32 s29, $0x2;
	[sflag:s18] =	ssyncset.done $0x0  }
0x6d: {  	s30 =	sadd.s32 $0x2800, s29;
	[sflag:s18] =	ssyncadd.s32 $0xFFFFF800  }
0x6e: {  	[spmem:s2] =	stream.indirect.scatter.add.f32 [tilespmem:s21], [sflag:$0x1], $0x10, s30, s20, $0xb8;
	[tilespmem:$0x5C00] =	vst v63  }
0x6f: {  	_ =	swait.ge [sflag:s19], $0x800  }
0x70: {  	[sflag:s19] =	ssyncset.done $0x0  }
0x71: {  	s30 =	sadd.s32 $0x2880, s29;
	[sflag:s19] =	ssyncadd.s32 $0xFFFFF800  }
0x72: {  	[spmem:s2] =	stream.indirect.scatter.add.f32 [tilespmem:s21], [sflag:$0x2], $0x10, s30, s20, $0xb8;
	[tilespmem:$0x5C00] =	vst v63  }
0x73: {  	_ =	swait.ge [sflag:s24], $0x800  }
0x74: {  	[sflag:s24] =	ssyncset.done $0x0  }
.Ltmp2:
0x75: {  	s30 =	sadd.s32 $0x2900, s29;
	[sflag:s24] =	ssyncadd.s32 $0xFFFFF800;
	(pc) =	sbr.rel @p0 .LBB2_6-.Ltmp2, $4  }
0x76: {  	[spmem:s2] =	stream.indirect.scatter.add.f32 [tilespmem:s21], [sflag:$0x3], $0x10, s30, s20, $0xb8;
	[tilespmem:$0x5C00] =	vst v63  }
0x77: {  	_ =	swait.ge [sflag:s25], $0x800  }
0x78: {  	[sflag:s25] =	ssyncset.done $0x0  }
0x79: {  	s29 =	sadd.s32 $0x2980, s29;
	[sflag:s25] =	ssyncadd.s32 $0xFFFFF800  }
0x7a: {  	[spmem:s2] =	stream.indirect.scatter.add.f32 [tilespmem:s21], [sflag:$0x4], $0x10, s29, s20, $0xb8;
	[tilespmem:$0x5C00] =	vst v63  }
0x7b: {  	_ =	swait.ge [sflag:s18], $0x800  }
0x7c: {  	[sflag:s18] =	ssyncset.done $0x0  }
0x7d: {  	[sflag:s18] =	ssyncadd.s32 $0xFFFFF800  }
0x7e: {  	_ =	swait.ge [sflag:s19], $0x800  }
0x7f: {  	[sflag:s19] =	ssyncset.done $0x0  }
0x80: {  	[sflag:s19] =	ssyncadd.s32 $0xFFFFF800  }
0x81: {  	_ =	swait.ge [sflag:s24], $0x800  }
0x82: {  	[sflag:s24] =	ssyncset.done $0x0  }
0x83: {  	[sflag:s24] =	ssyncadd.s32 $0xFFFFF800  }
0x84: {  	_ =	swait.ge [sflag:s25], $0x800  }
0x85: {  	s28 =	sshll.u32 s1, $0x6;
	s26 =	sadd.s32 $0x1, s26;
	[sflag:s25] =	ssyncset.done $0x0  }
0x86: {  	s31 =	sshrl.u32 s5, $0x3;
	p0 =	sne.s32 s26, s16;
	[sflag:s25] =	ssyncadd.s32 $0xFFFFF800  }
.Ltmp3:
0x87: {  	s28 =	sor.u32 $0x1C01, s28;
	[bflag:$0x0] =	sbarrier.arrive $0xFFFF;
	(pc) =	sbr.rel @p0 .LBB2_1-.Ltmp3, $4  }
0x88: {  	[hbm:s15], [sflag:s28] =	dma.local [spmem:s31], $0x500  }
0x89: {  	_ =	swait.ge [sflag:s18], $0x500  }
0x8a: {  	[sflag:s18] =	ssyncset.done $0x0  }
0x8b: {  	[sflag:s18] =	ssyncadd.s32 $0xFFFFFB00  }
0x8c: {  	_ =	sfence.sel $0x180000  }
0x8d: {  	[bflag:$0x0] =	sbarrier.arrive $0xFFFF  }
0x8e: {  	p0 =	sne.s32 s1, $0x0;
	_ =	strace $0x90000047  }
0x8f: {  	s0 =	sadd.s32 @!p0 $0x100000, s0;
	[bflag:$0x2] =	sbarrier.arrive $0xFFFF  }
0x90: {  	[sflag:s0] =	ssyncadd.tile.s32 @!p0 $0x1;
	_ =	shalt  }
.Lfunc_end2:
_tile_overlayer_lowered:
.L_overlay_start_2:
0x91: {  	(tag) =	ssettag $0x2  }
0x92: {  	s0 =	rddreg [dreg:$0x0];
	s2 =	stileid.u32  }
0x93: {  	s1 =	rddreg [dreg:$0x1];
	p0 =	sne.s32 s2, $0x0  }
0x94: {  	s3 =	rddreg [dreg:$0x2];
	[bflag:$0x3] =	sbarrier.arrive $0xFFFF;
	s2 =	simm.s32 @!p0 $0x1C05  }
0x95: {  	[timem:s3], [sflag:s2] =	dma.local @!p0 [hbm:s0], s1  }
0x96: {  	s0 =	simm.s32 @!p0 $0x5  }
0x97: {  	_ =	swait.ge @!p0 [sflag:s0], s1  }
0x98: {  	s1 =	ssub.s32 @!p0 $0x0, s1;
	[sflag:s0] =	ssyncset.done @!p0 $0x0  }
0x99: {  	[sflag:s0] =	ssyncadd.s32 @!p0 s1  }
0x9a: {  	[bflag:$0x3] =	sbarrier.arrive $0xFFFF  }
0x9b: {  	_ =	shalt  }

// kernel: kernel.14.cloned.1.call-start
scs
__scs_entry_jumppad:
0x0: {  	(pc) =	sbr.rel $0x88, $3  }
0x1: {  	(tag) =	ssettag $0x0;
	lr =	simm.s32 $0x1  }
0x2: {  	[smem:$0x3F99] =	sst lr;
	_ =	strace $0xD0000000  }
0x3: {  	_ = 	snop  }
0x4: {  	_ = 	snop  }
0x5: {  	_ = 	snop  }
0x6: {  	_ = 	snop  }
0x7: {  	_ = 	snop  }
__scs_overlays_trampoline_lowered:
0x8: {  	[smem:$0x3FA8] =	sst s0  }
0x9: {  	[smem:$0x3FA9] =	sst s1  }
0xa: {  	[smem:$0x3FAA] =	sst s2  }
0xb: {  	[smem:$0x3FAB] =	sst s3  }
0xc: {  	[smem:$0x3FAC] =	sst s4  }
0xd: {  	[smem:$0x3FAD] =	sst s5  }
0xe: {  	[smem:$0x3FAE] =	sst s6  }
0xf: {  	[smem:$0x3FAF] =	sst s7  }
0x10: {  	[smem:$0x3FB0] =	sst s8  }
0x11: {  	[smem:$0x3FB1] =	sst s9;
	s0 =	simm.s32 @!p0 $0x0  }
0x12: {  	s1 =	sld [smem:$0x3F97];
	s0 =	simm.s32 @p0 $0x1  }
0x13: {  	[smem:$0x3FB2] =	sst s0;
	s0 =	simm.s32 @!p1 $0x0  }
0x14: {  	s2 =	sld [smem:$0x3F96];
	s0 =	simm.s32 @p1 $0x1  }
0x15: {  	[smem:$0x3FB3] =	sst s0;
	s0 =	simm.s32 @!p2 $0x0  }
0x16: {  	s3 =	sld [smem:$0x3FDB];
	s0 =	simm.s32 @p2 $0x1  }
0x17: {  	s4 =	simm.s32 $0x1BF5;
	[smem:$0x3FB5] =	sst s0  }
0x18: {  	s0 =	sld [smem:$0x3F98];
	_ =	swait.ge [sflag:s4], $0x0  }
0x19: {  	s7 =	sld [smem:$0x3F99]  }
0x1a: {  	s8 =	sadd.s32 $0xFFFFE003, lr  }
0x1b: {  	s9 =	sadd.s32 $0xFFFFFEF7, lr;
	s5 =	simm.s32 $0xFFFFFFFF;
	p2 =	slt.u32 s8, $0xFFFFF086  }
0x1c: {  	p1 =	slt.u32 s9, $0xF7A;
	s5 =	simm.s32 @!p2 $0x0  }
0x1d: {  	s5 =	simm.s32 @p1 $0x1;
	p0 =	seq.s32 s7, s2  }
0x1e: {  	s7 =	smul.u32 @!p0 $0xF7A, s2;
	p2 =	seq.s32 @!p0 s5, $0x0  }
0x1f: {  	s9 =	smul.u32 $0xF7A, s1;
	s8 =	simm.s32 @!p0 $0x1BF5;
	p2 =	por !p2, p0  }
0x20: {  	[sflag:s8] =	ssyncset.s32 @!p0 $0xFFFFF086;
	s6 =	sadd.s32 @!p0 s3, s7;
	s7 =	simm.s32 @!p0 $0x108  }
0x21: {  	s3 =	sadd.s32 s3, s9;
	s6 =	sadd.s32 @!p0 $0x88, s6;
	s7 =	simm.s32 @p2 $0x1082  }
0x22: {  	[simem:s7], [sflag:s8] =	dma.local @!p0 [hbm:s6], $0xF7A  }
0x23: {  	s9 =	sor.u32 $0xD0000000, s2;
	s6 =	simm.s32 $0x108;
	_ =	swait.ge @!p0 [sflag:s8], $0x0  }
0x24: {  	s3 =	sadd.s32 $0x88, s3;
	s6 =	simm.s32 @!p1 $0x1082;
	[sflag:s4] =	ssyncset.s32 $0xFFFFF086  }
0x25: {  	[simem:s6], [sflag:s4] =	dma.local [hbm:s3], $0xF7A  }
0x26: {  	[smem:$0x3F99] =	sst s1;
	(tag) =	ssettag s2;
	_ =	strace s9  }
0x27: {  	s1 =	sld [smem:$0x3FA9]  }
0x28: {  	s2 =	sld [smem:$0x3FAA]  }
0x29: {  	s4 =	sld [smem:$0x3FAC]  }
0x2a: {  	p0 =	seq.s32 s5, $0x0;
	s5 =	sld [smem:$0x3FAD]  }
0x2b: {  	s6 =	sld [smem:$0x3FAE]  }
0x2c: {  	s7 =	sld [smem:$0x3FAF]  }
0x2d: {  	s3 =	simm.s32 $0x108;
	s8 =	sld [smem:$0x3FB0]  }
0x2e: {  	s3 =	simm.s32 @!p0 $0x1082;
	s9 =	sld [smem:$0x3FB1]  }
0x2f: {  	lr =	sadd.s32 s0, s3;
	s0 =	sld [smem:$0x3FA8]  }
0x30: {  	s3 =	sld [smem:$0x3FAB]  }
0x31: {  	[smem:$0x3FB4] =	sst s10  }
0x32: {  	s10 =	sld [smem:$0x3FB2];
	_ =	sdelay $0x3  }
0x33: {  	p0 =	seq.s32 s10, $0x1;
	s10 =	sld [smem:$0x3FB4];
	_ =	sdelay $0x3  }
0x34: {  	[smem:$0x3FB4] =	sst s10  }
0x35: {  	s10 =	sld [smem:$0x3FB3];
	_ =	sdelay $0x3  }
0x36: {  	p1 =	seq.s32 s10, $0x1;
	s10 =	sld [smem:$0x3FB4];
	_ =	sdelay $0x3  }
0x37: {  	[smem:$0x3FB4] =	sst s10  }
0x38: {  	s10 =	sld [smem:$0x3FB5]  }
0x39: {  	_ = 	snop;
	(pc) =	sbr.ind lr, $3  }
0x3a: {  	_ = 	snop  }
0x3b: {  	_ = 	snop  }
0x3c: {  	p2 =	seq.s32 s10, $0x1;
	s10 =	sld [smem:$0x3FB4]  }
0x3d: {  	_ =	shalt  }
0x3e: {  	_ =	shalt  }
0x3f: {  	_ =	shalt  }
0x40: {  	_ =	shalt  }
0x41: {  	_ =	shalt  }
0x42: {  	_ =	shalt  }
0x43: {  	_ =	shalt  }
0x44: {  	_ =	shalt  }
0x45: {  	_ =	shalt  }
0x46: {  	_ =	shalt  }
0x47: {  	_ =	shalt  }
0x48: {  	_ =	shalt  }
0x49: {  	_ =	shalt  }
0x4a: {  	_ =	shalt  }
0x4b: {  	_ =	shalt  }
0x4c: {  	_ =	shalt  }
0x4d: {  	_ =	shalt  }
0x4e: {  	_ =	shalt  }
0x4f: {  	_ =	shalt  }
0x50: {  	_ =	shalt  }
0x51: {  	_ =	shalt  }
0x52: {  	_ =	shalt  }
0x53: {  	_ =	shalt  }
0x54: {  	_ =	shalt  }
0x55: {  	_ =	shalt  }
0x56: {  	_ =	shalt  }
0x57: {  	_ =	shalt  }
0x58: {  	_ =	shalt  }
0x59: {  	_ =	shalt  }
0x5a: {  	_ =	shalt  }
0x5b: {  	_ =	shalt  }
0x5c: {  	_ =	shalt  }
0x5d: {  	_ =	shalt  }
0x5e: {  	_ =	shalt  }
0x5f: {  	_ =	shalt  }
0x60: {  	_ =	shalt  }
0x61: {  	_ =	shalt  }
0x62: {  	_ =	shalt  }
0x63: {  	_ =	shalt  }
0x64: {  	_ =	shalt  }
0x65: {  	_ =	shalt  }
0x66: {  	_ =	shalt  }
0x67: {  	_ =	shalt  }
0x68: {  	_ =	shalt  }
0x69: {  	_ =	shalt  }
0x6a: {  	_ =	shalt  }
0x6b: {  	_ =	shalt  }
0x6c: {  	_ =	shalt  }
0x6d: {  	_ =	shalt  }
0x6e: {  	_ =	shalt  }
0x6f: {  	_ =	shalt  }
0x70: {  	_ =	shalt  }
0x71: {  	_ =	shalt  }
0x72: {  	_ =	shalt  }
0x73: {  	_ =	shalt  }
0x74: {  	_ =	shalt  }
0x75: {  	_ =	shalt  }
0x76: {  	_ =	shalt  }
0x77: {  	_ =	shalt  }
0x78: {  	_ =	shalt  }
0x79: {  	_ =	shalt  }
0x7a: {  	_ =	shalt  }
0x7b: {  	_ =	shalt  }
0x7c: {  	_ =	shalt  }
0x7d: {  	_ =	shalt  }
0x7e: {  	_ =	shalt  }
0x7f: {  	_ =	shalt  }
0x80: {  	_ =	shalt  }
0x81: {  	_ =	shalt  }
0x82: {  	_ =	shalt  }
0x83: {  	_ =	shalt  }
0x84: {  	_ =	shalt  }
0x85: {  	_ =	shalt  }
0x86: {  	_ =	shalt  }
0x87: {  	_ =	shalt  }
.Lfunc_end0:
.L_simem_size_0:
called_computation.1_lowered:
.L_overlay_start_0:
0x88: {  	s2 =	sld [smem:$0x3FD9]  }
0x89: {  	s3 =	sld [smem:$0x3FFE];
	_ =	sdelay $0x1  }
0x8a: {  	s1 =	srdreg.scid  }
0x8b: {  	s0 =	sand.u32 $0x1, s1  }
0x8c: {  	s16 =	sshll.u32 s0, $0xA;
	s2 =	sadd.s32 s3, s2  }
0x8d: {  	s2 =	sadd.s32 s2, s16  }
0x8e: {  	[smem:$0x3FC0] =	sst s2  }
0x8f: {  	_ = 	snop  }
0x90: {  	(tm) =	ssettm $0x1  }
0x91: {  	s17 =	sld [smem:$0x3FFB];
	_ =	sdelay $0x3  }
0x92: {  	_ =	strace s17  }
0x93: {  	s2 =	sld [smem:$0x3FFC];
	_ =	sdelay $0x3  }
0x94: {  	_ =	strace s2  }
0x95: {  	s2 =	sld [smem:$0x3FFD];
	_ =	sdelay $0x3  }
0x96: {  	_ =	strace s2  }
0x97: {  	_ =	strace $0x8FFFFFFF  }
0x98: {  	s18 =	sld [smem:$0x3FDB];
	_ =	sdelay $0x1  }
0x99: {  	s19 =	simm.s32 $_scs_section_size  }
0x9a: {  	s4 =	simm.s32 $_size__tile_overlayer_lowered;
	s5 =	simm.s32 $_tile_overlayer_lowered  }
0x9b: {  	s22 =	simm.s32 $0x1BFF;
	s21 =	sshll.u32 s5, $0x1;
	s2 =	sadd.s32 s19, s18  }
0x9c: {  	s6 =	simm.s32 $0x0;
	s20 =	sshll.u32 s4, $0x1;
	s4 =	sadd.s32 s21, s2  }
0x9d: {  	[timem:s6], [sflag:s22] =	dma.local [hbm:s4], s20  }
0x9e: {  	_ =	swait.ge [sflag:s22], s20  }
0x9f: {  	s3 =	ssub.s32 $0x0, s20;
	[sflag:s22] =	ssyncset.done $0x0  }
0xa0: {  	[sflag:s22] =	ssyncadd.s32 s3;
	_ =	sdelay $0x1  }
0xa1: {  	s23 =	simm.s32 $0x1B8B  }
0xa2: {  	_ =	swait.ge [sflag:s23], $0x1  }
0xa3: {  	[sflag:s23] =	ssyncset.done $0x0  }
0xa4: {  	s25 =	simm.s32 $0x1B8E;
	s24 =	sld [smem:$0x3FFE];
	[sflag:s23] =	ssyncadd.s32 $0xFFFFFFFF  }
0xa5: {  	s26 =	simm.s32 $execute0_lowered;
	[smem:$0x3FD2] =	sst s25  }
0xa6: {  	s4 =	sshll.u32 s26, $0x1;
	_ =	strace $0x80000049;
	[dreg:$0x1] =	wrdreg $0xFFFFFFFF  }
0xa7: {  	s28 =	simm.s32 $_size_execute0_lowered;
	s2 =	sadd.s32 s2, s4;
	[dreg:$0x0] =	wrdreg $0x0  }
0xa8: {  	s4 =	sshll.u32 s28, $0x1;
	[dreg:$0x2] =	wrdreg s2  }
0xa9: {  	[dreg:$0x3] =	wrdreg s4  }
0xaa: {  	[dreg:$0x4] =	wrdreg $0xC0  }
0xab: {  	_ =	task [dreg:s6], $0x5FFFF  }
0xac: {  	[dreg:$0x1] =	wrdreg $0xFFFFFFFF  }
0xad: {  	[dreg:$0x0] =	wrdreg $0x60  }
0xae: {  	[dreg:$0x2] =	wrdreg s24  }
0xaf: {  	[dreg:$0x3] =	wrdreg $0x140000  }
0xb0: {  	[dreg:$0x4] =	wrdreg $0x9  }
0xb1: {  	_ =	task.clear_ibuf [dreg:s6], $0x5FFFF;
	_ =	strace $0x90000049  }
0xb2: {  	s29 =	simm.s32 $0x9;
	_ =	strace $0x8000004B  }
0xb3: {  	_ =	swait.ge [sflag:s29], $0x1  }
0xb4: {  	[sflag:s29] =	ssyncadd.s32 $0xFFFFFFFF  }
0xb5: {  	_ =	strace $0x9000004B  }
0xb6: {  	_ =	sfence  }
0xb7: {  	s30 =	sld [smem:$0x0];
	_ =	sdelay $0x2  }
0xb8: {  	s31 =	sshll.u32 s1, $0xD;
	s1 =	sshrl.u32 s1, $0x2  }
0xb9: {  	s3 =	sand.u32 $0x4000, s31;
	s1 =	sadd.s32 s1, s30  }
0xba: {  	s0 =	sor.u32 s3, s0;
	s1 =	sshll.u32 s1, $0x11  }
0xbb: {  	s0 =	sor.u32 s1, s0  }
0xbc: {  	s0 =	sadd.s32 $0x8F2B, s0  }
0xbd: {  	[sflag:s0] =	ssyncadd.remote.s32 $0x1  }
0xbe: {  	_ =	sfence.sel $0xFFFF  }
0xbf: {  	[dreg:$0x0] =	wrdreg $0xFFFFFFFF;
	(pc) =	sbr.abs _section_cstart, $3  }
0xc0: {  	[dreg:$0x1] =	wrdreg $0xFFFFFFFF  }
0xc1: {  	_ =	task.clear_ibuf [dreg:s6], $0x2FFFF;
	_ =	strace $0x9FFFFFFF  }
0xc2: {  	(tm) =	ssettm $0x7FFFFFFF  }
0xc3: {  	_ =	shalt  }
tec
execute0_lowered:
.L_overlay_start_1:
0x0: {  	(tag) =	ssettag $0x1  }
0x1: {  	s0 =	rddreg [dreg:$0x0]  }
0x2: {  	s2 =	rddreg [dreg:$0x1];
	s8 =	stileid.u32  }
0x3: {  	s1 =	srdreg.scid;
	s3 =	simm.s32 $0x0;
	s28 =	simm.s32 $0xE000  }
0x4: {  	s30 =	simm.s32 $0x10000;
	s29 =	simm.s32 $0x5;
	s17 =	smul.u32 $0xA000, s8  }
0x5: {  	s31 =	simm.s32 $0x7;
	s6 =	sand.u32 $0x1, s1;
	s5 =	smul.u32 $0xA00, s8  }
0x6: {  	[smem:$0x7FF] =	sst s3;
	s4 =	sadd.s32 $0x16A00, s0;
	s8 =	smul.u32 $0x28000, s8  }
0x7: {  	s1 =	simm.s32 $0x8;
	s18 =	smul.u32 $0xA0000, s6;
	_ =	strace $0x8000004A  }
0x8: {  	s7 =	ssub.s32 $0x2, s6;
	v0 =	vmov s6;
	s6 =	simm.s32 $0x4F80;
	s5 =	sadd.s32 s5, s0  }
0x9: {  	s9 =	sshrl.u32 s7, $0x1;
	s20 =	sshrl.u32 s8, $0x2;
	s8 =	simm.s32 $0x0  }
0xa: {  	s3 =	sadd.s32 s17, s18;
	s19 =	ssub.s32 s7, s9;
	s21 =	sadd.s32 $0xCA00, s5  }
0xb: {  	s5 =	sadd.s32 $0x2A00, s5;
	s22 =	sadd.s32 s20, s2;
	s7 =	sadd.s32 s17, s2  }
0xc: {  	s20 =	simm.s32 $0xA000;
	s3 =	sshrl.u32 s3, $0x3;
	[dreg:$0x3] =	wrdreg s21  }
0xd: {  	[dreg:$0x4] =	wrdreg s5;
	s23 =	sadd.s32 $0x1000, s22;
	s24 =	sadd.s32 $0x2000, s22  }
0xe: {  	s25 =	sadd.s32 $0x3000, s22;
	s26 =	sadd.s32 $0x4000, s22;
	s12 =	sadd.s32 $0x5000, s22  }
0xf: {  	s13 =	sadd.s32 $0x6000, s22;
	s14 =	sadd.s32 $0x7000, s22;
	s15 =	sadd.s32 $0x8000, s22  }
0x10: {  	s16 =	sadd.s32 $0x9000, s22;
	s18 =	smax.u32 s19, $0x1;
	[dreg:$0x5] =	wrdreg s23  }
0x11: {  	s21 =	simm.s32 $0x2;
	s22 =	simm.s32 $0x1;
	[dreg:$0x6] =	wrdreg s24  }
0x12: {  	s19 =	simm.s32 $0x3;
	s5 =	simm.s32 $0xA;
	[dreg:$0x7] =	wrdreg s25  }
0x13: {  	s0 =	sadd.s32 s3, s0;
	[dreg:$0x8] =	wrdreg s26;
	s23 =	simm.s32 $0x6  }
0x14: {  	s24 =	simm.s32 $0x80;
	s25 =	simm.s32 $0xC000;
	s26 =	simm.s32 $0x4  }
0x15: {  	v1 =	vimm.f32 $0.0e+00;
	s3 =	simm.s32 $0x9;
	s17 =	sadd.s32 $0x3DC00, s0;
	s0 =	simm.s32 $0x12000  }
.LBB2_1:
0x16: {  	s9 =	simm.s32 $0x0;
	s10 =	rddreg [dreg:$0x3]  }
0x17: {  	[tilespmem:s9], [sflag:$0x1] =	stream.linear.gather [hbm4b:s10+s9], $0x5000, $0x38;
	[tilespmem:$0x1E000] =	vst v63  }
0x18: {  	s11 =	simm.s32 $0x5000;
	s10 =	rddreg [dreg:$0x4]  }
0x19: {  	[tilespmem:s11], [sflag:$0x6] =	stream.linear.gather [hbm4b:s10+s9], $0x5000, $0x38;
	[tilespmem:$0x1E000] =	vst v63  }
0x1a: {  	s10 =	simm.s32 $0x100;
	s9 =	simm.s32 $0x0  }
.LBB2_2:
0x1b: {  	p0 =	sne.s32 s10, $0x3F00;
	[tilespmem:s9+$0xA030] =	vst v1;
	s11 =	smov.u32 s10;
	s10 =	sadd.s32 $0x100, s10  }
.Ltmp0:
0x1c: {  	[tilespmem:s9+$0xA020] =	vst v1;
	(pc) =	sbr.rel @p0 .LBB2_2-.Ltmp0, $3  }
0x1d: {  	[tilespmem:s9+$0xA000] =	vst v1  }
0x1e: {  	[tilespmem:s9+$0xA010] =	vst v1;
	_ =	sdelay $0x1  }
0x1f: {  	s9 =	sshra.s32 s11, $0x2  }
0x20: {  	[tilespmem:s9+$0xA030] =	vst v1  }
0x21: {  	[tilespmem:s9+$0xA020] =	vst v1  }
0x22: {  	[tilespmem:s9+$0xA000] =	vst v1  }
0x23: {  	[tilespmem:s9+$0xA010] =	vst v1  }
0x24: {  	[spmem:s7] =	stream.linear.scatter [tilespmem:s20], [sflag:$0x2], $0x1000, $0x38;
	[tilespmem:$0x1E000] =	vst v63  }
0x25: {  	s10 =	rddreg [dreg:$0x5]  }
0x26: {  	[spmem:s10] =	stream.linear.scatter [tilespmem:s20], [sflag:$0x2], $0x1000, $0x38;
	[tilespmem:$0x1E000] =	vst v63  }
0x27: {  	s11 =	rddreg [dreg:$0x6]  }
0x28: {  	[spmem:s11] =	stream.linear.scatter [tilespmem:s20], [sflag:$0x2], $0x1000, $0x38;
	[tilespmem:$0x1E000] =	vst v63  }
0x29: {  	s10 =	rddreg [dreg:$0x7]  }
0x2a: {  	[spmem:s10] =	stream.linear.scatter [tilespmem:s20], [sflag:$0x2], $0x1000, $0x38;
	[tilespmem:$0x1E000] =	vst v63  }
0x2b: {  	s11 =	rddreg [dreg:$0x8]  }
0x2c: {  	[spmem:s11] =	stream.linear.scatter [tilespmem:s20], [sflag:$0x2], $0x1000, $0x38;
	[tilespmem:$0x1E000] =	vst v63  }
0x2d: {  	_ = 	snop  }
0x2e: {  	[spmem:s12] =	stream.linear.scatter [tilespmem:s20], [sflag:$0x2], $0x1000, $0x38;
	[tilespmem:$0x1E000] =	vst v63  }
0x2f: {  	_ = 	snop  }
0x30: {  	[spmem:s13] =	stream.linear.scatter [tilespmem:s20], [sflag:$0x2], $0x1000, $0x38;
	[tilespmem:$0x1E000] =	vst v63  }
0x31: {  	_ = 	snop  }
0x32: {  	[spmem:s14] =	stream.linear.scatter [tilespmem:s20], [sflag:$0x2], $0x1000, $0x38;
	[tilespmem:$0x1E000] =	vst v63  }
0x33: {  	_ = 	snop  }
0x34: {  	[spmem:s15] =	stream.linear.scatter [tilespmem:s20], [sflag:$0x2], $0x1000, $0x38;
	[tilespmem:$0x1E000] =	vst v63  }
0x35: {  	_ = 	snop  }
0x36: {  	[spmem:s16] =	stream.linear.scatter [tilespmem:s20], [sflag:$0x2], $0x1000, $0x38;
	[tilespmem:$0x1E000] =	vst v63  }
0x37: {  	_ =	swait.ge [sflag:s21], $0x1000  }
0x38: {  	[sflag:s21] =	ssyncset.done $0x0  }
0x39: {  	[sflag:s21] =	ssyncadd.s32 $0xFFFFF000  }
0x3a: {  	_ =	swait.ge [sflag:s21], $0x1000  }
0x3b: {  	[sflag:s21] =	ssyncset.done $0x0  }
0x3c: {  	[sflag:s21] =	ssyncadd.s32 $0xFFFFF000  }
0x3d: {  	_ =	swait.ge [sflag:s21], $0x1000  }
0x3e: {  	[sflag:s21] =	ssyncset.done $0x0  }
0x3f: {  	[sflag:s21] =	ssyncadd.s32 $0xFFFFF000  }
0x40: {  	_ =	swait.ge [sflag:s21], $0x1000  }
0x41: {  	[sflag:s21] =	ssyncset.done $0x0  }
0x42: {  	[sflag:s21] =	ssyncadd.s32 $0xFFFFF000  }
0x43: {  	_ =	swait.ge [sflag:s21], $0x1000  }
0x44: {  	[sflag:s21] =	ssyncset.done $0x0  }
0x45: {  	[sflag:s21] =	ssyncadd.s32 $0xFFFFF000  }
0x46: {  	_ =	swait.ge [sflag:s21], $0x1000  }
0x47: {  	[sflag:s21] =	ssyncset.done $0x0  }
0x48: {  	[sflag:s21] =	ssyncadd.s32 $0xFFFFF000  }
0x49: {  	_ =	swait.ge [sflag:s21], $0x1000  }
0x4a: {  	[sflag:s21] =	ssyncset.done $0x0  }
0x4b: {  	[sflag:s21] =	ssyncadd.s32 $0xFFFFF000  }
0x4c: {  	_ =	swait.ge [sflag:s21], $0x1000  }
0x4d: {  	[sflag:s21] =	ssyncset.done $0x0  }
0x4e: {  	[sflag:s21] =	ssyncadd.s32 $0xFFFFF000  }
0x4f: {  	_ =	swait.ge [sflag:s21], $0x1000  }
0x50: {  	[sflag:s21] =	ssyncset.done $0x0  }
0x51: {  	[sflag:s21] =	ssyncadd.s32 $0xFFFFF000  }
0x52: {  	_ =	swait.ge [sflag:s21], $0x1000  }
0x53: {  	[sflag:s21] =	ssyncset.done $0x0  }
0x54: {  	[sflag:s21] =	ssyncadd.s32 $0xFFFFF000  }
0x55: {  	_ =	swait.ge [sflag:s22], $0x5000  }
0x56: {  	[sflag:s22] =	ssyncset.done $0x0  }
0x57: {  	s10 =	simm.s32 $0x70;
	[sflag:s22] =	ssyncadd.s32 $0xFFFFB000  }
0x58: {  	v2 =	vld [tilespmem:s10+$0xFFFFFF90];
	_ =	sdelay $0x1  }
0x59: {  	v3 =	vld [tilespmem:s10+$0xFFFFFFA0]  }
0x5a: {  	v4 =	vld [tilespmem:s10+$0xFFFFFFB0]  }
0x5b: {  	v6 =	vld [tilespmem:s10+$0xFFFFFFC0]  }
0x5c: {  	v7 =	vld [tilespmem:s10+$0xFFFFFFD0];
	v2 =	vshll.u32 v2, $0x1  }
0x5d: {  	v8 =	vld [tilespmem:s10+$0xFFFFFFE0];
	v2 =	vor.u32 v0, v2  }
0x5e: {  	v9 =	vld [tilespmem:s10+$0x0];
	[tilespmem:s10+$0xFFFFFF90] =	vst v2;
	v2 =	vshll.u32 v3, $0x1  }
0x5f: {  	s9 =	simm.s32 $0xF0;
	v10 =	vld [tilespmem:s10+$0xFFFFFFF0];
	v3 =	vshll.u32 v4, $0x1;
	v2 =	vor.u32 v0, v2  }
0x60: {  	v11 =	vld [tilespmem:s9+$0xFFFFFF90];
	[tilespmem:s10+$0xFFFFFFA0] =	vst v2;
	v2 =	vor.u32 v0, v3;
	v3 =	vshll.u32 v6, $0x1  }
0x61: {  	v4 =	vshll.u32 v7, $0x1;
	v5 =	vld [tilespmem:s9+$0xFFFFFFA0];
	[tilespmem:s10+$0xFFFFFFB0] =	vst v2;
	v2 =	vor.u32 v0, v3  }
0x62: {  	v4 =	vor.u32 v0, v4;
	v6 =	vshll.u32 v8, $0x1;
	v3 =	vld [tilespmem:s9+$0xFFFFFFB0];
	[tilespmem:s10+$0xFFFFFFC0] =	vst v2  }
0x63: {  	v7 =	vshll.u32 v9, $0x1;
	v6 =	vor.u32 v0, v6;
	v2 =	vld [tilespmem:s9+$0xFFFFFFC0];
	[tilespmem:s10+$0xFFFFFFD0] =	vst v4  }
0x64: {  	v9 =	vor.u32 v0, v7;
	v8 =	vshll.u32 v10, $0x1;
	v4 =	vld [tilespmem:s9+$0xFFFFFFD0];
	[tilespmem:s10+$0xFFFFFFE0] =	vst v6  }
0x65: {  	s11 =	simm.s32 $0x5C0;
	v8 =	vor.u32 v0, v8;
	v7 =	vshll.u32 v11, $0x1;
	v6 =	vld [tilespmem:s9+$0xFFFFFFE0];
	[tilespmem:s10+$0x0] =	vst v9  }
.LBB2_4:
0x66: {  	p0 =	sne.s32 s11, $0x13FC0;
	v7 =	vor.u32 v0, v7;
	v5 =	vshll.u32 v5, $0x1;
	v9 =	vld [tilespmem:s9+$0x0];
	[tilespmem:s10+$0xFFFFFFF0] =	vst v8;
	s10 =	smov.u32 s9  }
0x67: {  	s9 =	sshra.s32 s11, $0x2;
	[tilespmem:s10+$0xFFFFFF90] =	vst v7;
	v5 =	vor.u32 v0, v5;
	v3 =	vshll.u32 v3, $0x1;
	v7 =	vld [tilespmem:s10+$0xFFFFFFF0]  }
0x68: {  	v8 =	vld [tilespmem:s9+$0xFFFFFF90];
	[tilespmem:s10+$0xFFFFFFA0] =	vst v5;
	v3 =	vor.u32 v0, v3;
	v2 =	vshll.u32 v2, $0x1  }
.Ltmp1:
0x69: {  	v5 =	vld [tilespmem:s9+$0xFFFFFFA0];
	[tilespmem:s10+$0xFFFFFFB0] =	vst v3;
	v2 =	vor.u32 v0, v2;
	v4 =	vshll.u32 v4, $0x1;
	(pc) =	sbr.rel @p0 .LBB2_4-.Ltmp1, $4  }
0x6a: {  	v3 =	vld [tilespmem:s9+$0xFFFFFFB0];
	[tilespmem:s10+$0xFFFFFFC0] =	vst v2;
	v4 =	vor.u32 v0, v4;
	v6 =	vshll.u32 v6, $0x1  }
0x6b: {  	v2 =	vld [tilespmem:s9+$0xFFFFFFC0];
	[tilespmem:s10+$0xFFFFFFD0] =	vst v4;
	v6 =	vor.u32 v0, v6;
	v9 =	vshll.u32 v9, $0x1  }
0x6c: {  	v4 =	vld [tilespmem:s9+$0xFFFFFFD0];
	[tilespmem:s10+$0xFFFFFFE0] =	vst v6;
	v10 =	vshll.u32 v7, $0x1;
	v9 =	vor.u32 v0, v9  }
0x6d: {  	s11 =	sadd.s32 $0x200, s11;
	v7 =	vshll.u32 v8, $0x1;
	v6 =	vld [tilespmem:s9+$0xFFFFFFE0];
	v8 =	vor.u32 v0, v10;
	[tilespmem:s10+$0x0] =	vst v9  }
0x6e: {  	v9 =	vld [tilespmem:s9+$0x0];
	v7 =	vor.u32 v0, v7;
	[tilespmem:s10+$0xFFFFFFF0] =	vst v8;
	v5 =	vshll.u32 v5, $0x1  }
0x6f: {  	[tilespmem:s9+$0xFFFFFF90] =	vst v7;
	v5 =	vor.u32 v0, v5;
	v3 =	vshll.u32 v3, $0x1;
	v63 =	vld [tilespmem:s9+$0xFFFFFFF0]  }
0x70: {  	[tilespmem:s9+$0xFFFFFFA0] =	vst v5;
	v3 =	vor.u32 v0, v3;
	v2 =	vshll.u32 v2, $0x1  }
0x71: {  	[tilespmem:s9+$0xFFFFFFB0] =	vst v3;
	v2 =	vor.u32 v0, v2;
	v3 =	vshll.u32 v4, $0x1  }
0x72: {  	[tilespmem:s9+$0xFFFFFFC0] =	vst v2;
	v2 =	vor.u32 v0, v3;
	v3 =	vshll.u32 v6, $0x1  }
0x73: {  	[tilespmem:s9+$0xFFFFFFD0] =	vst v2;
	v2 =	vor.u32 v0, v3;
	v3 =	vshll.u32 v9, $0x1  }
0x74: {  	[tilespmem:s9+$0xFFFFFFE0] =	vst v2;
	v2 =	vshll.u32 v63, $0x1;
	v3 =	vor.u32 v0, v3  }
0x75: {  	v2 =	vor.u32 v0, v2;
	[tilespmem:s9+$0x0] =	vst v3  }
0x76: {  	[tilespmem:s9+$0xFFFFFFF0] =	vst v2  }
0x77: {  	_ =	swait.ge [sflag:s23], $0x5000  }
0x78: {  	[sflag:s23] =	ssyncset.done $0x0  }
0x79: {  	[sflag:s23] =	ssyncadd.s32 $0xFFFFB000  }
0x7a: {  	s11 =	simm.s32 $0x0;
	[bflag:$0x0] =	sbarrier.arrive $0xFFFF  }
0x7b: {  	[tilespmem:s20], [sflag:$0x1] =	stream.indirect.gather [hbm4b:s4+s24], $0x40, s11, s24, $0xb8;
	[tilespmem:$0x1E000] =	vst v63  }
0x7c: {  	_ = 	snop  }
0x7d: {  	[tilespmem:s25], [sflag:$0x2] =	stream.indirect.gather [hbm4b:s4+s24], $0x40, s24, s24, $0xb8;
	[tilespmem:$0x1E000] =	vst v63  }
0x7e: {  	s10 =	simm.s32 $0x100  }
0x7f: {  	[tilespmem:s28], [sflag:$0x3] =	stream.indirect.gather [hbm4b:s4+s24], $0x40, s10, s24, $0xb8;
	[tilespmem:$0x1E000] =	vst v63  }
0x80: {  	s11 =	simm.s32 $0x180  }
0x81: {  	[tilespmem:s30], [sflag:$0x4] =	stream.indirect.gather [hbm4b:s4+s24], $0x40, s11, s24, $0xb8;
	[tilespmem:$0x1E000] =	vst v63  }
0x82: {  	s10 =	simm.s32 $0x200  }
0x83: {  	[tilespmem:s0], [sflag:$0x5] =	stream.indirect.gather [hbm4b:s4+s24], $0x40, s10, s24, $0xb8;
	[tilespmem:$0x1E000] =	vst v63  }
0x84: {  	_ =	swait.ge [sflag:s22], $0x2000  }
0x85: {  	[sflag:s22] =	ssyncset.done $0x0  }
0x86: {  	s11 =	simm.s32 $0x5000;
	[sflag:s22] =	ssyncadd.s32 $0xFFFFE000  }
0x87: {  	[spmem:s2] =	stream.indirect.scatter.add.f32 [tilespmem:s20], [sflag:$0x6], $0x40, s11, s24, $0xb8;
	[tilespmem:$0x1E000] =	vst v63  }
0x88: {  	_ =	swait.ge [sflag:s21], $0x2000  }
0x89: {  	[sflag:s21] =	ssyncset.done $0x0  }
0x8a: {  	s10 =	simm.s32 $0x5080;
	[sflag:s21] =	ssyncadd.s32 $0xFFFFE000  }
0x8b: {  	[spmem:s2] =	stream.indirect.scatter.add.f32 [tilespmem:s25], [sflag:$0x7], $0x40, s10, s24, $0xb8;
	[tilespmem:$0x1E000] =	vst v63  }
0x8c: {  	_ =	swait.ge [sflag:s19], $0x2000  }
0x8d: {  	[sflag:s19] =	ssyncset.done $0x0  }
0x8e: {  	s11 =	simm.s32 $0x5100;
	[sflag:s19] =	ssyncadd.s32 $0xFFFFE000  }
0x8f: {  	[spmem:s2] =	stream.indirect.scatter.add.f32 [tilespmem:s28], [sflag:$0x8], $0x40, s11, s24, $0xb8;
	[tilespmem:$0x1E000] =	vst v63  }
0x90: {  	_ =	swait.ge [sflag:s26], $0x2000  }
0x91: {  	[sflag:s26] =	ssyncset.done $0x0  }
0x92: {  	s10 =	simm.s32 $0x5180;
	[sflag:s26] =	ssyncadd.s32 $0xFFFFE000  }
0x93: {  	[spmem:s2] =	stream.indirect.scatter.add.f32 [tilespmem:s30], [sflag:$0x9], $0x40, s10, s24, $0xb8;
	[tilespmem:$0x1E000] =	vst v63  }
0x94: {  	_ =	swait.ge [sflag:s29], $0x2000  }
0x95: {  	[sflag:s29] =	ssyncset.done $0x0  }
0x96: {  	s11 =	simm.s32 $0x5200;
	[sflag:s29] =	ssyncadd.s32 $0xFFFFE000  }
0x97: {  	[spmem:s2] =	stream.indirect.scatter.add.f32 [tilespmem:s0], [sflag:$0xA], $0x40, s11, s24, $0xb8;
	[tilespmem:$0x1E000] =	vst v63  }
0x98: {  	_ =	swait.ge [sflag:s23], $0x2000  }
0x99: {  	[sflag:s23] =	ssyncset.done $0x0  }
0x9a: {  	s10 =	simm.s32 $0x280;
	[sflag:s23] =	ssyncadd.s32 $0xFFFFE000  }
0x9b: {  	[tilespmem:s20], [sflag:$0x1] =	stream.indirect.gather [hbm4b:s4+s24], $0x40, s10, s24, $0xb8;
	[tilespmem:$0x1E000] =	vst v63  }
0x9c: {  	_ =	swait.ge [sflag:s31], $0x2000  }
0x9d: {  	[sflag:s31] =	ssyncset.done $0x0  }
0x9e: {  	s11 =	simm.s32 $0x300;
	[sflag:s31] =	ssyncadd.s32 $0xFFFFE000  }
0x9f: {  	[tilespmem:s25], [sflag:$0x2] =	stream.indirect.gather [hbm4b:s4+s24], $0x40, s11, s24, $0xb8;
	[tilespmem:$0x1E000] =	vst v63  }
0xa0: {  	_ =	swait.ge [sflag:s1], $0x2000  }
0xa1: {  	[sflag:s1] =	ssyncset.done $0x0  }
0xa2: {  	s10 =	simm.s32 $0x380;
	[sflag:s1] =	ssyncadd.s32 $0xFFFFE000  }
0xa3: {  	[tilespmem:s28], [sflag:$0x3] =	stream.indirect.gather [hbm4b:s4+s24], $0x40, s10, s24, $0xb8;
	[tilespmem:$0x1E000] =	vst v63  }
0xa4: {  	_ =	swait.ge [sflag:s3], $0x2000  }
0xa5: {  	[sflag:s3] =	ssyncset.done $0x0  }
0xa6: {  	s11 =	simm.s32 $0x400;
	[sflag:s3] =	ssyncadd.s32 $0xFFFFE000  }
0xa7: {  	[tilespmem:s30], [sflag:$0x4] =	stream.indirect.gather [hbm4b:s4+s24], $0x40, s11, s24, $0xb8;
	[tilespmem:$0x1E000] =	vst v63  }
0xa8: {  	_ =	swait.ge [sflag:s5], $0x2000  }
0xa9: {  	[sflag:s5] =	ssyncset.done $0x0  }
0xaa: {  	s9 =	simm.s32 $0xA00;
	s10 =	simm.s32 $0x480;
	[sflag:s5] =	ssyncadd.s32 $0xFFFFE000  }
.LBB2_6:
0xab: {  	[tilespmem:s0], [sflag:$0x5] =	stream.indirect.gather [hbm4b:s4+s24], $0x40, s10, s24, $0xb8;
	[tilespmem:$0x1E000] =	vst v63  }
0xac: {  	s10 =	smov.u32 s9;
	s9 =	sadd.s32 $0xA00, s9;
	_ =	swait.ge [sflag:s22], $0x2000  }
0xad: {  	s10 =	sshra.s32 s10, $0x2;
	p0 =	sne.s32 s9, $0x12C00;
	[sflag:s22] =	ssyncset.done $0x0  }
0xae: {  	s11 =	sadd.s32 $0x5000, s10;
	[sflag:s22] =	ssyncadd.s32 $0xFFFFE000  }
0xaf: {  	[spmem:s2] =	stream.indirect.scatter.add.f32 [tilespmem:s20], [sflag:$0x6], $0x40, s11, s24, $0xb8;
	[tilespmem:$0x1E000] =	vst v63  }
0xb0: {  	_ =	swait.ge [sflag:s21], $0x2000  }
0xb1: {  	[sflag:s21] =	ssyncset.done $0x0  }
0xb2: {  	s11 =	sadd.s32 $0x5080, s10;
	[sflag:s21] =	ssyncadd.s32 $0xFFFFE000  }
0xb3: {  	[spmem:s2] =	stream.indirect.scatter.add.f32 [tilespmem:s25], [sflag:$0x7], $0x40, s11, s24, $0xb8;
	[tilespmem:$0x1E000] =	vst v63  }
0xb4: {  	_ =	swait.ge [sflag:s19], $0x2000  }
0xb5: {  	[sflag:s19] =	ssyncset.done $0x0  }
0xb6: {  	s11 =	sadd.s32 $0x5100, s10;
	[sflag:s19] =	ssyncadd.s32 $0xFFFFE000  }
0xb7: {  	[spmem:s2] =	stream.indirect.scatter.add.f32 [tilespmem:s28], [sflag:$0x8], $0x40, s11, s24, $0xb8;
	[tilespmem:$0x1E000] =	vst v63  }
0xb8: {  	_ =	swait.ge [sflag:s26], $0x2000  }
0xb9: {  	[sflag:s26] =	ssyncset.done $0x0  }
0xba: {  	s11 =	sadd.s32 $0x5180, s10;
	[sflag:s26] =	ssyncadd.s32 $0xFFFFE000  }
0xbb: {  	[spmem:s2] =	stream.indirect.scatter.add.f32 [tilespmem:s30], [sflag:$0x9], $0x40, s11, s24, $0xb8;
	[tilespmem:$0x1E000] =	vst v63  }
0xbc: {  	_ =	swait.ge [sflag:s29], $0x2000  }
0xbd: {  	[sflag:s29] =	ssyncset.done $0x0  }
0xbe: {  	s11 =	sadd.s32 $0x5200, s10;
	[sflag:s29] =	ssyncadd.s32 $0xFFFFE000  }
0xbf: {  	[spmem:s2] =	stream.indirect.scatter.add.f32 [tilespmem:s0], [sflag:$0xA], $0x40, s11, s24, $0xb8;
	[tilespmem:$0x1E000] =	vst v63  }
0xc0: {  	_ =	swait.ge [sflag:s23], $0x2000  }
0xc1: {  	[sflag:s23] =	ssyncset.done $0x0  }
0xc2: {  	s11 =	sadd.s32 $0x280, s10;
	[sflag:s23] =	ssyncadd.s32 $0xFFFFE000  }
0xc3: {  	[tilespmem:s20], [sflag:$0x1] =	stream.indirect.gather [hbm4b:s4+s24], $0x40, s11, s24, $0xb8;
	[tilespmem:$0x1E000] =	vst v63  }
0xc4: {  	_ =	swait.ge [sflag:s31], $0x2000  }
0xc5: {  	[sflag:s31] =	ssyncset.done $0x0  }
0xc6: {  	s11 =	sadd.s32 $0x300, s10;
	[sflag:s31] =	ssyncadd.s32 $0xFFFFE000  }
0xc7: {  	[tilespmem:s25], [sflag:$0x2] =	stream.indirect.gather [hbm4b:s4+s24], $0x40, s11, s24, $0xb8;
	[tilespmem:$0x1E000] =	vst v63  }
0xc8: {  	_ =	swait.ge [sflag:s1], $0x2000  }
0xc9: {  	[sflag:s1] =	ssyncset.done $0x0  }
0xca: {  	s11 =	sadd.s32 $0x380, s10;
	[sflag:s1] =	ssyncadd.s32 $0xFFFFE000  }
0xcb: {  	[tilespmem:s28], [sflag:$0x3] =	stream.indirect.gather [hbm4b:s4+s24], $0x40, s11, s24, $0xb8;
	[tilespmem:$0x1E000] =	vst v63  }
0xcc: {  	_ =	swait.ge [sflag:s3], $0x2000  }
0xcd: {  	[sflag:s3] =	ssyncset.done $0x0  }
.Ltmp2:
0xce: {  	s11 =	sadd.s32 $0x400, s10;
	[sflag:s3] =	ssyncadd.s32 $0xFFFFE000;
	(pc) =	sbr.rel @p0 .LBB2_6-.Ltmp2, $4  }
0xcf: {  	[tilespmem:s30], [sflag:$0x4] =	stream.indirect.gather [hbm4b:s4+s24], $0x40, s11, s24, $0xb8;
	[tilespmem:$0x1E000] =	vst v63  }
0xd0: {  	_ =	swait.ge [sflag:s5], $0x2000  }
0xd1: {  	[sflag:s5] =	ssyncset.done $0x0  }
0xd2: {  	s10 =	sadd.s32 $0x480, s10;
	[sflag:s5] =	ssyncadd.s32 $0xFFFFE000  }
0xd3: {  	[tilespmem:s0], [sflag:$0x5] =	stream.indirect.gather [hbm4b:s4+s24], $0x40, s10, s24, $0xb8;
	[tilespmem:$0x1E000] =	vst v63  }
0xd4: {  	_ =	swait.ge [sflag:s22], $0x2000  }
0xd5: {  	s9 =	sshra.s32 s9, $0x2;
	[sflag:s22] =	ssyncset.done $0x0  }
0xd6: {  	s11 =	sadd.s32 $0x5000, s9;
	[sflag:s22] =	ssyncadd.s32 $0xFFFFE000  }
0xd7: {  	[spmem:s2] =	stream.indirect.scatter.add.f32 [tilespmem:s20], [sflag:$0x6], $0x40, s11, s24, $0xb8;
	[tilespmem:$0x1E000] =	vst v63  }
0xd8: {  	_ =	swait.ge [sflag:s21], $0x2000  }
0xd9: {  	[sflag:s21] =	ssyncset.done $0x0  }
0xda: {  	s11 =	sadd.s32 $0x5080, s9;
	[sflag:s21] =	ssyncadd.s32 $0xFFFFE000  }
0xdb: {  	[spmem:s2] =	stream.indirect.scatter.add.f32 [tilespmem:s25], [sflag:$0x7], $0x40, s11, s24, $0xb8;
	[tilespmem:$0x1E000] =	vst v63  }
0xdc: {  	_ =	swait.ge [sflag:s19], $0x2000  }
0xdd: {  	[sflag:s19] =	ssyncset.done $0x0  }
0xde: {  	s11 =	sadd.s32 $0x5100, s9;
	[sflag:s19] =	ssyncadd.s32 $0xFFFFE000  }
0xdf: {  	[spmem:s2] =	stream.indirect.scatter.add.f32 [tilespmem:s28], [sflag:$0x8], $0x40, s11, s24, $0xb8;
	[tilespmem:$0x1E000] =	vst v63  }
0xe0: {  	_ =	swait.ge [sflag:s26], $0x2000  }
0xe1: {  	[sflag:s26] =	ssyncset.done $0x0  }
0xe2: {  	s11 =	sadd.s32 $0x5180, s9;
	[sflag:s26] =	ssyncadd.s32 $0xFFFFE000  }
0xe3: {  	[spmem:s2] =	stream.indirect.scatter.add.f32 [tilespmem:s30], [sflag:$0x9], $0x40, s11, s24, $0xb8;
	[tilespmem:$0x1E000] =	vst v63  }
0xe4: {  	_ =	swait.ge [sflag:s29], $0x2000  }
0xe5: {  	[sflag:s29] =	ssyncset.done $0x0  }
0xe6: {  	s11 =	sadd.s32 $0x5200, s9;
	[sflag:s29] =	ssyncadd.s32 $0xFFFFE000  }
0xe7: {  	[spmem:s2] =	stream.indirect.scatter.add.f32 [tilespmem:s0], [sflag:$0xA], $0x40, s11, s24, $0xb8;
	[tilespmem:$0x1E000] =	vst v63  }
0xe8: {  	_ =	swait.ge [sflag:s23], $0x2000  }
0xe9: {  	[sflag:s23] =	ssyncset.done $0x0  }
0xea: {  	s11 =	sadd.s32 $0x280, s9;
	[sflag:s23] =	ssyncadd.s32 $0xFFFFE000  }
0xeb: {  	[tilespmem:s20], [sflag:$0x1] =	stream.indirect.gather [hbm4b:s4+s24], $0x40, s11, s24, $0xb8;
	[tilespmem:$0x1E000] =	vst v63  }
0xec: {  	_ =	swait.ge [sflag:s31], $0x2000  }
0xed: {  	[sflag:s31] =	ssyncset.done $0x0  }
0xee: {  	s11 =	sadd.s32 $0x300, s9;
	[sflag:s31] =	ssyncadd.s32 $0xFFFFE000  }
0xef: {  	[tilespmem:s25], [sflag:$0x2] =	stream.indirect.gather [hbm4b:s4+s24], $0x40, s11, s24, $0xb8;
	[tilespmem:$0x1E000] =	vst v63  }
0xf0: {  	_ =	swait.ge [sflag:s1], $0x2000  }
0xf1: {  	[sflag:s1] =	ssyncset.done $0x0  }
0xf2: {  	s11 =	sadd.s32 $0x380, s9;
	[sflag:s1] =	ssyncadd.s32 $0xFFFFE000  }
0xf3: {  	[tilespmem:s28], [sflag:$0x3] =	stream.indirect.gather [hbm4b:s4+s24], $0x40, s11, s24, $0xb8;
	[tilespmem:$0x1E000] =	vst v63  }
0xf4: {  	_ =	swait.ge [sflag:s3], $0x2000  }
0xf5: {  	[sflag:s3] =	ssyncset.done $0x0  }
0xf6: {  	s11 =	sadd.s32 $0x400, s9;
	[sflag:s3] =	ssyncadd.s32 $0xFFFFE000  }
0xf7: {  	[tilespmem:s30], [sflag:$0x4] =	stream.indirect.gather [hbm4b:s4+s24], $0x40, s11, s24, $0xb8;
	[tilespmem:$0x1E000] =	vst v63  }
0xf8: {  	_ =	swait.ge [sflag:s5], $0x2000  }
0xf9: {  	[sflag:s5] =	ssyncset.done $0x0  }
0xfa: {  	s9 =	sadd.s32 $0x480, s9;
	[sflag:s5] =	ssyncadd.s32 $0xFFFFE000  }
0xfb: {  	[tilespmem:s0], [sflag:$0x5] =	stream.indirect.gather [hbm4b:s4+s24], $0x40, s9, s24, $0xb8;
	[tilespmem:$0x1E000] =	vst v63  }
0xfc: {  	_ =	swait.ge [sflag:s22], $0x2000  }
0xfd: {  	[sflag:s22] =	ssyncset.done $0x0  }
0xfe: {  	s11 =	simm.s32 $0x9D80;
	[sflag:s22] =	ssyncadd.s32 $0xFFFFE000  }
0xff: {  	[spmem:s2] =	stream.indirect.scatter.add.f32 [tilespmem:s20], [sflag:$0x6], $0x40, s11, s24, $0xb8;
	[tilespmem:$0x1E000] =	vst v63  }
0x100: {  	_ =	swait.ge [sflag:s21], $0x2000  }
0x101: {  	[sflag:s21] =	ssyncset.done $0x0  }
0x102: {  	s10 =	simm.s32 $0x9E00;
	[sflag:s21] =	ssyncadd.s32 $0xFFFFE000  }
0x103: {  	[spmem:s2] =	stream.indirect.scatter.add.f32 [tilespmem:s25], [sflag:$0x7], $0x40, s10, s24, $0xb8;
	[tilespmem:$0x1E000] =	vst v63  }
0x104: {  	_ =	swait.ge [sflag:s19], $0x2000  }
0x105: {  	[sflag:s19] =	ssyncset.done $0x0  }
0x106: {  	s11 =	simm.s32 $0x9E80;
	[sflag:s19] =	ssyncadd.s32 $0xFFFFE000  }
0x107: {  	[spmem:s2] =	stream.indirect.scatter.add.f32 [tilespmem:s28], [sflag:$0x8], $0x40, s11, s24, $0xb8;
	[tilespmem:$0x1E000] =	vst v63  }
0x108: {  	_ =	swait.ge [sflag:s26], $0x2000  }
0x109: {  	[sflag:s26] =	ssyncset.done $0x0  }
0x10a: {  	s10 =	simm.s32 $0x9F00;
	[sflag:s26] =	ssyncadd.s32 $0xFFFFE000  }
0x10b: {  	[spmem:s2] =	stream.indirect.scatter.add.f32 [tilespmem:s30], [sflag:$0x9], $0x40, s10, s24, $0xb8;
	[tilespmem:$0x1E000] =	vst v63  }
0x10c: {  	_ =	swait.ge [sflag:s29], $0x2000  }
0x10d: {  	[sflag:s29] =	ssyncset.done $0x0  }
0x10e: {  	s11 =	simm.s32 $0x9F80;
	[sflag:s29] =	ssyncadd.s32 $0xFFFFE000  }
0x10f: {  	[spmem:s2] =	stream.indirect.scatter.add.f32 [tilespmem:s0], [sflag:$0xA], $0x40, s11, s24, $0xb8;
	[tilespmem:$0x1E000] =	vst v63  }
0x110: {  	_ =	swait.ge [sflag:s23], $0x2000  }
0x111: {  	[sflag:s23] =	ssyncset.done $0x0  }
0x112: {  	[sflag:s23] =	ssyncadd.s32 $0xFFFFE000  }
0x113: {  	[tilespmem:s20], [sflag:$0x1] =	stream.indirect.gather [hbm4b:s4+s24], $0x40, s6, s24, $0xb8;
	[tilespmem:$0x1E000] =	vst v63  }
0x114: {  	_ =	swait.ge [sflag:s31], $0x2000  }
0x115: {  	[sflag:s31] =	ssyncset.done $0x0  }
0x116: {  	[sflag:s31] =	ssyncadd.s32 $0xFFFFE000  }
0x117: {  	[tilespmem:s25], [sflag:$0x2] =	stream.indirect.gather [hbm4b:s4+s24], $0x40, s6, s24, $0xb8;
	[tilespmem:$0x1E000] =	vst v63  }
0x118: {  	_ =	swait.ge [sflag:s1], $0x2000  }
0x119: {  	[sflag:s1] =	ssyncset.done $0x0  }
0x11a: {  	[sflag:s1] =	ssyncadd.s32 $0xFFFFE000  }
0x11b: {  	[tilespmem:s28], [sflag:$0x3] =	stream.indirect.gather [hbm4b:s4+s24], $0x40, s6, s24, $0xb8;
	[tilespmem:$0x1E000] =	vst v63  }
0x11c: {  	_ =	swait.ge [sflag:s3], $0x2000  }
0x11d: {  	[sflag:s3] =	ssyncset.done $0x0  }
0x11e: {  	[sflag:s3] =	ssyncadd.s32 $0xFFFFE000  }
0x11f: {  	[tilespmem:s30], [sflag:$0x4] =	stream.indirect.gather [hbm4b:s4+s24], $0x40, s6, s24, $0xb8;
	[tilespmem:$0x1E000] =	vst v63  }
0x120: {  	_ =	swait.ge [sflag:s5], $0x2000  }
0x121: {  	[sflag:s5] =	ssyncset.done $0x0  }
0x122: {  	[sflag:s5] =	ssyncadd.s32 $0xFFFFE000  }
0x123: {  	[tilespmem:s0], [sflag:$0x5] =	stream.indirect.gather [hbm4b:s4+s24], $0x40, s6, s24, $0xb8;
	[tilespmem:$0x1E000] =	vst v63  }
0x124: {  	_ =	swait.ge [sflag:s22], $0x2000  }
0x125: {  	[sflag:s22] =	ssyncset.done $0x0  }
0x126: {  	[sflag:s22] =	ssyncadd.s32 $0xFFFFE000  }
0x127: {  	_ =	swait.ge [sflag:s21], $0x2000  }
0x128: {  	[sflag:s21] =	ssyncset.done $0x0  }
0x129: {  	[sflag:s21] =	ssyncadd.s32 $0xFFFFE000  }
0x12a: {  	_ =	swait.ge [sflag:s19], $0x2000  }
0x12b: {  	[sflag:s19] =	ssyncset.done $0x0  }
0x12c: {  	[sflag:s19] =	ssyncadd.s32 $0xFFFFE000  }
0x12d: {  	_ =	swait.ge [sflag:s26], $0x2000  }
0x12e: {  	[sflag:s26] =	ssyncset.done $0x0  }
0x12f: {  	[sflag:s26] =	ssyncadd.s32 $0xFFFFE000  }
0x130: {  	s10 =	stileid.u32;
	_ =	swait.ge [sflag:s29], $0x2000  }
0x131: {  	s8 =	sadd.s32 $0x1, s8;
	s9 =	sshll.u32 s10, $0x6;
	[sflag:s29] =	ssyncset.done $0x0  }
0x132: {  	p0 =	sne.s32 s8, s18;
	s9 =	sor.u32 $0x1C01, s9;
	[sflag:s29] =	ssyncadd.s32 $0xFFFFE000  }
.Ltmp3:
0x133: {  	s11 =	sshrl.u32 s7, $0x3;
	[bflag:$0x0] =	sbarrier.arrive $0xFFFF;
	(pc) =	sbr.rel @p0 .LBB2_1-.Ltmp3, $4  }
0x134: {  	[hbm:s17], [sflag:s9] =	dma.local [spmem:s11], $0x1400  }
0x135: {  	_ =	swait.ge [sflag:s22], $0x1400  }
0x136: {  	[sflag:s22] =	ssyncset.done $0x0  }
0x137: {  	[sflag:s22] =	ssyncadd.s32 $0xFFFFEC00  }
0x138: {  	_ =	sfence.sel $0x180000  }
0x139: {  	[bflag:$0x0] =	sbarrier.arrive $0xFFFF  }
0x13a: {  	_ =	strace $0x9000004A  }
0x13b: {  	s0 =	stileid.u32;
	[bflag:$0x2] =	sbarrier.arrive $0xFFFF  }
0x13c: {  	p0 =	sne.s32 s0, $0x0;
	s0 =	rddreg [dreg:$0x2]  }
0x13d: {  	s0 =	sadd.s32 @!p0 $0x100000, s0  }
0x13e: {  	[sflag:s0] =	ssyncadd.tile.s32 @!p0 $0x1;
	_ =	shalt  }
.Lfunc_end2:
_tile_overlayer_lowered:
.L_overlay_start_2:
0x13f: {  	(tag) =	ssettag $0x2  }
0x140: {  	s0 =	rddreg [dreg:$0x0];
	s2 =	stileid.u32  }
0x141: {  	s1 =	rddreg [dreg:$0x1];
	p0 =	sne.s32 s2, $0x0  }
0x142: {  	s3 =	rddreg [dreg:$0x2];
	[bflag:$0x3] =	sbarrier.arrive $0xFFFF;
	s2 =	simm.s32 @!p0 $0x1C0B  }
0x143: {  	[timem:s3], [sflag:s2] =	dma.local @!p0 [hbm:s0], s1  }
0x144: {  	s0 =	simm.s32 @!p0 $0xB  }
0x145: {  	_ =	swait.ge @!p0 [sflag:s0], s1  }
0x146: {  	s1 =	ssub.s32 @!p0 $0x0, s1;
	[sflag:s0] =	ssyncset.done @!p0 $0x0  }
0x147: {  	[sflag:s0] =	ssyncadd.s32 @!p0 s1  }
0x148: {  	[bflag:$0x3] =	sbarrier.arrive $0xFFFF  }
0x149: {  	_ =	shalt  }

// kernel: kernel.17.cloned.1.call-start
scs
__scs_entry_jumppad:
0x0: {  	(pc) =	sbr.rel $0x88, $3  }
0x1: {  	(tag) =	ssettag $0x0;
	lr =	simm.s32 $0x1  }
0x2: {  	[smem:$0x3F99] =	sst lr;
	_ =	strace $0xD0000000  }
0x3: {  	_ = 	snop  }
0x4: {  	_ = 	snop  }
0x5: {  	_ = 	snop  }
0x6: {  	_ = 	snop  }
0x7: {  	_ = 	snop  }
__scs_overlays_trampoline_lowered:
0x8: {  	[smem:$0x3FA8] =	sst s0  }
0x9: {  	[smem:$0x3FA9] =	sst s1  }
0xa: {  	[smem:$0x3FAA] =	sst s2  }
0xb: {  	[smem:$0x3FAB] =	sst s3  }
0xc: {  	[smem:$0x3FAC] =	sst s4  }
0xd: {  	[smem:$0x3FAD] =	sst s5  }
0xe: {  	[smem:$0x3FAE] =	sst s6  }
0xf: {  	[smem:$0x3FAF] =	sst s7  }
0x10: {  	[smem:$0x3FB0] =	sst s8  }
0x11: {  	[smem:$0x3FB1] =	sst s9;
	s0 =	simm.s32 @!p0 $0x0  }
0x12: {  	s1 =	sld [smem:$0x3F97];
	s0 =	simm.s32 @p0 $0x1  }
0x13: {  	[smem:$0x3FB2] =	sst s0;
	s0 =	simm.s32 @!p1 $0x0  }
0x14: {  	s2 =	sld [smem:$0x3F96];
	s0 =	simm.s32 @p1 $0x1  }
0x15: {  	[smem:$0x3FB3] =	sst s0;
	s0 =	simm.s32 @!p2 $0x0  }
0x16: {  	s3 =	sld [smem:$0x3FDB];
	s0 =	simm.s32 @p2 $0x1  }
0x17: {  	s4 =	simm.s32 $0x1BF5;
	[smem:$0x3FB5] =	sst s0  }
0x18: {  	s0 =	sld [smem:$0x3F98];
	_ =	swait.ge [sflag:s4], $0x0  }
0x19: {  	s7 =	sld [smem:$0x3F99]  }
0x1a: {  	s8 =	sadd.s32 $0xFFFFE003, lr  }
0x1b: {  	s9 =	sadd.s32 $0xFFFFFEF7, lr;
	s5 =	simm.s32 $0xFFFFFFFF;
	p2 =	slt.u32 s8, $0xFFFFF086  }
0x1c: {  	p1 =	slt.u32 s9, $0xF7A;
	s5 =	simm.s32 @!p2 $0x0  }
0x1d: {  	s5 =	simm.s32 @p1 $0x1;
	p0 =	seq.s32 s7, s2  }
0x1e: {  	s7 =	smul.u32 @!p0 $0xF7A, s2;
	p2 =	seq.s32 @!p0 s5, $0x0  }
0x1f: {  	s9 =	smul.u32 $0xF7A, s1;
	s8 =	simm.s32 @!p0 $0x1BF5;
	p2 =	por !p2, p0  }
0x20: {  	[sflag:s8] =	ssyncset.s32 @!p0 $0xFFFFF086;
	s6 =	sadd.s32 @!p0 s3, s7;
	s7 =	simm.s32 @!p0 $0x108  }
0x21: {  	s3 =	sadd.s32 s3, s9;
	s6 =	sadd.s32 @!p0 $0x88, s6;
	s7 =	simm.s32 @p2 $0x1082  }
0x22: {  	[simem:s7], [sflag:s8] =	dma.local @!p0 [hbm:s6], $0xF7A  }
0x23: {  	s9 =	sor.u32 $0xD0000000, s2;
	s6 =	simm.s32 $0x108;
	_ =	swait.ge @!p0 [sflag:s8], $0x0  }
0x24: {  	s3 =	sadd.s32 $0x88, s3;
	s6 =	simm.s32 @!p1 $0x1082;
	[sflag:s4] =	ssyncset.s32 $0xFFFFF086  }
0x25: {  	[simem:s6], [sflag:s4] =	dma.local [hbm:s3], $0xF7A  }
0x26: {  	[smem:$0x3F99] =	sst s1;
	(tag) =	ssettag s2;
	_ =	strace s9  }
0x27: {  	s1 =	sld [smem:$0x3FA9]  }
0x28: {  	s2 =	sld [smem:$0x3FAA]  }
0x29: {  	s4 =	sld [smem:$0x3FAC]  }
0x2a: {  	p0 =	seq.s32 s5, $0x0;
	s5 =	sld [smem:$0x3FAD]  }
0x2b: {  	s6 =	sld [smem:$0x3FAE]  }
0x2c: {  	s7 =	sld [smem:$0x3FAF]  }
0x2d: {  	s3 =	simm.s32 $0x108;
	s8 =	sld [smem:$0x3FB0]  }
0x2e: {  	s3 =	simm.s32 @!p0 $0x1082;
	s9 =	sld [smem:$0x3FB1]  }
0x2f: {  	lr =	sadd.s32 s0, s3;
	s0 =	sld [smem:$0x3FA8]  }
0x30: {  	s3 =	sld [smem:$0x3FAB]  }
0x31: {  	[smem:$0x3FB4] =	sst s10  }
0x32: {  	s10 =	sld [smem:$0x3FB2];
	_ =	sdelay $0x3  }
0x33: {  	p0 =	seq.s32 s10, $0x1;
	s10 =	sld [smem:$0x3FB4];
	_ =	sdelay $0x3  }
0x34: {  	[smem:$0x3FB4] =	sst s10  }
0x35: {  	s10 =	sld [smem:$0x3FB3];
	_ =	sdelay $0x3  }
0x36: {  	p1 =	seq.s32 s10, $0x1;
	s10 =	sld [smem:$0x3FB4];
	_ =	sdelay $0x3  }
0x37: {  	[smem:$0x3FB4] =	sst s10  }
0x38: {  	s10 =	sld [smem:$0x3FB5]  }
0x39: {  	_ = 	snop;
	(pc) =	sbr.ind lr, $3  }
0x3a: {  	_ = 	snop  }
0x3b: {  	_ = 	snop  }
0x3c: {  	p2 =	seq.s32 s10, $0x1;
	s10 =	sld [smem:$0x3FB4]  }
0x3d: {  	_ =	shalt  }
0x3e: {  	_ =	shalt  }
0x3f: {  	_ =	shalt  }
0x40: {  	_ =	shalt  }
0x41: {  	_ =	shalt  }
0x42: {  	_ =	shalt  }
0x43: {  	_ =	shalt  }
0x44: {  	_ =	shalt  }
0x45: {  	_ =	shalt  }
0x46: {  	_ =	shalt  }
0x47: {  	_ =	shalt  }
0x48: {  	_ =	shalt  }
0x49: {  	_ =	shalt  }
0x4a: {  	_ =	shalt  }
0x4b: {  	_ =	shalt  }
0x4c: {  	_ =	shalt  }
0x4d: {  	_ =	shalt  }
0x4e: {  	_ =	shalt  }
0x4f: {  	_ =	shalt  }
0x50: {  	_ =	shalt  }
0x51: {  	_ =	shalt  }
0x52: {  	_ =	shalt  }
0x53: {  	_ =	shalt  }
0x54: {  	_ =	shalt  }
0x55: {  	_ =	shalt  }
0x56: {  	_ =	shalt  }
0x57: {  	_ =	shalt  }
0x58: {  	_ =	shalt  }
0x59: {  	_ =	shalt  }
0x5a: {  	_ =	shalt  }
0x5b: {  	_ =	shalt  }
0x5c: {  	_ =	shalt  }
0x5d: {  	_ =	shalt  }
0x5e: {  	_ =	shalt  }
0x5f: {  	_ =	shalt  }
0x60: {  	_ =	shalt  }
0x61: {  	_ =	shalt  }
0x62: {  	_ =	shalt  }
0x63: {  	_ =	shalt  }
0x64: {  	_ =	shalt  }
0x65: {  	_ =	shalt  }
0x66: {  	_ =	shalt  }
0x67: {  	_ =	shalt  }
0x68: {  	_ =	shalt  }
0x69: {  	_ =	shalt  }
0x6a: {  	_ =	shalt  }
0x6b: {  	_ =	shalt  }
0x6c: {  	_ =	shalt  }
0x6d: {  	_ =	shalt  }
0x6e: {  	_ =	shalt  }
0x6f: {  	_ =	shalt  }
0x70: {  	_ =	shalt  }
0x71: {  	_ =	shalt  }
0x72: {  	_ =	shalt  }
0x73: {  	_ =	shalt  }
0x74: {  	_ =	shalt  }
0x75: {  	_ =	shalt  }
0x76: {  	_ =	shalt  }
0x77: {  	_ =	shalt  }
0x78: {  	_ =	shalt  }
0x79: {  	_ =	shalt  }
0x7a: {  	_ =	shalt  }
0x7b: {  	_ =	shalt  }
0x7c: {  	_ =	shalt  }
0x7d: {  	_ =	shalt  }
0x7e: {  	_ =	shalt  }
0x7f: {  	_ =	shalt  }
0x80: {  	_ =	shalt  }
0x81: {  	_ =	shalt  }
0x82: {  	_ =	shalt  }
0x83: {  	_ =	shalt  }
0x84: {  	_ =	shalt  }
0x85: {  	_ =	shalt  }
0x86: {  	_ =	shalt  }
0x87: {  	_ =	shalt  }
.Lfunc_end0:
.L_simem_size_0:
called_computation.2_lowered:
.L_overlay_start_0:
0x88: {  	s2 =	sld [smem:$0x3FD9]  }
0x89: {  	s3 =	sld [smem:$0x3FFE];
	_ =	sdelay $0x1  }
0x8a: {  	s1 =	srdreg.scid  }
0x8b: {  	s0 =	sand.u32 $0x1, s1  }
0x8c: {  	s16 =	sshll.u32 s0, $0xA;
	s2 =	sadd.s32 s3, s2  }
0x8d: {  	s2 =	sadd.s32 s2, s16  }
0x8e: {  	[smem:$0x3FC0] =	sst s2  }
0x8f: {  	_ = 	snop  }
0x90: {  	(tm) =	ssettm $0x1  }
0x91: {  	s17 =	sld [smem:$0x3FFB];
	_ =	sdelay $0x3  }
0x92: {  	_ =	strace s17  }
0x93: {  	s2 =	sld [smem:$0x3FFC];
	_ =	sdelay $0x3  }
0x94: {  	_ =	strace s2  }
0x95: {  	s2 =	sld [smem:$0x3FFD];
	_ =	sdelay $0x3  }
0x96: {  	_ =	strace s2  }
0x97: {  	_ =	strace $0x8FFFFFFF  }
0x98: {  	s18 =	sld [smem:$0x3FDB];
	_ =	sdelay $0x1  }
0x99: {  	s19 =	simm.s32 $_scs_section_size  }
0x9a: {  	s4 =	simm.s32 $_size__tile_overlayer_lowered;
	s5 =	simm.s32 $_tile_overlayer_lowered  }
0x9b: {  	s22 =	simm.s32 $0x1BFF;
	s21 =	sshll.u32 s5, $0x1;
	s2 =	sadd.s32 s19, s18  }
0x9c: {  	s6 =	simm.s32 $0x0;
	s20 =	sshll.u32 s4, $0x1;
	s4 =	sadd.s32 s21, s2  }
0x9d: {  	[timem:s6], [sflag:s22] =	dma.local [hbm:s4], s20  }
0x9e: {  	_ =	swait.ge [sflag:s22], s20  }
0x9f: {  	s3 =	ssub.s32 $0x0, s20;
	[sflag:s22] =	ssyncset.done $0x0  }
0xa0: {  	[sflag:s22] =	ssyncadd.s32 s3;
	_ =	sdelay $0x1  }
0xa1: {  	s23 =	simm.s32 $0x1B8B  }
0xa2: {  	_ =	swait.ge [sflag:s23], $0x1  }
0xa3: {  	[sflag:s23] =	ssyncset.done $0x0  }
0xa4: {  	s25 =	simm.s32 $0x1B8E;
	s24 =	sld [smem:$0x3FFE];
	[sflag:s23] =	ssyncadd.s32 $0xFFFFFFFF  }
0xa5: {  	s26 =	simm.s32 $execute0_lowered;
	[smem:$0x3FD2] =	sst s25  }
0xa6: {  	s4 =	sshll.u32 s26, $0x1;
	_ =	strace $0x8000004C;
	[dreg:$0x1] =	wrdreg $0xFFFFFFFF  }
0xa7: {  	s28 =	simm.s32 $_size_execute0_lowered;
	s2 =	sadd.s32 s2, s4;
	[dreg:$0x0] =	wrdreg $0x0  }
0xa8: {  	s4 =	sshll.u32 s28, $0x1;
	[dreg:$0x2] =	wrdreg s2  }
0xa9: {  	[dreg:$0x3] =	wrdreg s4  }
0xaa: {  	[dreg:$0x4] =	wrdreg $0xC0  }
0xab: {  	_ =	task [dreg:s6], $0x5FFFF  }
0xac: {  	[dreg:$0x1] =	wrdreg $0xFFFFFFFF  }
0xad: {  	[dreg:$0x0] =	wrdreg $0x60  }
0xae: {  	[dreg:$0x2] =	wrdreg s24  }
0xaf: {  	[dreg:$0x3] =	wrdreg $0x150000  }
0xb0: {  	[dreg:$0x4] =	wrdreg $0x9  }
0xb1: {  	_ =	task.clear_ibuf [dreg:s6], $0x5FFFF;
	_ =	strace $0x9000004C  }
0xb2: {  	s29 =	simm.s32 $0x9;
	_ =	strace $0x8000004E  }
0xb3: {  	_ =	swait.ge [sflag:s29], $0x1  }
0xb4: {  	[sflag:s29] =	ssyncadd.s32 $0xFFFFFFFF  }
0xb5: {  	_ =	strace $0x9000004E  }
0xb6: {  	_ =	sfence  }
0xb7: {  	s30 =	sld [smem:$0x0];
	_ =	sdelay $0x2  }
0xb8: {  	s31 =	sshll.u32 s1, $0xD;
	s1 =	sshrl.u32 s1, $0x2  }
0xb9: {  	s3 =	sand.u32 $0x4000, s31;
	s1 =	sadd.s32 s1, s30  }
0xba: {  	s0 =	sor.u32 s3, s0;
	s1 =	sshll.u32 s1, $0x11  }
0xbb: {  	s0 =	sor.u32 s1, s0  }
0xbc: {  	s0 =	sadd.s32 $0x8F2B, s0  }
0xbd: {  	[sflag:s0] =	ssyncadd.remote.s32 $0x1  }
0xbe: {  	_ =	sfence.sel $0xFFFF  }
0xbf: {  	[dreg:$0x0] =	wrdreg $0xFFFFFFFF;
	(pc) =	sbr.abs _section_cstart, $3  }
0xc0: {  	[dreg:$0x1] =	wrdreg $0xFFFFFFFF  }
0xc1: {  	_ =	task.clear_ibuf [dreg:s6], $0x2FFFF;
	_ =	strace $0x9FFFFFFF  }
0xc2: {  	(tm) =	ssettm $0x7FFFFFFF  }
0xc3: {  	_ =	shalt  }
tec
execute0_lowered:
.L_overlay_start_1:
0x0: {  	(tag) =	ssettag $0x1  }
0x1: {  	s0 =	rddreg [dreg:$0x0]  }
0x2: {  	s2 =	rddreg [dreg:$0x1];
	s1 =	srdreg.scid  }
0x3: {  	s7 =	stileid.u32;
	s17 =	simm.s32 $0x0;
	s28 =	simm.s32 $0x9000  }
0x4: {  	s30 =	simm.s32 $0xB000;
	s31 =	simm.s32 $0x11000;
	s29 =	simm.s32 $0x3  }
0x5: {  	s9 =	simm.s32 $0x8;
	s10 =	simm.s32 $0xA;
	s11 =	simm.s32 $0xB  }
0x6: {  	s12 =	simm.s32 $0xC;
	s13 =	simm.s32 $0xD;
	s1 =	sand.u32 $0x1, s1  }
0x7: {  	s5 =	smul.u32 $0xA000, s7;
	[smem:$0x7FF] =	sst s17;
	s4 =	sadd.s32 $0x16A00, s0  }
0x8: {  	s3 =	sshll.u32 s1, $0x4;
	s6 =	smul.u32 $0xA0000, s1;
	_ =	strace $0x8000004D  }
0x9: {  	s1 =	ssub.s32 $0x2, s1;
	s3 =	sor.u32 s7, s3;
	s7 =	smul.u32 $0x28000, s7  }
0xa: {  	s8 =	sshrl.u32 s1, $0x1;
	s3 =	smul.u32 $0x500, s3;
	s6 =	sadd.s32 s5, s6  }
0xb: {  	s1 =	ssub.s32 s1, s8;
	s5 =	sadd.s32 s5, s2;
	s8 =	simm.s32 $0x7  }
0xc: {  	[dreg:$0x5] =	wrdreg s5;
	s26 =	smax.u32 s1, $0x1;
	s3 =	sadd.s32 s3, s0  }
0xd: {  	s14 =	sshrl.u32 s7, $0x2;
	[dreg:$0x10] =	wrdreg s26;
	s15 =	sadd.s32 $0xCA00, s3  }
0xe: {  	s16 =	sadd.s32 s14, s2;
	s3 =	sadd.s32 $0x2A00, s3;
	[dreg:$0x3] =	wrdreg s15  }
0xf: {  	s6 =	sshrl.u32 s6, $0x3;
	s18 =	sadd.s32 $0x1000, s16;
	[dreg:$0x4] =	wrdreg s3  }
0x10: {  	s1 =	simm.s32 $0x4;
	s19 =	sadd.s32 $0x2000, s16;
	[dreg:$0x6] =	wrdreg s18  }
0x11: {  	s5 =	simm.s32 $0x5;
	s20 =	sadd.s32 $0x3000, s16;
	[dreg:$0x7] =	wrdreg s19  }
0x12: {  	s7 =	simm.s32 $0x0;
	s21 =	sadd.s32 $0x4000, s16;
	[dreg:$0x8] =	wrdreg s20  }
0x13: {  	s0 =	sadd.s32 s6, s0;
	s22 =	sadd.s32 $0x5000, s16;
	[dreg:$0x9] =	wrdreg s21  }
0x14: {  	s26 =	simm.s32 $0xF000;
	s23 =	sadd.s32 $0x6000, s16;
	[dreg:$0xa] =	wrdreg s22  }
0x15: {  	s6 =	simm.s32 $0x6;
	s24 =	sadd.s32 $0x7000, s16;
	[dreg:$0xb] =	wrdreg s23  }
0x16: {  	s14 =	simm.s32 $0xE;
	s25 =	sadd.s32 $0x8000, s16;
	[dreg:$0xc] =	wrdreg s24  }
0x17: {  	s0 =	sadd.s32 $0x2A400, s0;
	[dreg:$0xd] =	wrdreg s25;
	s3 =	sadd.s32 $0x9000, s16  }
0x18: {  	[dreg:$0xf] =	wrdreg s0;
	s20 =	simm.s32 $0x5000;
	s21 =	simm.s32 $0x2  }
0x19: {  	s22 =	simm.s32 $0x1;
	s23 =	simm.s32 $0x9;
	s24 =	simm.s32 $0x80  }
0x1a: {  	s25 =	simm.s32 $0x7000;
	s0 =	simm.s32 $0xD000;
	s19 =	simm.s32 $0x13000  }
0x1b: {  	v0 =	vimm.f32 $0.0e+00;
	s15 =	simm.s32 $0xF;
	s16 =	simm.s32 $0x10;
	[dreg:$0xe] =	wrdreg s3  }
.LBB2_1:
0x1c: {  	[dreg:$0x11] =	wrdreg s7  }
0x1d: {  	s3 =	rddreg [dreg:$0x3]  }
0x1e: {  	[tilespmem:s17], [sflag:$0x1] =	stream.linear.gather [hbm4b:s3+s17], $0x2800, $0x38;
	[tilespmem:$0x1F000] =	vst v63  }
0x1f: {  	s7 =	rddreg [dreg:$0x4];
	s18 =	simm.s32 $0x2800  }
0x20: {  	[tilespmem:s18], [sflag:$0x9] =	stream.linear.gather [hbm4b:s7+s17], $0x2800, $0x38;
	[tilespmem:$0x1F000] =	vst v63  }
0x21: {  	s3 =	simm.s32 $0x0;
	s7 =	simm.s32 $0x100  }
.LBB2_2:
0x22: {  	p0 =	sne.s32 s7, $0x3F00;
	[tilespmem:s3+$0x5030] =	vst v0;
	s18 =	smov.u32 s7;
	s7 =	sadd.s32 $0x100, s7  }
.Ltmp0:
0x23: {  	[tilespmem:s3+$0x5020] =	vst v0;
	(pc) =	sbr.rel @p0 .LBB2_2-.Ltmp0, $3  }
0x24: {  	[tilespmem:s3+$0x5000] =	vst v0  }
0x25: {  	[tilespmem:s3+$0x5010] =	vst v0;
	_ =	sdelay $0x1  }
0x26: {  	s3 =	sshra.s32 s18, $0x2  }
0x27: {  	[tilespmem:s3+$0x5030] =	vst v0  }
0x28: {  	[tilespmem:s3+$0x5020] =	vst v0  }
0x29: {  	[tilespmem:s3+$0x5000] =	vst v0  }
0x2a: {  	[tilespmem:s3+$0x5010] =	vst v0;
	s18 =	rddreg [dreg:$0x5]  }
0x2b: {  	[spmem:s18] =	stream.linear.scatter [tilespmem:s20], [sflag:$0x2], $0x1000, $0x38;
	[tilespmem:$0x1F000] =	vst v63  }
0x2c: {  	s7 =	rddreg [dreg:$0x6]  }
0x2d: {  	[spmem:s7] =	stream.linear.scatter [tilespmem:s20], [sflag:$0x2], $0x1000, $0x38;
	[tilespmem:$0x1F000] =	vst v63  }
0x2e: {  	s18 =	rddreg [dreg:$0x7]  }
0x2f: {  	[spmem:s18] =	stream.linear.scatter [tilespmem:s20], [sflag:$0x2], $0x1000, $0x38;
	[tilespmem:$0x1F000] =	vst v63  }
0x30: {  	s7 =	rddreg [dreg:$0x8]  }
0x31: {  	[spmem:s7] =	stream.linear.scatter [tilespmem:s20], [sflag:$0x2], $0x1000, $0x38;
	[tilespmem:$0x1F000] =	vst v63  }
0x32: {  	s18 =	rddreg [dreg:$0x9]  }
0x33: {  	[spmem:s18] =	stream.linear.scatter [tilespmem:s20], [sflag:$0x2], $0x1000, $0x38;
	[tilespmem:$0x1F000] =	vst v63  }
0x34: {  	s7 =	rddreg [dreg:$0xa]  }
0x35: {  	[spmem:s7] =	stream.linear.scatter [tilespmem:s20], [sflag:$0x2], $0x1000, $0x38;
	[tilespmem:$0x1F000] =	vst v63  }
0x36: {  	s18 =	rddreg [dreg:$0xb]  }
0x37: {  	[spmem:s18] =	stream.linear.scatter [tilespmem:s20], [sflag:$0x2], $0x1000, $0x38;
	[tilespmem:$0x1F000] =	vst v63  }
0x38: {  	s7 =	rddreg [dreg:$0xc]  }
0x39: {  	[spmem:s7] =	stream.linear.scatter [tilespmem:s20], [sflag:$0x2], $0x1000, $0x38;
	[tilespmem:$0x1F000] =	vst v63  }
0x3a: {  	s18 =	rddreg [dreg:$0xd]  }
0x3b: {  	[spmem:s18] =	stream.linear.scatter [tilespmem:s20], [sflag:$0x2], $0x1000, $0x38;
	[tilespmem:$0x1F000] =	vst v63  }
0x3c: {  	s7 =	rddreg [dreg:$0xe]  }
0x3d: {  	[spmem:s7] =	stream.linear.scatter [tilespmem:s20], [sflag:$0x2], $0x1000, $0x38;
	[tilespmem:$0x1F000] =	vst v63  }
0x3e: {  	_ =	swait.ge [sflag:s21], $0x1000  }
0x3f: {  	[sflag:s21] =	ssyncset.done $0x0  }
0x40: {  	[sflag:s21] =	ssyncadd.s32 $0xFFFFF000  }
0x41: {  	_ =	swait.ge [sflag:s21], $0x1000  }
0x42: {  	[sflag:s21] =	ssyncset.done $0x0  }
0x43: {  	[sflag:s21] =	ssyncadd.s32 $0xFFFFF000  }
0x44: {  	_ =	swait.ge [sflag:s21], $0x1000  }
0x45: {  	[sflag:s21] =	ssyncset.done $0x0  }
0x46: {  	[sflag:s21] =	ssyncadd.s32 $0xFFFFF000  }
0x47: {  	_ =	swait.ge [sflag:s21], $0x1000  }
0x48: {  	[sflag:s21] =	ssyncset.done $0x0  }
0x49: {  	[sflag:s21] =	ssyncadd.s32 $0xFFFFF000  }
0x4a: {  	_ =	swait.ge [sflag:s21], $0x1000  }
0x4b: {  	[sflag:s21] =	ssyncset.done $0x0  }
0x4c: {  	[sflag:s21] =	ssyncadd.s32 $0xFFFFF000  }
0x4d: {  	_ =	swait.ge [sflag:s21], $0x1000  }
0x4e: {  	[sflag:s21] =	ssyncset.done $0x0  }
0x4f: {  	[sflag:s21] =	ssyncadd.s32 $0xFFFFF000  }
0x50: {  	_ =	swait.ge [sflag:s21], $0x1000  }
0x51: {  	[sflag:s21] =	ssyncset.done $0x0  }
0x52: {  	[sflag:s21] =	ssyncadd.s32 $0xFFFFF000  }
0x53: {  	_ =	swait.ge [sflag:s21], $0x1000  }
0x54: {  	[sflag:s21] =	ssyncset.done $0x0  }
0x55: {  	[sflag:s21] =	ssyncadd.s32 $0xFFFFF000  }
0x56: {  	_ =	swait.ge [sflag:s21], $0x1000  }
0x57: {  	[sflag:s21] =	ssyncset.done $0x0  }
0x58: {  	[sflag:s21] =	ssyncadd.s32 $0xFFFFF000  }
0x59: {  	_ =	swait.ge [sflag:s21], $0x1000  }
0x5a: {  	[sflag:s21] =	ssyncset.done $0x0  }
0x5b: {  	[sflag:s21] =	ssyncadd.s32 $0xFFFFF000  }
0x5c: {  	_ =	swait.ge [sflag:s22], $0x2800  }
0x5d: {  	[sflag:s22] =	ssyncset.done $0x0  }
0x5e: {  	[sflag:s22] =	ssyncadd.s32 $0xFFFFD800  }
0x5f: {  	_ =	swait.ge [sflag:s23], $0x2800  }
0x60: {  	[sflag:s23] =	ssyncset.done $0x0  }
0x61: {  	[sflag:s23] =	ssyncadd.s32 $0xFFFFD800  }
0x62: {  	[bflag:$0x0] =	sbarrier.arrive $0xFFFF  }
0x63: {  	[tilespmem:s20], [sflag:$0x1] =	stream.indirect.gather [hbm4b:s4+s24], $0x40, s17, s24, $0xb8;
	[tilespmem:$0x1F000] =	vst v63  }
0x64: {  	_ = 	snop  }
0x65: {  	[tilespmem:s25], [sflag:$0x2] =	stream.indirect.gather [hbm4b:s4+s24], $0x40, s24, s24, $0xb8;
	[tilespmem:$0x1F000] =	vst v63  }
0x66: {  	s17 =	simm.s32 $0x100  }
0x67: {  	[tilespmem:s28], [sflag:$0x3] =	stream.indirect.gather [hbm4b:s4+s24], $0x40, s17, s24, $0xb8;
	[tilespmem:$0x1F000] =	vst v63  }
0x68: {  	s18 =	simm.s32 $0x180  }
0x69: {  	[tilespmem:s30], [sflag:$0x4] =	stream.indirect.gather [hbm4b:s4+s24], $0x40, s18, s24, $0xb8;
	[tilespmem:$0x1F000] =	vst v63  }
0x6a: {  	s7 =	simm.s32 $0x200  }
0x6b: {  	[tilespmem:s0], [sflag:$0x5] =	stream.indirect.gather [hbm4b:s4+s24], $0x40, s7, s24, $0xb8;
	[tilespmem:$0x1F000] =	vst v63  }
0x6c: {  	s17 =	simm.s32 $0x280  }
0x6d: {  	[tilespmem:s26], [sflag:$0x6] =	stream.indirect.gather [hbm4b:s4+s24], $0x40, s17, s24, $0xb8;
	[tilespmem:$0x1F000] =	vst v63  }
0x6e: {  	s18 =	simm.s32 $0x300  }
0x6f: {  	[tilespmem:s31], [sflag:$0x7] =	stream.indirect.gather [hbm4b:s4+s24], $0x40, s18, s24, $0xb8;
	[tilespmem:$0x1F000] =	vst v63  }
0x70: {  	s7 =	simm.s32 $0x380  }
0x71: {  	[tilespmem:s19], [sflag:$0x8] =	stream.indirect.gather [hbm4b:s4+s24], $0x40, s7, s24, $0xb8;
	[tilespmem:$0x1F000] =	vst v63  }
0x72: {  	_ =	swait.ge [sflag:s22], $0x2000  }
0x73: {  	[sflag:s22] =	ssyncset.done $0x0  }
0x74: {  	s17 =	simm.s32 $0x2800;
	[sflag:s22] =	ssyncadd.s32 $0xFFFFE000  }
0x75: {  	[spmem:s2] =	stream.indirect.scatter.add.f32 [tilespmem:s20], [sflag:$0x9], $0x40, s17, s24, $0xb8;
	[tilespmem:$0x1F000] =	vst v63  }
0x76: {  	_ =	swait.ge [sflag:s21], $0x2000  }
0x77: {  	[sflag:s21] =	ssyncset.done $0x0  }
0x78: {  	s18 =	simm.s32 $0x2880;
	[sflag:s21] =	ssyncadd.s32 $0xFFFFE000  }
0x79: {  	[spmem:s2] =	stream.indirect.scatter.add.f32 [tilespmem:s25], [sflag:$0xA], $0x40, s18, s24, $0xb8;
	[tilespmem:$0x1F000] =	vst v63  }
0x7a: {  	_ =	swait.ge [sflag:s29], $0x2000  }
0x7b: {  	[sflag:s29] =	ssyncset.done $0x0  }
0x7c: {  	s7 =	simm.s32 $0x2900;
	[sflag:s29] =	ssyncadd.s32 $0xFFFFE000  }
0x7d: {  	[spmem:s2] =	stream.indirect.scatter.add.f32 [tilespmem:s28], [sflag:$0xB], $0x40, s7, s24, $0xb8;
	[tilespmem:$0x1F000] =	vst v63  }
0x7e: {  	_ =	swait.ge [sflag:s1], $0x2000  }
0x7f: {  	[sflag:s1] =	ssyncset.done $0x0  }
0x80: {  	s17 =	simm.s32 $0x2980;
	[sflag:s1] =	ssyncadd.s32 $0xFFFFE000  }
0x81: {  	[spmem:s2] =	stream.indirect.scatter.add.f32 [tilespmem:s30], [sflag:$0xC], $0x40, s17, s24, $0xb8;
	[tilespmem:$0x1F000] =	vst v63  }
0x82: {  	_ =	swait.ge [sflag:s5], $0x2000  }
0x83: {  	[sflag:s5] =	ssyncset.done $0x0  }
0x84: {  	s18 =	simm.s32 $0x2A00;
	[sflag:s5] =	ssyncadd.s32 $0xFFFFE000  }
0x85: {  	[spmem:s2] =	stream.indirect.scatter.add.f32 [tilespmem:s0], [sflag:$0xD], $0x40, s18, s24, $0xb8;
	[tilespmem:$0x1F000] =	vst v63  }
0x86: {  	_ =	swait.ge [sflag:s6], $0x2000  }
0x87: {  	[sflag:s6] =	ssyncset.done $0x0  }
0x88: {  	s7 =	simm.s32 $0x2A80;
	[sflag:s6] =	ssyncadd.s32 $0xFFFFE000  }
0x89: {  	[spmem:s2] =	stream.indirect.scatter.add.f32 [tilespmem:s26], [sflag:$0xE], $0x40, s7, s24, $0xb8;
	[tilespmem:$0x1F000] =	vst v63  }
0x8a: {  	_ =	swait.ge [sflag:s8], $0x2000  }
0x8b: {  	[sflag:s8] =	ssyncset.done $0x0  }
0x8c: {  	s17 =	simm.s32 $0x2B00;
	[sflag:s8] =	ssyncadd.s32 $0xFFFFE000  }
0x8d: {  	[spmem:s2] =	stream.indirect.scatter.add.f32 [tilespmem:s31], [sflag:$0xF], $0x40, s17, s24, $0xb8;
	[tilespmem:$0x1F000] =	vst v63  }
0x8e: {  	_ =	swait.ge [sflag:s9], $0x2000  }
0x8f: {  	[sflag:s9] =	ssyncset.done $0x0  }
0x90: {  	s18 =	simm.s32 $0x2B80;
	[sflag:s9] =	ssyncadd.s32 $0xFFFFE000  }
0x91: {  	[spmem:s2] =	stream.indirect.scatter.add.f32 [tilespmem:s19], [sflag:$0x10], $0x40, s18, s24, $0xb8;
	[tilespmem:$0x1F000] =	vst v63  }
0x92: {  	s7 =	simm.s32 $0x8;
	_ =	swait.ge [sflag:s23], $0x2000  }
0x93: {  	s3 =	smin.u32 s7, $0x4F;
	[sflag:s23] =	ssyncset.done $0x0  }
0x94: {  	s3 =	sshll.u32 s3, $0x7;
	[sflag:s23] =	ssyncadd.s32 $0xFFFFE000  }
0x95: {  	[tilespmem:s20], [sflag:$0x1] =	stream.indirect.gather [hbm4b:s4+s24], $0x40, s3, s24, $0xb8;
	[tilespmem:$0x1F000] =	vst v63  }
0x96: {  	s17 =	simm.s32 $0x9;
	_ =	swait.ge [sflag:s10], $0x2000  }
0x97: {  	s3 =	smin.u32 s17, $0x4F;
	[sflag:s10] =	ssyncset.done $0x0  }
0x98: {  	s3 =	sshll.u32 s3, $0x7;
	[sflag:s10] =	ssyncadd.s32 $0xFFFFE000  }
0x99: {  	[tilespmem:s25], [sflag:$0x2] =	stream.indirect.gather [hbm4b:s4+s24], $0x40, s3, s24, $0xb8;
	[tilespmem:$0x1F000] =	vst v63  }
0x9a: {  	s18 =	simm.s32 $0xA;
	_ =	swait.ge [sflag:s11], $0x2000  }
0x9b: {  	s3 =	smin.u32 s18, $0x4F;
	[sflag:s11] =	ssyncset.done $0x0  }
0x9c: {  	s3 =	sshll.u32 s3, $0x7;
	[sflag:s11] =	ssyncadd.s32 $0xFFFFE000  }
0x9d: {  	[tilespmem:s28], [sflag:$0x3] =	stream.indirect.gather [hbm4b:s4+s24], $0x40, s3, s24, $0xb8;
	[tilespmem:$0x1F000] =	vst v63  }
0x9e: {  	s7 =	simm.s32 $0xB;
	_ =	swait.ge [sflag:s12], $0x2000  }
0x9f: {  	s3 =	smin.u32 s7, $0x4F;
	[sflag:s12] =	ssyncset.done $0x0  }
0xa0: {  	s3 =	sshll.u32 s3, $0x7;
	[sflag:s12] =	ssyncadd.s32 $0xFFFFE000  }
0xa1: {  	[tilespmem:s30], [sflag:$0x4] =	stream.indirect.gather [hbm4b:s4+s24], $0x40, s3, s24, $0xb8;
	[tilespmem:$0x1F000] =	vst v63  }
0xa2: {  	s17 =	simm.s32 $0xC;
	_ =	swait.ge [sflag:s13], $0x2000  }
0xa3: {  	s3 =	smin.u32 s17, $0x4F;
	[sflag:s13] =	ssyncset.done $0x0  }
0xa4: {  	s3 =	sshll.u32 s3, $0x7;
	[sflag:s13] =	ssyncadd.s32 $0xFFFFE000  }
0xa5: {  	[tilespmem:s0], [sflag:$0x5] =	stream.indirect.gather [hbm4b:s4+s24], $0x40, s3, s24, $0xb8;
	[tilespmem:$0x1F000] =	vst v63  }
0xa6: {  	s18 =	simm.s32 $0xD;
	_ =	swait.ge [sflag:s14], $0x2000  }
0xa7: {  	s3 =	smin.u32 s18, $0x4F;
	[sflag:s14] =	ssyncset.done $0x0  }
0xa8: {  	s3 =	sshll.u32 s3, $0x7;
	[sflag:s14] =	ssyncadd.s32 $0xFFFFE000  }
0xa9: {  	[tilespmem:s26], [sflag:$0x6] =	stream.indirect.gather [hbm4b:s4+s24], $0x40, s3, s24, $0xb8;
	[tilespmem:$0x1F000] =	vst v63  }
0xaa: {  	s7 =	simm.s32 $0xE;
	_ =	swait.ge [sflag:s15], $0x2000  }
0xab: {  	s3 =	smin.u32 s7, $0x4F;
	[sflag:s15] =	ssyncset.done $0x0  }
0xac: {  	s3 =	sshll.u32 s3, $0x7;
	[sflag:s15] =	ssyncadd.s32 $0xFFFFE000  }
0xad: {  	[tilespmem:s31], [sflag:$0x7] =	stream.indirect.gather [hbm4b:s4+s24], $0x40, s3, s24, $0xb8;
	[tilespmem:$0x1F000] =	vst v63  }
0xae: {  	s17 =	simm.s32 $0xF;
	_ =	swait.ge [sflag:s16], $0x2000  }
0xaf: {  	s18 =	simm.s32 $0x17;
	s3 =	smin.u32 s17, $0x4F;
	[sflag:s16] =	ssyncset.done $0x0  }
0xb0: {  	s7 =	sshll.u32 s3, $0x7;
	s3 =	simm.s32 $0x2F80;
	[sflag:s16] =	ssyncadd.s32 $0xFFFFE000  }
.LBB2_4:
0xb1: {  	[tilespmem:s19], [sflag:$0x8] =	stream.indirect.gather [hbm4b:s4+s24], $0x40, s7, s24, $0xb8;
	[tilespmem:$0x1F000] =	vst v63  }
0xb2: {  	s7 =	smov.u32 s18  }
0xb3: {  	p0 =	sne.s32 s18, $0x57;
	s18 =	sadd.s32 $0x8, s18;
	_ =	swait.ge [sflag:s22], $0x2000  }
0xb4: {  	[sflag:s22] =	ssyncset.done $0x0  }
0xb5: {  	s17 =	sadd.s32 $0xFFFFFC80, s3;
	[sflag:s22] =	ssyncadd.s32 $0xFFFFE000  }
0xb6: {  	[spmem:s2] =	stream.indirect.scatter.add.f32 [tilespmem:s20], [sflag:$0x9], $0x40, s17, s24, $0xb8;
	[tilespmem:$0x1F000] =	vst v63  }
0xb7: {  	_ =	swait.ge [sflag:s21], $0x2000  }
0xb8: {  	[sflag:s21] =	ssyncset.done $0x0  }
0xb9: {  	s17 =	sadd.s32 $0xFFFFFD00, s3;
	[sflag:s21] =	ssyncadd.s32 $0xFFFFE000  }
0xba: {  	[spmem:s2] =	stream.indirect.scatter.add.f32 [tilespmem:s25], [sflag:$0xA], $0x40, s17, s24, $0xb8;
	[tilespmem:$0x1F000] =	vst v63  }
0xbb: {  	_ =	swait.ge [sflag:s29], $0x2000  }
0xbc: {  	[sflag:s29] =	ssyncset.done $0x0  }
0xbd: {  	s17 =	sadd.s32 $0xFFFFFD80, s3;
	[sflag:s29] =	ssyncadd.s32 $0xFFFFE000  }
0xbe: {  	[spmem:s2] =	stream.indirect.scatter.add.f32 [tilespmem:s28], [sflag:$0xB], $0x40, s17, s24, $0xb8;
	[tilespmem:$0x1F000] =	vst v63  }
0xbf: {  	_ =	swait.ge [sflag:s1], $0x2000  }
0xc0: {  	[sflag:s1] =	ssyncset.done $0x0  }
0xc1: {  	s17 =	sadd.s32 $0xFFFFFE00, s3;
	[sflag:s1] =	ssyncadd.s32 $0xFFFFE000  }
0xc2: {  	[spmem:s2] =	stream.indirect.scatter.add.f32 [tilespmem:s30], [sflag:$0xC], $0x40, s17, s24, $0xb8;
	[tilespmem:$0x1F000] =	vst v63  }
0xc3: {  	_ =	swait.ge [sflag:s5], $0x2000  }
0xc4: {  	[sflag:s5] =	ssyncset.done $0x0  }
0xc5: {  	s17 =	sadd.s32 $0xFFFFFE80, s3;
	[sflag:s5] =	ssyncadd.s32 $0xFFFFE000  }
0xc6: {  	[spmem:s2] =	stream.indirect.scatter.add.f32 [tilespmem:s0], [sflag:$0xD], $0x40, s17, s24, $0xb8;
	[tilespmem:$0x1F000] =	vst v63  }
0xc7: {  	_ =	swait.ge [sflag:s6], $0x2000  }
0xc8: {  	[sflag:s6] =	ssyncset.done $0x0  }
0xc9: {  	s17 =	sadd.s32 $0xFFFFFF00, s3;
	[sflag:s6] =	ssyncadd.s32 $0xFFFFE000  }
0xca: {  	[spmem:s2] =	stream.indirect.scatter.add.f32 [tilespmem:s26], [sflag:$0xE], $0x40, s17, s24, $0xb8;
	[tilespmem:$0x1F000] =	vst v63  }
0xcb: {  	_ =	swait.ge [sflag:s8], $0x2000  }
0xcc: {  	[sflag:s8] =	ssyncset.done $0x0  }
0xcd: {  	s17 =	sadd.s32 $0xFFFFFF80, s3;
	[sflag:s8] =	ssyncadd.s32 $0xFFFFE000  }
0xce: {  	[spmem:s2] =	stream.indirect.scatter.add.f32 [tilespmem:s31], [sflag:$0xF], $0x40, s17, s24, $0xb8;
	[tilespmem:$0x1F000] =	vst v63  }
0xcf: {  	_ =	swait.ge [sflag:s9], $0x2000  }
0xd0: {  	[sflag:s9] =	ssyncset.done $0x0  }
0xd1: {  	[sflag:s9] =	ssyncadd.s32 $0xFFFFE000  }
0xd2: {  	[spmem:s2] =	stream.indirect.scatter.add.f32 [tilespmem:s19], [sflag:$0x10], $0x40, s3, s24, $0xb8;
	[tilespmem:$0x1F000] =	vst v63  }
0xd3: {  	s17 =	sadd.s32 $0xFFFFFFF9, s7;
	_ =	swait.ge [sflag:s23], $0x2000  }
0xd4: {  	s17 =	smin.u32 s17, $0x4F;
	[sflag:s23] =	ssyncset.done $0x0  }
0xd5: {  	s17 =	sshll.u32 s17, $0x7;
	[sflag:s23] =	ssyncadd.s32 $0xFFFFE000  }
0xd6: {  	[tilespmem:s20], [sflag:$0x1] =	stream.indirect.gather [hbm4b:s4+s24], $0x40, s17, s24, $0xb8;
	[tilespmem:$0x1F000] =	vst v63  }
0xd7: {  	s17 =	sadd.s32 $0xFFFFFFFA, s7;
	_ =	swait.ge [sflag:s10], $0x2000  }
0xd8: {  	s17 =	smin.u32 s17, $0x4F;
	[sflag:s10] =	ssyncset.done $0x0  }
0xd9: {  	s17 =	sshll.u32 s17, $0x7;
	[sflag:s10] =	ssyncadd.s32 $0xFFFFE000  }
0xda: {  	[tilespmem:s25], [sflag:$0x2] =	stream.indirect.gather [hbm4b:s4+s24], $0x40, s17, s24, $0xb8;
	[tilespmem:$0x1F000] =	vst v63  }
0xdb: {  	s17 =	sadd.s32 $0xFFFFFFFB, s7;
	_ =	swait.ge [sflag:s11], $0x2000  }
0xdc: {  	s17 =	smin.u32 s17, $0x4F;
	[sflag:s11] =	ssyncset.done $0x0  }
0xdd: {  	s17 =	sshll.u32 s17, $0x7;
	[sflag:s11] =	ssyncadd.s32 $0xFFFFE000  }
0xde: {  	[tilespmem:s28], [sflag:$0x3] =	stream.indirect.gather [hbm4b:s4+s24], $0x40, s17, s24, $0xb8;
	[tilespmem:$0x1F000] =	vst v63  }
0xdf: {  	s17 =	sadd.s32 $0xFFFFFFFC, s7;
	_ =	swait.ge [sflag:s12], $0x2000  }
0xe0: {  	s17 =	smin.u32 s17, $0x4F;
	[sflag:s12] =	ssyncset.done $0x0  }
0xe1: {  	s17 =	sshll.u32 s17, $0x7;
	[sflag:s12] =	ssyncadd.s32 $0xFFFFE000  }
0xe2: {  	[tilespmem:s30], [sflag:$0x4] =	stream.indirect.gather [hbm4b:s4+s24], $0x40, s17, s24, $0xb8;
	[tilespmem:$0x1F000] =	vst v63  }
0xe3: {  	s17 =	sadd.s32 $0xFFFFFFFD, s7;
	_ =	swait.ge [sflag:s13], $0x2000  }
0xe4: {  	s17 =	smin.u32 s17, $0x4F;
	[sflag:s13] =	ssyncset.done $0x0  }
0xe5: {  	s17 =	sshll.u32 s17, $0x7;
	[sflag:s13] =	ssyncadd.s32 $0xFFFFE000  }
0xe6: {  	[tilespmem:s0], [sflag:$0x5] =	stream.indirect.gather [hbm4b:s4+s24], $0x40, s17, s24, $0xb8;
	[tilespmem:$0x1F000] =	vst v63  }
0xe7: {  	s17 =	sadd.s32 $0xFFFFFFFE, s7;
	_ =	swait.ge [sflag:s14], $0x2000  }
0xe8: {  	s17 =	smin.u32 s17, $0x4F;
	[sflag:s14] =	ssyncset.done $0x0  }
0xe9: {  	s17 =	sshll.u32 s17, $0x7;
	[sflag:s14] =	ssyncadd.s32 $0xFFFFE000  }
0xea: {  	[tilespmem:s26], [sflag:$0x6] =	stream.indirect.gather [hbm4b:s4+s24], $0x40, s17, s24, $0xb8;
	[tilespmem:$0x1F000] =	vst v63  }
0xeb: {  	s17 =	sadd.s32 $0xFFFFFFFF, s7;
	_ =	swait.ge [sflag:s15], $0x2000  }
0xec: {  	s17 =	smin.u32 s17, $0x4F;
	[sflag:s15] =	ssyncset.done $0x0  }
.Ltmp1:
0xed: {  	s17 =	sshll.u32 s17, $0x7;
	[sflag:s15] =	ssyncadd.s32 $0xFFFFE000;
	(pc) =	sbr.rel @p0 .LBB2_4-.Ltmp1, $4  }
0xee: {  	[tilespmem:s31], [sflag:$0x7] =	stream.indirect.gather [hbm4b:s4+s24], $0x40, s17, s24, $0xb8;
	[tilespmem:$0x1F000] =	vst v63  }
0xef: {  	_ =	swait.ge [sflag:s16], $0x2000  }
0xf0: {  	s7 =	smin.u32 s7, $0x4F;
	[sflag:s16] =	ssyncset.done $0x0  }
0xf1: {  	s3 =	sadd.s32 $0x400, s3;
	s7 =	sshll.u32 s7, $0x7;
	[sflag:s16] =	ssyncadd.s32 $0xFFFFE000  }
0xf2: {  	[tilespmem:s19], [sflag:$0x8] =	stream.indirect.gather [hbm4b:s4+s24], $0x40, s7, s24, $0xb8;
	[tilespmem:$0x1F000] =	vst v63  }
0xf3: {  	_ =	swait.ge [sflag:s22], $0x2000  }
0xf4: {  	[sflag:s22] =	ssyncset.done $0x0  }
0xf5: {  	[sflag:s22] =	ssyncadd.s32 $0xFFFFE000  }
0xf6: {  	_ =	swait.ge [sflag:s21], $0x2000  }
0xf7: {  	[sflag:s21] =	ssyncset.done $0x0  }
0xf8: {  	[sflag:s21] =	ssyncadd.s32 $0xFFFFE000  }
0xf9: {  	_ =	swait.ge [sflag:s29], $0x2000  }
0xfa: {  	[sflag:s29] =	ssyncset.done $0x0  }
0xfb: {  	[sflag:s29] =	ssyncadd.s32 $0xFFFFE000  }
0xfc: {  	_ =	swait.ge [sflag:s1], $0x2000  }
0xfd: {  	[sflag:s1] =	ssyncset.done $0x0  }
0xfe: {  	[sflag:s1] =	ssyncadd.s32 $0xFFFFE000  }
0xff: {  	_ =	swait.ge [sflag:s5], $0x2000  }
0x100: {  	[sflag:s5] =	ssyncset.done $0x0  }
0x101: {  	[sflag:s5] =	ssyncadd.s32 $0xFFFFE000  }
0x102: {  	_ =	swait.ge [sflag:s6], $0x2000  }
0x103: {  	[sflag:s6] =	ssyncset.done $0x0  }
0x104: {  	[sflag:s6] =	ssyncadd.s32 $0xFFFFE000  }
0x105: {  	_ =	swait.ge [sflag:s8], $0x2000  }
0x106: {  	[sflag:s8] =	ssyncset.done $0x0  }
0x107: {  	[sflag:s8] =	ssyncadd.s32 $0xFFFFE000  }
0x108: {  	_ =	swait.ge [sflag:s9], $0x2000  }
0x109: {  	[sflag:s9] =	ssyncset.done $0x0  }
0x10a: {  	[sflag:s9] =	ssyncadd.s32 $0xFFFFE000  }
0x10b: {  	s3 =	stileid.u32;
	[bflag:$0x0] =	sbarrier.arrive $0xFFFF  }
0x10c: {  	s3 =	sshll.u32 s3, $0x6;
	s18 =	rddreg [dreg:$0x5]  }
0x10d: {  	s3 =	sor.u32 $0x1C01, s3;
	s17 =	rddreg [dreg:$0xf];
	s7 =	sshrl.u32 s18, $0x3  }
0x10e: {  	[hbm:s17], [sflag:s3] =	dma.local [spmem:s7], $0x1400  }
0x10f: {  	_ =	swait.ge [sflag:s22], $0x1400  }
0x110: {  	s17 =	rddreg [dreg:$0x11]  }
0x111: {  	s18 =	rddreg [dreg:$0x10];
	s7 =	sadd.s32 $0x1, s17  }
0x112: {  	p0 =	sne.s32 s7, s18  }
.Ltmp2:
0x113: {  	_ = 	snop;
	(pc) =	sbr.rel @p0 .LBB2_1-.Ltmp2, $3  }
0x114: {  	_ =	sdelay $0x1  }
0x115: {  	[sflag:s22] =	ssyncset.done $0x0  }
0x116: {  	[sflag:s22] =	ssyncadd.s32 $0xFFFFEC00;
	s17 =	simm.s32 $0x0  }
0x117: {  	_ =	sfence.sel $0x180000  }
0x118: {  	[bflag:$0x0] =	sbarrier.arrive $0xFFFF  }
0x119: {  	_ =	strace $0x9000004D  }
0x11a: {  	s0 =	stileid.u32;
	[bflag:$0x2] =	sbarrier.arrive $0xFFFF  }
0x11b: {  	p0 =	sne.s32 s0, $0x0;
	s0 =	rddreg [dreg:$0x2]  }
0x11c: {  	s0 =	sadd.s32 @!p0 $0x100000, s0  }
0x11d: {  	[sflag:s0] =	ssyncadd.tile.s32 @!p0 $0x1;
	_ =	shalt  }
.Lfunc_end2:
_tile_overlayer_lowered:
.L_overlay_start_2:
0x11e: {  	(tag) =	ssettag $0x2  }
0x11f: {  	s0 =	rddreg [dreg:$0x0];
	s2 =	stileid.u32  }
0x120: {  	s1 =	rddreg [dreg:$0x1];
	p0 =	sne.s32 s2, $0x0  }
0x121: {  	s3 =	rddreg [dreg:$0x2];
	[bflag:$0x3] =	sbarrier.arrive $0xFFFF;
	s2 =	simm.s32 @!p0 $0x1C11  }
0x122: {  	[timem:s3], [sflag:s2] =	dma.local @!p0 [hbm:s0], s1  }
0x123: {  	s0 =	simm.s32 @!p0 $0x11  }
0x124: {  	_ =	swait.ge @!p0 [sflag:s0], s1  }
0x125: {  	s1 =	ssub.s32 @!p0 $0x0, s1;
	[sflag:s0] =	ssyncset.done @!p0 $0x0  }
0x126: {  	[sflag:s0] =	ssyncadd.s32 @!p0 s1  }
0x127: {  	[bflag:$0x3] =	sbarrier.arrive $0xFFFF  }
0x128: {  	_ =	shalt  }

// kernel: kernel.20.cloned.1.call-start
scs
__scs_entry_jumppad:
0x0: {  	(pc) =	sbr.rel $0x88, $3  }
0x1: {  	(tag) =	ssettag $0x0;
	lr =	simm.s32 $0x1  }
0x2: {  	[smem:$0x3F99] =	sst lr;
	_ =	strace $0xD0000000  }
0x3: {  	_ = 	snop  }
0x4: {  	_ = 	snop  }
0x5: {  	_ = 	snop  }
0x6: {  	_ = 	snop  }
0x7: {  	_ = 	snop  }
__scs_overlays_trampoline_lowered:
0x8: {  	[smem:$0x3FA8] =	sst s0  }
0x9: {  	[smem:$0x3FA9] =	sst s1  }
0xa: {  	[smem:$0x3FAA] =	sst s2  }
0xb: {  	[smem:$0x3FAB] =	sst s3  }
0xc: {  	[smem:$0x3FAC] =	sst s4  }
0xd: {  	[smem:$0x3FAD] =	sst s5  }
0xe: {  	[smem:$0x3FAE] =	sst s6  }
0xf: {  	[smem:$0x3FAF] =	sst s7  }
0x10: {  	[smem:$0x3FB0] =	sst s8  }
0x11: {  	[smem:$0x3FB1] =	sst s9;
	s0 =	simm.s32 @!p0 $0x0  }
0x12: {  	s1 =	sld [smem:$0x3F97];
	s0 =	simm.s32 @p0 $0x1  }
0x13: {  	[smem:$0x3FB2] =	sst s0;
	s0 =	simm.s32 @!p1 $0x0  }
0x14: {  	s2 =	sld [smem:$0x3F96];
	s0 =	simm.s32 @p1 $0x1  }
0x15: {  	[smem:$0x3FB3] =	sst s0;
	s0 =	simm.s32 @!p2 $0x0  }
0x16: {  	s3 =	sld [smem:$0x3FDB];
	s0 =	simm.s32 @p2 $0x1  }
0x17: {  	s4 =	simm.s32 $0x1BF5;
	[smem:$0x3FB5] =	sst s0  }
0x18: {  	s0 =	sld [smem:$0x3F98];
	_ =	swait.ge [sflag:s4], $0x0  }
0x19: {  	s7 =	sld [smem:$0x3F99]  }
0x1a: {  	s8 =	sadd.s32 $0xFFFFE003, lr  }
0x1b: {  	s9 =	sadd.s32 $0xFFFFFEF7, lr;
	s5 =	simm.s32 $0xFFFFFFFF;
	p2 =	slt.u32 s8, $0xFFFFF086  }
0x1c: {  	p1 =	slt.u32 s9, $0xF7A;
	s5 =	simm.s32 @!p2 $0x0  }
0x1d: {  	s5 =	simm.s32 @p1 $0x1;
	p0 =	seq.s32 s7, s2  }
0x1e: {  	s7 =	smul.u32 @!p0 $0xF7A, s2;
	p2 =	seq.s32 @!p0 s5, $0x0  }
0x1f: {  	s9 =	smul.u32 $0xF7A, s1;
	s8 =	simm.s32 @!p0 $0x1BF5;
	p2 =	por !p2, p0  }
0x20: {  	[sflag:s8] =	ssyncset.s32 @!p0 $0xFFFFF086;
	s6 =	sadd.s32 @!p0 s3, s7;
	s7 =	simm.s32 @!p0 $0x108  }
0x21: {  	s3 =	sadd.s32 s3, s9;
	s6 =	sadd.s32 @!p0 $0x88, s6;
	s7 =	simm.s32 @p2 $0x1082  }
0x22: {  	[simem:s7], [sflag:s8] =	dma.local @!p0 [hbm:s6], $0xF7A  }
0x23: {  	s9 =	sor.u32 $0xD0000000, s2;
	s6 =	simm.s32 $0x108;
	_ =	swait.ge @!p0 [sflag:s8], $0x0  }
0x24: {  	s3 =	sadd.s32 $0x88, s3;
	s6 =	simm.s32 @!p1 $0x1082;
	[sflag:s4] =	ssyncset.s32 $0xFFFFF086  }
0x25: {  	[simem:s6], [sflag:s4] =	dma.local [hbm:s3], $0xF7A  }
0x26: {  	[smem:$0x3F99] =	sst s1;
	(tag) =	ssettag s2;
	_ =	strace s9  }
0x27: {  	s1 =	sld [smem:$0x3FA9]  }
0x28: {  	s2 =	sld [smem:$0x3FAA]  }
0x29: {  	s4 =	sld [smem:$0x3FAC]  }
0x2a: {  	p0 =	seq.s32 s5, $0x0;
	s5 =	sld [smem:$0x3FAD]  }
0x2b: {  	s6 =	sld [smem:$0x3FAE]  }
0x2c: {  	s7 =	sld [smem:$0x3FAF]  }
0x2d: {  	s3 =	simm.s32 $0x108;
	s8 =	sld [smem:$0x3FB0]  }
0x2e: {  	s3 =	simm.s32 @!p0 $0x1082;
	s9 =	sld [smem:$0x3FB1]  }
0x2f: {  	lr =	sadd.s32 s0, s3;
	s0 =	sld [smem:$0x3FA8]  }
0x30: {  	s3 =	sld [smem:$0x3FAB]  }
0x31: {  	[smem:$0x3FB4] =	sst s10  }
0x32: {  	s10 =	sld [smem:$0x3FB2];
	_ =	sdelay $0x3  }
0x33: {  	p0 =	seq.s32 s10, $0x1;
	s10 =	sld [smem:$0x3FB4];
	_ =	sdelay $0x3  }
0x34: {  	[smem:$0x3FB4] =	sst s10  }
0x35: {  	s10 =	sld [smem:$0x3FB3];
	_ =	sdelay $0x3  }
0x36: {  	p1 =	seq.s32 s10, $0x1;
	s10 =	sld [smem:$0x3FB4];
	_ =	sdelay $0x3  }
0x37: {  	[smem:$0x3FB4] =	sst s10  }
0x38: {  	s10 =	sld [smem:$0x3FB5]  }
0x39: {  	_ = 	snop;
	(pc) =	sbr.ind lr, $3  }
0x3a: {  	_ = 	snop  }
0x3b: {  	_ = 	snop  }
0x3c: {  	p2 =	seq.s32 s10, $0x1;
	s10 =	sld [smem:$0x3FB4]  }
0x3d: {  	_ =	shalt  }
0x3e: {  	_ =	shalt  }
0x3f: {  	_ =	shalt  }
0x40: {  	_ =	shalt  }
0x41: {  	_ =	shalt  }
0x42: {  	_ =	shalt  }
0x43: {  	_ =	shalt  }
0x44: {  	_ =	shalt  }
0x45: {  	_ =	shalt  }
0x46: {  	_ =	shalt  }
0x47: {  	_ =	shalt  }
0x48: {  	_ =	shalt  }
0x49: {  	_ =	shalt  }
0x4a: {  	_ =	shalt  }
0x4b: {  	_ =	shalt  }
0x4c: {  	_ =	shalt  }
0x4d: {  	_ =	shalt  }
0x4e: {  	_ =	shalt  }
0x4f: {  	_ =	shalt  }
0x50: {  	_ =	shalt  }
0x51: {  	_ =	shalt  }
0x52: {  	_ =	shalt  }
0x53: {  	_ =	shalt  }
0x54: {  	_ =	shalt  }
0x55: {  	_ =	shalt  }
0x56: {  	_ =	shalt  }
0x57: {  	_ =	shalt  }
0x58: {  	_ =	shalt  }
0x59: {  	_ =	shalt  }
0x5a: {  	_ =	shalt  }
0x5b: {  	_ =	shalt  }
0x5c: {  	_ =	shalt  }
0x5d: {  	_ =	shalt  }
0x5e: {  	_ =	shalt  }
0x5f: {  	_ =	shalt  }
0x60: {  	_ =	shalt  }
0x61: {  	_ =	shalt  }
0x62: {  	_ =	shalt  }
0x63: {  	_ =	shalt  }
0x64: {  	_ =	shalt  }
0x65: {  	_ =	shalt  }
0x66: {  	_ =	shalt  }
0x67: {  	_ =	shalt  }
0x68: {  	_ =	shalt  }
0x69: {  	_ =	shalt  }
0x6a: {  	_ =	shalt  }
0x6b: {  	_ =	shalt  }
0x6c: {  	_ =	shalt  }
0x6d: {  	_ =	shalt  }
0x6e: {  	_ =	shalt  }
0x6f: {  	_ =	shalt  }
0x70: {  	_ =	shalt  }
0x71: {  	_ =	shalt  }
0x72: {  	_ =	shalt  }
0x73: {  	_ =	shalt  }
0x74: {  	_ =	shalt  }
0x75: {  	_ =	shalt  }
0x76: {  	_ =	shalt  }
0x77: {  	_ =	shalt  }
0x78: {  	_ =	shalt  }
0x79: {  	_ =	shalt  }
0x7a: {  	_ =	shalt  }
0x7b: {  	_ =	shalt  }
0x7c: {  	_ =	shalt  }
0x7d: {  	_ =	shalt  }
0x7e: {  	_ =	shalt  }
0x7f: {  	_ =	shalt  }
0x80: {  	_ =	shalt  }
0x81: {  	_ =	shalt  }
0x82: {  	_ =	shalt  }
0x83: {  	_ =	shalt  }
0x84: {  	_ =	shalt  }
0x85: {  	_ =	shalt  }
0x86: {  	_ =	shalt  }
0x87: {  	_ =	shalt  }
.Lfunc_end0:
.L_simem_size_0:
called_computation.3_lowered:
.L_overlay_start_0:
0x88: {  	s2 =	sld [smem:$0x3FD9]  }
0x89: {  	s3 =	sld [smem:$0x3FFE];
	_ =	sdelay $0x1  }
0x8a: {  	s1 =	srdreg.scid  }
0x8b: {  	s0 =	sand.u32 $0x1, s1  }
0x8c: {  	s17 =	sshll.u32 s0, $0xA;
	s2 =	sadd.s32 s3, s2  }
0x8d: {  	s2 =	sadd.s32 s2, s17  }
0x8e: {  	[smem:$0x3FC0] =	sst s2  }
0x8f: {  	_ = 	snop  }
0x90: {  	s2 =	sld [smem:$0x3FD0];
	(tm) =	ssettm $0x1  }
0x91: {  	s18 =	sld [smem:$0x3FFB];
	_ =	sdelay $0x3  }
0x92: {  	_ =	strace s18  }
0x93: {  	s3 =	sld [smem:$0x3FFC];
	_ =	sdelay $0x3  }
0x94: {  	_ =	strace s3  }
0x95: {  	s3 =	sld [smem:$0x3FFD];
	_ =	sdelay $0x3  }
0x96: {  	_ =	strace s3  }
0x97: {  	_ =	strace $0x8FFFFFFF  }
0x98: {  	s19 =	sld [smem:$0x3FDB];
	_ =	sdelay $0x1  }
0x99: {  	s4 =	simm.s32 $_scs_section_size  }
0x9a: {  	s5 =	simm.s32 $_size__tile_overlayer_lowered;
	s6 =	simm.s32 $_tile_overlayer_lowered  }
0x9b: {  	s22 =	simm.s32 $0x1BFF;
	s21 =	sshll.u32 s6, $0x1;
	s3 =	sadd.s32 s4, s19  }
0x9c: {  	s7 =	simm.s32 $0x0;
	s20 =	sshll.u32 s5, $0x1;
	s5 =	sadd.s32 s21, s3  }
0x9d: {  	[timem:s7], [sflag:s22] =	dma.local [hbm:s5], s20  }
0x9e: {  	_ =	swait.ge [sflag:s22], s20  }
0x9f: {  	s4 =	ssub.s32 $0x0, s20;
	[sflag:s22] =	ssyncset.done $0x0  }
0xa0: {  	[sflag:s22] =	ssyncadd.s32 s4;
	_ =	sdelay $0x1  }
0xa1: {  	s23 =	simm.s32 $0x1B8B  }
0xa2: {  	_ =	swait.ge [sflag:s23], $0x1  }
0xa3: {  	[sflag:s23] =	ssyncset.done $0x0  }
0xa4: {  	s25 =	simm.s32 $0x1B8E;
	s24 =	sld [smem:$0x3FFE];
	[sflag:s23] =	ssyncadd.s32 $0xFFFFFFFF  }
0xa5: {  	s26 =	simm.s32 $execute0_lowered;
	[smem:$0x3FD2] =	sst s25  }
0xa6: {  	s5 =	sshll.u32 s26, $0x1;
	_ =	strace $0x8000004F;
	[dreg:$0x1] =	wrdreg $0xFFFFFFFF  }
0xa7: {  	s28 =	simm.s32 $_size_execute0_lowered;
	s3 =	sadd.s32 s3, s5;
	[dreg:$0x0] =	wrdreg $0x0  }
0xa8: {  	s5 =	sshll.u32 s28, $0x1;
	[dreg:$0x2] =	wrdreg s3  }
0xa9: {  	[dreg:$0x3] =	wrdreg s5  }
0xaa: {  	[dreg:$0x4] =	wrdreg $0xC0  }
0xab: {  	_ =	task [dreg:s7], $0x5FFFF  }
0xac: {  	[dreg:$0x1] =	wrdreg $0xFFFFFFFF  }
0xad: {  	[dreg:$0x0] =	wrdreg $0x60  }
0xae: {  	[dreg:$0x2] =	wrdreg s2  }
0xaf: {  	[dreg:$0x3] =	wrdreg s24  }
0xb0: {  	[dreg:$0x4] =	wrdreg $0xA0000  }
0xb1: {  	[dreg:$0x5] =	wrdreg $0x9  }
0xb2: {  	_ =	task.clear_ibuf [dreg:s7], $0x6FFFF;
	_ =	strace $0x9000004F  }
0xb3: {  	s29 =	simm.s32 $0x9;
	_ =	strace $0x80000051  }
0xb4: {  	_ =	swait.ge [sflag:s29], $0x1  }
0xb5: {  	[sflag:s29] =	ssyncadd.s32 $0xFFFFFFFF  }
0xb6: {  	_ =	strace $0x90000051  }
0xb7: {  	_ =	sfence  }
0xb8: {  	s30 =	sld [smem:$0x0];
	_ =	sdelay $0x2  }
0xb9: {  	s31 =	sshll.u32 s1, $0xD;
	s1 =	sshrl.u32 s1, $0x2  }
0xba: {  	s3 =	sand.u32 $0x4000, s31;
	s1 =	sadd.s32 s1, s30  }
0xbb: {  	s0 =	sor.u32 s3, s0;
	s1 =	sshll.u32 s1, $0x11  }
0xbc: {  	s0 =	sor.u32 s1, s0  }
0xbd: {  	s0 =	sadd.s32 $0x8F2B, s0  }
0xbe: {  	[sflag:s0] =	ssyncadd.remote.s32 $0x1  }
0xbf: {  	_ =	sfence.sel $0xFFFF  }
0xc0: {  	[dreg:$0x0] =	wrdreg $0xFFFFFFFF;
	(pc) =	sbr.abs _section_cstart, $3  }
0xc1: {  	[dreg:$0x1] =	wrdreg $0xFFFFFFFF  }
0xc2: {  	_ =	task.clear_ibuf [dreg:s7], $0x2FFFF;
	_ =	strace $0x9FFFFFFF  }
0xc3: {  	(tm) =	ssettm $0x7FFFFFFF  }
tec
execute0_lowered:
.L_overlay_start_1:
0x0: {  	(tag) =	ssettag $0x1  }
0x1: {  	s2 =	rddreg [dreg:$0x0]  }
0x2: {  	s0 =	rddreg [dreg:$0x1]  }
0x3: {  	s1 =	srdreg.scid;
	s3 =	rddreg [dreg:$0x2]  }
0x4: {  	s7 =	stileid.u32;
	s8 =	simm.s32 $0x0;
	s28 =	simm.s32 $0x1  }
0x5: {  	s30 =	simm.s32 $0x7800;
	s31 =	simm.s32 $0x8000;
	s10 =	simm.s32 $0x8800  }
0x6: {  	s29 =	simm.s32 $0x9000;
	s11 =	simm.s32 $0x9800;
	s1 =	sand.u32 $0x1, s1  }
0x7: {  	s5 =	smul.u32 $0x2800, s7;
	[smem:$0x7FF] =	sst s8;
	s4 =	sshll.u32 s1, $0x4  }
0x8: {  	s6 =	smul.u32 $0x28000, s1;
	s1 =	ssub.s32 $0x2, s1;
	s4 =	sor.u32 s7, s4  }
0x9: {  	_ =	strace $0x80000050;
	s13 =	sshrl.u32 s1, $0x1;
	s4 =	smul.u32 $0x500, s4  }
0xa: {  	s7 =	smul.u32 $0xA000, s7;
	s21 =	sadd.s32 s5, s3;
	s1 =	ssub.s32 s1, s13  }
0xb: {  	[dreg:$0x6] =	wrdreg s21;
	s26 =	smax.u32 s1, $0x1;
	s4 =	sadd.s32 s4, s0  }
0xc: {  	s7 =	sshrl.u32 s7, $0x2;
	[dreg:$0x11] =	wrdreg s26;
	s14 =	sadd.s32 $0xCA00, s4  }
0xd: {  	s15 =	sadd.s32 s7, s3;
	s4 =	sadd.s32 $0x2A00, s4;
	[dreg:$0x4] =	wrdreg s14  }
0xe: {  	s12 =	simm.s32 $0x3;
	s16 =	sadd.s32 $0x400, s15;
	[dreg:$0x5] =	wrdreg s4  }
0xf: {  	s9 =	simm.s32 $0x0;
	s17 =	sadd.s32 $0x800, s15;
	[dreg:$0x7] =	wrdreg s16  }
0x10: {  	s8 =	simm.s32 $0x7000;
	s18 =	sadd.s32 $0xC00, s15;
	[dreg:$0x8] =	wrdreg s17  }
0x11: {  	s6 =	sadd.s32 s5, s6;
	s19 =	sadd.s32 $0x1000, s15;
	[dreg:$0x9] =	wrdreg s18  }
0x12: {  	s5 =	simm.s32 $0x6000;
	s20 =	sadd.s32 $0x1400, s15;
	[dreg:$0xa] =	wrdreg s19  }
0x13: {  	s13 =	simm.s32 $0x4;
	s22 =	sadd.s32 $0x1800, s15;
	[dreg:$0xb] =	wrdreg s20  }
0x14: {  	s6 =	sshrl.u32 s6, $0x3;
	s23 =	sadd.s32 $0x1C00, s15;
	[dreg:$0xc] =	wrdreg s22  }
0x15: {  	s1 =	simm.s32 $0x5000;
	s24 =	sadd.s32 $0x2000, s15;
	[dreg:$0xd] =	wrdreg s23  }
0x16: {  	s0 =	sadd.s32 s6, s0;
	s25 =	sadd.s32 $0x2400, s15;
	[dreg:$0xe] =	wrdreg s24  }
0x17: {  	s6 =	simm.s32 $0x6800;
	s0 =	sadd.s32 $0x16A00, s0;
	[dreg:$0xf] =	wrdreg s25  }
0x18: {  	s7 =	simm.s32 $0x9;
	s15 =	simm.s32 $0x6;
	[dreg:$0x10] =	wrdreg s0  }
0x19: {  	s25 =	simm.s32 $0x2;
	s23 =	simm.s32 $0x80;
	s4 =	simm.s32 $0x5800  }
0x1a: {  	s14 =	simm.s32 $0x5;
	s16 =	simm.s32 $0x7;
	s17 =	simm.s32 $0x8  }
0x1b: {  	v0 =	vimm.f32 $0.0e+00;
	s18 =	simm.s32 $0xA;
	s20 =	simm.s32 $0xB;
	s24 =	simm.s32 $0xC  }
.LBB2_1:
0x1c: {  	s0 =	simm.s32 $0x0;
	s19 =	rddreg [dreg:$0x4]  }
0x1d: {  	[tilespmem:s0], [sflag:$0x1] =	stream.linear.gather [hbm4b:s19+s0], $0x2800, $0x38;
	[tilespmem:$0xC800] =	vst v63  }
0x1e: {  	s26 =	rddreg [dreg:$0x5];
	s22 =	simm.s32 $0x2800  }
0x1f: {  	[tilespmem:s22], [sflag:$0xB] =	stream.linear.gather [hbm4b:s26+s0], $0x2800, $0x38;
	[tilespmem:$0xC800] =	vst v63  }
0x20: {  	[dreg:$0x12] =	wrdreg s9;
	s19 =	simm.s32 $0x40;
	s26 =	simm.s32 $0x0  }
.LBB2_2:
0x21: {  	p0 =	sne.s32 s19, $0xFC0;
	[tilespmem:s26+$0x5000] =	vst v0;
	s26 =	smov.u32 s19;
	s19 =	sadd.s32 $0x40, s19  }
.Ltmp0:
0x22: {  	(pc) =	sbr.rel @p0 .LBB2_2-.Ltmp0, $2  }
0x23: {  	_ =	sdelay $0x2  }
0x24: {  	s26 =	sshra.s32 s26, $0x2  }
0x25: {  	[tilespmem:s26+$0x5000] =	vst v0  }
0x26: {  	[spmem:s21] =	stream.linear.scatter [tilespmem:s1], [sflag:$0x2], $0x400, $0x38;
	[tilespmem:$0xC800] =	vst v63  }
0x27: {  	s0 =	rddreg [dreg:$0x7]  }
0x28: {  	[spmem:s0] =	stream.linear.scatter [tilespmem:s1], [sflag:$0x2], $0x400, $0x38;
	[tilespmem:$0xC800] =	vst v63  }
0x29: {  	s21 =	rddreg [dreg:$0x8]  }
0x2a: {  	[spmem:s21] =	stream.linear.scatter [tilespmem:s1], [sflag:$0x2], $0x400, $0x38;
	[tilespmem:$0xC800] =	vst v63  }
0x2b: {  	s22 =	rddreg [dreg:$0x9]  }
0x2c: {  	[spmem:s22] =	stream.linear.scatter [tilespmem:s1], [sflag:$0x2], $0x400, $0x38;
	[tilespmem:$0xC800] =	vst v63  }
0x2d: {  	s26 =	rddreg [dreg:$0xa]  }
0x2e: {  	[spmem:s26] =	stream.linear.scatter [tilespmem:s1], [sflag:$0x2], $0x400, $0x38;
	[tilespmem:$0xC800] =	vst v63  }
0x2f: {  	s9 =	rddreg [dreg:$0xb]  }
0x30: {  	[spmem:s9] =	stream.linear.scatter [tilespmem:s1], [sflag:$0x2], $0x400, $0x38;
	[tilespmem:$0xC800] =	vst v63  }
0x31: {  	s19 =	rddreg [dreg:$0xc]  }
0x32: {  	[spmem:s19] =	stream.linear.scatter [tilespmem:s1], [sflag:$0x2], $0x400, $0x38;
	[tilespmem:$0xC800] =	vst v63  }
0x33: {  	s21 =	rddreg [dreg:$0xd]  }
0x34: {  	[spmem:s21] =	stream.linear.scatter [tilespmem:s1], [sflag:$0x2], $0x400, $0x38;
	[tilespmem:$0xC800] =	vst v63  }
0x35: {  	s22 =	rddreg [dreg:$0xe]  }
0x36: {  	[spmem:s22] =	stream.linear.scatter [tilespmem:s1], [sflag:$0x2], $0x400, $0x38;
	[tilespmem:$0xC800] =	vst v63  }
0x37: {  	s26 =	rddreg [dreg:$0xf]  }
0x38: {  	[spmem:s26] =	stream.linear.scatter [tilespmem:s1], [sflag:$0x2], $0x400, $0x38;
	[tilespmem:$0xC800] =	vst v63  }
0x39: {  	_ =	swait.ge [sflag:s25], $0x400  }
0x3a: {  	[sflag:s25] =	ssyncset.done $0x0  }
0x3b: {  	[sflag:s25] =	ssyncadd.s32 $0xFFFFFC00  }
0x3c: {  	_ =	swait.ge [sflag:s25], $0x400  }
0x3d: {  	[sflag:s25] =	ssyncset.done $0x0  }
0x3e: {  	[sflag:s25] =	ssyncadd.s32 $0xFFFFFC00  }
0x3f: {  	_ =	swait.ge [sflag:s25], $0x400  }
0x40: {  	[sflag:s25] =	ssyncset.done $0x0  }
0x41: {  	[sflag:s25] =	ssyncadd.s32 $0xFFFFFC00  }
0x42: {  	_ =	swait.ge [sflag:s25], $0x400  }
0x43: {  	[sflag:s25] =	ssyncset.done $0x0  }
0x44: {  	[sflag:s25] =	ssyncadd.s32 $0xFFFFFC00  }
0x45: {  	_ =	swait.ge [sflag:s25], $0x400  }
0x46: {  	[sflag:s25] =	ssyncset.done $0x0  }
0x47: {  	[sflag:s25] =	ssyncadd.s32 $0xFFFFFC00  }
0x48: {  	_ =	swait.ge [sflag:s25], $0x400  }
0x49: {  	[sflag:s25] =	ssyncset.done $0x0  }
0x4a: {  	[sflag:s25] =	ssyncadd.s32 $0xFFFFFC00  }
0x4b: {  	_ =	swait.ge [sflag:s25], $0x400  }
0x4c: {  	[sflag:s25] =	ssyncset.done $0x0  }
0x4d: {  	[sflag:s25] =	ssyncadd.s32 $0xFFFFFC00  }
0x4e: {  	_ =	swait.ge [sflag:s25], $0x400  }
0x4f: {  	[sflag:s25] =	ssyncset.done $0x0  }
0x50: {  	[sflag:s25] =	ssyncadd.s32 $0xFFFFFC00  }
0x51: {  	_ =	swait.ge [sflag:s25], $0x400  }
0x52: {  	[sflag:s25] =	ssyncset.done $0x0  }
0x53: {  	[sflag:s25] =	ssyncadd.s32 $0xFFFFFC00  }
0x54: {  	_ =	swait.ge [sflag:s25], $0x400  }
0x55: {  	[sflag:s25] =	ssyncset.done $0x0  }
0x56: {  	[sflag:s25] =	ssyncadd.s32 $0xFFFFFC00  }
0x57: {  	_ =	swait.ge [sflag:s28], $0x2800  }
0x58: {  	[sflag:s28] =	ssyncset.done $0x0  }
0x59: {  	s26 =	simm.s32 $0xB;
	[sflag:s28] =	ssyncadd.s32 $0xFFFFD800  }
0x5a: {  	_ =	swait.ge [sflag:s26], $0x2800  }
0x5b: {  	[sflag:s26] =	ssyncset.done $0x0  }
0x5c: {  	[sflag:s26] =	ssyncadd.s32 $0xFFFFD800  }
0x5d: {  	s19 =	simm.s32 $0x0;
	[bflag:$0x0] =	sbarrier.arrive $0xFFFF  }
0x5e: {  	[tilespmem:s1], [sflag:$0x1] =	stream.indirect.gather [hbm4b:s2+s23], $0x10, s19, s23, $0xb8;
	[tilespmem:$0xC800] =	vst v63  }
0x5f: {  	_ = 	snop  }
0x60: {  	[tilespmem:s4], [sflag:$0x2] =	stream.indirect.gather [hbm4b:s2+s23], $0x10, s23, s23, $0xb8;
	[tilespmem:$0xC800] =	vst v63  }
0x61: {  	s9 =	simm.s32 $0x100  }
0x62: {  	[tilespmem:s5], [sflag:$0x3] =	stream.indirect.gather [hbm4b:s2+s23], $0x10, s9, s23, $0xb8;
	[tilespmem:$0xC800] =	vst v63  }
0x63: {  	s19 =	simm.s32 $0x180  }
0x64: {  	[tilespmem:s6], [sflag:$0x4] =	stream.indirect.gather [hbm4b:s2+s23], $0x10, s19, s23, $0xb8;
	[tilespmem:$0xC800] =	vst v63  }
0x65: {  	s21 =	simm.s32 $0x200  }
0x66: {  	[tilespmem:s8], [sflag:$0x5] =	stream.indirect.gather [hbm4b:s2+s23], $0x10, s21, s23, $0xb8;
	[tilespmem:$0xC800] =	vst v63  }
0x67: {  	s22 =	simm.s32 $0x280  }
0x68: {  	[tilespmem:s30], [sflag:$0x6] =	stream.indirect.gather [hbm4b:s2+s23], $0x10, s22, s23, $0xb8;
	[tilespmem:$0xC800] =	vst v63  }
0x69: {  	s9 =	simm.s32 $0x300  }
0x6a: {  	[tilespmem:s31], [sflag:$0x7] =	stream.indirect.gather [hbm4b:s2+s23], $0x10, s9, s23, $0xb8;
	[tilespmem:$0xC800] =	vst v63  }
0x6b: {  	s19 =	simm.s32 $0x380  }
0x6c: {  	[tilespmem:s10], [sflag:$0x8] =	stream.indirect.gather [hbm4b:s2+s23], $0x10, s19, s23, $0xb8;
	[tilespmem:$0xC800] =	vst v63  }
0x6d: {  	s21 =	simm.s32 $0x400  }
0x6e: {  	[tilespmem:s29], [sflag:$0x9] =	stream.indirect.gather [hbm4b:s2+s23], $0x10, s21, s23, $0xb8;
	[tilespmem:$0xC800] =	vst v63  }
0x6f: {  	s22 =	simm.s32 $0x480  }
0x70: {  	[tilespmem:s11], [sflag:$0xA] =	stream.indirect.gather [hbm4b:s2+s23], $0x10, s22, s23, $0xb8;
	[tilespmem:$0xC800] =	vst v63  }
0x71: {  	_ =	swait.ge [sflag:s28], $0x800  }
0x72: {  	[sflag:s28] =	ssyncset.done $0x0  }
0x73: {  	s0 =	simm.s32 $0x2800;
	[sflag:s28] =	ssyncadd.s32 $0xFFFFF800  }
0x74: {  	[spmem:s3] =	stream.indirect.scatter.add.f32 [tilespmem:s1], [sflag:$0xB], $0x10, s0, s23, $0xb8;
	[tilespmem:$0xC800] =	vst v63  }
0x75: {  	_ =	swait.ge [sflag:s25], $0x800  }
0x76: {  	[sflag:s25] =	ssyncset.done $0x0  }
0x77: {  	s9 =	simm.s32 $0x2880;
	[sflag:s25] =	ssyncadd.s32 $0xFFFFF800  }
0x78: {  	[spmem:s3] =	stream.indirect.scatter.add.f32 [tilespmem:s4], [sflag:$0xC], $0x10, s9, s23, $0xb8;
	[tilespmem:$0xC800] =	vst v63  }
0x79: {  	_ =	swait.ge [sflag:s12], $0x800  }
0x7a: {  	[sflag:s12] =	ssyncset.done $0x0  }
0x7b: {  	s21 =	simm.s32 $0x2900;
	[sflag:s12] =	ssyncadd.s32 $0xFFFFF800  }
0x7c: {  	[spmem:s3] =	stream.indirect.scatter.add.f32 [tilespmem:s5], [sflag:$0xD], $0x10, s21, s23, $0xb8;
	[tilespmem:$0xC800] =	vst v63  }
0x7d: {  	_ =	swait.ge [sflag:s13], $0x800  }
0x7e: {  	[sflag:s13] =	ssyncset.done $0x0  }
0x7f: {  	s22 =	simm.s32 $0x2980;
	[sflag:s13] =	ssyncadd.s32 $0xFFFFF800  }
0x80: {  	[spmem:s3] =	stream.indirect.scatter.add.f32 [tilespmem:s6], [sflag:$0xE], $0x10, s22, s23, $0xb8;
	[tilespmem:$0xC800] =	vst v63  }
0x81: {  	_ =	swait.ge [sflag:s14], $0x800  }
0x82: {  	[sflag:s14] =	ssyncset.done $0x0  }
0x83: {  	s0 =	simm.s32 $0x2A00;
	[sflag:s14] =	ssyncadd.s32 $0xFFFFF800  }
0x84: {  	[spmem:s3] =	stream.indirect.scatter.add.f32 [tilespmem:s8], [sflag:$0xF], $0x10, s0, s23, $0xb8;
	[tilespmem:$0xC800] =	vst v63  }
0x85: {  	_ =	swait.ge [sflag:s15], $0x800  }
0x86: {  	[sflag:s15] =	ssyncset.done $0x0  }
0x87: {  	s9 =	simm.s32 $0x2A80;
	[sflag:s15] =	ssyncadd.s32 $0xFFFFF800  }
0x88: {  	[spmem:s3] =	stream.indirect.scatter.add.f32 [tilespmem:s30], [sflag:$0x10], $0x10, s9, s23, $0xb8;
	[tilespmem:$0xC800] =	vst v63  }
0x89: {  	_ =	swait.ge [sflag:s16], $0x800  }
0x8a: {  	[sflag:s16] =	ssyncset.done $0x0  }
0x8b: {  	s12 =	simm.s32 $0x2B00;
	[sflag:s16] =	ssyncadd.s32 $0xFFFFF800  }
0x8c: {  	[spmem:s3] =	stream.indirect.scatter.add.f32 [tilespmem:s31], [sflag:$0x11], $0x10, s12, s23, $0xb8;
	[tilespmem:$0xC800] =	vst v63  }
0x8d: {  	_ =	swait.ge [sflag:s17], $0x800  }
0x8e: {  	[sflag:s17] =	ssyncset.done $0x0  }
0x8f: {  	s13 =	simm.s32 $0x2B80;
	[sflag:s17] =	ssyncadd.s32 $0xFFFFF800  }
0x90: {  	[spmem:s3] =	stream.indirect.scatter.add.f32 [tilespmem:s10], [sflag:$0x12], $0x10, s13, s23, $0xb8;
	[tilespmem:$0xC800] =	vst v63  }
0x91: {  	_ =	swait.ge [sflag:s7], $0x800  }
0x92: {  	[sflag:s7] =	ssyncset.done $0x0  }
0x93: {  	s14 =	simm.s32 $0x2C00;
	[sflag:s7] =	ssyncadd.s32 $0xFFFFF800  }
0x94: {  	[spmem:s3] =	stream.indirect.scatter.add.f32 [tilespmem:s29], [sflag:$0x13], $0x10, s14, s23, $0xb8;
	[tilespmem:$0xC800] =	vst v63  }
0x95: {  	_ =	swait.ge [sflag:s18], $0x800  }
0x96: {  	[sflag:s18] =	ssyncset.done $0x0  }
0x97: {  	s15 =	simm.s32 $0x2C80;
	[sflag:s18] =	ssyncadd.s32 $0xFFFFF800  }
0x98: {  	[spmem:s3] =	stream.indirect.scatter.add.f32 [tilespmem:s11], [sflag:$0x14], $0x10, s15, s23, $0xb8;
	[tilespmem:$0xC800] =	vst v63  }
0x99: {  	s16 =	simm.s32 $0xA;
	_ =	swait.ge [sflag:s20], $0x800  }
0x9a: {  	s29 =	smin.u32 s16, $0x4F;
	[sflag:s20] =	ssyncset.done $0x0  }
0x9b: {  	s29 =	sshll.u32 s29, $0x7;
	[sflag:s20] =	ssyncadd.s32 $0xFFFFF800  }
0x9c: {  	[tilespmem:s1], [sflag:$0x1] =	stream.indirect.gather [hbm4b:s2+s23], $0x10, s29, s23, $0xb8;
	[tilespmem:$0xC800] =	vst v63  }
0x9d: {  	_ =	swait.ge [sflag:s24], $0x800  }
0x9e: {  	s29 =	smin.u32 s26, $0x4F;
	[sflag:s24] =	ssyncset.done $0x0  }
0x9f: {  	s18 =	simm.s32 $0xD;
	s29 =	sshll.u32 s29, $0x7;
	[sflag:s24] =	ssyncadd.s32 $0xFFFFF800  }
0xa0: {  	[tilespmem:s4], [sflag:$0x2] =	stream.indirect.gather [hbm4b:s2+s23], $0x10, s29, s23, $0xb8;
	[tilespmem:$0xC800] =	vst v63  }
0xa1: {  	s29 =	smin.u32 s16, $0x4D;
	_ =	swait.ge [sflag:s18], $0x800  }
0xa2: {  	s29 =	sshll.u32 s29, $0x7;
	[sflag:s18] =	ssyncset.done $0x0  }
0xa3: {  	s20 =	simm.s32 $0xE;
	s29 =	sadd.s32 $0x100, s29;
	[sflag:s18] =	ssyncadd.s32 $0xFFFFF800  }
0xa4: {  	[tilespmem:s5], [sflag:$0x3] =	stream.indirect.gather [hbm4b:s2+s23], $0x10, s29, s23, $0xb8;
	[tilespmem:$0xC800] =	vst v63  }
0xa5: {  	s29 =	smin.u32 s16, $0x4C;
	_ =	swait.ge [sflag:s20], $0x800  }
0xa6: {  	s29 =	sshll.u32 s29, $0x7;
	[sflag:s20] =	ssyncset.done $0x0  }
0xa7: {  	s21 =	simm.s32 $0xF;
	s29 =	sadd.s32 $0x180, s29;
	[sflag:s20] =	ssyncadd.s32 $0xFFFFF800  }
0xa8: {  	[tilespmem:s6], [sflag:$0x4] =	stream.indirect.gather [hbm4b:s2+s23], $0x10, s29, s23, $0xb8;
	[tilespmem:$0xC800] =	vst v63  }
0xa9: {  	s29 =	smin.u32 s16, $0x4B;
	_ =	swait.ge [sflag:s21], $0x800  }
0xaa: {  	s22 =	simm.s32 $0x10;
	s29 =	sshll.u32 s29, $0x7;
	[sflag:s21] =	ssyncset.done $0x0  }
0xab: {  	s0 =	simm.s32 $0x14;
	s29 =	sadd.s32 $0x200, s29;
	[sflag:s21] =	ssyncadd.s32 $0xFFFFF800  }
0xac: {  	[tilespmem:s8], [sflag:$0x5] =	stream.indirect.gather [hbm4b:s2+s23], $0x10, s29, s23, $0xb8;
	[tilespmem:$0xC800] =	vst v63  }
0xad: {  	s9 =	simm.s32 $0x12;
	s29 =	smin.u32 s16, $0x4A;
	_ =	swait.ge [sflag:s22], $0x800  }
0xae: {  	s19 =	smin.u32 s16, $0x46;
	s29 =	sshll.u32 s29, $0x7;
	[sflag:s22] =	ssyncset.done $0x0  }
0xaf: {  	s24 =	simm.s32 $0x11;
	s29 =	sadd.s32 $0x280, s29;
	[sflag:s22] =	ssyncadd.s32 $0xFFFFF800  }
0xb0: {  	[tilespmem:s30], [sflag:$0x6] =	stream.indirect.gather [hbm4b:s2+s23], $0x10, s29, s23, $0xb8;
	[tilespmem:$0xC800] =	vst v63  }
0xb1: {  	s12 =	simm.s32 $0xC;
	s29 =	smin.u32 s16, $0x49;
	_ =	swait.ge [sflag:s24], $0x800  }
0xb2: {  	s19 =	sshll.u32 s19, $0x7;
	s29 =	sshll.u32 s29, $0x7;
	[sflag:s24] =	ssyncset.done $0x0  }
0xb3: {  	s19 =	sadd.s32 $0x480, s19;
	s29 =	sadd.s32 $0x300, s29;
	[sflag:s24] =	ssyncadd.s32 $0xFFFFF800  }
0xb4: {  	[tilespmem:s31], [sflag:$0x7] =	stream.indirect.gather [hbm4b:s2+s23], $0x10, s29, s23, $0xb8;
	[tilespmem:$0xC800] =	vst v63  }
0xb5: {  	s17 =	simm.s32 $0x9000;
	s29 =	smin.u32 s16, $0x48;
	_ =	swait.ge [sflag:s9], $0x800  }
0xb6: {  	s13 =	simm.s32 $0x3;
	s29 =	sshll.u32 s29, $0x7;
	[sflag:s9] =	ssyncset.done $0x0  }
0xb7: {  	s11 =	simm.s32 $0x13;
	s29 =	sadd.s32 $0x380, s29;
	[sflag:s9] =	ssyncadd.s32 $0xFFFFF800  }
0xb8: {  	[tilespmem:s10], [sflag:$0x8] =	stream.indirect.gather [hbm4b:s2+s23], $0x10, s29, s23, $0xb8;
	[tilespmem:$0xC800] =	vst v63  }
0xb9: {  	s14 =	simm.s32 $0x4;
	s29 =	smin.u32 s16, $0x47;
	_ =	swait.ge [sflag:s11], $0x800  }
0xba: {  	s15 =	simm.s32 $0x5;
	s29 =	sshll.u32 s29, $0x7;
	[sflag:s11] =	ssyncset.done $0x0  }
0xbb: {  	s18 =	simm.s32 $0x8;
	s29 =	sadd.s32 $0x400, s29;
	[sflag:s11] =	ssyncadd.s32 $0xFFFFF800  }
0xbc: {  	[tilespmem:s17], [sflag:$0x9] =	stream.indirect.gather [hbm4b:s2+s23], $0x10, s29, s23, $0xb8;
	[tilespmem:$0xC800] =	vst v63  }
0xbd: {  	s24 =	simm.s32 $0xB;
	s16 =	simm.s32 $0x6;
	_ =	swait.ge [sflag:s0], $0x800  }
0xbe: {  	s29 =	simm.s32 $0x1400;
	s17 =	simm.s32 $0x7;
	[sflag:s0] =	ssyncset.done $0x0  }
.LBB2_4:
0xbf: {  	p0 =	sne.s32 s29, $0x8C00  }
0xc0: {  	[sflag:s0] =	ssyncadd.s32 $0xFFFFF800;
	s26 =	sadd.s32 $0xA, s26;
	s0 =	simm.s32 $0x9800  }
0xc1: {  	[tilespmem:s0], [sflag:$0xA] =	stream.indirect.gather [hbm4b:s2+s23], $0x10, s19, s23, $0xb8;
	[tilespmem:$0xC800] =	vst v63  }
0xc2: {  	s31 =	sshra.s32 s29, $0x2;
	s29 =	sadd.s32 $0x1400, s29;
	_ =	swait.ge [sflag:s28], $0x800  }
0xc3: {  	s19 =	sadd.s32 $0x2800, s31;
	[sflag:s28] =	ssyncset.done $0x0  }
0xc4: {  	s21 =	simm.s32 $0x5000;
	[sflag:s28] =	ssyncadd.s32 $0xFFFFF800  }
0xc5: {  	[spmem:s3] =	stream.indirect.scatter.add.f32 [tilespmem:s21], [sflag:$0xB], $0x10, s19, s23, $0xb8;
	[tilespmem:$0xC800] =	vst v63  }
0xc6: {  	_ =	swait.ge [sflag:s25], $0x800  }
0xc7: {  	s19 =	sadd.s32 $0x2880, s31;
	[sflag:s25] =	ssyncset.done $0x0  }
0xc8: {  	s10 =	simm.s32 $0x5800;
	[sflag:s25] =	ssyncadd.s32 $0xFFFFF800  }
0xc9: {  	[spmem:s3] =	stream.indirect.scatter.add.f32 [tilespmem:s10], [sflag:$0xC], $0x10, s19, s23, $0xb8;
	[tilespmem:$0xC800] =	vst v63  }
0xca: {  	_ =	swait.ge [sflag:s13], $0x800  }
0xcb: {  	s19 =	sadd.s32 $0x2900, s31;
	[sflag:s13] =	ssyncset.done $0x0  }
0xcc: {  	s1 =	simm.s32 $0x6000;
	[sflag:s13] =	ssyncadd.s32 $0xFFFFF800  }
0xcd: {  	[spmem:s3] =	stream.indirect.scatter.add.f32 [tilespmem:s1], [sflag:$0xD], $0x10, s19, s23, $0xb8;
	[tilespmem:$0xC800] =	vst v63  }
0xce: {  	_ =	swait.ge [sflag:s14], $0x800  }
0xcf: {  	s19 =	sadd.s32 $0x2980, s31;
	[sflag:s14] =	ssyncset.done $0x0  }
0xd0: {  	s4 =	simm.s32 $0x6800;
	[sflag:s14] =	ssyncadd.s32 $0xFFFFF800  }
0xd1: {  	[spmem:s3] =	stream.indirect.scatter.add.f32 [tilespmem:s4], [sflag:$0xE], $0x10, s19, s23, $0xb8;
	[tilespmem:$0xC800] =	vst v63  }
0xd2: {  	_ =	swait.ge [sflag:s15], $0x800  }
0xd3: {  	s19 =	sadd.s32 $0x2A00, s31;
	[sflag:s15] =	ssyncset.done $0x0  }
0xd4: {  	s5 =	simm.s32 $0x7000;
	[sflag:s15] =	ssyncadd.s32 $0xFFFFF800  }
0xd5: {  	[spmem:s3] =	stream.indirect.scatter.add.f32 [tilespmem:s5], [sflag:$0xF], $0x10, s19, s23, $0xb8;
	[tilespmem:$0xC800] =	vst v63  }
0xd6: {  	_ =	swait.ge [sflag:s16], $0x800  }
0xd7: {  	s19 =	sadd.s32 $0x2A80, s31;
	[sflag:s16] =	ssyncset.done $0x0  }
0xd8: {  	[sflag:s16] =	ssyncadd.s32 $0xFFFFF800  }
0xd9: {  	[spmem:s3] =	stream.indirect.scatter.add.f32 [tilespmem:s30], [sflag:$0x10], $0x10, s19, s23, $0xb8;
	[tilespmem:$0xC800] =	vst v63  }
0xda: {  	_ =	swait.ge [sflag:s17], $0x800  }
0xdb: {  	s19 =	sadd.s32 $0x2B00, s31;
	[sflag:s17] =	ssyncset.done $0x0  }
0xdc: {  	s8 =	simm.s32 $0x8000;
	[sflag:s17] =	ssyncadd.s32 $0xFFFFF800  }
0xdd: {  	[spmem:s3] =	stream.indirect.scatter.add.f32 [tilespmem:s8], [sflag:$0x11], $0x10, s19, s23, $0xb8;
	[tilespmem:$0xC800] =	vst v63  }
0xde: {  	_ =	swait.ge [sflag:s18], $0x800  }
0xdf: {  	s19 =	sadd.s32 $0x2B80, s31;
	[sflag:s18] =	ssyncset.done $0x0  }
0xe0: {  	s7 =	simm.s32 $0x8800;
	s6 =	simm.s32 $0x9;
	[sflag:s18] =	ssyncadd.s32 $0xFFFFF800  }
0xe1: {  	[spmem:s3] =	stream.indirect.scatter.add.f32 [tilespmem:s7], [sflag:$0x12], $0x10, s19, s23, $0xb8;
	[tilespmem:$0xC800] =	vst v63  }
0xe2: {  	_ =	swait.ge [sflag:s6], $0x800  }
0xe3: {  	s19 =	sadd.s32 $0x2C00, s31;
	[sflag:s6] =	ssyncset.done $0x0  }
0xe4: {  	s20 =	simm.s32 $0x9000;
	[sflag:s6] =	ssyncadd.s32 $0xFFFFF800;
	s6 =	simm.s32 $0xA  }
0xe5: {  	[spmem:s3] =	stream.indirect.scatter.add.f32 [tilespmem:s20], [sflag:$0x13], $0x10, s19, s23, $0xb8;
	[tilespmem:$0xC800] =	vst v63  }
0xe6: {  	_ =	swait.ge [sflag:s6], $0x800  }
0xe7: {  	s28 =	sadd.s32 $0xFFFFFFFF, s26;
	s19 =	sadd.s32 $0x2C80, s31;
	[sflag:s6] =	ssyncset.done $0x0  }
0xe8: {  	s31 =	smin.u32 s26, $0x4F;
	[sflag:s6] =	ssyncadd.s32 $0xFFFFF800;
	s6 =	simm.s32 $0x9800  }
0xe9: {  	[spmem:s3] =	stream.indirect.scatter.add.f32 [tilespmem:s0], [sflag:$0x14], $0x10, s19, s23, $0xb8;
	[tilespmem:$0xC800] =	vst v63  }
0xea: {  	s19 =	smin.u32 s28, $0x4F;
	s0 =	sshll.u32 s31, $0x7;
	_ =	swait.ge [sflag:s24], $0x800  }
0xeb: {  	s31 =	smin.u32 s28, $0x47;
	s19 =	sshll.u32 s19, $0x7;
	[sflag:s24] =	ssyncset.done $0x0  }
0xec: {  	s25 =	smin.u32 s28, $0x48;
	s30 =	smin.u32 s28, $0x4A;
	[sflag:s24] =	ssyncadd.s32 $0xFFFFF800  }
0xed: {  	[tilespmem:s21], [sflag:$0x1] =	stream.indirect.gather [hbm4b:s2+s23], $0x10, s19, s23, $0xb8;
	[tilespmem:$0xC800] =	vst v63  }
0xee: {  	s31 =	sshll.u32 s31, $0x7;
	s19 =	sshll.u32 s25, $0x7;
	_ =	swait.ge [sflag:s12], $0x800  }
0xef: {  	s22 =	smin.u32 s28, $0x4C;
	s25 =	smin.u32 s28, $0x4D;
	[sflag:s12] =	ssyncset.done $0x0  }
0xf0: {  	s25 =	sshll.u32 s25, $0x7;
	[sflag:s12] =	ssyncadd.s32 $0xFFFFF800  }
0xf1: {  	[tilespmem:s10], [sflag:$0x2] =	stream.indirect.gather [hbm4b:s2+s23], $0x10, s0, s23, $0xb8;
	[tilespmem:$0xC800] =	vst v63  }
0xf2: {  	s10 =	simm.s32 $0xD  }
0xf3: {  	s21 =	smin.u32 s28, $0x49;
	s0 =	smin.u32 s28, $0x4B;
	_ =	swait.ge [sflag:s10], $0x800  }
0xf4: {  	s21 =	sshll.u32 s21, $0x7;
	s25 =	sadd.s32 $0x100, s25;
	[sflag:s10] =	ssyncset.done $0x0  }
0xf5: {  	s28 =	smin.u32 s28, $0x46;
	[sflag:s10] =	ssyncadd.s32 $0xFFFFF800  }
0xf6: {  	[tilespmem:s1], [sflag:$0x3] =	stream.indirect.gather [hbm4b:s2+s23], $0x10, s25, s23, $0xb8;
	[tilespmem:$0xC800] =	vst v63  }
0xf7: {  	s22 =	sshll.u32 s22, $0x7;
	s1 =	simm.s32 $0xE  }
0xf8: {  	s25 =	sshll.u32 s28, $0x7;
	s28 =	simm.s32 $0x1;
	_ =	swait.ge [sflag:s1], $0x800  }
0xf9: {  	s22 =	sadd.s32 $0x180, s22;
	[sflag:s1] =	ssyncset.done $0x0  }
0xfa: {  	[sflag:s1] =	ssyncadd.s32 $0xFFFFF800;
	s1 =	simm.s32 $0xF  }
0xfb: {  	[tilespmem:s4], [sflag:$0x4] =	stream.indirect.gather [hbm4b:s2+s23], $0x10, s22, s23, $0xb8;
	[tilespmem:$0xC800] =	vst v63  }
0xfc: {  	s0 =	sshll.u32 s0, $0x7;
	_ =	swait.ge [sflag:s1], $0x800  }
0xfd: {  	s0 =	sadd.s32 $0x200, s0;
	[sflag:s1] =	ssyncset.done $0x0  }
0xfe: {  	[sflag:s1] =	ssyncadd.s32 $0xFFFFF800;
	s1 =	simm.s32 $0x10  }
0xff: {  	[tilespmem:s5], [sflag:$0x5] =	stream.indirect.gather [hbm4b:s2+s23], $0x10, s0, s23, $0xb8;
	[tilespmem:$0xC800] =	vst v63  }
0x100: {  	s0 =	sshll.u32 s30, $0x7;
	s30 =	simm.s32 $0x7800;
	_ =	swait.ge [sflag:s1], $0x800  }
0x101: {  	s0 =	sadd.s32 $0x280, s0;
	[sflag:s1] =	ssyncset.done $0x0  }
0x102: {  	[sflag:s1] =	ssyncadd.s32 $0xFFFFF800;
	s1 =	simm.s32 $0x11  }
0x103: {  	[tilespmem:s30], [sflag:$0x6] =	stream.indirect.gather [hbm4b:s2+s23], $0x10, s0, s23, $0xb8;
	[tilespmem:$0xC800] =	vst v63  }
0x104: {  	_ =	swait.ge [sflag:s1], $0x800  }
0x105: {  	s0 =	sadd.s32 $0x300, s21;
	[sflag:s1] =	ssyncset.done $0x0  }
0x106: {  	[sflag:s1] =	ssyncadd.s32 $0xFFFFF800  }
0x107: {  	[tilespmem:s8], [sflag:$0x7] =	stream.indirect.gather [hbm4b:s2+s23], $0x10, s0, s23, $0xb8;
	[tilespmem:$0xC800] =	vst v63  }
0x108: {  	_ =	swait.ge [sflag:s9], $0x800  }
0x109: {  	s0 =	sadd.s32 $0x380, s19;
	[sflag:s9] =	ssyncset.done $0x0  }
0x10a: {  	[sflag:s9] =	ssyncadd.s32 $0xFFFFF800  }
0x10b: {  	[tilespmem:s7], [sflag:$0x8] =	stream.indirect.gather [hbm4b:s2+s23], $0x10, s0, s23, $0xb8;
	[tilespmem:$0xC800] =	vst v63  }
0x10c: {  	_ =	swait.ge [sflag:s11], $0x800  }
0x10d: {  	s0 =	sadd.s32 $0x400, s31;
	[sflag:s11] =	ssyncset.done $0x0  }
.Ltmp1:
0x10e: {  	[sflag:s11] =	ssyncadd.s32 $0xFFFFF800;
	(pc) =	sbr.rel @p0 .LBB2_4-.Ltmp1, $4  }
0x10f: {  	[tilespmem:s20], [sflag:$0x9] =	stream.indirect.gather [hbm4b:s2+s23], $0x10, s0, s23, $0xb8;
	[tilespmem:$0xC800] =	vst v63  }
0x110: {  	s0 =	simm.s32 $0x14  }
0x111: {  	_ =	swait.ge [sflag:s0], $0x800  }
0x112: {  	s19 =	sadd.s32 $0x480, s25;
	s25 =	simm.s32 $0x2;
	[sflag:s0] =	ssyncset.done $0x0  }
0x113: {  	[sflag:s0] =	ssyncadd.s32 $0xFFFFF800  }
0x114: {  	[tilespmem:s6], [sflag:$0xA] =	stream.indirect.gather [hbm4b:s2+s23], $0x10, s19, s23, $0xb8;
	[tilespmem:$0xC800] =	vst v63  }
0x115: {  	_ =	swait.ge [sflag:s28], $0x800  }
0x116: {  	[sflag:s28] =	ssyncset.done $0x0  }
0x117: {  	[sflag:s28] =	ssyncadd.s32 $0xFFFFF800  }
0x118: {  	_ =	swait.ge [sflag:s25], $0x800  }
0x119: {  	[sflag:s25] =	ssyncset.done $0x0  }
0x11a: {  	[sflag:s25] =	ssyncadd.s32 $0xFFFFF800  }
0x11b: {  	_ =	swait.ge [sflag:s13], $0x800  }
0x11c: {  	[sflag:s13] =	ssyncset.done $0x0  }
0x11d: {  	[sflag:s13] =	ssyncadd.s32 $0xFFFFF800  }
0x11e: {  	_ =	swait.ge [sflag:s14], $0x800  }
0x11f: {  	[sflag:s14] =	ssyncset.done $0x0  }
0x120: {  	[sflag:s14] =	ssyncadd.s32 $0xFFFFF800  }
0x121: {  	_ =	swait.ge [sflag:s15], $0x800  }
0x122: {  	[sflag:s15] =	ssyncset.done $0x0  }
0x123: {  	[sflag:s15] =	ssyncadd.s32 $0xFFFFF800  }
0x124: {  	_ =	swait.ge [sflag:s16], $0x800  }
0x125: {  	[sflag:s16] =	ssyncset.done $0x0  }
0x126: {  	[sflag:s16] =	ssyncadd.s32 $0xFFFFF800  }
0x127: {  	_ =	swait.ge [sflag:s17], $0x800  }
0x128: {  	[sflag:s17] =	ssyncset.done $0x0  }
0x129: {  	[sflag:s17] =	ssyncadd.s32 $0xFFFFF800  }
0x12a: {  	_ =	swait.ge [sflag:s18], $0x800  }
0x12b: {  	[sflag:s18] =	ssyncset.done $0x0  }
0x12c: {  	s20 =	simm.s32 $0x9;
	[sflag:s18] =	ssyncadd.s32 $0xFFFFF800  }
0x12d: {  	_ =	swait.ge [sflag:s20], $0x800  }
0x12e: {  	[sflag:s20] =	ssyncset.done $0x0  }
0x12f: {  	s21 =	simm.s32 $0xA;
	[sflag:s20] =	ssyncadd.s32 $0xFFFFF800  }
0x130: {  	_ =	swait.ge [sflag:s21], $0x800  }
0x131: {  	[sflag:s21] =	ssyncset.done $0x0  }
0x132: {  	[sflag:s21] =	ssyncadd.s32 $0xFFFFF800  }
0x133: {  	s22 =	stileid.u32;
	[bflag:$0x0] =	sbarrier.arrive $0xFFFF  }
0x134: {  	s0 =	sshll.u32 s22, $0x6;
	s21 =	rddreg [dreg:$0x6]  }
0x135: {  	s0 =	sor.u32 $0x1C01, s0;
	s22 =	rddreg [dreg:$0x10];
	s24 =	sshrl.u32 s21, $0x3  }
0x136: {  	[hbm:s22], [sflag:s0] =	dma.local [spmem:s24], $0x500  }
0x137: {  	s1 =	simm.s32 $0x5000;
	s4 =	simm.s32 $0x5800;
	_ =	swait.ge [sflag:s28], $0x500  }
0x138: {  	s5 =	simm.s32 $0x6000;
	s8 =	simm.s32 $0x7000;
	s9 =	rddreg [dreg:$0x12]  }
0x139: {  	s31 =	simm.s32 $0x8000;
	s26 =	rddreg [dreg:$0x11];
	s9 =	sadd.s32 $0x1, s9  }
0x13a: {  	s10 =	simm.s32 $0x8800;
	s29 =	simm.s32 $0x9000;
	p0 =	sne.s32 s9, s26  }
.Ltmp2:
0x13b: {  	s11 =	simm.s32 $0x9800;
	s12 =	simm.s32 $0x3;
	(pc) =	sbr.rel @p0 .LBB2_1-.Ltmp2, $4  }
0x13c: {  	s7 =	simm.s32 $0x9;
	s6 =	simm.s32 $0x6800;
	s13 =	simm.s32 $0x4  }
0x13d: {  	s14 =	simm.s32 $0x5;
	s15 =	simm.s32 $0x6;
	s16 =	simm.s32 $0x7  }
0x13e: {  	s17 =	simm.s32 $0x8;
	s18 =	simm.s32 $0xA;
	[sflag:s28] =	ssyncset.done $0x0  }
0x13f: {  	s20 =	simm.s32 $0xB;
	s24 =	simm.s32 $0xC;
	[sflag:s28] =	ssyncadd.s32 $0xFFFFFB00  }
0x140: {  	_ =	sfence.sel $0x180000  }
0x141: {  	[bflag:$0x0] =	sbarrier.arrive $0xFFFF  }
0x142: {  	_ =	strace $0x90000050  }
0x143: {  	s0 =	stileid.u32;
	[bflag:$0x2] =	sbarrier.arrive $0xFFFF  }
0x144: {  	p0 =	sne.s32 s0, $0x0;
	s0 =	rddreg [dreg:$0x3]  }
0x145: {  	s0 =	sadd.s32 @!p0 $0x100000, s0  }
0x146: {  	[sflag:s0] =	ssyncadd.tile.s32 @!p0 $0x1;
	_ =	shalt  }
.Lfunc_end2:
_tile_overlayer_lowered:
.L_overlay_start_2:
0x147: {  	(tag) =	ssettag $0x2  }
0x148: {  	s0 =	rddreg [dreg:$0x0];
	s2 =	stileid.u32  }
0x149: {  	s1 =	rddreg [dreg:$0x1];
	p0 =	sne.s32 s2, $0x0  }
0x14a: {  	s3 =	rddreg [dreg:$0x2];
	[bflag:$0x3] =	sbarrier.arrive $0xFFFF;
	s2 =	simm.s32 @!p0 $0x1C15  }
0x14b: {  	[timem:s3], [sflag:s2] =	dma.local @!p0 [hbm:s0], s1  }
0x14c: {  	s0 =	simm.s32 @!p0 $0x15  }
0x14d: {  	_ =	swait.ge @!p0 [sflag:s0], s1  }
0x14e: {  	s1 =	ssub.s32 @!p0 $0x0, s1;
	[sflag:s0] =	ssyncset.done @!p0 $0x0  }
0x14f: {  	[sflag:s0] =	ssyncadd.s32 @!p0 s1  }
0x150: {  	[bflag:$0x3] =	sbarrier.arrive $0xFFFF  }
0x151: {  	_ =	shalt  }

</sc_bundles>
